<compile_context>
chip_gen: v7x
topology: tpu7x:2x2x1
jax: 0.10.2.dev20260603
libtpu: 0.0.44.dev20260713+nightly
codegen_flags: <defaults>
</compile_context>

<pallas_src>
import functools

import jax
import jax.numpy as jnp
from jax import lax
from jax.experimental import pallas as pl
from jax.experimental.pallas import tpu as pltpu
from jax.experimental.pallas import tpu_sc as plsc

NUM_USERS = 1000000
NUM_JOKES = 100
EMBED_DIM = 16
BATCH = 16384

NC = 2
NS = 16
NW = NC * NS
B_PER_W = BATCH // NW
GROUP = 16
N_GROUPS = B_PER_W // GROUP


def _sc_gather_body(uidx_hbm, jidx_hbm, utabT_hbm, jtabT_hbm,
                    uout_hbm, jout_hbm,
                    uidx_v, jidx_v, jtab_v, ublk_v,
                    urows_v, jrows_v, bsem, bsem1, osem):
  wid = lax.axis_index("s") * NC + lax.axis_index("c")
  base = wid * B_PER_W

  pltpu.sync_copy(uidx_hbm.at[pl.ds(base, B_PER_W)], uidx_v)
  pltpu.sync_copy(jidx_hbm.at[pl.ds(base, B_PER_W)], jidx_v)
  pltpu.sync_copy(jtabT_hbm, jtab_v)

  rows16 = lax.iota(jnp.int32, 16)

  def fire(g, buf, sem):
    uvec_g = uidx_v[pl.ds(g * GROUP, GROUP)]
    for k in range(GROUP):
      l0 = pl.multiple_of((uvec_g[k] >> 7) << 7, 128)
      pltpu.async_copy(utabT_hbm.at[:, pl.ds(l0, 128)],
                       ublk_v.at[buf, k], sem)

  def drain(buf, sem):
    for k in range(GROUP):
      pltpu.make_async_copy(utabT_hbm.at[:, pl.ds(0, 128)],
                            ublk_v.at[buf, k], sem).wait()

  def extract_jokes(g):
    jvec_g = jidx_v[pl.ds(g * GROUP, GROUP)]
    for k in range(GROUP):
      b = g * GROUP + k
      jvec = plsc.load_gather(
          jtab_v, [rows16, jnp.full((16,), jvec_g[k], jnp.int32)])
      plsc.store_scatter(jrows_v, [rows16, jnp.full((16,), b, jnp.int32)],
                         jvec)

  def extract_users(g, buf):
    uvec_g = uidx_v[pl.ds(g * GROUP, GROUP)]
    for k in range(GROUP):
      b = g * GROUP + k
      lane = jnp.full((16,), uvec_g[k] & 127, jnp.int32)
      uvec = plsc.load_gather(ublk_v.at[buf, k], [rows16, lane])
      plsc.store_scatter(urows_v, [rows16, jnp.full((16,), b, jnp.int32)],
                         uvec)

  fire(0, 0, bsem)

  def pair_body(i, _):
    g0 = 2 * i
    fire(g0 + 1, 1, bsem1)
    extract_jokes(g0)
    drain(0, bsem)
    extract_users(g0, 0)

    @pl.when(g0 + 2 < N_GROUPS)
    def _():
      fire(g0 + 2, 0, bsem)

    extract_jokes(g0 + 1)
    drain(1, bsem1)
    extract_users(g0 + 1, 1)
    return 0

  lax.fori_loop(0, N_GROUPS // 2, pair_body, 0)

  pltpu.async_copy(urows_v, uout_hbm.at[:, pl.ds(base, B_PER_W)], osem).wait()
  pltpu.async_copy(jrows_v, jout_hbm.at[:, pl.ds(base, B_PER_W)], osem).wait()


_sc_gather = functools.partial(
    pl.kernel,
    out_type=(
        jax.ShapeDtypeStruct((EMBED_DIM, BATCH), jnp.float32),
        jax.ShapeDtypeStruct((EMBED_DIM, BATCH), jnp.float32),
    ),
    mesh=plsc.VectorSubcoreMesh(
        core_axis_name="c", subcore_axis_name="s",
        num_cores=NC, num_subcores=NS),
    compiler_params=pltpu.CompilerParams(use_tc_tiling_on_sc=True,
                                         needs_layout_passes=False),
    scratch_types=[
        pltpu.VMEM((B_PER_W,), jnp.int32),
        pltpu.VMEM((B_PER_W,), jnp.int32),
        pltpu.VMEM((EMBED_DIM, 128), jnp.float32),
        pltpu.VMEM((2, GROUP, EMBED_DIM, 128), jnp.float32),
        pltpu.VMEM((EMBED_DIM, B_PER_W), jnp.float32),
        pltpu.VMEM((EMBED_DIM, B_PER_W), jnp.float32),
        pltpu.SemaphoreType.DMA,
        pltpu.SemaphoreType.DMA,
        pltpu.SemaphoreType.DMA,
    ],
)(_sc_gather_body)


def _mlp_body(uT_ref, jT_ref, w1u_ref, w1j_ref, b1_ref, w2_ref, b2_ref,
              w3_ref, b3_ref, o_ref):
  dotT = functools.partial(
      lax.dot_general, dimension_numbers=(((0,), (0,)), ((), ())),
      preferred_element_type=jnp.float32)
  dot = functools.partial(jnp.dot, preferred_element_type=jnp.float32)
  h1 = dotT(uT_ref[...], w1u_ref[...]) + dotT(jT_ref[...], w1j_ref[...])
  h1 = jnp.maximum(h1 + b1_ref[...], 0.0)
  h2 = jnp.maximum(dot(h1, w2_ref[...]) + b2_ref[...], 0.0)
  y = dot(h2, w3_ref[...]) + b3_ref[...]
  o_ref[...] = jnp.tanh(y) * 10.0


def _mlp(u_emb, j_emb, W1u, W1j, b1, W2, b2, W3, b3):
  blk = 2048
  grid = (BATCH // blk,)
  rep = lambda i: (0, 0)
  return pl.pallas_call(
      _mlp_body,
      grid=grid,
      in_specs=[
          pl.BlockSpec((EMBED_DIM, blk), lambda i: (0, i)),
          pl.BlockSpec((EMBED_DIM, blk), lambda i: (0, i)),
          pl.BlockSpec((EMBED_DIM, 128), rep),
          pl.BlockSpec((EMBED_DIM, 128), rep),
          pl.BlockSpec((1, 128), rep),
          pl.BlockSpec((128, 64), rep),
          pl.BlockSpec((1, 64), rep),
          pl.BlockSpec((64, 1), rep),
          pl.BlockSpec((1, 1), rep),
      ],
      out_specs=pl.BlockSpec((blk, 1), lambda i: (i, 0)),
      out_shape=jax.ShapeDtypeStruct((BATCH, 1), jnp.float32),
  )(u_emb, j_emb, W1u, W1j, b1, W2, b2, W3, b3)


def kernel(user, joke, user_table, joke_table, W1, b1, W2, b2, W3, b3):
  user = user.astype(jnp.int32)
  joke = joke.astype(jnp.int32)
  jtabT = jnp.pad(joke_table.T, ((0, 0), (0, 128 - NUM_JOKES)))
  u_emb, j_emb = _sc_gather(user, joke, user_table.T, jtabT)
  W1u = W1[:EMBED_DIM]
  W1j = W1[EMBED_DIM:]
  return _mlp(u_emb, j_emb, W1u, W1j,
              b1.reshape(1, 128), W2, b2.reshape(1, 64),
              W3, b3.reshape(1, 1))

# --- scband reference (transcript-rebuilt; emitter-appended) ---
"""Pipeline reference for scband-ncf-34815004901897 (READ-ONLY COPY).

The authoritative reference and input builder live on the scoring server;
editing this copy changes nothing except your own understanding.
"""

import jax, jax.numpy as jnp
import numpy as np

NUM_USERS = 1000000
NUM_JOKES = 100
EMBED_DIM = 16
BATCH = 16384


def setup_inputs(seed: int = 0) -> dict:
    key = jax.random.key(seed)
    k1, k2, k3, k4, k5, k6 = jax.random.split(key, 6)
    user = jax.random.randint(k1, (BATCH,), 0, NUM_USERS)
    joke = jax.random.randint(k2, (BATCH,), 0, NUM_JOKES)
    user_table = jax.random.normal(k3, (NUM_USERS, EMBED_DIM), dtype=jnp.float32)
    # joke_embedding passed to __init__ is a zeros matrix (trainable, from_pretrained)
    joke_table = jnp.zeros((NUM_JOKES, EMBED_DIM), dtype=jnp.float32)
    W1 = jax.random.normal(k4, (EMBED_DIM * 2, 128), dtype=jnp.float32) * 0.05
    b1 = jnp.zeros((128,), dtype=jnp.float32)
    W2 = jax.random.normal(k5, (128, 64), dtype=jnp.float32) * 0.05
    b2 = jnp.zeros((64,), dtype=jnp.float32)
    W3 = jax.random.normal(k6, (64, 1), dtype=jnp.float32) * 0.05
    b3 = jnp.zeros((1,), dtype=jnp.float32)
    return {"user": user, "joke": joke, "user_table": user_table,
            "joke_table": joke_table, "W1": W1, "b1": b1, "W2": W2,
            "b2": b2, "W3": W3, "b3": b3}


def reference(user, joke, user_table, joke_table, W1, b1, W2, b2, W3, b3):
    user_embedded = jnp.take(user_table, user, axis=0)
    joke_embedded = jnp.take(joke_table, joke, axis=0)
    x = jnp.concatenate([user_embedded, joke_embedded], axis=-1)
    x = jax.nn.relu(x @ W1 + b1)
    x = jax.nn.relu(x @ W2 + b2)
    x = x @ W3 + b3
    x = jnp.tanh(x) * 10.0
    return x

if __name__ == "__main__":
    import jax
    _d = setup_inputs()
    print(jax.jit(kernel)(*tuple(_d.values())))

</pallas_src>

<mosaic_0001>
#map = affine_map<(d0, d1) -> (0)>
#map1 = affine_map<(d0, d1) -> (0, 0)>
module attributes {stable_mosaic.version = 14 : i64} {
  func.func @_sc_gather_body(%arg0: i32, %arg1: i32, %arg2: memref<16384xi32, #tpu.memory_space<hbm>>, %arg3: memref<16384xi32, #tpu.memory_space<hbm>>, %arg4: memref<16x1000000xf32, #tpu.memory_space<hbm>>, %arg5: memref<16x128xf32, #tpu.memory_space<hbm>>, %arg6: memref<16x16384xf32, #tpu.memory_space<hbm>>, %arg7: memref<16x16384xf32, #tpu.memory_space<hbm>>, %arg8: memref<512xi32, #tpu.memory_space<vmem>>, %arg9: memref<512xi32, #tpu.memory_space<vmem>>, %arg10: memref<16x128xf32, #tpu.memory_space<vmem>>, %arg11: memref<2x16x16x128xf32, #tpu.memory_space<vmem>>, %arg12: memref<16x512xf32, #tpu.memory_space<vmem>>, %arg13: memref<16x512xf32, #tpu.memory_space<vmem>>, %arg14: memref<!tpu.dma_semaphore, #tpu.memory_space<semaphore_mem>>, %arg15: memref<!tpu.dma_semaphore, #tpu.memory_space<semaphore_mem>>, %arg16: memref<!tpu.dma_semaphore, #tpu.memory_space<semaphore_mem>>) attributes {dimension_semantics = [#tpu.dimension_semantics<core_parallel>, #tpu.dimension_semantics<subcore_parallel>], iteration_bounds = array<i64: 2, 16>, scalar_prefetch = 0 : i64, scratch_operands = 9 : i64, tpu.core_type = #tpu.core_type<sc_vector_subcore>, window_params = [{transform_indices = #map}, {transform_indices = #map}, {transform_indices = #map1}, {transform_indices = #map1}, {transform_indices = #map1}, {transform_indices = #map1}]} {
    %mul3A = arith.constant 2 : i32
    %mul3A_0 = arith.muli %arg1, %mul3A : i32
    %add3A = arith.addi %mul3A_0, %arg0 : i32
    %mul3A_1 = arith.constant 512 : i32
    %mul3A_2 = arith.muli %add3A, %mul3A_1 : i32
    "tpu.region"() ({
      %run_scoped3A = tpu.sem_alloc : memref<!tpu.dma_semaphore, #tpu.memory_space<semaphore_mem>>
      %dma_start3A_355 = tpu.memref_slice %arg2[%mul3A_2] : memref<16384xi32, #tpu.memory_space<hbm>> -> memref<512xi32, #tpu.memory_space<hbm>>
      %dma_start3A_356 = tpu.memref_slice %arg2[%mul3A_2] : memref<16384xi32, #tpu.memory_space<hbm>> -> memref<512xi32, #tpu.memory_space<hbm>>
      tpu.enqueue_dma source(%dma_start3A_356 : memref<512xi32, #tpu.memory_space<hbm>>) target(%arg8 : memref<512xi32, #tpu.memory_space<vmem>>) target_semaphore(%run_scoped3A : memref<!tpu.dma_semaphore, #tpu.memory_space<semaphore_mem>>)
      %dma_wait3A_357 = tpu.memref_slice %arg2[%mul3A_2] : memref<16384xi32, #tpu.memory_space<hbm>> -> memref<512xi32, #tpu.memory_space<hbm>>
      %dma_wait3A_358 = tpu.memref_slice %arg2[%mul3A_2] : memref<16384xi32, #tpu.memory_space<hbm>> -> memref<512xi32, #tpu.memory_space<hbm>>
      tpu.wait_dma2 semaphore(%run_scoped3A : memref<!tpu.dma_semaphore, #tpu.memory_space<semaphore_mem>>) src(%dma_wait3A_358 : memref<512xi32, #tpu.memory_space<hbm>>) dst(%arg8 : memref<512xi32, #tpu.memory_space<vmem>>)
      tpu.yield
    }) : () -> ()
    "tpu.region"() ({
      %run_scoped3A = tpu.sem_alloc : memref<!tpu.dma_semaphore, #tpu.memory_space<semaphore_mem>>
      %dma_start3A_355 = tpu.memref_slice %arg3[%mul3A_2] : memref<16384xi32, #tpu.memory_space<hbm>> -> memref<512xi32, #tpu.memory_space<hbm>>
      %dma_start3A_356 = tpu.memref_slice %arg3[%mul3A_2] : memref<16384xi32, #tpu.memory_space<hbm>> -> memref<512xi32, #tpu.memory_space<hbm>>
      tpu.enqueue_dma source(%dma_start3A_356 : memref<512xi32, #tpu.memory_space<hbm>>) target(%arg9 : memref<512xi32, #tpu.memory_space<vmem>>) target_semaphore(%run_scoped3A : memref<!tpu.dma_semaphore, #tpu.memory_space<semaphore_mem>>)
      %dma_wait3A_357 = tpu.memref_slice %arg3[%mul3A_2] : memref<16384xi32, #tpu.memory_space<hbm>> -> memref<512xi32, #tpu.memory_space<hbm>>
      %dma_wait3A_358 = tpu.memref_slice %arg3[%mul3A_2] : memref<16384xi32, #tpu.memory_space<hbm>> -> memref<512xi32, #tpu.memory_space<hbm>>
      tpu.wait_dma2 semaphore(%run_scoped3A : memref<!tpu.dma_semaphore, #tpu.memory_space<semaphore_mem>>) src(%dma_wait3A_358 : memref<512xi32, #tpu.memory_space<hbm>>) dst(%arg9 : memref<512xi32, #tpu.memory_space<vmem>>)
      tpu.yield
    }) : () -> ()
    "tpu.region"() ({
      %run_scoped3A = tpu.sem_alloc : memref<!tpu.dma_semaphore, #tpu.memory_space<semaphore_mem>>
      tpu.enqueue_dma source(%arg5 : memref<16x128xf32, #tpu.memory_space<hbm>>) target(%arg10 : memref<16x128xf32, #tpu.memory_space<vmem>>) target_semaphore(%run_scoped3A : memref<!tpu.dma_semaphore, #tpu.memory_space<semaphore_mem>>)
      tpu.wait_dma2 semaphore(%run_scoped3A : memref<!tpu.dma_semaphore, #tpu.memory_space<semaphore_mem>>) src(%arg5 : memref<16x128xf32, #tpu.memory_space<hbm>>) dst(%arg10 : memref<16x128xf32, #tpu.memory_space<vmem>>)
      tpu.yield
    }) : () -> ()
    %iota3A = tpu.iota {dimensions = array<i32: 0>} : vector<16xi32>
    %get3A = arith.constant 0 : index
    %get3A_3 = tpu.vector_load %arg8[%get3A] {strides = array<i32>} : memref<512xi32, #tpu.memory_space<vmem>>, vector<16xi32>,
    %slice3A = vector.extract_strided_slice %get3A_3 {offsets = [0], sizes = [1], strides = [1]} : vector<16xi32> to vector<1xi32>
    %squeeze3A = vector.extract %slice3A[0] : i32 from vector<1xi32>
    %shift_right_arithmetic3A = arith.constant 7 : i32
    %shift_right_arithmetic3A_4 = arith.shrsi %squeeze3A, %shift_right_arithmetic3A : i32
    %shift_left3A = arith.constant 7 : i32
    %shift_left3A_5 = arith.shli %shift_right_arithmetic3A_4, %shift_left3A : i32
    %multiple_of3A = tpu.assume_multiple %shift_left3A_5, 128 : i32
    %dma_start3A = arith.constant 0 : i32
    %dma_start3A_6 = arith.constant 0 : i32
    %dma_start3A_7 = arith.constant 0 : i32
    %dma_start3A_8 = arith.constant 0 : i32
    %dma_start3A_9 = tpu.memref_slice %arg11[%dma_start3A, %dma_start3A_6, %dma_start3A_7, %dma_start3A_8] : memref<2x16x16x128xf32, #tpu.memory_space<vmem>> -> memref<1x1x16x128xf32, #tpu.memory_space<vmem>>
    %dma_start3A_10 = tpu.memref_squeeze %dma_start3A_9 : memref<1x1x16x128xf32, #tpu.memory_space<vmem>> -> memref<16x128xf32, #tpu.memory_space<vmem>>
    %dma_start3A_11 = arith.constant 0 : i32
    %dma_start3A_12 = tpu.memref_slice %arg4[%dma_start3A_11, %multiple_of3A] : memref<16x1000000xf32, #tpu.memory_space<hbm>> -> memref<16x128xf32, #tpu.memory_space<hbm>>
    %dma_start3A_13 = arith.constant 0 : i32
    %dma_start3A_14 = arith.constant 0 : i32
    %dma_start3A_15 = tpu.memref_slice %arg11[%dma_start3A, %dma_start3A_6, %dma_start3A_13, %dma_start3A_14] : memref<2x16x16x128xf32, #tpu.memory_space<vmem>> -> memref<1x1x16x128xf32, #tpu.memory_space<vmem>>
    %dma_start3A_16 = tpu.memref_squeeze %dma_start3A_15 : memref<1x1x16x128xf32, #tpu.memory_space<vmem>> -> memref<16x128xf32, #tpu.memory_space<vmem>>
    %dma_start3A_17 = arith.constant 0 : i32
    %dma_start3A_18 = tpu.memref_slice %arg4[%dma_start3A_17, %multiple_of3A] : memref<16x1000000xf32, #tpu.memory_space<hbm>> -> memref<16x128xf32, #tpu.memory_space<hbm>>
    tpu.enqueue_dma source(%dma_start3A_18 : memref<16x128xf32, #tpu.memory_space<hbm>>) target(%dma_start3A_16 : memref<16x128xf32, #tpu.memory_space<vmem>>) target_semaphore(%arg14 : memref<!tpu.dma_semaphore, #tpu.memory_space<semaphore_mem>>)
    %slice3A_19 = vector.extract_strided_slice %get3A_3 {offsets = [1], sizes = [1], strides = [1]} : vector<16xi32> to vector<1xi32>
    %squeeze3A_20 = vector.extract %slice3A_19[0] : i32 from vector<1xi32>
    %shift_right_arithmetic3A_21 = arith.constant 7 : i32
    %shift_right_arithmetic3A_22 = arith.shrsi %squeeze3A_20, %shift_right_arithmetic3A_21 : i32
    %shift_left3A_23 = arith.constant 7 : i32
    %shift_left3A_24 = arith.shli %shift_right_arithmetic3A_22, %shift_left3A_23 : i32
    %multiple_of3A_25 = tpu.assume_multiple %shift_left3A_24, 128 : i32
    %dma_start3A_26 = arith.constant 0 : i32
    %dma_start3A_27 = arith.constant 1 : i32
    %dma_start3A_28 = arith.constant 0 : i32
    %dma_start3A_29 = arith.constant 0 : i32
    %dma_start3A_30 = tpu.memref_slice %arg11[%dma_start3A_26, %dma_start3A_27, %dma_start3A_28, %dma_start3A_29] : memref<2x16x16x128xf32, #tpu.memory_space<vmem>> -> memref<1x1x16x128xf32, #tpu.memory_space<vmem>>
    %dma_start3A_31 = tpu.memref_squeeze %dma_start3A_30 : memref<1x1x16x128xf32, #tpu.memory_space<vmem>> -> memref<16x128xf32, #tpu.memory_space<vmem>>
    %dma_start3A_32 = arith.constant 0 : i32
    %dma_start3A_33 = tpu.memref_slice %arg4[%dma_start3A_32, %multiple_of3A_25] : memref<16x1000000xf32, #tpu.memory_space<hbm>> -> memref<16x128xf32, #tpu.memory_space<hbm>>
    %dma_start3A_34 = arith.constant 0 : i32
    %dma_start3A_35 = arith.constant 0 : i32
    %dma_start3A_36 = tpu.memref_slice %arg11[%dma_start3A_26, %dma_start3A_27, %dma_start3A_34, %dma_start3A_35] : memref<2x16x16x128xf32, #tpu.memory_space<vmem>> -> memref<1x1x16x128xf32, #tpu.memory_space<vmem>>
    %dma_start3A_37 = tpu.memref_squeeze %dma_start3A_36 : memref<1x1x16x128xf32, #tpu.memory_space<vmem>> -> memref<16x128xf32, #tpu.memory_space<vmem>>
    %dma_start3A_38 = arith.constant 0 : i32
    %dma_start3A_39 = tpu.memref_slice %arg4[%dma_start3A_38, %multiple_of3A_25] : memref<16x1000000xf32, #tpu.memory_space<hbm>> -> memref<16x128xf32, #tpu.memory_space<hbm>>
    tpu.enqueue_dma source(%dma_start3A_39 : memref<16x128xf32, #tpu.memory_space<hbm>>) target(%dma_start3A_37 : memref<16x128xf32, #tpu.memory_space<vmem>>) target_semaphore(%arg14 : memref<!tpu.dma_semaphore, #tpu.memory_space<semaphore_mem>>)
    %slice3A_40 = vector.extract_strided_slice %get3A_3 {offsets = [2], sizes = [1], strides = [1]} : vector<16xi32> to vector<1xi32>
    %squeeze3A_41 = vector.extract %slice3A_40[0] : i32 from vector<1xi32>
    %shift_right_arithmetic3A_42 = arith.constant 7 : i32
    %shift_right_arithmetic3A_43 = arith.shrsi %squeeze3A_41, %shift_right_arithmetic3A_42 : i32
    %shift_left3A_44 = arith.constant 7 : i32
    %shift_left3A_45 = arith.shli %shift_right_arithmetic3A_43, %shift_left3A_44 : i32
    %multiple_of3A_46 = tpu.assume_multiple %shift_left3A_45, 128 : i32
    %dma_start3A_47 = arith.constant 0 : i32
    %dma_start3A_48 = arith.constant 2 : i32
    %dma_start3A_49 = arith.constant 0 : i32
    %dma_start3A_50 = arith.constant 0 : i32
    %dma_start3A_51 = tpu.memref_slice %arg11[%dma_start3A_47, %dma_start3A_48, %dma_start3A_49, %dma_start3A_50] : memref<2x16x16x128xf32, #tpu.memory_space<vmem>> -> memref<1x1x16x128xf32, #tpu.memory_space<vmem>>
    %dma_start3A_52 = tpu.memref_squeeze %dma_start3A_51 : memref<1x1x16x128xf32, #tpu.memory_space<vmem>> -> memref<16x128xf32, #tpu.memory_space<vmem>>
    %dma_start3A_53 = arith.constant 0 : i32
    %dma_start3A_54 = tpu.memref_slice %arg4[%dma_start3A_53, %multiple_of3A_46] : memref<16x1000000xf32, #tpu.memory_space<hbm>> -> memref<16x128xf32, #tpu.memory_space<hbm>>
    %dma_start3A_55 = arith.constant 0 : i32
    %dma_start3A_56 = arith.constant 0 : i32
    %dma_start3A_57 = tpu.memref_slice %arg11[%dma_start3A_47, %dma_start3A_48, %dma_start3A_55, %dma_start3A_56] : memref<2x16x16x128xf32, #tpu.memory_space<vmem>> -> memref<1x1x16x128xf32, #tpu.memory_space<vmem>>
    %dma_start3A_58 = tpu.memref_squeeze %dma_start3A_57 : memref<1x1x16x128xf32, #tpu.memory_space<vmem>> -> memref<16x128xf32, #tpu.memory_space<vmem>>
    %dma_start3A_59 = arith.constant 0 : i32
    %dma_start3A_60 = tpu.memref_slice %arg4[%dma_start3A_59, %multiple_of3A_46] : memref<16x1000000xf32, #tpu.memory_space<hbm>> -> memref<16x128xf32, #tpu.memory_space<hbm>>
    tpu.enqueue_dma source(%dma_start3A_60 : memref<16x128xf32, #tpu.memory_space<hbm>>) target(%dma_start3A_58 : memref<16x128xf32, #tpu.memory_space<vmem>>) target_semaphore(%arg14 : memref<!tpu.dma_semaphore, #tpu.memory_space<semaphore_mem>>)
    %slice3A_61 = vector.extract_strided_slice %get3A_3 {offsets = [3], sizes = [1], strides = [1]} : vector<16xi32> to vector<1xi32>
    %squeeze3A_62 = vector.extract %slice3A_61[0] : i32 from vector<1xi32>
    %shift_right_arithmetic3A_63 = arith.constant 7 : i32
    %shift_right_arithmetic3A_64 = arith.shrsi %squeeze3A_62, %shift_right_arithmetic3A_63 : i32
    %shift_left3A_65 = arith.constant 7 : i32
    %shift_left3A_66 = arith.shli %shift_right_arithmetic3A_64, %shift_left3A_65 : i32
    %multiple_of3A_67 = tpu.assume_multiple %shift_left3A_66, 128 : i32
    %dma_start3A_68 = arith.constant 0 : i32
    %dma_start3A_69 = arith.constant 3 : i32
    %dma_start3A_70 = arith.constant 0 : i32
    %dma_start3A_71 = arith.constant 0 : i32
    %dma_start3A_72 = tpu.memref_slice %arg11[%dma_start3A_68, %dma_start3A_69, %dma_start3A_70, %dma_start3A_71] : memref<2x16x16x128xf32, #tpu.memory_space<vmem>> -> memref<1x1x16x128xf32, #tpu.memory_space<vmem>>
    %dma_start3A_73 = tpu.memref_squeeze %dma_start3A_72 : memref<1x1x16x128xf32, #tpu.memory_space<vmem>> -> memref<16x128xf32, #tpu.memory_space<vmem>>
    %dma_start3A_74 = arith.constant 0 : i32
    %dma_start3A_75 = tpu.memref_slice %arg4[%dma_start3A_74, %multiple_of3A_67] : memref<16x1000000xf32, #tpu.memory_space<hbm>> -> memref<16x128xf32, #tpu.memory_space<hbm>>
    %dma_start3A_76 = arith.constant 0 : i32
    %dma_start3A_77 = arith.constant 0 : i32
    %dma_start3A_78 = tpu.memref_slice %arg11[%dma_start3A_68, %dma_start3A_69, %dma_start3A_76, %dma_start3A_77] : memref<2x16x16x128xf32, #tpu.memory_space<vmem>> -> memref<1x1x16x128xf32, #tpu.memory_space<vmem>>
    %dma_start3A_79 = tpu.memref_squeeze %dma_start3A_78 : memref<1x1x16x128xf32, #tpu.memory_space<vmem>> -> memref<16x128xf32, #tpu.memory_space<vmem>>
    %dma_start3A_80 = arith.constant 0 : i32
    %dma_start3A_81 = tpu.memref_slice %arg4[%dma_start3A_80, %multiple_of3A_67] : memref<16x1000000xf32, #tpu.memory_space<hbm>> -> memref<16x128xf32, #tpu.memory_space<hbm>>
    tpu.enqueue_dma source(%dma_start3A_81 : memref<16x128xf32, #tpu.memory_space<hbm>>) target(%dma_start3A_79 : memref<16x128xf32, #tpu.memory_space<vmem>>) target_semaphore(%arg14 : memref<!tpu.dma_semaphore, #tpu.memory_space<semaphore_mem>>)
    %slice3A_82 = vector.extract_strided_slice %get3A_3 {offsets = [4], sizes = [1], strides = [1]} : vector<16xi32> to vector<1xi32>
    %squeeze3A_83 = vector.extract %slice3A_82[0] : i32 from vector<1xi32>
    %shift_right_arithmetic3A_84 = arith.constant 7 : i32
    %shift_right_arithmetic3A_85 = arith.shrsi %squeeze3A_83, %shift_right_arithmetic3A_84 : i32
    %shift_left3A_86 = arith.constant 7 : i32
    %shift_left3A_87 = arith.shli %shift_right_arithmetic3A_85, %shift_left3A_86 : i32
    %multiple_of3A_88 = tpu.assume_multiple %shift_left3A_87, 128 : i32
    %dma_start3A_89 = arith.constant 0 : i32
    %dma_start3A_90 = arith.constant 4 : i32
    %dma_start3A_91 = arith.constant 0 : i32
    %dma_start3A_92 = arith.constant 0 : i32
    %dma_start3A_93 = tpu.memref_slice %arg11[%dma_start3A_89, %dma_start3A_90, %dma_start3A_91, %dma_start3A_92] : memref<2x16x16x128xf32, #tpu.memory_space<vmem>> -> memref<1x1x16x128xf32, #tpu.memory_space<vmem>>
    %dma_start3A_94 = tpu.memref_squeeze %dma_start3A_93 : memref<1x1x16x128xf32, #tpu.memory_space<vmem>> -> memref<16x128xf32, #tpu.memory_space<vmem>>
    %dma_start3A_95 = arith.constant 0 : i32
    %dma_start3A_96 = tpu.memref_slice %arg4[%dma_start3A_95, %multiple_of3A_88] : memref<16x1000000xf32, #tpu.memory_space<hbm>> -> memref<16x128xf32, #tpu.memory_space<hbm>>
    %dma_start3A_97 = arith.constant 0 : i32
    %dma_start3A_98 = arith.constant 0 : i32
    %dma_start3A_99 = tpu.memref_slice %arg11[%dma_start3A_89, %dma_start3A_90, %dma_start3A_97, %dma_start3A_98] : memref<2x16x16x128xf32, #tpu.memory_space<vmem>> -> memref<1x1x16x128xf32, #tpu.memory_space<vmem>>
    %dma_start3A_100 = tpu.memref_squeeze %dma_start3A_99 : memref<1x1x16x128xf32, #tpu.memory_space<vmem>> -> memref<16x128xf32, #tpu.memory_space<vmem>>
    %dma_start3A_101 = arith.constant 0 : i32
    %dma_start3A_102 = tpu.memref_slice %arg4[%dma_start3A_101, %multiple_of3A_88] : memref<16x1000000xf32, #tpu.memory_space<hbm>> -> memref<16x128xf32, #tpu.memory_space<hbm>>
    tpu.enqueue_dma source(%dma_start3A_102 : memref<16x128xf32, #tpu.memory_space<hbm>>) target(%dma_start3A_100 : memref<16x128xf32, #tpu.memory_space<vmem>>) target_semaphore(%arg14 : memref<!tpu.dma_semaphore, #tpu.memory_space<semaphore_mem>>)
    %slice3A_103 = vector.extract_strided_slice %get3A_3 {offsets = [5], sizes = [1], strides = [1]} : vector<16xi32> to vector<1xi32>
    %squeeze3A_104 = vector.extract %slice3A_103[0] : i32 from vector<1xi32>
    %shift_right_arithmetic3A_105 = arith.constant 7 : i32
    %shift_right_arithmetic3A_106 = arith.shrsi %squeeze3A_104, %shift_right_arithmetic3A_105 : i32
    %shift_left3A_107 = arith.constant 7 : i32
    %shift_left3A_108 = arith.shli %shift_right_arithmetic3A_106, %shift_left3A_107 : i32
    %multiple_of3A_109 = tpu.assume_multiple %shift_left3A_108, 128 : i32
    %dma_start3A_110 = arith.constant 0 : i32
    %dma_start3A_111 = arith.constant 5 : i32
    %dma_start3A_112 = arith.constant 0 : i32
    %dma_start3A_113 = arith.constant 0 : i32
    %dma_start3A_114 = tpu.memref_slice %arg11[%dma_start3A_110, %dma_start3A_111, %dma_start3A_112, %dma_start3A_113] : memref<2x16x16x128xf32, #tpu.memory_space<vmem>> -> memref<1x1x16x128xf32, #tpu.memory_space<vmem>>
    %dma_start3A_115 = tpu.memref_squeeze %dma_start3A_114 : memref<1x1x16x128xf32, #tpu.memory_space<vmem>> -> memref<16x128xf32, #tpu.memory_space<vmem>>
    %dma_start3A_116 = arith.constant 0 : i32
    %dma_start3A_117 = tpu.memref_slice %arg4[%dma_start3A_116, %multiple_of3A_109] : memref<16x1000000xf32, #tpu.memory_space<hbm>> -> memref<16x128xf32, #tpu.memory_space<hbm>>
    %dma_start3A_118 = arith.constant 0 : i32
    %dma_start3A_119 = arith.constant 0 : i32
    %dma_start3A_120 = tpu.memref_slice %arg11[%dma_start3A_110, %dma_start3A_111, %dma_start3A_118, %dma_start3A_119] : memref<2x16x16x128xf32, #tpu.memory_space<vmem>> -> memref<1x1x16x128xf32, #tpu.memory_space<vmem>>
    %dma_start3A_121 = tpu.memref_squeeze %dma_start3A_120 : memref<1x1x16x128xf32, #tpu.memory_space<vmem>> -> memref<16x128xf32, #tpu.memory_space<vmem>>
    %dma_start3A_122 = arith.constant 0 : i32
    %dma_start3A_123 = tpu.memref_slice %arg4[%dma_start3A_122, %multiple_of3A_109] : memref<16x1000000xf32, #tpu.memory_space<hbm>> -> memref<16x128xf32, #tpu.memory_space<hbm>>
    tpu.enqueue_dma source(%dma_start3A_123 : memref<16x128xf32, #tpu.memory_space<hbm>>) target(%dma_start3A_121 : memref<16x128xf32, #tpu.memory_space<vmem>>) target_semaphore(%arg14 : memref<!tpu.dma_semaphore, #tpu.memory_space<semaphore_mem>>)
    %slice3A_124 = vector.extract_strided_slice %get3A_3 {offsets = [6], sizes = [1], strides = [1]} : vector<16xi32> to vector<1xi32>
    %squeeze3A_125 = vector.extract %slice3A_124[0] : i32 from vector<1xi32>
    %shift_right_arithmetic3A_126 = arith.constant 7 : i32
    %shift_right_arithmetic3A_127 = arith.shrsi %squeeze3A_125, %shift_right_arithmetic3A_126 : i32
    %shift_left3A_128 = arith.constant 7 : i32
    %shift_left3A_129 = arith.shli %shift_right_arithmetic3A_127, %shift_left3A_128 : i32
    %multiple_of3A_130 = tpu.assume_multiple %shift_left3A_129, 128 : i32
    %dma_start3A_131 = arith.constant 0 : i32
    %dma_start3A_132 = arith.constant 6 : i32
    %dma_start3A_133 = arith.constant 0 : i32
    %dma_start3A_134 = arith.constant 0 : i32
    %dma_start3A_135 = tpu.memref_slice %arg11[%dma_start3A_131, %dma_start3A_132, %dma_start3A_133, %dma_start3A_134] : memref<2x16x16x128xf32, #tpu.memory_space<vmem>> -> memref<1x1x16x128xf32, #tpu.memory_space<vmem>>
    %dma_start3A_136 = tpu.memref_squeeze %dma_start3A_135 : memref<1x1x16x128xf32, #tpu.memory_space<vmem>> -> memref<16x128xf32, #tpu.memory_space<vmem>>
    %dma_start3A_137 = arith.constant 0 : i32
    %dma_start3A_138 = tpu.memref_slice %arg4[%dma_start3A_137, %multiple_of3A_130] : memref<16x1000000xf32, #tpu.memory_space<hbm>> -> memref<16x128xf32, #tpu.memory_space<hbm>>
    %dma_start3A_139 = arith.constant 0 : i32
    %dma_start3A_140 = arith.constant 0 : i32
    %dma_start3A_141 = tpu.memref_slice %arg11[%dma_start3A_131, %dma_start3A_132, %dma_start3A_139, %dma_start3A_140] : memref<2x16x16x128xf32, #tpu.memory_space<vmem>> -> memref<1x1x16x128xf32, #tpu.memory_space<vmem>>
    %dma_start3A_142 = tpu.memref_squeeze %dma_start3A_141 : memref<1x1x16x128xf32, #tpu.memory_space<vmem>> -> memref<16x128xf32, #tpu.memory_space<vmem>>
    %dma_start3A_143 = arith.constant 0 : i32
    %dma_start3A_144 = tpu.memref_slice %arg4[%dma_start3A_143, %multiple_of3A_130] : memref<16x1000000xf32, #tpu.memory_space<hbm>> -> memref<16x128xf32, #tpu.memory_space<hbm>>
    tpu.enqueue_dma source(%dma_start3A_144 : memref<16x128xf32, #tpu.memory_space<hbm>>) target(%dma_start3A_142 : memref<16x128xf32, #tpu.memory_space<vmem>>) target_semaphore(%arg14 : memref<!tpu.dma_semaphore, #tpu.memory_space<semaphore_mem>>)
    %slice3A_145 = vector.extract_strided_slice %get3A_3 {offsets = [7], sizes = [1], strides = [1]} : vector<16xi32> to vector<1xi32>
    %squeeze3A_146 = vector.extract %slice3A_145[0] : i32 from vector<1xi32>
    %shift_right_arithmetic3A_147 = arith.constant 7 : i32
    %shift_right_arithmetic3A_148 = arith.shrsi %squeeze3A_146, %shift_right_arithmetic3A_147 : i32
    %shift_left3A_149 = arith.constant 7 : i32
    %shift_left3A_150 = arith.shli %shift_right_arithmetic3A_148, %shift_left3A_149 : i32
    %multiple_of3A_151 = tpu.assume_multiple %shift_left3A_150, 128 : i32
    %dma_start3A_152 = arith.constant 0 : i32
    %dma_start3A_153 = arith.constant 7 : i32
    %dma_start3A_154 = arith.constant 0 : i32
    %dma_start3A_155 = arith.constant 0 : i32
    %dma_start3A_156 = tpu.memref_slice %arg11[%dma_start3A_152, %dma_start3A_153, %dma_start3A_154, %dma_start3A_155] : memref<2x16x16x128xf32, #tpu.memory_space<vmem>> -> memref<1x1x16x128xf32, #tpu.memory_space<vmem>>
    %dma_start3A_157 = tpu.memref_squeeze %dma_start3A_156 : memref<1x1x16x128xf32, #tpu.memory_space<vmem>> -> memref<16x128xf32, #tpu.memory_space<vmem>>
    %dma_start3A_158 = arith.constant 0 : i32
    %dma_start3A_159 = tpu.memref_slice %arg4[%dma_start3A_158, %multiple_of3A_151] : memref<16x1000000xf32, #tpu.memory_space<hbm>> -> memref<16x128xf32, #tpu.memory_space<hbm>>
    %dma_start3A_160 = arith.constant 0 : i32
    %dma_start3A_161 = arith.constant 0 : i32
    %dma_start3A_162 = tpu.memref_slice %arg11[%dma_start3A_152, %dma_start3A_153, %dma_start3A_160, %dma_start3A_161] : memref<2x16x16x128xf32, #tpu.memory_space<vmem>> -> memref<1x1x16x128xf32, #tpu.memory_space<vmem>>
    %dma_start3A_163 = tpu.memref_squeeze %dma_start3A_162 : memref<1x1x16x128xf32, #tpu.memory_space<vmem>> -> memref<16x128xf32, #tpu.memory_space<vmem>>
    %dma_start3A_164 = arith.constant 0 : i32
    %dma_start3A_165 = tpu.memref_slice %arg4[%dma_start3A_164, %multiple_of3A_151] : memref<16x1000000xf32, #tpu.memory_space<hbm>> -> memref<16x128xf32, #tpu.memory_space<hbm>>
    tpu.enqueue_dma source(%dma_start3A_165 : memref<16x128xf32, #tpu.memory_space<hbm>>) target(%dma_start3A_163 : memref<16x128xf32, #tpu.memory_space<vmem>>) target_semaphore(%arg14 : memref<!tpu.dma_semaphore, #tpu.memory_space<semaphore_mem>>)
    %slice3A_166 = vector.extract_strided_slice %get3A_3 {offsets = [8], sizes = [1], strides = [1]} : vector<16xi32> to vector<1xi32>
    %squeeze3A_167 = vector.extract %slice3A_166[0] : i32 from vector<1xi32>
    %shift_right_arithmetic3A_168 = arith.constant 7 : i32
    %shift_right_arithmetic3A_169 = arith.shrsi %squeeze3A_167, %shift_right_arithmetic3A_168 : i32
    %shift_left3A_170 = arith.constant 7 : i32
    %shift_left3A_171 = arith.shli %shift_right_arithmetic3A_169, %shift_left3A_170 : i32
    %multiple_of3A_172 = tpu.assume_multiple %shift_left3A_171, 128 : i32
    %dma_start3A_173 = arith.constant 0 : i32
    %dma_start3A_174 = arith.constant 8 : i32
    %dma_start3A_175 = arith.constant 0 : i32
    %dma_start3A_176 = arith.constant 0 : i32
    %dma_start3A_177 = tpu.memref_slice %arg11[%dma_start3A_173, %dma_start3A_174, %dma_start3A_175, %dma_start3A_176] : memref<2x16x16x128xf32, #tpu.memory_space<vmem>> -> memref<1x1x16x128xf32, #tpu.memory_space<vmem>>
    %dma_start3A_178 = tpu.memref_squeeze %dma_start3A_177 : memref<1x1x16x128xf32, #tpu.memory_space<vmem>> -> memref<16x128xf32, #tpu.memory_space<vmem>>
    %dma_start3A_179 = arith.constant 0 : i32
    %dma_start3A_180 = tpu.memref_slice %arg4[%dma_start3A_179, %multiple_of3A_172] : memref<16x1000000xf32, #tpu.memory_space<hbm>> -> memref<16x128xf32, #tpu.memory_space<hbm>>
    %dma_start3A_181 = arith.constant 0 : i32
    %dma_start3A_182 = arith.constant 0 : i32
    %dma_start3A_183 = tpu.memref_slice %arg11[%dma_start3A_173, %dma_start3A_174, %dma_start3A_181, %dma_start3A_182] : memref<2x16x16x128xf32, #tpu.memory_space<vmem>> -> memref<1x1x16x128xf32, #tpu.memory_space<vmem>>
    %dma_start3A_184 = tpu.memref_squeeze %dma_start3A_183 : memref<1x1x16x128xf32, #tpu.memory_space<vmem>> -> memref<16x128xf32, #tpu.memory_space<vmem>>
    %dma_start3A_185 = arith.constant 0 : i32
    %dma_start3A_186 = tpu.memref_slice %arg4[%dma_start3A_185, %multiple_of3A_172] : memref<16x1000000xf32, #tpu.memory_space<hbm>> -> memref<16x128xf32, #tpu.memory_space<hbm>>
    tpu.enqueue_dma source(%dma_start3A_186 : memref<16x128xf32, #tpu.memory_space<hbm>>) target(%dma_start3A_184 : memref<16x128xf32, #tpu.memory_space<vmem>>) target_semaphore(%arg14 : memref<!tpu.dma_semaphore, #tpu.memory_space<semaphore_mem>>)
    %slice3A_187 = vector.extract_strided_slice %get3A_3 {offsets = [9], sizes = [1], strides = [1]} : vector<16xi32> to vector<1xi32>
    %squeeze3A_188 = vector.extract %slice3A_187[0] : i32 from vector<1xi32>
    %shift_right_arithmetic3A_189 = arith.constant 7 : i32
    %shift_right_arithmetic3A_190 = arith.shrsi %squeeze3A_188, %shift_right_arithmetic3A_189 : i32
    %shift_left3A_191 = arith.constant 7 : i32
    %shift_left3A_192 = arith.shli %shift_right_arithmetic3A_190, %shift_left3A_191 : i32
    %multiple_of3A_193 = tpu.assume_multiple %shift_left3A_192, 128 : i32
    %dma_start3A_194 = arith.constant 0 : i32
    %dma_start3A_195 = arith.constant 9 : i32
    %dma_start3A_196 = arith.constant 0 : i32
    %dma_start3A_197 = arith.constant 0 : i32
    %dma_start3A_198 = tpu.memref_slice %arg11[%dma_start3A_194, %dma_start3A_195, %dma_start3A_196, %dma_start3A_197] : memref<2x16x16x128xf32, #tpu.memory_space<vmem>> -> memref<1x1x16x128xf32, #tpu.memory_space<vmem>>
    %dma_start3A_199 = tpu.memref_squeeze %dma_start3A_198 : memref<1x1x16x128xf32, #tpu.memory_space<vmem>> -> memref<16x128xf32, #tpu.memory_space<vmem>>
    %dma_start3A_200 = arith.constant 0 : i32
    %dma_start3A_201 = tpu.memref_slice %arg4[%dma_start3A_200, %multiple_of3A_193] : memref<16x1000000xf32, #tpu.memory_space<hbm>> -> memref<16x128xf32, #tpu.memory_space<hbm>>
    %dma_start3A_202 = arith.constant 0 : i32
    %dma_start3A_203 = arith.constant 0 : i32
    %dma_start3A_204 = tpu.memref_slice %arg11[%dma_start3A_194, %dma_start3A_195, %dma_start3A_202, %dma_start3A_203] : memref<2x16x16x128xf32, #tpu.memory_space<vmem>> -> memref<1x1x16x128xf32, #tpu.memory_space<vmem>>
    %dma_start3A_205 = tpu.memref_squeeze %dma_start3A_204 : memref<1x1x16x128xf32, #tpu.memory_space<vmem>> -> memref<16x128xf32, #tpu.memory_space<vmem>>
    %dma_start3A_206 = arith.constant 0 : i32
    %dma_start3A_207 = tpu.memref_slice %arg4[%dma_start3A_206, %multiple_of3A_193] : memref<16x1000000xf32, #tpu.memory_space<hbm>> -> memref<16x128xf32, #tpu.memory_space<hbm>>
    tpu.enqueue_dma source(%dma_start3A_207 : memref<16x128xf32, #tpu.memory_space<hbm>>) target(%dma_start3A_205 : memref<16x128xf32, #tpu.memory_space<vmem>>) target_semaphore(%arg14 : memref<!tpu.dma_semaphore, #tpu.memory_space<semaphore_mem>>)
    %slice3A_208 = vector.extract_strided_slice %get3A_3 {offsets = [10], sizes = [1], strides = [1]} : vector<16xi32> to vector<1xi32>
    %squeeze3A_209 = vector.extract %slice3A_208[0] : i32 from vector<1xi32>
    %shift_right_arithmetic3A_210 = arith.constant 7 : i32
    %shift_right_arithmetic3A_211 = arith.shrsi %squeeze3A_209, %shift_right_arithmetic3A_210 : i32
    %shift_left3A_212 = arith.constant 7 : i32
    %shift_left3A_213 = arith.shli %shift_right_arithmetic3A_211, %shift_left3A_212 : i32
    %multiple_of3A_214 = tpu.assume_multiple %shift_left3A_213, 128 : i32
    %dma_start3A_215 = arith.constant 0 : i32
    %dma_start3A_216 = arith.constant 10 : i32
    %dma_start3A_217 = arith.constant 0 : i32
    %dma_start3A_218 = arith.constant 0 : i32
    %dma_start3A_219 = tpu.memref_slice %arg11[%dma_start3A_215, %dma_start3A_216, %dma_start3A_217, %dma_start3A_218] : memref<2x16x16x128xf32, #tpu.memory_space<vmem>> -> memref<1x1x16x128xf32, #tpu.memory_space<vmem>>
    %dma_start3A_220 = tpu.memref_squeeze %dma_start3A_219 : memref<1x1x16x128xf32, #tpu.memory_space<vmem>> -> memref<16x128xf32, #tpu.memory_space<vmem>>
    %dma_start3A_221 = arith.constant 0 : i32
    %dma_start3A_222 = tpu.memref_slice %arg4[%dma_start3A_221, %multiple_of3A_214] : memref<16x1000000xf32, #tpu.memory_space<hbm>> -> memref<16x128xf32, #tpu.memory_space<hbm>>
    %dma_start3A_223 = arith.constant 0 : i32
    %dma_start3A_224 = arith.constant 0 : i32
    %dma_start3A_225 = tpu.memref_slice %arg11[%dma_start3A_215, %dma_start3A_216, %dma_start3A_223, %dma_start3A_224] : memref<2x16x16x128xf32, #tpu.memory_space<vmem>> -> memref<1x1x16x128xf32, #tpu.memory_space<vmem>>
    %dma_start3A_226 = tpu.memref_squeeze %dma_start3A_225 : memref<1x1x16x128xf32, #tpu.memory_space<vmem>> -> memref<16x128xf32, #tpu.memory_space<vmem>>
    %dma_start3A_227 = arith.constant 0 : i32
    %dma_start3A_228 = tpu.memref_slice %arg4[%dma_start3A_227, %multiple_of3A_214] : memref<16x1000000xf32, #tpu.memory_space<hbm>> -> memref<16x128xf32, #tpu.memory_space<hbm>>
    tpu.enqueue_dma source(%dma_start3A_228 : memref<16x128xf32, #tpu.memory_space<hbm>>) target(%dma_start3A_226 : memref<16x128xf32, #tpu.memory_space<vmem>>) target_semaphore(%arg14 : memref<!tpu.dma_semaphore, #tpu.memory_space<semaphore_mem>>)
    %slice3A_229 = vector.extract_strided_slice %get3A_3 {offsets = [11], sizes = [1], strides = [1]} : vector<16xi32> to vector<1xi32>
    %squeeze3A_230 = vector.extract %slice3A_229[0] : i32 from vector<1xi32>
    %shift_right_arithmetic3A_231 = arith.constant 7 : i32
    %shift_right_arithmetic3A_232 = arith.shrsi %squeeze3A_230, %shift_right_arithmetic3A_231 : i32
    %shift_left3A_233 = arith.constant 7 : i32
    %shift_left3A_234 = arith.shli %shift_right_arithmetic3A_232, %shift_left3A_233 : i32
    %multiple_of3A_235 = tpu.assume_multiple %shift_left3A_234, 128 : i32
    %dma_start3A_236 = arith.constant 0 : i32
    %dma_start3A_237 = arith.constant 11 : i32
    %dma_start3A_238 = arith.constant 0 : i32
    %dma_start3A_239 = arith.constant 0 : i32
    %dma_start3A_240 = tpu.memref_slice %arg11[%dma_start3A_236, %dma_start3A_237, %dma_start3A_238, %dma_start3A_239] : memref<2x16x16x128xf32, #tpu.memory_space<vmem>> -> memref<1x1x16x128xf32, #tpu.memory_space<vmem>>
    %dma_start3A_241 = tpu.memref_squeeze %dma_start3A_240 : memref<1x1x16x128xf32, #tpu.memory_space<vmem>> -> memref<16x128xf32, #tpu.memory_space<vmem>>
    %dma_start3A_242 = arith.constant 0 : i32
    %dma_start3A_243 = tpu.memref_slice %arg4[%dma_start3A_242, %multiple_of3A_235] : memref<16x1000000xf32, #tpu.memory_space<hbm>> -> memref<16x128xf32, #tpu.memory_space<hbm>>
    %dma_start3A_244 = arith.constant 0 : i32
    %dma_start3A_245 = arith.constant 0 : i32
    %dma_start3A_246 = tpu.memref_slice %arg11[%dma_start3A_236, %dma_start3A_237, %dma_start3A_244, %dma_start3A_245] : memref<2x16x16x128xf32, #tpu.memory_space<vmem>> -> memref<1x1x16x128xf32, #tpu.memory_space<vmem>>
    %dma_start3A_247 = tpu.memref_squeeze %dma_start3A_246 : memref<1x1x16x128xf32, #tpu.memory_space<vmem>> -> memref<16x128xf32, #tpu.memory_space<vmem>>
    %dma_start3A_248 = arith.constant 0 : i32
    %dma_start3A_249 = tpu.memref_slice %arg4[%dma_start3A_248, %multiple_of3A_235] : memref<16x1000000xf32, #tpu.memory_space<hbm>> -> memref<16x128xf32, #tpu.memory_space<hbm>>
    tpu.enqueue_dma source(%dma_start3A_249 : memref<16x128xf32, #tpu.memory_space<hbm>>) target(%dma_start3A_247 : memref<16x128xf32, #tpu.memory_space<vmem>>) target_semaphore(%arg14 : memref<!tpu.dma_semaphore, #tpu.memory_space<semaphore_mem>>)
    %slice3A_250 = vector.extract_strided_slice %get3A_3 {offsets = [12], sizes = [1], strides = [1]} : vector<16xi32> to vector<1xi32>
    %squeeze3A_251 = vector.extract %slice3A_250[0] : i32 from vector<1xi32>
    %shift_right_arithmetic3A_252 = arith.constant 7 : i32
    %shift_right_arithmetic3A_253 = arith.shrsi %squeeze3A_251, %shift_right_arithmetic3A_252 : i32
    %shift_left3A_254 = arith.constant 7 : i32
    %shift_left3A_255 = arith.shli %shift_right_arithmetic3A_253, %shift_left3A_254 : i32
    %multiple_of3A_256 = tpu.assume_multiple %shift_left3A_255, 128 : i32
    %dma_start3A_257 = arith.constant 0 : i32
    %dma_start3A_258 = arith.constant 12 : i32
    %dma_start3A_259 = arith.constant 0 : i32
    %dma_start3A_260 = arith.constant 0 : i32
    %dma_start3A_261 = tpu.memref_slice %arg11[%dma_start3A_257, %dma_start3A_258, %dma_start3A_259, %dma_start3A_260] : memref<2x16x16x128xf32, #tpu.memory_space<vmem>> -> memref<1x1x16x128xf32, #tpu.memory_space<vmem>>
    %dma_start3A_262 = tpu.memref_squeeze %dma_start3A_261 : memref<1x1x16x128xf32, #tpu.memory_space<vmem>> -> memref<16x128xf32, #tpu.memory_space<vmem>>
    %dma_start3A_263 = arith.constant 0 : i32
    %dma_start3A_264 = tpu.memref_slice %arg4[%dma_start3A_263, %multiple_of3A_256] : memref<16x1000000xf32, #tpu.memory_space<hbm>> -> memref<16x128xf32, #tpu.memory_space<hbm>>
    %dma_start3A_265 = arith.constant 0 : i32
    %dma_start3A_266 = arith.constant 0 : i32
    %dma_start3A_267 = tpu.memref_slice %arg11[%dma_start3A_257, %dma_start3A_258, %dma_start3A_265, %dma_start3A_266] : memref<2x16x16x128xf32, #tpu.memory_space<vmem>> -> memref<1x1x16x128xf32, #tpu.memory_space<vmem>>
    %dma_start3A_268 = tpu.memref_squeeze %dma_start3A_267 : memref<1x1x16x128xf32, #tpu.memory_space<vmem>> -> memref<16x128xf32, #tpu.memory_space<vmem>>
    %dma_start3A_269 = arith.constant 0 : i32
    %dma_start3A_270 = tpu.memref_slice %arg4[%dma_start3A_269, %multiple_of3A_256] : memref<16x1000000xf32, #tpu.memory_space<hbm>> -> memref<16x128xf32, #tpu.memory_space<hbm>>
    tpu.enqueue_dma source(%dma_start3A_270 : memref<16x128xf32, #tpu.memory_space<hbm>>) target(%dma_start3A_268 : memref<16x128xf32, #tpu.memory_space<vmem>>) target_semaphore(%arg14 : memref<!tpu.dma_semaphore, #tpu.memory_space<semaphore_mem>>)
    %slice3A_271 = vector.extract_strided_slice %get3A_3 {offsets = [13], sizes = [1], strides = [1]} : vector<16xi32> to vector<1xi32>
    %squeeze3A_272 = vector.extract %slice3A_271[0] : i32 from vector<1xi32>
    %shift_right_arithmetic3A_273 = arith.constant 7 : i32
    %shift_right_arithmetic3A_274 = arith.shrsi %squeeze3A_272, %shift_right_arithmetic3A_273 : i32
    %shift_left3A_275 = arith.constant 7 : i32
    %shift_left3A_276 = arith.shli %shift_right_arithmetic3A_274, %shift_left3A_275 : i32
    %multiple_of3A_277 = tpu.assume_multiple %shift_left3A_276, 128 : i32
    %dma_start3A_278 = arith.constant 0 : i32
    %dma_start3A_279 = arith.constant 13 : i32
    %dma_start3A_280 = arith.constant 0 : i32
    %dma_start3A_281 = arith.constant 0 : i32
    %dma_start3A_282 = tpu.memref_slice %arg11[%dma_start3A_278, %dma_start3A_279, %dma_start3A_280, %dma_start3A_281] : memref<2x16x16x128xf32, #tpu.memory_space<vmem>> -> memref<1x1x16x128xf32, #tpu.memory_space<vmem>>
    %dma_start3A_283 = tpu.memref_squeeze %dma_start3A_282 : memref<1x1x16x128xf32, #tpu.memory_space<vmem>> -> memref<16x128xf32, #tpu.memory_space<vmem>>
    %dma_start3A_284 = arith.constant 0 : i32
    %dma_start3A_285 = tpu.memref_slice %arg4[%dma_start3A_284, %multiple_of3A_277] : memref<16x1000000xf32, #tpu.memory_space<hbm>> -> memref<16x128xf32, #tpu.memory_space<hbm>>
    %dma_start3A_286 = arith.constant 0 : i32
    %dma_start3A_287 = arith.constant 0 : i32
    %dma_start3A_288 = tpu.memref_slice %arg11[%dma_start3A_278, %dma_start3A_279, %dma_start3A_286, %dma_start3A_287] : memref<2x16x16x128xf32, #tpu.memory_space<vmem>> -> memref<1x1x16x128xf32, #tpu.memory_space<vmem>>
    %dma_start3A_289 = tpu.memref_squeeze %dma_start3A_288 : memref<1x1x16x128xf32, #tpu.memory_space<vmem>> -> memref<16x128xf32, #tpu.memory_space<vmem>>
    %dma_start3A_290 = arith.constant 0 : i32
    %dma_start3A_291 = tpu.memref_slice %arg4[%dma_start3A_290, %multiple_of3A_277] : memref<16x1000000xf32, #tpu.memory_space<hbm>> -> memref<16x128xf32, #tpu.memory_space<hbm>>
    tpu.enqueue_dma source(%dma_start3A_291 : memref<16x128xf32, #tpu.memory_space<hbm>>) target(%dma_start3A_289 : memref<16x128xf32, #tpu.memory_space<vmem>>) target_semaphore(%arg14 : memref<!tpu.dma_semaphore, #tpu.memory_space<semaphore_mem>>)
    %slice3A_292 = vector.extract_strided_slice %get3A_3 {offsets = [14], sizes = [1], strides = [1]} : vector<16xi32> to vector<1xi32>
    %squeeze3A_293 = vector.extract %slice3A_292[0] : i32 from vector<1xi32>
    %shift_right_arithmetic3A_294 = arith.constant 7 : i32
    %shift_right_arithmetic3A_295 = arith.shrsi %squeeze3A_293, %shift_right_arithmetic3A_294 : i32
    %shift_left3A_296 = arith.constant 7 : i32
    %shift_left3A_297 = arith.shli %shift_right_arithmetic3A_295, %shift_left3A_296 : i32
    %multiple_of3A_298 = tpu.assume_multiple %shift_left3A_297, 128 : i32
    %dma_start3A_299 = arith.constant 0 : i32
    %dma_start3A_300 = arith.constant 14 : i32
    %dma_start3A_301 = arith.constant 0 : i32
    %dma_start3A_302 = arith.constant 0 : i32
    %dma_start3A_303 = tpu.memref_slice %arg11[%dma_start3A_299, %dma_start3A_300, %dma_start3A_301, %dma_start3A_302] : memref<2x16x16x128xf32, #tpu.memory_space<vmem>> -> memref<1x1x16x128xf32, #tpu.memory_space<vmem>>
    %dma_start3A_304 = tpu.memref_squeeze %dma_start3A_303 : memref<1x1x16x128xf32, #tpu.memory_space<vmem>> -> memref<16x128xf32, #tpu.memory_space<vmem>>
    %dma_start3A_305 = arith.constant 0 : i32
    %dma_start3A_306 = tpu.memref_slice %arg4[%dma_start3A_305, %multiple_of3A_298] : memref<16x1000000xf32, #tpu.memory_space<hbm>> -> memref<16x128xf32, #tpu.memory_space<hbm>>
    %dma_start3A_307 = arith.constant 0 : i32
    %dma_start3A_308 = arith.constant 0 : i32
    %dma_start3A_309 = tpu.memref_slice %arg11[%dma_start3A_299, %dma_start3A_300, %dma_start3A_307, %dma_start3A_308] : memref<2x16x16x128xf32, #tpu.memory_space<vmem>> -> memref<1x1x16x128xf32, #tpu.memory_space<vmem>>
    %dma_start3A_310 = tpu.memref_squeeze %dma_start3A_309 : memref<1x1x16x128xf32, #tpu.memory_space<vmem>> -> memref<16x128xf32, #tpu.memory_space<vmem>>
    %dma_start3A_311 = arith.constant 0 : i32
    %dma_start3A_312 = tpu.memref_slice %arg4[%dma_start3A_311, %multiple_of3A_298] : memref<16x1000000xf32, #tpu.memory_space<hbm>> -> memref<16x128xf32, #tpu.memory_space<hbm>>
    tpu.enqueue_dma source(%dma_start3A_312 : memref<16x128xf32, #tpu.memory_space<hbm>>) target(%dma_start3A_310 : memref<16x128xf32, #tpu.memory_space<vmem>>) target_semaphore(%arg14 : memref<!tpu.dma_semaphore, #tpu.memory_space<semaphore_mem>>)
    %slice3A_313 = vector.extract_strided_slice %get3A_3 {offsets = [15], sizes = [1], strides = [1]} : vector<16xi32> to vector<1xi32>
    %squeeze3A_314 = vector.extract %slice3A_313[0] : i32 from vector<1xi32>
    %shift_right_arithmetic3A_315 = arith.constant 7 : i32
    %shift_right_arithmetic3A_316 = arith.shrsi %squeeze3A_314, %shift_right_arithmetic3A_315 : i32
    %shift_left3A_317 = arith.constant 7 : i32
    %shift_left3A_318 = arith.shli %shift_right_arithmetic3A_316, %shift_left3A_317 : i32
    %multiple_of3A_319 = tpu.assume_multiple %shift_left3A_318, 128 : i32
    %dma_start3A_320 = arith.constant 0 : i32
    %dma_start3A_321 = arith.constant 15 : i32
    %dma_start3A_322 = arith.constant 0 : i32
    %dma_start3A_323 = arith.constant 0 : i32
    %dma_start3A_324 = tpu.memref_slice %arg11[%dma_start3A_320, %dma_start3A_321, %dma_start3A_322, %dma_start3A_323] : memref<2x16x16x128xf32, #tpu.memory_space<vmem>> -> memref<1x1x16x128xf32, #tpu.memory_space<vmem>>
    %dma_start3A_325 = tpu.memref_squeeze %dma_start3A_324 : memref<1x1x16x128xf32, #tpu.memory_space<vmem>> -> memref<16x128xf32, #tpu.memory_space<vmem>>
    %dma_start3A_326 = arith.constant 0 : i32
    %dma_start3A_327 = tpu.memref_slice %arg4[%dma_start3A_326, %multiple_of3A_319] : memref<16x1000000xf32, #tpu.memory_space<hbm>> -> memref<16x128xf32, #tpu.memory_space<hbm>>
    %dma_start3A_328 = arith.constant 0 : i32
    %dma_start3A_329 = arith.constant 0 : i32
    %dma_start3A_330 = tpu.memref_slice %arg11[%dma_start3A_320, %dma_start3A_321, %dma_start3A_328, %dma_start3A_329] : memref<2x16x16x128xf32, #tpu.memory_space<vmem>> -> memref<1x1x16x128xf32, #tpu.memory_space<vmem>>
    %dma_start3A_331 = tpu.memref_squeeze %dma_start3A_330 : memref<1x1x16x128xf32, #tpu.memory_space<vmem>> -> memref<16x128xf32, #tpu.memory_space<vmem>>
    %dma_start3A_332 = arith.constant 0 : i32
    %dma_start3A_333 = tpu.memref_slice %arg4[%dma_start3A_332, %multiple_of3A_319] : memref<16x1000000xf32, #tpu.memory_space<hbm>> -> memref<16x128xf32, #tpu.memory_space<hbm>>
    tpu.enqueue_dma source(%dma_start3A_333 : memref<16x128xf32, #tpu.memory_space<hbm>>) target(%dma_start3A_331 : memref<16x128xf32, #tpu.memory_space<vmem>>) target_semaphore(%arg14 : memref<!tpu.dma_semaphore, #tpu.memory_space<semaphore_mem>>)
    %scan3A = arith.constant 0 : i32
    %scan3A_334 = arith.constant 0 : i32
    %scan3A_335 = arith.constant 16 : i32
    %scan3A_336 = arith.addi %scan3A_334, %scan3A_335 : i32
    %scan3A_337 = arith.constant 1 : i32
    %scan3A_338 = scf.for %scan3A_355 = %scan3A_334 to %scan3A_336 step %scan3A_337 iter_args(%scan3A_356 = %scan3A) -> (i32)  : i32 {
      %mul3A_357 = arith.constant 2 : i32
      %mul3A_358 = arith.muli %mul3A_357, %scan3A_355 : i32
      %add3A_359 = arith.constant 1 : i32
      %add3A_360 = arith.addi %mul3A_358, %add3A_359 : i32
      %mul3A_361 = arith.constant 16 : i32
      %mul3A_362 = arith.muli %add3A_360, %mul3A_361 : i32
      %get3A_363 = arith.index_cast %mul3A_362 : i32 to index
      %get3A_364 = tpu.vector_load %arg8[%get3A_363] {strides = array<i32>} : memref<512xi32, #tpu.memory_space<vmem>>, vector<16xi32>,
      %slice3A_365 = vector.extract_strided_slice %get3A_364 {offsets = [0], sizes = [1], strides = [1]} : vector<16xi32> to vector<1xi32>
      %squeeze3A_366 = vector.extract %slice3A_365[0] : i32 from vector<1xi32>
      %shift_right_arithmetic3A_367 = arith.constant 7 : i32
      %shift_right_arithmetic3A_368 = arith.shrsi %squeeze3A_366, %shift_right_arithmetic3A_367 : i32
      %shift_left3A_369 = arith.constant 7 : i32
      %shift_left3A_370 = arith.shli %shift_right_arithmetic3A_368, %shift_left3A_369 : i32
      %multiple_of3A_371 = tpu.assume_multiple %shift_left3A_370, 128 : i32
      %dma_start3A_372 = arith.constant 1 : i32
      %dma_start3A_373 = arith.constant 0 : i32
      %dma_start3A_374 = arith.constant 0 : i32
      %dma_start3A_375 = arith.constant 0 : i32
      %dma_start3A_376 = tpu.memref_slice %arg11[%dma_start3A_372, %dma_start3A_373, %dma_start3A_374, %dma_start3A_375] : memref<2x16x16x128xf32, #tpu.memory_space<vmem>> -> memref<1x1x16x128xf32, #tpu.memory_space<vmem>>
      %dma_start3A_377 = tpu.memref_squeeze %dma_start3A_376 : memref<1x1x16x128xf32, #tpu.memory_space<vmem>> -> memref<16x128xf32, #tpu.memory_space<vmem>>
      %dma_start3A_378 = arith.constant 0 : i32
      %dma_start3A_379 = tpu.memref_slice %arg4[%dma_start3A_378, %multiple_of3A_371] : memref<16x1000000xf32, #tpu.memory_space<hbm>> -> memref<16x128xf32, #tpu.memory_space<hbm>>
      %dma_start3A_380 = arith.constant 0 : i32
      %dma_start3A_381 = arith.constant 0 : i32
      %dma_start3A_382 = tpu.memref_slice %arg11[%dma_start3A_372, %dma_start3A_373, %dma_start3A_380, %dma_start3A_381] : memref<2x16x16x128xf32, #tpu.memory_space<vmem>> -> memref<1x1x16x128xf32, #tpu.memory_space<vmem>>
      %dma_start3A_383 = tpu.memref_squeeze %dma_start3A_382 : memref<1x1x16x128xf32, #tpu.memory_space<vmem>> -> memref<16x128xf32, #tpu.memory_space<vmem>>
      %dma_start3A_384 = arith.constant 0 : i32
      %dma_start3A_385 = tpu.memref_slice %arg4[%dma_start3A_384, %multiple_of3A_371] : memref<16x1000000xf32, #tpu.memory_space<hbm>> -> memref<16x128xf32, #tpu.memory_space<hbm>>
      tpu.enqueue_dma source(%dma_start3A_385 : memref<16x128xf32, #tpu.memory_space<hbm>>) target(%dma_start3A_383 : memref<16x128xf32, #tpu.memory_space<vmem>>) target_semaphore(%arg15 : memref<!tpu.dma_semaphore, #tpu.memory_space<semaphore_mem>>)
      %slice3A_386 = vector.extract_strided_slice %get3A_364 {offsets = [1], sizes = [1], strides = [1]} : vector<16xi32> to vector<1xi32>
      %squeeze3A_387 = vector.extract %slice3A_386[0] : i32 from vector<1xi32>
      %shift_right_arithmetic3A_388 = arith.constant 7 : i32
      %shift_right_arithmetic3A_389 = arith.shrsi %squeeze3A_387, %shift_right_arithmetic3A_388 : i32
      %shift_left3A_390 = arith.constant 7 : i32
      %shift_left3A_391 = arith.shli %shift_right_arithmetic3A_389, %shift_left3A_390 : i32
      %multiple_of3A_392 = tpu.assume_multiple %shift_left3A_391, 128 : i32
      %dma_start3A_393 = arith.constant 1 : i32
      %dma_start3A_394 = arith.constant 1 : i32
      %dma_start3A_395 = arith.constant 0 : i32
      %dma_start3A_396 = arith.constant 0 : i32
      %dma_start3A_397 = tpu.memref_slice %arg11[%dma_start3A_393, %dma_start3A_394, %dma_start3A_395, %dma_start3A_396] : memref<2x16x16x128xf32, #tpu.memory_space<vmem>> -> memref<1x1x16x128xf32, #tpu.memory_space<vmem>>
      %dma_start3A_398 = tpu.memref_squeeze %dma_start3A_397 : memref<1x1x16x128xf32, #tpu.memory_space<vmem>> -> memref<16x128xf32, #tpu.memory_space<vmem>>
      %dma_start3A_399 = arith.constant 0 : i32
      %dma_start3A_400 = tpu.memref_slice %arg4[%dma_start3A_399, %multiple_of3A_392] : memref<16x1000000xf32, #tpu.memory_space<hbm>> -> memref<16x128xf32, #tpu.memory_space<hbm>>
      %dma_start3A_401 = arith.constant 0 : i32
      %dma_start3A_402 = arith.constant 0 : i32
      %dma_start3A_403 = tpu.memref_slice %arg11[%dma_start3A_393, %dma_start3A_394, %dma_start3A_401, %dma_start3A_402] : memref<2x16x16x128xf32, #tpu.memory_space<vmem>> -> memref<1x1x16x128xf32, #tpu.memory_space<vmem>>
      %dma_start3A_404 = tpu.memref_squeeze %dma_start3A_403 : memref<1x1x16x128xf32, #tpu.memory_space<vmem>> -> memref<16x128xf32, #tpu.memory_space<vmem>>
      %dma_start3A_405 = arith.constant 0 : i32
      %dma_start3A_406 = tpu.memref_slice %arg4[%dma_start3A_405, %multiple_of3A_392] : memref<16x1000000xf32, #tpu.memory_space<hbm>> -> memref<16x128xf32, #tpu.memory_space<hbm>>
      tpu.enqueue_dma source(%dma_start3A_406 : memref<16x128xf32, #tpu.memory_space<hbm>>) target(%dma_start3A_404 : memref<16x128xf32, #tpu.memory_space<vmem>>) target_semaphore(%arg15 : memref<!tpu.dma_semaphore, #tpu.memory_space<semaphore_mem>>)
      %slice3A_407 = vector.extract_strided_slice %get3A_364 {offsets = [2], sizes = [1], strides = [1]} : vector<16xi32> to vector<1xi32>
      %squeeze3A_408 = vector.extract %slice3A_407[0] : i32 from vector<1xi32>
      %shift_right_arithmetic3A_409 = arith.constant 7 : i32
      %shift_right_arithmetic3A_410 = arith.shrsi %squeeze3A_408, %shift_right_arithmetic3A_409 : i32
      %shift_left3A_411 = arith.constant 7 : i32
      %shift_left3A_412 = arith.shli %shift_right_arithmetic3A_410, %shift_left3A_411 : i32
      %multiple_of3A_413 = tpu.assume_multiple %shift_left3A_412, 128 : i32
      %dma_start3A_414 = arith.constant 1 : i32
      %dma_start3A_415 = arith.constant 2 : i32
      %dma_start3A_416 = arith.constant 0 : i32
      %dma_start3A_417 = arith.constant 0 : i32
      %dma_start3A_418 = tpu.memref_slice %arg11[%dma_start3A_414, %dma_start3A_415, %dma_start3A_416, %dma_start3A_417] : memref<2x16x16x128xf32, #tpu.memory_space<vmem>> -> memref<1x1x16x128xf32, #tpu.memory_space<vmem>>
      %dma_start3A_419 = tpu.memref_squeeze %dma_start3A_418 : memref<1x1x16x128xf32, #tpu.memory_space<vmem>> -> memref<16x128xf32, #tpu.memory_space<vmem>>
      %dma_start3A_420 = arith.constant 0 : i32
      %dma_start3A_421 = tpu.memref_slice %arg4[%dma_start3A_420, %multiple_of3A_413] : memref<16x1000000xf32, #tpu.memory_space<hbm>> -> memref<16x128xf32, #tpu.memory_space<hbm>>
      %dma_start3A_422 = arith.constant 0 : i32
      %dma_start3A_423 = arith.constant 0 : i32
      %dma_start3A_424 = tpu.memref_slice %arg11[%dma_start3A_414, %dma_start3A_415, %dma_start3A_422, %dma_start3A_423] : memref<2x16x16x128xf32, #tpu.memory_space<vmem>> -> memref<1x1x16x128xf32, #tpu.memory_space<vmem>>
      %dma_start3A_425 = tpu.memref_squeeze %dma_start3A_424 : memref<1x1x16x128xf32, #tpu.memory_space<vmem>> -> memref<16x128xf32, #tpu.memory_space<vmem>>
      %dma_start3A_426 = arith.constant 0 : i32
      %dma_start3A_427 = tpu.memref_slice %arg4[%dma_start3A_426, %multiple_of3A_413] : memref<16x1000000xf32, #tpu.memory_space<hbm>> -> memref<16x128xf32, #tpu.memory_space<hbm>>
      tpu.enqueue_dma source(%dma_start3A_427 : memref<16x128xf32, #tpu.memory_space<hbm>>) target(%dma_start3A_425 : memref<16x128xf32, #tpu.memory_space<vmem>>) target_semaphore(%arg15 : memref<!tpu.dma_semaphore, #tpu.memory_space<semaphore_mem>>)
      %slice3A_428 = vector.extract_strided_slice %get3A_364 {offsets = [3], sizes = [1], strides = [1]} : vector<16xi32> to vector<1xi32>
      %squeeze3A_429 = vector.extract %slice3A_428[0] : i32 from vector<1xi32>
      %shift_right_arithmetic3A_430 = arith.constant 7 : i32
      %shift_right_arithmetic3A_431 = arith.shrsi %squeeze3A_429, %shift_right_arithmetic3A_430 : i32
      %shift_left3A_432 = arith.constant 7 : i32
      %shift_left3A_433 = arith.shli %shift_right_arithmetic3A_431, %shift_left3A_432 : i32
      %multiple_of3A_434 = tpu.assume_multiple %shift_left3A_433, 128 : i32
      %dma_start3A_435 = arith.constant 1 : i32
      %dma_start3A_436 = arith.constant 3 : i32
      %dma_start3A_437 = arith.constant 0 : i32
      %dma_start3A_438 = arith.constant 0 : i32
      %dma_start3A_439 = tpu.memref_slice %arg11[%dma_start3A_435, %dma_start3A_436, %dma_start3A_437, %dma_start3A_438] : memref<2x16x16x128xf32, #tpu.memory_space<vmem>> -> memref<1x1x16x128xf32, #tpu.memory_space<vmem>>
      %dma_start3A_440 = tpu.memref_squeeze %dma_start3A_439 : memref<1x1x16x128xf32, #tpu.memory_space<vmem>> -> memref<16x128xf32, #tpu.memory_space<vmem>>
      %dma_start3A_441 = arith.constant 0 : i32
      %dma_start3A_442 = tpu.memref_slice %arg4[%dma_start3A_441, %multiple_of3A_434] : memref<16x1000000xf32, #tpu.memory_space<hbm>> -> memref<16x128xf32, #tpu.memory_space<hbm>>
      %dma_start3A_443 = arith.constant 0 : i32
      %dma_start3A_444 = arith.constant 0 : i32
      %dma_start3A_445 = tpu.memref_slice %arg11[%dma_start3A_435, %dma_start3A_436, %dma_start3A_443, %dma_start3A_444] : memref<2x16x16x128xf32, #tpu.memory_space<vmem>> -> memref<1x1x16x128xf32, #tpu.memory_space<vmem>>
      %dma_start3A_446 = tpu.memref_squeeze %dma_start3A_445 : memref<1x1x16x128xf32, #tpu.memory_space<vmem>> -> memref<16x128xf32, #tpu.memory_space<vmem>>
      %dma_start3A_447 = arith.constant 0 : i32
      %dma_start3A_448 = tpu.memref_slice %arg4[%dma_start3A_447, %multiple_of3A_434] : memref<16x1000000xf32, #tpu.memory_space<hbm>> -> memref<16x128xf32, #tpu.memory_space<hbm>>
      tpu.enqueue_dma source(%dma_start3A_448 : memref<16x128xf32, #tpu.memory_space<hbm>>) target(%dma_start3A_446 : memref<16x128xf32, #tpu.memory_space<vmem>>) target_semaphore(%arg15 : memref<!tpu.dma_semaphore, #tpu.memory_space<semaphore_mem>>)
      %slice3A_449 = vector.extract_strided_slice %get3A_364 {offsets = [4], sizes = [1], strides = [1]} : vector<16xi32> to vector<1xi32>
      %squeeze3A_450 = vector.extract %slice3A_449[0] : i32 from vector<1xi32>
      %shift_right_arithmetic3A_451 = arith.constant 7 : i32
      %shift_right_arithmetic3A_452 = arith.shrsi %squeeze3A_450, %shift_right_arithmetic3A_451 : i32
      %shift_left3A_453 = arith.constant 7 : i32
      %shift_left3A_454 = arith.shli %shift_right_arithmetic3A_452, %shift_left3A_453 : i32
      %multiple_of3A_455 = tpu.assume_multiple %shift_left3A_454, 128 : i32
      %dma_start3A_456 = arith.constant 1 : i32
      %dma_start3A_457 = arith.constant 4 : i32
      %dma_start3A_458 = arith.constant 0 : i32
      %dma_start3A_459 = arith.constant 0 : i32
      %dma_start3A_460 = tpu.memref_slice %arg11[%dma_start3A_456, %dma_start3A_457, %dma_start3A_458, %dma_start3A_459] : memref<2x16x16x128xf32, #tpu.memory_space<vmem>> -> memref<1x1x16x128xf32, #tpu.memory_space<vmem>>
      %dma_start3A_461 = tpu.memref_squeeze %dma_start3A_460 : memref<1x1x16x128xf32, #tpu.memory_space<vmem>> -> memref<16x128xf32, #tpu.memory_space<vmem>>
      %dma_start3A_462 = arith.constant 0 : i32
      %dma_start3A_463 = tpu.memref_slice %arg4[%dma_start3A_462, %multiple_of3A_455] : memref<16x1000000xf32, #tpu.memory_space<hbm>> -> memref<16x128xf32, #tpu.memory_space<hbm>>
      %dma_start3A_464 = arith.constant 0 : i32
      %dma_start3A_465 = arith.constant 0 : i32
      %dma_start3A_466 = tpu.memref_slice %arg11[%dma_start3A_456, %dma_start3A_457, %dma_start3A_464, %dma_start3A_465] : memref<2x16x16x128xf32, #tpu.memory_space<vmem>> -> memref<1x1x16x128xf32, #tpu.memory_space<vmem>>
      %dma_start3A_467 = tpu.memref_squeeze %dma_start3A_466 : memref<1x1x16x128xf32, #tpu.memory_space<vmem>> -> memref<16x128xf32, #tpu.memory_space<vmem>>
      %dma_start3A_468 = arith.constant 0 : i32
      %dma_start3A_469 = tpu.memref_slice %arg4[%dma_start3A_468, %multiple_of3A_455] : memref<16x1000000xf32, #tpu.memory_space<hbm>> -> memref<16x128xf32, #tpu.memory_space<hbm>>
      tpu.enqueue_dma source(%dma_start3A_469 : memref<16x128xf32, #tpu.memory_space<hbm>>) target(%dma_start3A_467 : memref<16x128xf32, #tpu.memory_space<vmem>>) target_semaphore(%arg15 : memref<!tpu.dma_semaphore, #tpu.memory_space<semaphore_mem>>)
      %slice3A_470 = vector.extract_strided_slice %get3A_364 {offsets = [5], sizes = [1], strides = [1]} : vector<16xi32> to vector<1xi32>
      %squeeze3A_471 = vector.extract %slice3A_470[0] : i32 from vector<1xi32>
      %shift_right_arithmetic3A_472 = arith.constant 7 : i32
      %shift_right_arithmetic3A_473 = arith.shrsi %squeeze3A_471, %shift_right_arithmetic3A_472 : i32
      %shift_left3A_474 = arith.constant 7 : i32
      %shift_left3A_475 = arith.shli %shift_right_arithmetic3A_473, %shift_left3A_474 : i32
      %multiple_of3A_476 = tpu.assume_multiple %shift_left3A_475, 128 : i32
      %dma_start3A_477 = arith.constant 1 : i32
      %dma_start3A_478 = arith.constant 5 : i32
      %dma_start3A_479 = arith.constant 0 : i32
      %dma_start3A_480 = arith.constant 0 : i32
      %dma_start3A_481 = tpu.memref_slice %arg11[%dma_start3A_477, %dma_start3A_478, %dma_start3A_479, %dma_start3A_480] : memref<2x16x16x128xf32, #tpu.memory_space<vmem>> -> memref<1x1x16x128xf32, #tpu.memory_space<vmem>>
      %dma_start3A_482 = tpu.memref_squeeze %dma_start3A_481 : memref<1x1x16x128xf32, #tpu.memory_space<vmem>> -> memref<16x128xf32, #tpu.memory_space<vmem>>
      %dma_start3A_483 = arith.constant 0 : i32
      %dma_start3A_484 = tpu.memref_slice %arg4[%dma_start3A_483, %multiple_of3A_476] : memref<16x1000000xf32, #tpu.memory_space<hbm>> -> memref<16x128xf32, #tpu.memory_space<hbm>>
      %dma_start3A_485 = arith.constant 0 : i32
      %dma_start3A_486 = arith.constant 0 : i32
      %dma_start3A_487 = tpu.memref_slice %arg11[%dma_start3A_477, %dma_start3A_478, %dma_start3A_485, %dma_start3A_486] : memref<2x16x16x128xf32, #tpu.memory_space<vmem>> -> memref<1x1x16x128xf32, #tpu.memory_space<vmem>>
      %dma_start3A_488 = tpu.memref_squeeze %dma_start3A_487 : memref<1x1x16x128xf32, #tpu.memory_space<vmem>> -> memref<16x128xf32, #tpu.memory_space<vmem>>
      %dma_start3A_489 = arith.constant 0 : i32
      %dma_start3A_490 = tpu.memref_slice %arg4[%dma_start3A_489, %multiple_of3A_476] : memref<16x1000000xf32, #tpu.memory_space<hbm>> -> memref<16x128xf32, #tpu.memory_space<hbm>>
      tpu.enqueue_dma source(%dma_start3A_490 : memref<16x128xf32, #tpu.memory_space<hbm>>) target(%dma_start3A_488 : memref<16x128xf32, #tpu.memory_space<vmem>>) target_semaphore(%arg15 : memref<!tpu.dma_semaphore, #tpu.memory_space<semaphore_mem>>)
      %slice3A_491 = vector.extract_strided_slice %get3A_364 {offsets = [6], sizes = [1], strides = [1]} : vector<16xi32> to vector<1xi32>
      %squeeze3A_492 = vector.extract %slice3A_491[0] : i32 from vector<1xi32>
      %shift_right_arithmetic3A_493 = arith.constant 7 : i32
      %shift_right_arithmetic3A_494 = arith.shrsi %squeeze3A_492, %shift_right_arithmetic3A_493 : i32
      %shift_left3A_495 = arith.constant 7 : i32
      %shift_left3A_496 = arith.shli %shift_right_arithmetic3A_494, %shift_left3A_495 : i32
      %multiple_of3A_497 = tpu.assume_multiple %shift_left3A_496, 128 : i32
      %dma_start3A_498 = arith.constant 1 : i32
      %dma_start3A_499 = arith.constant 6 : i32
      %dma_start3A_500 = arith.constant 0 : i32
      %dma_start3A_501 = arith.constant 0 : i32
      %dma_start3A_502 = tpu.memref_slice %arg11[%dma_start3A_498, %dma_start3A_499, %dma_start3A_500, %dma_start3A_501] : memref<2x16x16x128xf32, #tpu.memory_space<vmem>> -> memref<1x1x16x128xf32, #tpu.memory_space<vmem>>
      %dma_start3A_503 = tpu.memref_squeeze %dma_start3A_502 : memref<1x1x16x128xf32, #tpu.memory_space<vmem>> -> memref<16x128xf32, #tpu.memory_space<vmem>>
      %dma_start3A_504 = arith.constant 0 : i32
      %dma_start3A_505 = tpu.memref_slice %arg4[%dma_start3A_504, %multiple_of3A_497] : memref<16x1000000xf32, #tpu.memory_space<hbm>> -> memref<16x128xf32, #tpu.memory_space<hbm>>
      %dma_start3A_506 = arith.constant 0 : i32
      %dma_start3A_507 = arith.constant 0 : i32
      %dma_start3A_508 = tpu.memref_slice %arg11[%dma_start3A_498, %dma_start3A_499, %dma_start3A_506, %dma_start3A_507] : memref<2x16x16x128xf32, #tpu.memory_space<vmem>> -> memref<1x1x16x128xf32, #tpu.memory_space<vmem>>
      %dma_start3A_509 = tpu.memref_squeeze %dma_start3A_508 : memref<1x1x16x128xf32, #tpu.memory_space<vmem>> -> memref<16x128xf32, #tpu.memory_space<vmem>>
      %dma_start3A_510 = arith.constant 0 : i32
      %dma_start3A_511 = tpu.memref_slice %arg4[%dma_start3A_510, %multiple_of3A_497] : memref<16x1000000xf32, #tpu.memory_space<hbm>> -> memref<16x128xf32, #tpu.memory_space<hbm>>
      tpu.enqueue_dma source(%dma_start3A_511 : memref<16x128xf32, #tpu.memory_space<hbm>>) target(%dma_start3A_509 : memref<16x128xf32, #tpu.memory_space<vmem>>) target_semaphore(%arg15 : memref<!tpu.dma_semaphore, #tpu.memory_space<semaphore_mem>>)
      %slice3A_512 = vector.extract_strided_slice %get3A_364 {offsets = [7], sizes = [1], strides = [1]} : vector<16xi32> to vector<1xi32>
      %squeeze3A_513 = vector.extract %slice3A_512[0] : i32 from vector<1xi32>
      %shift_right_arithmetic3A_514 = arith.constant 7 : i32
      %shift_right_arithmetic3A_515 = arith.shrsi %squeeze3A_513, %shift_right_arithmetic3A_514 : i32
      %shift_left3A_516 = arith.constant 7 : i32
      %shift_left3A_517 = arith.shli %shift_right_arithmetic3A_515, %shift_left3A_516 : i32
      %multiple_of3A_518 = tpu.assume_multiple %shift_left3A_517, 128 : i32
      %dma_start3A_519 = arith.constant 1 : i32
      %dma_start3A_520 = arith.constant 7 : i32
      %dma_start3A_521 = arith.constant 0 : i32
      %dma_start3A_522 = arith.constant 0 : i32
      %dma_start3A_523 = tpu.memref_slice %arg11[%dma_start3A_519, %dma_start3A_520, %dma_start3A_521, %dma_start3A_522] : memref<2x16x16x128xf32, #tpu.memory_space<vmem>> -> memref<1x1x16x128xf32, #tpu.memory_space<vmem>>
      %dma_start3A_524 = tpu.memref_squeeze %dma_start3A_523 : memref<1x1x16x128xf32, #tpu.memory_space<vmem>> -> memref<16x128xf32, #tpu.memory_space<vmem>>
      %dma_start3A_525 = arith.constant 0 : i32
      %dma_start3A_526 = tpu.memref_slice %arg4[%dma_start3A_525, %multiple_of3A_518] : memref<16x1000000xf32, #tpu.memory_space<hbm>> -> memref<16x128xf32, #tpu.memory_space<hbm>>
      %dma_start3A_527 = arith.constant 0 : i32
      %dma_start3A_528 = arith.constant 0 : i32
      %dma_start3A_529 = tpu.memref_slice %arg11[%dma_start3A_519, %dma_start3A_520, %dma_start3A_527, %dma_start3A_528] : memref<2x16x16x128xf32, #tpu.memory_space<vmem>> -> memref<1x1x16x128xf32, #tpu.memory_space<vmem>>
      %dma_start3A_530 = tpu.memref_squeeze %dma_start3A_529 : memref<1x1x16x128xf32, #tpu.memory_space<vmem>> -> memref<16x128xf32, #tpu.memory_space<vmem>>
      %dma_start3A_531 = arith.constant 0 : i32
      %dma_start3A_532 = tpu.memref_slice %arg4[%dma_start3A_531, %multiple_of3A_518] : memref<16x1000000xf32, #tpu.memory_space<hbm>> -> memref<16x128xf32, #tpu.memory_space<hbm>>
      tpu.enqueue_dma source(%dma_start3A_532 : memref<16x128xf32, #tpu.memory_space<hbm>>) target(%dma_start3A_530 : memref<16x128xf32, #tpu.memory_space<vmem>>) target_semaphore(%arg15 : memref<!tpu.dma_semaphore, #tpu.memory_space<semaphore_mem>>)
      %slice3A_533 = vector.extract_strided_slice %get3A_364 {offsets = [8], sizes = [1], strides = [1]} : vector<16xi32> to vector<1xi32>
      %squeeze3A_534 = vector.extract %slice3A_533[0] : i32 from vector<1xi32>
      %shift_right_arithmetic3A_535 = arith.constant 7 : i32
      %shift_right_arithmetic3A_536 = arith.shrsi %squeeze3A_534, %shift_right_arithmetic3A_535 : i32
      %shift_left3A_537 = arith.constant 7 : i32
      %shift_left3A_538 = arith.shli %shift_right_arithmetic3A_536, %shift_left3A_537 : i32
      %multiple_of3A_539 = tpu.assume_multiple %shift_left3A_538, 128 : i32
      %dma_start3A_540 = arith.constant 1 : i32
      %dma_start3A_541 = arith.constant 8 : i32
      %dma_start3A_542 = arith.constant 0 : i32
      %dma_start3A_543 = arith.constant 0 : i32
      %dma_start3A_544 = tpu.memref_slice %arg11[%dma_start3A_540, %dma_start3A_541, %dma_start3A_542, %dma_start3A_543] : memref<2x16x16x128xf32, #tpu.memory_space<vmem>> -> memref<1x1x16x128xf32, #tpu.memory_space<vmem>>
      %dma_start3A_545 = tpu.memref_squeeze %dma_start3A_544 : memref<1x1x16x128xf32, #tpu.memory_space<vmem>> -> memref<16x128xf32, #tpu.memory_space<vmem>>
      %dma_start3A_546 = arith.constant 0 : i32
      %dma_start3A_547 = tpu.memref_slice %arg4[%dma_start3A_546, %multiple_of3A_539] : memref<16x1000000xf32, #tpu.memory_space<hbm>> -> memref<16x128xf32, #tpu.memory_space<hbm>>
      %dma_start3A_548 = arith.constant 0 : i32
      %dma_start3A_549 = arith.constant 0 : i32
      %dma_start3A_550 = tpu.memref_slice %arg11[%dma_start3A_540, %dma_start3A_541, %dma_start3A_548, %dma_start3A_549] : memref<2x16x16x128xf32, #tpu.memory_space<vmem>> -> memref<1x1x16x128xf32, #tpu.memory_space<vmem>>
      %dma_start3A_551 = tpu.memref_squeeze %dma_start3A_550 : memref<1x1x16x128xf32, #tpu.memory_space<vmem>> -> memref<16x128xf32, #tpu.memory_space<vmem>>
      %dma_start3A_552 = arith.constant 0 : i32
      %dma_start3A_553 = tpu.memref_slice %arg4[%dma_start3A_552, %multiple_of3A_539] : memref<16x1000000xf32, #tpu.memory_space<hbm>> -> memref<16x128xf32, #tpu.memory_space<hbm>>
      tpu.enqueue_dma source(%dma_start3A_553 : memref<16x128xf32, #tpu.memory_space<hbm>>) target(%dma_start3A_551 : memref<16x128xf32, #tpu.memory_space<vmem>>) target_semaphore(%arg15 : memref<!tpu.dma_semaphore, #tpu.memory_space<semaphore_mem>>)
      %slice3A_554 = vector.extract_strided_slice %get3A_364 {offsets = [9], sizes = [1], strides = [1]} : vector<16xi32> to vector<1xi32>
      %squeeze3A_555 = vector.extract %slice3A_554[0] : i32 from vector<1xi32>
      %shift_right_arithmetic3A_556 = arith.constant 7 : i32
      %shift_right_arithmetic3A_557 = arith.shrsi %squeeze3A_555, %shift_right_arithmetic3A_556 : i32
      %shift_left3A_558 = arith.constant 7 : i32
      %shift_left3A_559 = arith.shli %shift_right_arithmetic3A_557, %shift_left3A_558 : i32
      %multiple_of3A_560 = tpu.assume_multiple %shift_left3A_559, 128 : i32
      %dma_start3A_561 = arith.constant 1 : i32
      %dma_start3A_562 = arith.constant 9 : i32
      %dma_start3A_563 = arith.constant 0 : i32
      %dma_start3A_564 = arith.constant 0 : i32
      %dma_start3A_565 = tpu.memref_slice %arg11[%dma_start3A_561, %dma_start3A_562, %dma_start3A_563, %dma_start3A_564] : memref<2x16x16x128xf32, #tpu.memory_space<vmem>> -> memref<1x1x16x128xf32, #tpu.memory_space<vmem>>
      %dma_start3A_566 = tpu.memref_squeeze %dma_start3A_565 : memref<1x1x16x128xf32, #tpu.memory_space<vmem>> -> memref<16x128xf32, #tpu.memory_space<vmem>>
      %dma_start3A_567 = arith.constant 0 : i32
      %dma_start3A_568 = tpu.memref_slice %arg4[%dma_start3A_567, %multiple_of3A_560] : memref<16x1000000xf32, #tpu.memory_space<hbm>> -> memref<16x128xf32, #tpu.memory_space<hbm>>
      %dma_start3A_569 = arith.constant 0 : i32
      %dma_start3A_570 = arith.constant 0 : i32
      %dma_start3A_571 = tpu.memref_slice %arg11[%dma_start3A_561, %dma_start3A_562, %dma_start3A_569, %dma_start3A_570] : memref<2x16x16x128xf32, #tpu.memory_space<vmem>> -> memref<1x1x16x128xf32, #tpu.memory_space<vmem>>
      %dma_start3A_572 = tpu.memref_squeeze %dma_start3A_571 : memref<1x1x16x128xf32, #tpu.memory_space<vmem>> -> memref<16x128xf32, #tpu.memory_space<vmem>>
      %dma_start3A_573 = arith.constant 0 : i32
      %dma_start3A_574 = tpu.memref_slice %arg4[%dma_start3A_573, %multiple_of3A_560] : memref<16x1000000xf32, #tpu.memory_space<hbm>> -> memref<16x128xf32, #tpu.memory_space<hbm>>
      tpu.enqueue_dma source(%dma_start3A_574 : memref<16x128xf32, #tpu.memory_space<hbm>>) target(%dma_start3A_572 : memref<16x128xf32, #tpu.memory_space<vmem>>) target_semaphore(%arg15 : memref<!tpu.dma_semaphore, #tpu.memory_space<semaphore_mem>>)
      %slice3A_575 = vector.extract_strided_slice %get3A_364 {offsets = [10], sizes = [1], strides = [1]} : vector<16xi32> to vector<1xi32>
      %squeeze3A_576 = vector.extract %slice3A_575[0] : i32 from vector<1xi32>
      %shift_right_arithmetic3A_577 = arith.constant 7 : i32
      %shift_right_arithmetic3A_578 = arith.shrsi %squeeze3A_576, %shift_right_arithmetic3A_577 : i32
      %shift_left3A_579 = arith.constant 7 : i32
      %shift_left3A_580 = arith.shli %shift_right_arithmetic3A_578, %shift_left3A_579 : i32
      %multiple_of3A_581 = tpu.assume_multiple %shift_left3A_580, 128 : i32
      %dma_start3A_582 = arith.constant 1 : i32
      %dma_start3A_583 = arith.constant 10 : i32
      %dma_start3A_584 = arith.constant 0 : i32
      %dma_start3A_585 = arith.constant 0 : i32
      %dma_start3A_586 = tpu.memref_slice %arg11[%dma_start3A_582, %dma_start3A_583, %dma_start3A_584, %dma_start3A_585] : memref<2x16x16x128xf32, #tpu.memory_space<vmem>> -> memref<1x1x16x128xf32, #tpu.memory_space<vmem>>
      %dma_start3A_587 = tpu.memref_squeeze %dma_start3A_586 : memref<1x1x16x128xf32, #tpu.memory_space<vmem>> -> memref<16x128xf32, #tpu.memory_space<vmem>>
      %dma_start3A_588 = arith.constant 0 : i32
      %dma_start3A_589 = tpu.memref_slice %arg4[%dma_start3A_588, %multiple_of3A_581] : memref<16x1000000xf32, #tpu.memory_space<hbm>> -> memref<16x128xf32, #tpu.memory_space<hbm>>
      %dma_start3A_590 = arith.constant 0 : i32
      %dma_start3A_591 = arith.constant 0 : i32
      %dma_start3A_592 = tpu.memref_slice %arg11[%dma_start3A_582, %dma_start3A_583, %dma_start3A_590, %dma_start3A_591] : memref<2x16x16x128xf32, #tpu.memory_space<vmem>> -> memref<1x1x16x128xf32, #tpu.memory_space<vmem>>
      %dma_start3A_593 = tpu.memref_squeeze %dma_start3A_592 : memref<1x1x16x128xf32, #tpu.memory_space<vmem>> -> memref<16x128xf32, #tpu.memory_space<vmem>>
      %dma_start3A_594 = arith.constant 0 : i32
      %dma_start3A_595 = tpu.memref_slice %arg4[%dma_start3A_594, %multiple_of3A_581] : memref<16x1000000xf32, #tpu.memory_space<hbm>> -> memref<16x128xf32, #tpu.memory_space<hbm>>
      tpu.enqueue_dma source(%dma_start3A_595 : memref<16x128xf32, #tpu.memory_space<hbm>>) target(%dma_start3A_593 : memref<16x128xf32, #tpu.memory_space<vmem>>) target_semaphore(%arg15 : memref<!tpu.dma_semaphore, #tpu.memory_space<semaphore_mem>>)
      %slice3A_596 = vector.extract_strided_slice %get3A_364 {offsets = [11], sizes = [1], strides = [1]} : vector<16xi32> to vector<1xi32>
      %squeeze3A_597 = vector.extract %slice3A_596[0] : i32 from vector<1xi32>
      %shift_right_arithmetic3A_598 = arith.constant 7 : i32
      %shift_right_arithmetic3A_599 = arith.shrsi %squeeze3A_597, %shift_right_arithmetic3A_598 : i32
      %shift_left3A_600 = arith.constant 7 : i32
      %shift_left3A_601 = arith.shli %shift_right_arithmetic3A_599, %shift_left3A_600 : i32
      %multiple_of3A_602 = tpu.assume_multiple %shift_left3A_601, 128 : i32
      %dma_start3A_603 = arith.constant 1 : i32
      %dma_start3A_604 = arith.constant 11 : i32
      %dma_start3A_605 = arith.constant 0 : i32
      %dma_start3A_606 = arith.constant 0 : i32
      %dma_start3A_607 = tpu.memref_slice %arg11[%dma_start3A_603, %dma_start3A_604, %dma_start3A_605, %dma_start3A_606] : memref<2x16x16x128xf32, #tpu.memory_space<vmem>> -> memref<1x1x16x128xf32, #tpu.memory_space<vmem>>
      %dma_start3A_608 = tpu.memref_squeeze %dma_start3A_607 : memref<1x1x16x128xf32, #tpu.memory_space<vmem>> -> memref<16x128xf32, #tpu.memory_space<vmem>>
      %dma_start3A_609 = arith.constant 0 : i32
      %dma_start3A_610 = tpu.memref_slice %arg4[%dma_start3A_609, %multiple_of3A_602] : memref<16x1000000xf32, #tpu.memory_space<hbm>> -> memref<16x128xf32, #tpu.memory_space<hbm>>
      %dma_start3A_611 = arith.constant 0 : i32
      %dma_start3A_612 = arith.constant 0 : i32
      %dma_start3A_613 = tpu.memref_slice %arg11[%dma_start3A_603, %dma_start3A_604, %dma_start3A_611, %dma_start3A_612] : memref<2x16x16x128xf32, #tpu.memory_space<vmem>> -> memref<1x1x16x128xf32, #tpu.memory_space<vmem>>
      %dma_start3A_614 = tpu.memref_squeeze %dma_start3A_613 : memref<1x1x16x128xf32, #tpu.memory_space<vmem>> -> memref<16x128xf32, #tpu.memory_space<vmem>>
      %dma_start3A_615 = arith.constant 0 : i32
      %dma_start3A_616 = tpu.memref_slice %arg4[%dma_start3A_615, %multiple_of3A_602] : memref<16x1000000xf32, #tpu.memory_space<hbm>> -> memref<16x128xf32, #tpu.memory_space<hbm>>
      tpu.enqueue_dma source(%dma_start3A_616 : memref<16x128xf32, #tpu.memory_space<hbm>>) target(%dma_start3A_614 : memref<16x128xf32, #tpu.memory_space<vmem>>) target_semaphore(%arg15 : memref<!tpu.dma_semaphore, #tpu.memory_space<semaphore_mem>>)
      %slice3A_617 = vector.extract_strided_slice %get3A_364 {offsets = [12], sizes = [1], strides = [1]} : vector<16xi32> to vector<1xi32>
      %squeeze3A_618 = vector.extract %slice3A_617[0] : i32 from vector<1xi32>
      %shift_right_arithmetic3A_619 = arith.constant 7 : i32
      %shift_right_arithmetic3A_620 = arith.shrsi %squeeze3A_618, %shift_right_arithmetic3A_619 : i32
      %shift_left3A_621 = arith.constant 7 : i32
      %shift_left3A_622 = arith.shli %shift_right_arithmetic3A_620, %shift_left3A_621 : i32
      %multiple_of3A_623 = tpu.assume_multiple %shift_left3A_622, 128 : i32
      %dma_start3A_624 = arith.constant 1 : i32
      %dma_start3A_625 = arith.constant 12 : i32
      %dma_start3A_626 = arith.constant 0 : i32
      %dma_start3A_627 = arith.constant 0 : i32
      %dma_start3A_628 = tpu.memref_slice %arg11[%dma_start3A_624, %dma_start3A_625, %dma_start3A_626, %dma_start3A_627] : memref<2x16x16x128xf32, #tpu.memory_space<vmem>> -> memref<1x1x16x128xf32, #tpu.memory_space<vmem>>
      %dma_start3A_629 = tpu.memref_squeeze %dma_start3A_628 : memref<1x1x16x128xf32, #tpu.memory_space<vmem>> -> memref<16x128xf32, #tpu.memory_space<vmem>>
      %dma_start3A_630 = arith.constant 0 : i32
      %dma_start3A_631 = tpu.memref_slice %arg4[%dma_start3A_630, %multiple_of3A_623] : memref<16x1000000xf32, #tpu.memory_space<hbm>> -> memref<16x128xf32, #tpu.memory_space<hbm>>
      %dma_start3A_632 = arith.constant 0 : i32
      %dma_start3A_633 = arith.constant 0 : i32
      %dma_start3A_634 = tpu.memref_slice %arg11[%dma_start3A_624, %dma_start3A_625, %dma_start3A_632, %dma_start3A_633] : memref<2x16x16x128xf32, #tpu.memory_space<vmem>> -> memref<1x1x16x128xf32, #tpu.memory_space<vmem>>
      %dma_start3A_635 = tpu.memref_squeeze %dma_start3A_634 : memref<1x1x16x128xf32, #tpu.memory_space<vmem>> -> memref<16x128xf32, #tpu.memory_space<vmem>>
      %dma_start3A_636 = arith.constant 0 : i32
      %dma_start3A_637 = tpu.memref_slice %arg4[%dma_start3A_636, %multiple_of3A_623] : memref<16x1000000xf32, #tpu.memory_space<hbm>> -> memref<16x128xf32, #tpu.memory_space<hbm>>
      tpu.enqueue_dma source(%dma_start3A_637 : memref<16x128xf32, #tpu.memory_space<hbm>>) target(%dma_start3A_635 : memref<16x128xf32, #tpu.memory_space<vmem>>) target_semaphore(%arg15 : memref<!tpu.dma_semaphore, #tpu.memory_space<semaphore_mem>>)
      %slice3A_638 = vector.extract_strided_slice %get3A_364 {offsets = [13], sizes = [1], strides = [1]} : vector<16xi32> to vector<1xi32>
      %squeeze3A_639 = vector.extract %slice3A_638[0] : i32 from vector<1xi32>
      %shift_right_arithmetic3A_640 = arith.constant 7 : i32
      %shift_right_arithmetic3A_641 = arith.shrsi %squeeze3A_639, %shift_right_arithmetic3A_640 : i32
      %shift_left3A_642 = arith.constant 7 : i32
      %shift_left3A_643 = arith.shli %shift_right_arithmetic3A_641, %shift_left3A_642 : i32
      %multiple_of3A_644 = tpu.assume_multiple %shift_left3A_643, 128 : i32
      %dma_start3A_645 = arith.constant 1 : i32
      %dma_start3A_646 = arith.constant 13 : i32
      %dma_start3A_647 = arith.constant 0 : i32
      %dma_start3A_648 = arith.constant 0 : i32
      %dma_start3A_649 = tpu.memref_slice %arg11[%dma_start3A_645, %dma_start3A_646, %dma_start3A_647, %dma_start3A_648] : memref<2x16x16x128xf32, #tpu.memory_space<vmem>> -> memref<1x1x16x128xf32, #tpu.memory_space<vmem>>
      %dma_start3A_650 = tpu.memref_squeeze %dma_start3A_649 : memref<1x1x16x128xf32, #tpu.memory_space<vmem>> -> memref<16x128xf32, #tpu.memory_space<vmem>>
      %dma_start3A_651 = arith.constant 0 : i32
      %dma_start3A_652 = tpu.memref_slice %arg4[%dma_start3A_651, %multiple_of3A_644] : memref<16x1000000xf32, #tpu.memory_space<hbm>> -> memref<16x128xf32, #tpu.memory_space<hbm>>
      %dma_start3A_653 = arith.constant 0 : i32
      %dma_start3A_654 = arith.constant 0 : i32
      %dma_start3A_655 = tpu.memref_slice %arg11[%dma_start3A_645, %dma_start3A_646, %dma_start3A_653, %dma_start3A_654] : memref<2x16x16x128xf32, #tpu.memory_space<vmem>> -> memref<1x1x16x128xf32, #tpu.memory_space<vmem>>
      %dma_start3A_656 = tpu.memref_squeeze %dma_start3A_655 : memref<1x1x16x128xf32, #tpu.memory_space<vmem>> -> memref<16x128xf32, #tpu.memory_space<vmem>>
      %dma_start3A_657 = arith.constant 0 : i32
      %dma_start3A_658 = tpu.memref_slice %arg4[%dma_start3A_657, %multiple_of3A_644] : memref<16x1000000xf32, #tpu.memory_space<hbm>> -> memref<16x128xf32, #tpu.memory_space<hbm>>
      tpu.enqueue_dma source(%dma_start3A_658 : memref<16x128xf32, #tpu.memory_space<hbm>>) target(%dma_start3A_656 : memref<16x128xf32, #tpu.memory_space<vmem>>) target_semaphore(%arg15 : memref<!tpu.dma_semaphore, #tpu.memory_space<semaphore_mem>>)
      %slice3A_659 = vector.extract_strided_slice %get3A_364 {offsets = [14], sizes = [1], strides = [1]} : vector<16xi32> to vector<1xi32>
      %squeeze3A_660 = vector.extract %slice3A_659[0] : i32 from vector<1xi32>
      %shift_right_arithmetic3A_661 = arith.constant 7 : i32
      %shift_right_arithmetic3A_662 = arith.shrsi %squeeze3A_660, %shift_right_arithmetic3A_661 : i32
      %shift_left3A_663 = arith.constant 7 : i32
      %shift_left3A_664 = arith.shli %shift_right_arithmetic3A_662, %shift_left3A_663 : i32
      %multiple_of3A_665 = tpu.assume_multiple %shift_left3A_664, 128 : i32
      %dma_start3A_666 = arith.constant 1 : i32
      %dma_start3A_667 = arith.constant 14 : i32
      %dma_start3A_668 = arith.constant 0 : i32
      %dma_start3A_669 = arith.constant 0 : i32
      %dma_start3A_670 = tpu.memref_slice %arg11[%dma_start3A_666, %dma_start3A_667, %dma_start3A_668, %dma_start3A_669] : memref<2x16x16x128xf32, #tpu.memory_space<vmem>> -> memref<1x1x16x128xf32, #tpu.memory_space<vmem>>
      %dma_start3A_671 = tpu.memref_squeeze %dma_start3A_670 : memref<1x1x16x128xf32, #tpu.memory_space<vmem>> -> memref<16x128xf32, #tpu.memory_space<vmem>>
      %dma_start3A_672 = arith.constant 0 : i32
      %dma_start3A_673 = tpu.memref_slice %arg4[%dma_start3A_672, %multiple_of3A_665] : memref<16x1000000xf32, #tpu.memory_space<hbm>> -> memref<16x128xf32, #tpu.memory_space<hbm>>
      %dma_start3A_674 = arith.constant 0 : i32
      %dma_start3A_675 = arith.constant 0 : i32
      %dma_start3A_676 = tpu.memref_slice %arg11[%dma_start3A_666, %dma_start3A_667, %dma_start3A_674, %dma_start3A_675] : memref<2x16x16x128xf32, #tpu.memory_space<vmem>> -> memref<1x1x16x128xf32, #tpu.memory_space<vmem>>
      %dma_start3A_677 = tpu.memref_squeeze %dma_start3A_676 : memref<1x1x16x128xf32, #tpu.memory_space<vmem>> -> memref<16x128xf32, #tpu.memory_space<vmem>>
      %dma_start3A_678 = arith.constant 0 : i32
      %dma_start3A_679 = tpu.memref_slice %arg4[%dma_start3A_678, %multiple_of3A_665] : memref<16x1000000xf32, #tpu.memory_space<hbm>> -> memref<16x128xf32, #tpu.memory_space<hbm>>
      tpu.enqueue_dma source(%dma_start3A_679 : memref<16x128xf32, #tpu.memory_space<hbm>>) target(%dma_start3A_677 : memref<16x128xf32, #tpu.memory_space<vmem>>) target_semaphore(%arg15 : memref<!tpu.dma_semaphore, #tpu.memory_space<semaphore_mem>>)
      %slice3A_680 = vector.extract_strided_slice %get3A_364 {offsets = [15], sizes = [1], strides = [1]} : vector<16xi32> to vector<1xi32>
      %squeeze3A_681 = vector.extract %slice3A_680[0] : i32 from vector<1xi32>
      %shift_right_arithmetic3A_682 = arith.constant 7 : i32
      %shift_right_arithmetic3A_683 = arith.shrsi %squeeze3A_681, %shift_right_arithmetic3A_682 : i32
      %shift_left3A_684 = arith.constant 7 : i32
      %shift_left3A_685 = arith.shli %shift_right_arithmetic3A_683, %shift_left3A_684 : i32
      %multiple_of3A_686 = tpu.assume_multiple %shift_left3A_685, 128 : i32
      %dma_start3A_687 = arith.constant 1 : i32
      %dma_start3A_688 = arith.constant 15 : i32
      %dma_start3A_689 = arith.constant 0 : i32
      %dma_start3A_690 = arith.constant 0 : i32
      %dma_start3A_691 = tpu.memref_slice %arg11[%dma_start3A_687, %dma_start3A_688, %dma_start3A_689, %dma_start3A_690] : memref<2x16x16x128xf32, #tpu.memory_space<vmem>> -> memref<1x1x16x128xf32, #tpu.memory_space<vmem>>
      %dma_start3A_692 = tpu.memref_squeeze %dma_start3A_691 : memref<1x1x16x128xf32, #tpu.memory_space<vmem>> -> memref<16x128xf32, #tpu.memory_space<vmem>>
      %dma_start3A_693 = arith.constant 0 : i32
      %dma_start3A_694 = tpu.memref_slice %arg4[%dma_start3A_693, %multiple_of3A_686] : memref<16x1000000xf32, #tpu.memory_space<hbm>> -> memref<16x128xf32, #tpu.memory_space<hbm>>
      %dma_start3A_695 = arith.constant 0 : i32
      %dma_start3A_696 = arith.constant 0 : i32
      %dma_start3A_697 = tpu.memref_slice %arg11[%dma_start3A_687, %dma_start3A_688, %dma_start3A_695, %dma_start3A_696] : memref<2x16x16x128xf32, #tpu.memory_space<vmem>> -> memref<1x1x16x128xf32, #tpu.memory_space<vmem>>
      %dma_start3A_698 = tpu.memref_squeeze %dma_start3A_697 : memref<1x1x16x128xf32, #tpu.memory_space<vmem>> -> memref<16x128xf32, #tpu.memory_space<vmem>>
      %dma_start3A_699 = arith.constant 0 : i32
      %dma_start3A_700 = tpu.memref_slice %arg4[%dma_start3A_699, %multiple_of3A_686] : memref<16x1000000xf32, #tpu.memory_space<hbm>> -> memref<16x128xf32, #tpu.memory_space<hbm>>
      tpu.enqueue_dma source(%dma_start3A_700 : memref<16x128xf32, #tpu.memory_space<hbm>>) target(%dma_start3A_698 : memref<16x128xf32, #tpu.memory_space<vmem>>) target_semaphore(%arg15 : memref<!tpu.dma_semaphore, #tpu.memory_space<semaphore_mem>>)
      %mul3A_701 = arith.constant 16 : i32
      %mul3A_702 = arith.muli %mul3A_358, %mul3A_701 : i32
      %get3A_703 = arith.index_cast %mul3A_702 : i32 to index
      %get3A_704 = tpu.vector_load %arg9[%get3A_703] {strides = array<i32>} : memref<512xi32, #tpu.memory_space<vmem>>, vector<16xi32>,
      %mul3A_705 = arith.constant 16 : i32
      %mul3A_706 = arith.muli %mul3A_358, %mul3A_705 : i32
      %add3A_707 = arith.constant 0 : i32
      %add3A_708 = arith.addi %mul3A_706, %add3A_707 : i32
      %slice3A_709 = vector.extract_strided_slice %get3A_704 {offsets = [0], sizes = [1], strides = [1]} : vector<16xi32> to vector<1xi32>
      %squeeze3A_710 = vector.extract %slice3A_709[0] : i32 from vector<1xi32>
      %broadcast_in_dim3A = vector.broadcast %squeeze3A_710 : i32 to vector<16xi32>
      %gather3A = tpu.vector_load_idx %arg10[%iota3A, %broadcast_in_dim3A] : memref<16x128xf32, #tpu.memory_space<vmem>>[vector<16xi32>, vector<16xi32>], vector<16xf32>,
      %broadcast_in_dim3A_711 = vector.broadcast %add3A_708 : i32 to vector<16xi32>
      tpu.vector_store_idx %arg13[%iota3A, %broadcast_in_dim3A_711], %gather3A : memref<16x512xf32, #tpu.memory_space<vmem>>[vector<16xi32>, vector<16xi32>], vector<16xf32>,
      %mul3A_712 = arith.constant 16 : i32
      %mul3A_713 = arith.muli %mul3A_358, %mul3A_712 : i32
      %add3A_714 = arith.constant 1 : i32
      %add3A_715 = arith.addi %mul3A_713, %add3A_714 : i32
      %slice3A_716 = vector.extract_strided_slice %get3A_704 {offsets = [1], sizes = [1], strides = [1]} : vector<16xi32> to vector<1xi32>
      %squeeze3A_717 = vector.extract %slice3A_716[0] : i32 from vector<1xi32>
      %broadcast_in_dim3A_718 = vector.broadcast %squeeze3A_717 : i32 to vector<16xi32>
      %gather3A_719 = tpu.vector_load_idx %arg10[%iota3A, %broadcast_in_dim3A_718] : memref<16x128xf32, #tpu.memory_space<vmem>>[vector<16xi32>, vector<16xi32>], vector<16xf32>,
      %broadcast_in_dim3A_720 = vector.broadcast %add3A_715 : i32 to vector<16xi32>
      tpu.vector_store_idx %arg13[%iota3A, %broadcast_in_dim3A_720], %gather3A_719 : memref<16x512xf32, #tpu.memory_space<vmem>>[vector<16xi32>, vector<16xi32>], vector<16xf32>,
      %mul3A_721 = arith.constant 16 : i32
      %mul3A_722 = arith.muli %mul3A_358, %mul3A_721 : i32
      %add3A_723 = arith.constant 2 : i32
      %add3A_724 = arith.addi %mul3A_722, %add3A_723 : i32
      %slice3A_725 = vector.extract_strided_slice %get3A_704 {offsets = [2], sizes = [1], strides = [1]} : vector<16xi32> to vector<1xi32>
      %squeeze3A_726 = vector.extract %slice3A_725[0] : i32 from vector<1xi32>
      %broadcast_in_dim3A_727 = vector.broadcast %squeeze3A_726 : i32 to vector<16xi32>
      %gather3A_728 = tpu.vector_load_idx %arg10[%iota3A, %broadcast_in_dim3A_727] : memref<16x128xf32, #tpu.memory_space<vmem>>[vector<16xi32>, vector<16xi32>], vector<16xf32>,
      %broadcast_in_dim3A_729 = vector.broadcast %add3A_724 : i32 to vector<16xi32>
      tpu.vector_store_idx %arg13[%iota3A, %broadcast_in_dim3A_729], %gather3A_728 : memref<16x512xf32, #tpu.memory_space<vmem>>[vector<16xi32>, vector<16xi32>], vector<16xf32>,
      %mul3A_730 = arith.constant 16 : i32
      %mul3A_731 = arith.muli %mul3A_358, %mul3A_730 : i32
      %add3A_732 = arith.constant 3 : i32
      %add3A_733 = arith.addi %mul3A_731, %add3A_732 : i32
      %slice3A_734 = vector.extract_strided_slice %get3A_704 {offsets = [3], sizes = [1], strides = [1]} : vector<16xi32> to vector<1xi32>
      %squeeze3A_735 = vector.extract %slice3A_734[0] : i32 from vector<1xi32>
      %broadcast_in_dim3A_736 = vector.broadcast %squeeze3A_735 : i32 to vector<16xi32>
      %gather3A_737 = tpu.vector_load_idx %arg10[%iota3A, %broadcast_in_dim3A_736] : memref<16x128xf32, #tpu.memory_space<vmem>>[vector<16xi32>, vector<16xi32>], vector<16xf32>,
      %broadcast_in_dim3A_738 = vector.broadcast %add3A_733 : i32 to vector<16xi32>
      tpu.vector_store_idx %arg13[%iota3A, %broadcast_in_dim3A_738], %gather3A_737 : memref<16x512xf32, #tpu.memory_space<vmem>>[vector<16xi32>, vector<16xi32>], vector<16xf32>,
      %mul3A_739 = arith.constant 16 : i32
      %mul3A_740 = arith.muli %mul3A_358, %mul3A_739 : i32
      %add3A_741 = arith.constant 4 : i32
      %add3A_742 = arith.addi %mul3A_740, %add3A_741 : i32
      %slice3A_743 = vector.extract_strided_slice %get3A_704 {offsets = [4], sizes = [1], strides = [1]} : vector<16xi32> to vector<1xi32>
      %squeeze3A_744 = vector.extract %slice3A_743[0] : i32 from vector<1xi32>
      %broadcast_in_dim3A_745 = vector.broadcast %squeeze3A_744 : i32 to vector<16xi32>
      %gather3A_746 = tpu.vector_load_idx %arg10[%iota3A, %broadcast_in_dim3A_745] : memref<16x128xf32, #tpu.memory_space<vmem>>[vector<16xi32>, vector<16xi32>], vector<16xf32>,
      %broadcast_in_dim3A_747 = vector.broadcast %add3A_742 : i32 to vector<16xi32>
      tpu.vector_store_idx %arg13[%iota3A, %broadcast_in_dim3A_747], %gather3A_746 : memref<16x512xf32, #tpu.memory_space<vmem>>[vector<16xi32>, vector<16xi32>], vector<16xf32>,
      %mul3A_748 = arith.constant 16 : i32
      %mul3A_749 = arith.muli %mul3A_358, %mul3A_748 : i32
      %add3A_750 = arith.constant 5 : i32
      %add3A_751 = arith.addi %mul3A_749, %add3A_750 : i32
      %slice3A_752 = vector.extract_strided_slice %get3A_704 {offsets = [5], sizes = [1], strides = [1]} : vector<16xi32> to vector<1xi32>
      %squeeze3A_753 = vector.extract %slice3A_752[0] : i32 from vector<1xi32>
      %broadcast_in_dim3A_754 = vector.broadcast %squeeze3A_753 : i32 to vector<16xi32>
      %gather3A_755 = tpu.vector_load_idx %arg10[%iota3A, %broadcast_in_dim3A_754] : memref<16x128xf32, #tpu.memory_space<vmem>>[vector<16xi32>, vector<16xi32>], vector<16xf32>,
      %broadcast_in_dim3A_756 = vector.broadcast %add3A_751 : i32 to vector<16xi32>
      tpu.vector_store_idx %arg13[%iota3A, %broadcast_in_dim3A_756], %gather3A_755 : memref<16x512xf32, #tpu.memory_space<vmem>>[vector<16xi32>, vector<16xi32>], vector<16xf32>,
      %mul3A_757 = arith.constant 16 : i32
      %mul3A_758 = arith.muli %mul3A_358, %mul3A_757 : i32
      %add3A_759 = arith.constant 6 : i32
      %add3A_760 = arith.addi %mul3A_758, %add3A_759 : i32
      %slice3A_761 = vector.extract_strided_slice %get3A_704 {offsets = [6], sizes = [1], strides = [1]} : vector<16xi32> to vector<1xi32>
      %squeeze3A_762 = vector.extract %slice3A_761[0] : i32 from vector<1xi32>
      %broadcast_in_dim3A_763 = vector.broadcast %squeeze3A_762 : i32 to vector<16xi32>
      %gather3A_764 = tpu.vector_load_idx %arg10[%iota3A, %broadcast_in_dim3A_763] : memref<16x128xf32, #tpu.memory_space<vmem>>[vector<16xi32>, vector<16xi32>], vector<16xf32>,
      %broadcast_in_dim3A_765 = vector.broadcast %add3A_760 : i32 to vector<16xi32>
      tpu.vector_store_idx %arg13[%iota3A, %broadcast_in_dim3A_765], %gather3A_764 : memref<16x512xf32, #tpu.memory_space<vmem>>[vector<16xi32>, vector<16xi32>], vector<16xf32>,
      %mul3A_766 = arith.constant 16 : i32
      %mul3A_767 = arith.muli %mul3A_358, %mul3A_766 : i32
      %add3A_768 = arith.constant 7 : i32
      %add3A_769 = arith.addi %mul3A_767, %add3A_768 : i32
      %slice3A_770 = vector.extract_strided_slice %get3A_704 {offsets = [7], sizes = [1], strides = [1]} : vector<16xi32> to vector<1xi32>
      %squeeze3A_771 = vector.extract %slice3A_770[0] : i32 from vector<1xi32>
      %broadcast_in_dim3A_772 = vector.broadcast %squeeze3A_771 : i32 to vector<16xi32>
      %gather3A_773 = tpu.vector_load_idx %arg10[%iota3A, %broadcast_in_dim3A_772] : memref<16x128xf32, #tpu.memory_space<vmem>>[vector<16xi32>, vector<16xi32>], vector<16xf32>,
      %broadcast_in_dim3A_774 = vector.broadcast %add3A_769 : i32 to vector<16xi32>
      tpu.vector_store_idx %arg13[%iota3A, %broadcast_in_dim3A_774], %gather3A_773 : memref<16x512xf32, #tpu.memory_space<vmem>>[vector<16xi32>, vector<16xi32>], vector<16xf32>,
      %mul3A_775 = arith.constant 16 : i32
      %mul3A_776 = arith.muli %mul3A_358, %mul3A_775 : i32
      %add3A_777 = arith.constant 8 : i32
      %add3A_778 = arith.addi %mul3A_776, %add3A_777 : i32
      %slice3A_779 = vector.extract_strided_slice %get3A_704 {offsets = [8], sizes = [1], strides = [1]} : vector<16xi32> to vector<1xi32>
      %squeeze3A_780 = vector.extract %slice3A_779[0] : i32 from vector<1xi32>
      %broadcast_in_dim3A_781 = vector.broadcast %squeeze3A_780 : i32 to vector<16xi32>
      %gather3A_782 = tpu.vector_load_idx %arg10[%iota3A, %broadcast_in_dim3A_781] : memref<16x128xf32, #tpu.memory_space<vmem>>[vector<16xi32>, vector<16xi32>], vector<16xf32>,
      %broadcast_in_dim3A_783 = vector.broadcast %add3A_778 : i32 to vector<16xi32>
      tpu.vector_store_idx %arg13[%iota3A, %broadcast_in_dim3A_783], %gather3A_782 : memref<16x512xf32, #tpu.memory_space<vmem>>[vector<16xi32>, vector<16xi32>], vector<16xf32>,
      %mul3A_784 = arith.constant 16 : i32
      %mul3A_785 = arith.muli %mul3A_358, %mul3A_784 : i32
      %add3A_786 = arith.constant 9 : i32
      %add3A_787 = arith.addi %mul3A_785, %add3A_786 : i32
      %slice3A_788 = vector.extract_strided_slice %get3A_704 {offsets = [9], sizes = [1], strides = [1]} : vector<16xi32> to vector<1xi32>
      %squeeze3A_789 = vector.extract %slice3A_788[0] : i32 from vector<1xi32>
      %broadcast_in_dim3A_790 = vector.broadcast %squeeze3A_789 : i32 to vector<16xi32>
      %gather3A_791 = tpu.vector_load_idx %arg10[%iota3A, %broadcast_in_dim3A_790] : memref<16x128xf32, #tpu.memory_space<vmem>>[vector<16xi32>, vector<16xi32>], vector<16xf32>,
      %broadcast_in_dim3A_792 = vector.broadcast %add3A_787 : i32 to vector<16xi32>
      tpu.vector_store_idx %arg13[%iota3A, %broadcast_in_dim3A_792], %gather3A_791 : memref<16x512xf32, #tpu.memory_space<vmem>>[vector<16xi32>, vector<16xi32>], vector<16xf32>,
      %mul3A_793 = arith.constant 16 : i32
      %mul3A_794 = arith.muli %mul3A_358, %mul3A_793 : i32
      %add3A_795 = arith.constant 10 : i32
      %add3A_796 = arith.addi %mul3A_794, %add3A_795 : i32
      %slice3A_797 = vector.extract_strided_slice %get3A_704 {offsets = [10], sizes = [1], strides = [1]} : vector<16xi32> to vector<1xi32>
      %squeeze3A_798 = vector.extract %slice3A_797[0] : i32 from vector<1xi32>
      %broadcast_in_dim3A_799 = vector.broadcast %squeeze3A_798 : i32 to vector<16xi32>
      %gather3A_800 = tpu.vector_load_idx %arg10[%iota3A, %broadcast_in_dim3A_799] : memref<16x128xf32, #tpu.memory_space<vmem>>[vector<16xi32>, vector<16xi32>], vector<16xf32>,
      %broadcast_in_dim3A_801 = vector.broadcast %add3A_796 : i32 to vector<16xi32>
      tpu.vector_store_idx %arg13[%iota3A, %broadcast_in_dim3A_801], %gather3A_800 : memref<16x512xf32, #tpu.memory_space<vmem>>[vector<16xi32>, vector<16xi32>], vector<16xf32>,
      %mul3A_802 = arith.constant 16 : i32
      %mul3A_803 = arith.muli %mul3A_358, %mul3A_802 : i32
      %add3A_804 = arith.constant 11 : i32
      %add3A_805 = arith.addi %mul3A_803, %add3A_804 : i32
      %slice3A_806 = vector.extract_strided_slice %get3A_704 {offsets = [11], sizes = [1], strides = [1]} : vector<16xi32> to vector<1xi32>
      %squeeze3A_807 = vector.extract %slice3A_806[0] : i32 from vector<1xi32>
      %broadcast_in_dim3A_808 = vector.broadcast %squeeze3A_807 : i32 to vector<16xi32>
      %gather3A_809 = tpu.vector_load_idx %arg10[%iota3A, %broadcast_in_dim3A_808] : memref<16x128xf32, #tpu.memory_space<vmem>>[vector<16xi32>, vector<16xi32>], vector<16xf32>,
      %broadcast_in_dim3A_810 = vector.broadcast %add3A_805 : i32 to vector<16xi32>
      tpu.vector_store_idx %arg13[%iota3A, %broadcast_in_dim3A_810], %gather3A_809 : memref<16x512xf32, #tpu.memory_space<vmem>>[vector<16xi32>, vector<16xi32>], vector<16xf32>,
      %mul3A_811 = arith.constant 16 : i32
      %mul3A_812 = arith.muli %mul3A_358, %mul3A_811 : i32
      %add3A_813 = arith.constant 12 : i32
      %add3A_814 = arith.addi %mul3A_812, %add3A_813 : i32
      %slice3A_815 = vector.extract_strided_slice %get3A_704 {offsets = [12], sizes = [1], strides = [1]} : vector<16xi32> to vector<1xi32>
      %squeeze3A_816 = vector.extract %slice3A_815[0] : i32 from vector<1xi32>
      %broadcast_in_dim3A_817 = vector.broadcast %squeeze3A_816 : i32 to vector<16xi32>
      %gather3A_818 = tpu.vector_load_idx %arg10[%iota3A, %broadcast_in_dim3A_817] : memref<16x128xf32, #tpu.memory_space<vmem>>[vector<16xi32>, vector<16xi32>], vector<16xf32>,
      %broadcast_in_dim3A_819 = vector.broadcast %add3A_814 : i32 to vector<16xi32>
      tpu.vector_store_idx %arg13[%iota3A, %broadcast_in_dim3A_819], %gather3A_818 : memref<16x512xf32, #tpu.memory_space<vmem>>[vector<16xi32>, vector<16xi32>], vector<16xf32>,
      %mul3A_820 = arith.constant 16 : i32
      %mul3A_821 = arith.muli %mul3A_358, %mul3A_820 : i32
      %add3A_822 = arith.constant 13 : i32
      %add3A_823 = arith.addi %mul3A_821, %add3A_822 : i32
      %slice3A_824 = vector.extract_strided_slice %get3A_704 {offsets = [13], sizes = [1], strides = [1]} : vector<16xi32> to vector<1xi32>
      %squeeze3A_825 = vector.extract %slice3A_824[0] : i32 from vector<1xi32>
      %broadcast_in_dim3A_826 = vector.broadcast %squeeze3A_825 : i32 to vector<16xi32>
      %gather3A_827 = tpu.vector_load_idx %arg10[%iota3A, %broadcast_in_dim3A_826] : memref<16x128xf32, #tpu.memory_space<vmem>>[vector<16xi32>, vector<16xi32>], vector<16xf32>,
      %broadcast_in_dim3A_828 = vector.broadcast %add3A_823 : i32 to vector<16xi32>
      tpu.vector_store_idx %arg13[%iota3A, %broadcast_in_dim3A_828], %gather3A_827 : memref<16x512xf32, #tpu.memory_space<vmem>>[vector<16xi32>, vector<16xi32>], vector<16xf32>,
      %mul3A_829 = arith.constant 16 : i32
      %mul3A_830 = arith.muli %mul3A_358, %mul3A_829 : i32
      %add3A_831 = arith.constant 14 : i32
      %add3A_832 = arith.addi %mul3A_830, %add3A_831 : i32
      %slice3A_833 = vector.extract_strided_slice %get3A_704 {offsets = [14], sizes = [1], strides = [1]} : vector<16xi32> to vector<1xi32>
      %squeeze3A_834 = vector.extract %slice3A_833[0] : i32 from vector<1xi32>
      %broadcast_in_dim3A_835 = vector.broadcast %squeeze3A_834 : i32 to vector<16xi32>
      %gather3A_836 = tpu.vector_load_idx %arg10[%iota3A, %broadcast_in_dim3A_835] : memref<16x128xf32, #tpu.memory_space<vmem>>[vector<16xi32>, vector<16xi32>], vector<16xf32>,
      %broadcast_in_dim3A_837 = vector.broadcast %add3A_832 : i32 to vector<16xi32>
      tpu.vector_store_idx %arg13[%iota3A, %broadcast_in_dim3A_837], %gather3A_836 : memref<16x512xf32, #tpu.memory_space<vmem>>[vector<16xi32>, vector<16xi32>], vector<16xf32>,
      %mul3A_838 = arith.constant 16 : i32
      %mul3A_839 = arith.muli %mul3A_358, %mul3A_838 : i32
      %add3A_840 = arith.constant 15 : i32
      %add3A_841 = arith.addi %mul3A_839, %add3A_840 : i32
      %slice3A_842 = vector.extract_strided_slice %get3A_704 {offsets = [15], sizes = [1], strides = [1]} : vector<16xi32> to vector<1xi32>
      %squeeze3A_843 = vector.extract %slice3A_842[0] : i32 from vector<1xi32>
      %broadcast_in_dim3A_844 = vector.broadcast %squeeze3A_843 : i32 to vector<16xi32>
      %gather3A_845 = tpu.vector_load_idx %arg10[%iota3A, %broadcast_in_dim3A_844] : memref<16x128xf32, #tpu.memory_space<vmem>>[vector<16xi32>, vector<16xi32>], vector<16xf32>,
      %broadcast_in_dim3A_846 = vector.broadcast %add3A_841 : i32 to vector<16xi32>
      tpu.vector_store_idx %arg13[%iota3A, %broadcast_in_dim3A_846], %gather3A_845 : memref<16x512xf32, #tpu.memory_space<vmem>>[vector<16xi32>, vector<16xi32>], vector<16xf32>,
      %dma_wait3A_847 = arith.constant 0 : i32
      %dma_wait3A_848 = arith.constant 0 : i32
      %dma_wait3A_849 = arith.constant 0 : i32
      %dma_wait3A_850 = arith.constant 0 : i32
      %dma_wait3A_851 = tpu.memref_slice %arg11[%dma_wait3A_847, %dma_wait3A_848, %dma_wait3A_849, %dma_wait3A_850] : memref<2x16x16x128xf32, #tpu.memory_space<vmem>> -> memref<1x1x16x128xf32, #tpu.memory_space<vmem>>
      %dma_wait3A_852 = tpu.memref_squeeze %dma_wait3A_851 : memref<1x1x16x128xf32, #tpu.memory_space<vmem>> -> memref<16x128xf32, #tpu.memory_space<vmem>>
      %dma_wait3A_853 = arith.constant 0 : i32
      %dma_wait3A_854 = arith.constant 0 : i32
      %dma_wait3A_855 = tpu.memref_slice %arg4[%dma_wait3A_853, %dma_wait3A_854] : memref<16x1000000xf32, #tpu.memory_space<hbm>> -> memref<16x128xf32, #tpu.memory_space<hbm>>
      %dma_wait3A_856 = arith.constant 0 : i32
      %dma_wait3A_857 = arith.constant 0 : i32
      %dma_wait3A_858 = tpu.memref_slice %arg11[%dma_wait3A_847, %dma_wait3A_848, %dma_wait3A_856, %dma_wait3A_857] : memref<2x16x16x128xf32, #tpu.memory_space<vmem>> -> memref<1x1x16x128xf32, #tpu.memory_space<vmem>>
      %dma_wait3A_859 = tpu.memref_squeeze %dma_wait3A_858 : memref<1x1x16x128xf32, #tpu.memory_space<vmem>> -> memref<16x128xf32, #tpu.memory_space<vmem>>
      %dma_wait3A_860 = arith.constant 0 : i32
      %dma_wait3A_861 = arith.constant 0 : i32
      %dma_wait3A_862 = tpu.memref_slice %arg4[%dma_wait3A_860, %dma_wait3A_861] : memref<16x1000000xf32, #tpu.memory_space<hbm>> -> memref<16x128xf32, #tpu.memory_space<hbm>>
      tpu.wait_dma2 semaphore(%arg14 : memref<!tpu.dma_semaphore, #tpu.memory_space<semaphore_mem>>) src(%dma_wait3A_862 : memref<16x128xf32, #tpu.memory_space<hbm>>) dst(%dma_wait3A_859 : memref<16x128xf32, #tpu.memory_space<vmem>>)
      %dma_wait3A_863 = arith.constant 0 : i32
      %dma_wait3A_864 = arith.constant 1 : i32
      %dma_wait3A_865 = arith.constant 0 : i32
      %dma_wait3A_866 = arith.constant 0 : i32
      %dma_wait3A_867 = tpu.memref_slice %arg11[%dma_wait3A_863, %dma_wait3A_864, %dma_wait3A_865, %dma_wait3A_866] : memref<2x16x16x128xf32, #tpu.memory_space<vmem>> -> memref<1x1x16x128xf32, #tpu.memory_space<vmem>>
      %dma_wait3A_868 = tpu.memref_squeeze %dma_wait3A_867 : memref<1x1x16x128xf32, #tpu.memory_space<vmem>> -> memref<16x128xf32, #tpu.memory_space<vmem>>
      %dma_wait3A_869 = arith.constant 0 : i32
      %dma_wait3A_870 = arith.constant 0 : i32
      %dma_wait3A_871 = tpu.memref_slice %arg4[%dma_wait3A_869, %dma_wait3A_870] : memref<16x1000000xf32, #tpu.memory_space<hbm>> -> memref<16x128xf32, #tpu.memory_space<hbm>>
      %dma_wait3A_872 = arith.constant 0 : i32
      %dma_wait3A_873 = arith.constant 0 : i32
      %dma_wait3A_874 = tpu.memref_slice %arg11[%dma_wait3A_863, %dma_wait3A_864, %dma_wait3A_872, %dma_wait3A_873] : memref<2x16x16x128xf32, #tpu.memory_space<vmem>> -> memref<1x1x16x128xf32, #tpu.memory_space<vmem>>
      %dma_wait3A_875 = tpu.memref_squeeze %dma_wait3A_874 : memref<1x1x16x128xf32, #tpu.memory_space<vmem>> -> memref<16x128xf32, #tpu.memory_space<vmem>>
      %dma_wait3A_876 = arith.constant 0 : i32
      %dma_wait3A_877 = arith.constant 0 : i32
      %dma_wait3A_878 = tpu.memref_slice %arg4[%dma_wait3A_876, %dma_wait3A_877] : memref<16x1000000xf32, #tpu.memory_space<hbm>> -> memref<16x128xf32, #tpu.memory_space<hbm>>
      tpu.wait_dma2 semaphore(%arg14 : memref<!tpu.dma_semaphore, #tpu.memory_space<semaphore_mem>>) src(%dma_wait3A_878 : memref<16x128xf32, #tpu.memory_space<hbm>>) dst(%dma_wait3A_875 : memref<16x128xf32, #tpu.memory_space<vmem>>)
      %dma_wait3A_879 = arith.constant 0 : i32
      %dma_wait3A_880 = arith.constant 2 : i32
      %dma_wait3A_881 = arith.constant 0 : i32
      %dma_wait3A_882 = arith.constant 0 : i32
      %dma_wait3A_883 = tpu.memref_slice %arg11[%dma_wait3A_879, %dma_wait3A_880, %dma_wait3A_881, %dma_wait3A_882] : memref<2x16x16x128xf32, #tpu.memory_space<vmem>> -> memref<1x1x16x128xf32, #tpu.memory_space<vmem>>
      %dma_wait3A_884 = tpu.memref_squeeze %dma_wait3A_883 : memref<1x1x16x128xf32, #tpu.memory_space<vmem>> -> memref<16x128xf32, #tpu.memory_space<vmem>>
      %dma_wait3A_885 = arith.constant 0 : i32
      %dma_wait3A_886 = arith.constant 0 : i32
      %dma_wait3A_887 = tpu.memref_slice %arg4[%dma_wait3A_885, %dma_wait3A_886] : memref<16x1000000xf32, #tpu.memory_space<hbm>> -> memref<16x128xf32, #tpu.memory_space<hbm>>
      %dma_wait3A_888 = arith.constant 0 : i32
      %dma_wait3A_889 = arith.constant 0 : i32
      %dma_wait3A_890 = tpu.memref_slice %arg11[%dma_wait3A_879, %dma_wait3A_880, %dma_wait3A_888, %dma_wait3A_889] : memref<2x16x16x128xf32, #tpu.memory_space<vmem>> -> memref<1x1x16x128xf32, #tpu.memory_space<vmem>>
      %dma_wait3A_891 = tpu.memref_squeeze %dma_wait3A_890 : memref<1x1x16x128xf32, #tpu.memory_space<vmem>> -> memref<16x128xf32, #tpu.memory_space<vmem>>
      %dma_wait3A_892 = arith.constant 0 : i32
      %dma_wait3A_893 = arith.constant 0 : i32
      %dma_wait3A_894 = tpu.memref_slice %arg4[%dma_wait3A_892, %dma_wait3A_893] : memref<16x1000000xf32, #tpu.memory_space<hbm>> -> memref<16x128xf32, #tpu.memory_space<hbm>>
      tpu.wait_dma2 semaphore(%arg14 : memref<!tpu.dma_semaphore, #tpu.memory_space<semaphore_mem>>) src(%dma_wait3A_894 : memref<16x128xf32, #tpu.memory_space<hbm>>) dst(%dma_wait3A_891 : memref<16x128xf32, #tpu.memory_space<vmem>>)
      %dma_wait3A_895 = arith.constant 0 : i32
      %dma_wait3A_896 = arith.constant 3 : i32
      %dma_wait3A_897 = arith.constant 0 : i32
      %dma_wait3A_898 = arith.constant 0 : i32
      %dma_wait3A_899 = tpu.memref_slice %arg11[%dma_wait3A_895, %dma_wait3A_896, %dma_wait3A_897, %dma_wait3A_898] : memref<2x16x16x128xf32, #tpu.memory_space<vmem>> -> memref<1x1x16x128xf32, #tpu.memory_space<vmem>>
      %dma_wait3A_900 = tpu.memref_squeeze %dma_wait3A_899 : memref<1x1x16x128xf32, #tpu.memory_space<vmem>> -> memref<16x128xf32, #tpu.memory_space<vmem>>
      %dma_wait3A_901 = arith.constant 0 : i32
      %dma_wait3A_902 = arith.constant 0 : i32
      %dma_wait3A_903 = tpu.memref_slice %arg4[%dma_wait3A_901, %dma_wait3A_902] : memref<16x1000000xf32, #tpu.memory_space<hbm>> -> memref<16x128xf32, #tpu.memory_space<hbm>>
      %dma_wait3A_904 = arith.constant 0 : i32
      %dma_wait3A_905 = arith.constant 0 : i32
      %dma_wait3A_906 = tpu.memref_slice %arg11[%dma_wait3A_895, %dma_wait3A_896, %dma_wait3A_904, %dma_wait3A_905] : memref<2x16x16x128xf32, #tpu.memory_space<vmem>> -> memref<1x1x16x128xf32, #tpu.memory_space<vmem>>
      %dma_wait3A_907 = tpu.memref_squeeze %dma_wait3A_906 : memref<1x1x16x128xf32, #tpu.memory_space<vmem>> -> memref<16x128xf32, #tpu.memory_space<vmem>>
      %dma_wait3A_908 = arith.constant 0 : i32
      %dma_wait3A_909 = arith.constant 0 : i32
      %dma_wait3A_910 = tpu.memref_slice %arg4[%dma_wait3A_908, %dma_wait3A_909] : memref<16x1000000xf32, #tpu.memory_space<hbm>> -> memref<16x128xf32, #tpu.memory_space<hbm>>
      tpu.wait_dma2 semaphore(%arg14 : memref<!tpu.dma_semaphore, #tpu.memory_space<semaphore_mem>>) src(%dma_wait3A_910 : memref<16x128xf32, #tpu.memory_space<hbm>>) dst(%dma_wait3A_907 : memref<16x128xf32, #tpu.memory_space<vmem>>)
      %dma_wait3A_911 = arith.constant 0 : i32
      %dma_wait3A_912 = arith.constant 4 : i32
      %dma_wait3A_913 = arith.constant 0 : i32
      %dma_wait3A_914 = arith.constant 0 : i32
      %dma_wait3A_915 = tpu.memref_slice %arg11[%dma_wait3A_911, %dma_wait3A_912, %dma_wait3A_913, %dma_wait3A_914] : memref<2x16x16x128xf32, #tpu.memory_space<vmem>> -> memref<1x1x16x128xf32, #tpu.memory_space<vmem>>
      %dma_wait3A_916 = tpu.memref_squeeze %dma_wait3A_915 : memref<1x1x16x128xf32, #tpu.memory_space<vmem>> -> memref<16x128xf32, #tpu.memory_space<vmem>>
      %dma_wait3A_917 = arith.constant 0 : i32
      %dma_wait3A_918 = arith.constant 0 : i32
      %dma_wait3A_919 = tpu.memref_slice %arg4[%dma_wait3A_917, %dma_wait3A_918] : memref<16x1000000xf32, #tpu.memory_space<hbm>> -> memref<16x128xf32, #tpu.memory_space<hbm>>
      %dma_wait3A_920 = arith.constant 0 : i32
      %dma_wait3A_921 = arith.constant 0 : i32
      %dma_wait3A_922 = tpu.memref_slice %arg11[%dma_wait3A_911, %dma_wait3A_912, %dma_wait3A_920, %dma_wait3A_921] : memref<2x16x16x128xf32, #tpu.memory_space<vmem>> -> memref<1x1x16x128xf32, #tpu.memory_space<vmem>>
      %dma_wait3A_923 = tpu.memref_squeeze %dma_wait3A_922 : memref<1x1x16x128xf32, #tpu.memory_space<vmem>> -> memref<16x128xf32, #tpu.memory_space<vmem>>
      %dma_wait3A_924 = arith.constant 0 : i32
      %dma_wait3A_925 = arith.constant 0 : i32
      %dma_wait3A_926 = tpu.memref_slice %arg4[%dma_wait3A_924, %dma_wait3A_925] : memref<16x1000000xf32, #tpu.memory_space<hbm>> -> memref<16x128xf32, #tpu.memory_space<hbm>>
      tpu.wait_dma2 semaphore(%arg14 : memref<!tpu.dma_semaphore, #tpu.memory_space<semaphore_mem>>) src(%dma_wait3A_926 : memref<16x128xf32, #tpu.memory_space<hbm>>) dst(%dma_wait3A_923 : memref<16x128xf32, #tpu.memory_space<vmem>>)
      %dma_wait3A_927 = arith.constant 0 : i32
      %dma_wait3A_928 = arith.constant 5 : i32
      %dma_wait3A_929 = arith.constant 0 : i32
      %dma_wait3A_930 = arith.constant 0 : i32
      %dma_wait3A_931 = tpu.memref_slice %arg11[%dma_wait3A_927, %dma_wait3A_928, %dma_wait3A_929, %dma_wait3A_930] : memref<2x16x16x128xf32, #tpu.memory_space<vmem>> -> memref<1x1x16x128xf32, #tpu.memory_space<vmem>>
      %dma_wait3A_932 = tpu.memref_squeeze %dma_wait3A_931 : memref<1x1x16x128xf32, #tpu.memory_space<vmem>> -> memref<16x128xf32, #tpu.memory_space<vmem>>
      %dma_wait3A_933 = arith.constant 0 : i32
      %dma_wait3A_934 = arith.constant 0 : i32
      %dma_wait3A_935 = tpu.memref_slice %arg4[%dma_wait3A_933, %dma_wait3A_934] : memref<16x1000000xf32, #tpu.memory_space<hbm>> -> memref<16x128xf32, #tpu.memory_space<hbm>>
      %dma_wait3A_936 = arith.constant 0 : i32
      %dma_wait3A_937 = arith.constant 0 : i32
      %dma_wait3A_938 = tpu.memref_slice %arg11[%dma_wait3A_927, %dma_wait3A_928, %dma_wait3A_936, %dma_wait3A_937] : memref<2x16x16x128xf32, #tpu.memory_space<vmem>> -> memref<1x1x16x128xf32, #tpu.memory_space<vmem>>
      %dma_wait3A_939 = tpu.memref_squeeze %dma_wait3A_938 : memref<1x1x16x128xf32, #tpu.memory_space<vmem>> -> memref<16x128xf32, #tpu.memory_space<vmem>>
      %dma_wait3A_940 = arith.constant 0 : i32
      %dma_wait3A_941 = arith.constant 0 : i32
      %dma_wait3A_942 = tpu.memref_slice %arg4[%dma_wait3A_940, %dma_wait3A_941] : memref<16x1000000xf32, #tpu.memory_space<hbm>> -> memref<16x128xf32, #tpu.memory_space<hbm>>
      tpu.wait_dma2 semaphore(%arg14 : memref<!tpu.dma_semaphore, #tpu.memory_space<semaphore_mem>>) src(%dma_wait3A_942 : memref<16x128xf32, #tpu.memory_space<hbm>>) dst(%dma_wait3A_939 : memref<16x128xf32, #tpu.memory_space<vmem>>)
      %dma_wait3A_943 = arith.constant 0 : i32
      %dma_wait3A_944 = arith.constant 6 : i32
      %dma_wait3A_945 = arith.constant 0 : i32
      %dma_wait3A_946 = arith.constant 0 : i32
      %dma_wait3A_947 = tpu.memref_slice %arg11[%dma_wait3A_943, %dma_wait3A_944, %dma_wait3A_945, %dma_wait3A_946] : memref<2x16x16x128xf32, #tpu.memory_space<vmem>> -> memref<1x1x16x128xf32, #tpu.memory_space<vmem>>
      %dma_wait3A_948 = tpu.memref_squeeze %dma_wait3A_947 : memref<1x1x16x128xf32, #tpu.memory_space<vmem>> -> memref<16x128xf32, #tpu.memory_space<vmem>>
      %dma_wait3A_949 = arith.constant 0 : i32
      %dma_wait3A_950 = arith.constant 0 : i32
      %dma_wait3A_951 = tpu.memref_slice %arg4[%dma_wait3A_949, %dma_wait3A_950] : memref<16x1000000xf32, #tpu.memory_space<hbm>> -> memref<16x128xf32, #tpu.memory_space<hbm>>
      %dma_wait3A_952 = arith.constant 0 : i32
      %dma_wait3A_953 = arith.constant 0 : i32
      %dma_wait3A_954 = tpu.memref_slice %arg11[%dma_wait3A_943, %dma_wait3A_944, %dma_wait3A_952, %dma_wait3A_953] : memref<2x16x16x128xf32, #tpu.memory_space<vmem>> -> memref<1x1x16x128xf32, #tpu.memory_space<vmem>>
      %dma_wait3A_955 = tpu.memref_squeeze %dma_wait3A_954 : memref<1x1x16x128xf32, #tpu.memory_space<vmem>> -> memref<16x128xf32, #tpu.memory_space<vmem>>
      %dma_wait3A_956 = arith.constant 0 : i32
      %dma_wait3A_957 = arith.constant 0 : i32
      %dma_wait3A_958 = tpu.memref_slice %arg4[%dma_wait3A_956, %dma_wait3A_957] : memref<16x1000000xf32, #tpu.memory_space<hbm>> -> memref<16x128xf32, #tpu.memory_space<hbm>>
      tpu.wait_dma2 semaphore(%arg14 : memref<!tpu.dma_semaphore, #tpu.memory_space<semaphore_mem>>) src(%dma_wait3A_958 : memref<16x128xf32, #tpu.memory_space<hbm>>) dst(%dma_wait3A_955 : memref<16x128xf32, #tpu.memory_space<vmem>>)
      %dma_wait3A_959 = arith.constant 0 : i32
      %dma_wait3A_960 = arith.constant 7 : i32
      %dma_wait3A_961 = arith.constant 0 : i32
      %dma_wait3A_962 = arith.constant 0 : i32
      %dma_wait3A_963 = tpu.memref_slice %arg11[%dma_wait3A_959, %dma_wait3A_960, %dma_wait3A_961, %dma_wait3A_962] : memref<2x16x16x128xf32, #tpu.memory_space<vmem>> -> memref<1x1x16x128xf32, #tpu.memory_space<vmem>>
      %dma_wait3A_964 = tpu.memref_squeeze %dma_wait3A_963 : memref<1x1x16x128xf32, #tpu.memory_space<vmem>> -> memref<16x128xf32, #tpu.memory_space<vmem>>
      %dma_wait3A_965 = arith.constant 0 : i32
      %dma_wait3A_966 = arith.constant 0 : i32
      %dma_wait3A_967 = tpu.memref_slice %arg4[%dma_wait3A_965, %dma_wait3A_966] : memref<16x1000000xf32, #tpu.memory_space<hbm>> -> memref<16x128xf32, #tpu.memory_space<hbm>>
      %dma_wait3A_968 = arith.constant 0 : i32
      %dma_wait3A_969 = arith.constant 0 : i32
      %dma_wait3A_970 = tpu.memref_slice %arg11[%dma_wait3A_959, %dma_wait3A_960, %dma_wait3A_968, %dma_wait3A_969] : memref<2x16x16x128xf32, #tpu.memory_space<vmem>> -> memref<1x1x16x128xf32, #tpu.memory_space<vmem>>
      %dma_wait3A_971 = tpu.memref_squeeze %dma_wait3A_970 : memref<1x1x16x128xf32, #tpu.memory_space<vmem>> -> memref<16x128xf32, #tpu.memory_space<vmem>>
      %dma_wait3A_972 = arith.constant 0 : i32
      %dma_wait3A_973 = arith.constant 0 : i32
      %dma_wait3A_974 = tpu.memref_slice %arg4[%dma_wait3A_972, %dma_wait3A_973] : memref<16x1000000xf32, #tpu.memory_space<hbm>> -> memref<16x128xf32, #tpu.memory_space<hbm>>
      tpu.wait_dma2 semaphore(%arg14 : memref<!tpu.dma_semaphore, #tpu.memory_space<semaphore_mem>>) src(%dma_wait3A_974 : memref<16x128xf32, #tpu.memory_space<hbm>>) dst(%dma_wait3A_971 : memref<16x128xf32, #tpu.memory_space<vmem>>)
      %dma_wait3A_975 = arith.constant 0 : i32
      %dma_wait3A_976 = arith.constant 8 : i32
      %dma_wait3A_977 = arith.constant 0 : i32
      %dma_wait3A_978 = arith.constant 0 : i32
      %dma_wait3A_979 = tpu.memref_slice %arg11[%dma_wait3A_975, %dma_wait3A_976, %dma_wait3A_977, %dma_wait3A_978] : memref<2x16x16x128xf32, #tpu.memory_space<vmem>> -> memref<1x1x16x128xf32, #tpu.memory_space<vmem>>
      %dma_wait3A_980 = tpu.memref_squeeze %dma_wait3A_979 : memref<1x1x16x128xf32, #tpu.memory_space<vmem>> -> memref<16x128xf32, #tpu.memory_space<vmem>>
      %dma_wait3A_981 = arith.constant 0 : i32
      %dma_wait3A_982 = arith.constant 0 : i32
      %dma_wait3A_983 = tpu.memref_slice %arg4[%dma_wait3A_981, %dma_wait3A_982] : memref<16x1000000xf32, #tpu.memory_space<hbm>> -> memref<16x128xf32, #tpu.memory_space<hbm>>
      %dma_wait3A_984 = arith.constant 0 : i32
      %dma_wait3A_985 = arith.constant 0 : i32
      %dma_wait3A_986 = tpu.memref_slice %arg11[%dma_wait3A_975, %dma_wait3A_976, %dma_wait3A_984, %dma_wait3A_985] : memref<2x16x16x128xf32, #tpu.memory_space<vmem>> -> memref<1x1x16x128xf32, #tpu.memory_space<vmem>>
      %dma_wait3A_987 = tpu.memref_squeeze %dma_wait3A_986 : memref<1x1x16x128xf32, #tpu.memory_space<vmem>> -> memref<16x128xf32, #tpu.memory_space<vmem>>
      %dma_wait3A_988 = arith.constant 0 : i32
      %dma_wait3A_989 = arith.constant 0 : i32
      %dma_wait3A_990 = tpu.memref_slice %arg4[%dma_wait3A_988, %dma_wait3A_989] : memref<16x1000000xf32, #tpu.memory_space<hbm>> -> memref<16x128xf32, #tpu.memory_space<hbm>>
      tpu.wait_dma2 semaphore(%arg14 : memref<!tpu.dma_semaphore, #tpu.memory_space<semaphore_mem>>) src(%dma_wait3A_990 : memref<16x128xf32, #tpu.memory_space<hbm>>) dst(%dma_wait3A_987 : memref<16x128xf32, #tpu.memory_space<vmem>>)
      %dma_wait3A_991 = arith.constant 0 : i32
      %dma_wait3A_992 = arith.constant 9 : i32
      %dma_wait3A_993 = arith.constant 0 : i32
      %dma_wait3A_994 = arith.constant 0 : i32
      %dma_wait3A_995 = tpu.memref_slice %arg11[%dma_wait3A_991, %dma_wait3A_992, %dma_wait3A_993, %dma_wait3A_994] : memref<2x16x16x128xf32, #tpu.memory_space<vmem>> -> memref<1x1x16x128xf32, #tpu.memory_space<vmem>>
      %dma_wait3A_996 = tpu.memref_squeeze %dma_wait3A_995 : memref<1x1x16x128xf32, #tpu.memory_space<vmem>> -> memref<16x128xf32, #tpu.memory_space<vmem>>
      %dma_wait3A_997 = arith.constant 0 : i32
      %dma_wait3A_998 = arith.constant 0 : i32
      %dma_wait3A_999 = tpu.memref_slice %arg4[%dma_wait3A_997, %dma_wait3A_998] : memref<16x1000000xf32, #tpu.memory_space<hbm>> -> memref<16x128xf32, #tpu.memory_space<hbm>>
      %dma_wait3A_1000 = arith.constant 0 : i32
      %dma_wait3A_1001 = arith.constant 0 : i32
      %dma_wait3A_1002 = tpu.memref_slice %arg11[%dma_wait3A_991, %dma_wait3A_992, %dma_wait3A_1000, %dma_wait3A_1001] : memref<2x16x16x128xf32, #tpu.memory_space<vmem>> -> memref<1x1x16x128xf32, #tpu.memory_space<vmem>>
      %dma_wait3A_1003 = tpu.memref_squeeze %dma_wait3A_1002 : memref<1x1x16x128xf32, #tpu.memory_space<vmem>> -> memref<16x128xf32, #tpu.memory_space<vmem>>
      %dma_wait3A_1004 = arith.constant 0 : i32
      %dma_wait3A_1005 = arith.constant 0 : i32
      %dma_wait3A_1006 = tpu.memref_slice %arg4[%dma_wait3A_1004, %dma_wait3A_1005] : memref<16x1000000xf32, #tpu.memory_space<hbm>> -> memref<16x128xf32, #tpu.memory_space<hbm>>
      tpu.wait_dma2 semaphore(%arg14 : memref<!tpu.dma_semaphore, #tpu.memory_space<semaphore_mem>>) src(%dma_wait3A_1006 : memref<16x128xf32, #tpu.memory_space<hbm>>) dst(%dma_wait3A_1003 : memref<16x128xf32, #tpu.memory_space<vmem>>)
      %dma_wait3A_1007 = arith.constant 0 : i32
      %dma_wait3A_1008 = arith.constant 10 : i32
      %dma_wait3A_1009 = arith.constant 0 : i32
      %dma_wait3A_1010 = arith.constant 0 : i32
      %dma_wait3A_1011 = tpu.memref_slice %arg11[%dma_wait3A_1007, %dma_wait3A_1008, %dma_wait3A_1009, %dma_wait3A_1010] : memref<2x16x16x128xf32, #tpu.memory_space<vmem>> -> memref<1x1x16x128xf32, #tpu.memory_space<vmem>>
      %dma_wait3A_1012 = tpu.memref_squeeze %dma_wait3A_1011 : memref<1x1x16x128xf32, #tpu.memory_space<vmem>> -> memref<16x128xf32, #tpu.memory_space<vmem>>
      %dma_wait3A_1013 = arith.constant 0 : i32
      %dma_wait3A_1014 = arith.constant 0 : i32
      %dma_wait3A_1015 = tpu.memref_slice %arg4[%dma_wait3A_1013, %dma_wait3A_1014] : memref<16x1000000xf32, #tpu.memory_space<hbm>> -> memref<16x128xf32, #tpu.memory_space<hbm>>
      %dma_wait3A_1016 = arith.constant 0 : i32
      %dma_wait3A_1017 = arith.constant 0 : i32
      %dma_wait3A_1018 = tpu.memref_slice %arg11[%dma_wait3A_1007, %dma_wait3A_1008, %dma_wait3A_1016, %dma_wait3A_1017] : memref<2x16x16x128xf32, #tpu.memory_space<vmem>> -> memref<1x1x16x128xf32, #tpu.memory_space<vmem>>
      %dma_wait3A_1019 = tpu.memref_squeeze %dma_wait3A_1018 : memref<1x1x16x128xf32, #tpu.memory_space<vmem>> -> memref<16x128xf32, #tpu.memory_space<vmem>>
      %dma_wait3A_1020 = arith.constant 0 : i32
      %dma_wait3A_1021 = arith.constant 0 : i32
      %dma_wait3A_1022 = tpu.memref_slice %arg4[%dma_wait3A_1020, %dma_wait3A_1021] : memref<16x1000000xf32, #tpu.memory_space<hbm>> -> memref<16x128xf32, #tpu.memory_space<hbm>>
      tpu.wait_dma2 semaphore(%arg14 : memref<!tpu.dma_semaphore, #tpu.memory_space<semaphore_mem>>) src(%dma_wait3A_1022 : memref<16x128xf32, #tpu.memory_space<hbm>>) dst(%dma_wait3A_1019 : memref<16x128xf32, #tpu.memory_space<vmem>>)
      %dma_wait3A_1023 = arith.constant 0 : i32
      %dma_wait3A_1024 = arith.constant 11 : i32
      %dma_wait3A_1025 = arith.constant 0 : i32
      %dma_wait3A_1026 = arith.constant 0 : i32
      %dma_wait3A_1027 = tpu.memref_slice %arg11[%dma_wait3A_1023, %dma_wait3A_1024, %dma_wait3A_1025, %dma_wait3A_1026] : memref<2x16x16x128xf32, #tpu.memory_space<vmem>> -> memref<1x1x16x128xf32, #tpu.memory_space<vmem>>
      %dma_wait3A_1028 = tpu.memref_squeeze %dma_wait3A_1027 : memref<1x1x16x128xf32, #tpu.memory_space<vmem>> -> memref<16x128xf32, #tpu.memory_space<vmem>>
      %dma_wait3A_1029 = arith.constant 0 : i32
      %dma_wait3A_1030 = arith.constant 0 : i32
      %dma_wait3A_1031 = tpu.memref_slice %arg4[%dma_wait3A_1029, %dma_wait3A_1030] : memref<16x1000000xf32, #tpu.memory_space<hbm>> -> memref<16x128xf32, #tpu.memory_space<hbm>>
      %dma_wait3A_1032 = arith.constant 0 : i32
      %dma_wait3A_1033 = arith.constant 0 : i32
      %dma_wait3A_1034 = tpu.memref_slice %arg11[%dma_wait3A_1023, %dma_wait3A_1024, %dma_wait3A_1032, %dma_wait3A_1033] : memref<2x16x16x128xf32, #tpu.memory_space<vmem>> -> memref<1x1x16x128xf32, #tpu.memory_space<vmem>>
      %dma_wait3A_1035 = tpu.memref_squeeze %dma_wait3A_1034 : memref<1x1x16x128xf32, #tpu.memory_space<vmem>> -> memref<16x128xf32, #tpu.memory_space<vmem>>
      %dma_wait3A_1036 = arith.constant 0 : i32
      %dma_wait3A_1037 = arith.constant 0 : i32
      %dma_wait3A_1038 = tpu.memref_slice %arg4[%dma_wait3A_1036, %dma_wait3A_1037] : memref<16x1000000xf32, #tpu.memory_space<hbm>> -> memref<16x128xf32, #tpu.memory_space<hbm>>
      tpu.wait_dma2 semaphore(%arg14 : memref<!tpu.dma_semaphore, #tpu.memory_space<semaphore_mem>>) src(%dma_wait3A_1038 : memref<16x128xf32, #tpu.memory_space<hbm>>) dst(%dma_wait3A_1035 : memref<16x128xf32, #tpu.memory_space<vmem>>)
      %dma_wait3A_1039 = arith.constant 0 : i32
      %dma_wait3A_1040 = arith.constant 12 : i32
      %dma_wait3A_1041 = arith.constant 0 : i32
      %dma_wait3A_1042 = arith.constant 0 : i32
      %dma_wait3A_1043 = tpu.memref_slice %arg11[%dma_wait3A_1039, %dma_wait3A_1040, %dma_wait3A_1041, %dma_wait3A_1042] : memref<2x16x16x128xf32, #tpu.memory_space<vmem>> -> memref<1x1x16x128xf32, #tpu.memory_space<vmem>>
      %dma_wait3A_1044 = tpu.memref_squeeze %dma_wait3A_1043 : memref<1x1x16x128xf32, #tpu.memory_space<vmem>> -> memref<16x128xf32, #tpu.memory_space<vmem>>
      %dma_wait3A_1045 = arith.constant 0 : i32
      %dma_wait3A_1046 = arith.constant 0 : i32
      %dma_wait3A_1047 = tpu.memref_slice %arg4[%dma_wait3A_1045, %dma_wait3A_1046] : memref<16x1000000xf32, #tpu.memory_space<hbm>> -> memref<16x128xf32, #tpu.memory_space<hbm>>
      %dma_wait3A_1048 = arith.constant 0 : i32
      %dma_wait3A_1049 = arith.constant 0 : i32
      %dma_wait3A_1050 = tpu.memref_slice %arg11[%dma_wait3A_1039, %dma_wait3A_1040, %dma_wait3A_1048, %dma_wait3A_1049] : memref<2x16x16x128xf32, #tpu.memory_space<vmem>> -> memref<1x1x16x128xf32, #tpu.memory_space<vmem>>
      %dma_wait3A_1051 = tpu.memref_squeeze %dma_wait3A_1050 : memref<1x1x16x128xf32, #tpu.memory_space<vmem>> -> memref<16x128xf32, #tpu.memory_space<vmem>>
      %dma_wait3A_1052 = arith.constant 0 : i32
      %dma_wait3A_1053 = arith.constant 0 : i32
      %dma_wait3A_1054 = tpu.memref_slice %arg4[%dma_wait3A_1052, %dma_wait3A_1053] : memref<16x1000000xf32, #tpu.memory_space<hbm>> -> memref<16x128xf32, #tpu.memory_space<hbm>>
      tpu.wait_dma2 semaphore(%arg14 : memref<!tpu.dma_semaphore, #tpu.memory_space<semaphore_mem>>) src(%dma_wait3A_1054 : memref<16x128xf32, #tpu.memory_space<hbm>>) dst(%dma_wait3A_1051 : memref<16x128xf32, #tpu.memory_space<vmem>>)
      %dma_wait3A_1055 = arith.constant 0 : i32
      %dma_wait3A_1056 = arith.constant 13 : i32
      %dma_wait3A_1057 = arith.constant 0 : i32
      %dma_wait3A_1058 = arith.constant 0 : i32
      %dma_wait3A_1059 = tpu.memref_slice %arg11[%dma_wait3A_1055, %dma_wait3A_1056, %dma_wait3A_1057, %dma_wait3A_1058] : memref<2x16x16x128xf32, #tpu.memory_space<vmem>> -> memref<1x1x16x128xf32, #tpu.memory_space<vmem>>
      %dma_wait3A_1060 = tpu.memref_squeeze %dma_wait3A_1059 : memref<1x1x16x128xf32, #tpu.memory_space<vmem>> -> memref<16x128xf32, #tpu.memory_space<vmem>>
      %dma_wait3A_1061 = arith.constant 0 : i32
      %dma_wait3A_1062 = arith.constant 0 : i32
      %dma_wait3A_1063 = tpu.memref_slice %arg4[%dma_wait3A_1061, %dma_wait3A_1062] : memref<16x1000000xf32, #tpu.memory_space<hbm>> -> memref<16x128xf32, #tpu.memory_space<hbm>>
      %dma_wait3A_1064 = arith.constant 0 : i32
      %dma_wait3A_1065 = arith.constant 0 : i32
      %dma_wait3A_1066 = tpu.memref_slice %arg11[%dma_wait3A_1055, %dma_wait3A_1056, %dma_wait3A_1064, %dma_wait3A_1065] : memref<2x16x16x128xf32, #tpu.memory_space<vmem>> -> memref<1x1x16x128xf32, #tpu.memory_space<vmem>>
      %dma_wait3A_1067 = tpu.memref_squeeze %dma_wait3A_1066 : memref<1x1x16x128xf32, #tpu.memory_space<vmem>> -> memref<16x128xf32, #tpu.memory_space<vmem>>
      %dma_wait3A_1068 = arith.constant 0 : i32
      %dma_wait3A_1069 = arith.constant 0 : i32
      %dma_wait3A_1070 = tpu.memref_slice %arg4[%dma_wait3A_1068, %dma_wait3A_1069] : memref<16x1000000xf32, #tpu.memory_space<hbm>> -> memref<16x128xf32, #tpu.memory_space<hbm>>
      tpu.wait_dma2 semaphore(%arg14 : memref<!tpu.dma_semaphore, #tpu.memory_space<semaphore_mem>>) src(%dma_wait3A_1070 : memref<16x128xf32, #tpu.memory_space<hbm>>) dst(%dma_wait3A_1067 : memref<16x128xf32, #tpu.memory_space<vmem>>)
      %dma_wait3A_1071 = arith.constant 0 : i32
      %dma_wait3A_1072 = arith.constant 14 : i32
      %dma_wait3A_1073 = arith.constant 0 : i32
      %dma_wait3A_1074 = arith.constant 0 : i32
      %dma_wait3A_1075 = tpu.memref_slice %arg11[%dma_wait3A_1071, %dma_wait3A_1072, %dma_wait3A_1073, %dma_wait3A_1074] : memref<2x16x16x128xf32, #tpu.memory_space<vmem>> -> memref<1x1x16x128xf32, #tpu.memory_space<vmem>>
      %dma_wait3A_1076 = tpu.memref_squeeze %dma_wait3A_1075 : memref<1x1x16x128xf32, #tpu.memory_space<vmem>> -> memref<16x128xf32, #tpu.memory_space<vmem>>
      %dma_wait3A_1077 = arith.constant 0 : i32
      %dma_wait3A_1078 = arith.constant 0 : i32
      %dma_wait3A_1079 = tpu.memref_slice %arg4[%dma_wait3A_1077, %dma_wait3A_1078] : memref<16x1000000xf32, #tpu.memory_space<hbm>> -> memref<16x128xf32, #tpu.memory_space<hbm>>
      %dma_wait3A_1080 = arith.constant 0 : i32
      %dma_wait3A_1081 = arith.constant 0 : i32
      %dma_wait3A_1082 = tpu.memref_slice %arg11[%dma_wait3A_1071, %dma_wait3A_1072, %dma_wait3A_1080, %dma_wait3A_1081] : memref<2x16x16x128xf32, #tpu.memory_space<vmem>> -> memref<1x1x16x128xf32, #tpu.memory_space<vmem>>
      %dma_wait3A_1083 = tpu.memref_squeeze %dma_wait3A_1082 : memref<1x1x16x128xf32, #tpu.memory_space<vmem>> -> memref<16x128xf32, #tpu.memory_space<vmem>>
      %dma_wait3A_1084 = arith.constant 0 : i32
      %dma_wait3A_1085 = arith.constant 0 : i32
      %dma_wait3A_1086 = tpu.memref_slice %arg4[%dma_wait3A_1084, %dma_wait3A_1085] : memref<16x1000000xf32, #tpu.memory_space<hbm>> -> memref<16x128xf32, #tpu.memory_space<hbm>>
      tpu.wait_dma2 semaphore(%arg14 : memref<!tpu.dma_semaphore, #tpu.memory_space<semaphore_mem>>) src(%dma_wait3A_1086 : memref<16x128xf32, #tpu.memory_space<hbm>>) dst(%dma_wait3A_1083 : memref<16x128xf32, #tpu.memory_space<vmem>>)
      %dma_wait3A_1087 = arith.constant 0 : i32
      %dma_wait3A_1088 = arith.constant 15 : i32
      %dma_wait3A_1089 = arith.constant 0 : i32
      %dma_wait3A_1090 = arith.constant 0 : i32
      %dma_wait3A_1091 = tpu.memref_slice %arg11[%dma_wait3A_1087, %dma_wait3A_1088, %dma_wait3A_1089, %dma_wait3A_1090] : memref<2x16x16x128xf32, #tpu.memory_space<vmem>> -> memref<1x1x16x128xf32, #tpu.memory_space<vmem>>
      %dma_wait3A_1092 = tpu.memref_squeeze %dma_wait3A_1091 : memref<1x1x16x128xf32, #tpu.memory_space<vmem>> -> memref<16x128xf32, #tpu.memory_space<vmem>>
      %dma_wait3A_1093 = arith.constant 0 : i32
      %dma_wait3A_1094 = arith.constant 0 : i32
      %dma_wait3A_1095 = tpu.memref_slice %arg4[%dma_wait3A_1093, %dma_wait3A_1094] : memref<16x1000000xf32, #tpu.memory_space<hbm>> -> memref<16x128xf32, #tpu.memory_space<hbm>>
      %dma_wait3A_1096 = arith.constant 0 : i32
      %dma_wait3A_1097 = arith.constant 0 : i32
      %dma_wait3A_1098 = tpu.memref_slice %arg11[%dma_wait3A_1087, %dma_wait3A_1088, %dma_wait3A_1096, %dma_wait3A_1097] : memref<2x16x16x128xf32, #tpu.memory_space<vmem>> -> memref<1x1x16x128xf32, #tpu.memory_space<vmem>>
      %dma_wait3A_1099 = tpu.memref_squeeze %dma_wait3A_1098 : memref<1x1x16x128xf32, #tpu.memory_space<vmem>> -> memref<16x128xf32, #tpu.memory_space<vmem>>
      %dma_wait3A_1100 = arith.constant 0 : i32
      %dma_wait3A_1101 = arith.constant 0 : i32
      %dma_wait3A_1102 = tpu.memref_slice %arg4[%dma_wait3A_1100, %dma_wait3A_1101] : memref<16x1000000xf32, #tpu.memory_space<hbm>> -> memref<16x128xf32, #tpu.memory_space<hbm>>
      tpu.wait_dma2 semaphore(%arg14 : memref<!tpu.dma_semaphore, #tpu.memory_space<semaphore_mem>>) src(%dma_wait3A_1102 : memref<16x128xf32, #tpu.memory_space<hbm>>) dst(%dma_wait3A_1099 : memref<16x128xf32, #tpu.memory_space<vmem>>)
      %mul3A_1103 = arith.constant 16 : i32
      %mul3A_1104 = arith.muli %mul3A_358, %mul3A_1103 : i32
      %get3A_1105 = arith.index_cast %mul3A_1104 : i32 to index
      %get3A_1106 = tpu.vector_load %arg8[%get3A_1105] {strides = array<i32>} : memref<512xi32, #tpu.memory_space<vmem>>, vector<16xi32>,
      %mul3A_1107 = arith.constant 16 : i32
      %mul3A_1108 = arith.muli %mul3A_358, %mul3A_1107 : i32
      %add3A_1109 = arith.constant 0 : i32
      %add3A_1110 = arith.addi %mul3A_1108, %add3A_1109 : i32
      %slice3A_1111 = vector.extract_strided_slice %get3A_1106 {offsets = [0], sizes = [1], strides = [1]} : vector<16xi32> to vector<1xi32>
      %squeeze3A_1112 = vector.extract %slice3A_1111[0] : i32 from vector<1xi32>
      %and3A = arith.constant 127 : i32
      %and3A_1113 = arith.andi %squeeze3A_1112, %and3A : i32
      %broadcast_in_dim3A_1114 = vector.broadcast %and3A_1113 : i32 to vector<16xi32>
      %gather3A_1115 = arith.constant 0 : i32
      %gather3A_1116 = arith.constant 0 : i32
      %gather3A_1117 = arith.constant 0 : i32
      %gather3A_1118 = arith.constant 0 : i32
      %gather3A_1119 = tpu.memref_slice %arg11[%gather3A_1115, %gather3A_1116, %gather3A_1117, %gather3A_1118] : memref<2x16x16x128xf32, #tpu.memory_space<vmem>> -> memref<1x1x16x128xf32, #tpu.memory_space<vmem>>
      %gather3A_1120 = tpu.memref_squeeze %gather3A_1119 : memref<1x1x16x128xf32, #tpu.memory_space<vmem>> -> memref<16x128xf32, #tpu.memory_space<vmem>>
      %gather3A_1121 = tpu.vector_load_idx %gather3A_1120[%iota3A, %broadcast_in_dim3A_1114] : memref<16x128xf32, #tpu.memory_space<vmem>>[vector<16xi32>, vector<16xi32>], vector<16xf32>,
      %broadcast_in_dim3A_1122 = vector.broadcast %add3A_1110 : i32 to vector<16xi32>
      tpu.vector_store_idx %arg12[%iota3A, %broadcast_in_dim3A_1122], %gather3A_1121 : memref<16x512xf32, #tpu.memory_space<vmem>>[vector<16xi32>, vector<16xi32>], vector<16xf32>,
      %mul3A_1123 = arith.constant 16 : i32
      %mul3A_1124 = arith.muli %mul3A_358, %mul3A_1123 : i32
      %add3A_1125 = arith.constant 1 : i32
      %add3A_1126 = arith.addi %mul3A_1124, %add3A_1125 : i32
      %slice3A_1127 = vector.extract_strided_slice %get3A_1106 {offsets = [1], sizes = [1], strides = [1]} : vector<16xi32> to vector<1xi32>
      %squeeze3A_1128 = vector.extract %slice3A_1127[0] : i32 from vector<1xi32>
      %and3A_1129 = arith.constant 127 : i32
      %and3A_1130 = arith.andi %squeeze3A_1128, %and3A_1129 : i32
      %broadcast_in_dim3A_1131 = vector.broadcast %and3A_1130 : i32 to vector<16xi32>
      %gather3A_1132 = arith.constant 0 : i32
      %gather3A_1133 = arith.constant 1 : i32
      %gather3A_1134 = arith.constant 0 : i32
      %gather3A_1135 = arith.constant 0 : i32
      %gather3A_1136 = tpu.memref_slice %arg11[%gather3A_1132, %gather3A_1133, %gather3A_1134, %gather3A_1135] : memref<2x16x16x128xf32, #tpu.memory_space<vmem>> -> memref<1x1x16x128xf32, #tpu.memory_space<vmem>>
      %gather3A_1137 = tpu.memref_squeeze %gather3A_1136 : memref<1x1x16x128xf32, #tpu.memory_space<vmem>> -> memref<16x128xf32, #tpu.memory_space<vmem>>
      %gather3A_1138 = tpu.vector_load_idx %gather3A_1137[%iota3A, %broadcast_in_dim3A_1131] : memref<16x128xf32, #tpu.memory_space<vmem>>[vector<16xi32>, vector<16xi32>], vector<16xf32>,
      %broadcast_in_dim3A_1139 = vector.broadcast %add3A_1126 : i32 to vector<16xi32>
      tpu.vector_store_idx %arg12[%iota3A, %broadcast_in_dim3A_1139], %gather3A_1138 : memref<16x512xf32, #tpu.memory_space<vmem>>[vector<16xi32>, vector<16xi32>], vector<16xf32>,
      %mul3A_1140 = arith.constant 16 : i32
      %mul3A_1141 = arith.muli %mul3A_358, %mul3A_1140 : i32
      %add3A_1142 = arith.constant 2 : i32
      %add3A_1143 = arith.addi %mul3A_1141, %add3A_1142 : i32
      %slice3A_1144 = vector.extract_strided_slice %get3A_1106 {offsets = [2], sizes = [1], strides = [1]} : vector<16xi32> to vector<1xi32>
      %squeeze3A_1145 = vector.extract %slice3A_1144[0] : i32 from vector<1xi32>
      %and3A_1146 = arith.constant 127 : i32
      %and3A_1147 = arith.andi %squeeze3A_1145, %and3A_1146 : i32
      %broadcast_in_dim3A_1148 = vector.broadcast %and3A_1147 : i32 to vector<16xi32>
      %gather3A_1149 = arith.constant 0 : i32
      %gather3A_1150 = arith.constant 2 : i32
      %gather3A_1151 = arith.constant 0 : i32
      %gather3A_1152 = arith.constant 0 : i32
      %gather3A_1153 = tpu.memref_slice %arg11[%gather3A_1149, %gather3A_1150, %gather3A_1151, %gather3A_1152] : memref<2x16x16x128xf32, #tpu.memory_space<vmem>> -> memref<1x1x16x128xf32, #tpu.memory_space<vmem>>
      %gather3A_1154 = tpu.memref_squeeze %gather3A_1153 : memref<1x1x16x128xf32, #tpu.memory_space<vmem>> -> memref<16x128xf32, #tpu.memory_space<vmem>>
      %gather3A_1155 = tpu.vector_load_idx %gather3A_1154[%iota3A, %broadcast_in_dim3A_1148] : memref<16x128xf32, #tpu.memory_space<vmem>>[vector<16xi32>, vector<16xi32>], vector<16xf32>,
      %broadcast_in_dim3A_1156 = vector.broadcast %add3A_1143 : i32 to vector<16xi32>
      tpu.vector_store_idx %arg12[%iota3A, %broadcast_in_dim3A_1156], %gather3A_1155 : memref<16x512xf32, #tpu.memory_space<vmem>>[vector<16xi32>, vector<16xi32>], vector<16xf32>,
      %mul3A_1157 = arith.constant 16 : i32
      %mul3A_1158 = arith.muli %mul3A_358, %mul3A_1157 : i32
      %add3A_1159 = arith.constant 3 : i32
      %add3A_1160 = arith.addi %mul3A_1158, %add3A_1159 : i32
      %slice3A_1161 = vector.extract_strided_slice %get3A_1106 {offsets = [3], sizes = [1], strides = [1]} : vector<16xi32> to vector<1xi32>
      %squeeze3A_1162 = vector.extract %slice3A_1161[0] : i32 from vector<1xi32>
      %and3A_1163 = arith.constant 127 : i32
      %and3A_1164 = arith.andi %squeeze3A_1162, %and3A_1163 : i32
      %broadcast_in_dim3A_1165 = vector.broadcast %and3A_1164 : i32 to vector<16xi32>
      %gather3A_1166 = arith.constant 0 : i32
      %gather3A_1167 = arith.constant 3 : i32
      %gather3A_1168 = arith.constant 0 : i32
      %gather3A_1169 = arith.constant 0 : i32
      %gather3A_1170 = tpu.memref_slice %arg11[%gather3A_1166, %gather3A_1167, %gather3A_1168, %gather3A_1169] : memref<2x16x16x128xf32, #tpu.memory_space<vmem>> -> memref<1x1x16x128xf32, #tpu.memory_space<vmem>>
      %gather3A_1171 = tpu.memref_squeeze %gather3A_1170 : memref<1x1x16x128xf32, #tpu.memory_space<vmem>> -> memref<16x128xf32, #tpu.memory_space<vmem>>
      %gather3A_1172 = tpu.vector_load_idx %gather3A_1171[%iota3A, %broadcast_in_dim3A_1165] : memref<16x128xf32, #tpu.memory_space<vmem>>[vector<16xi32>, vector<16xi32>], vector<16xf32>,
      %broadcast_in_dim3A_1173 = vector.broadcast %add3A_1160 : i32 to vector<16xi32>
      tpu.vector_store_idx %arg12[%iota3A, %broadcast_in_dim3A_1173], %gather3A_1172 : memref<16x512xf32, #tpu.memory_space<vmem>>[vector<16xi32>, vector<16xi32>], vector<16xf32>,
      %mul3A_1174 = arith.constant 16 : i32
      %mul3A_1175 = arith.muli %mul3A_358, %mul3A_1174 : i32
      %add3A_1176 = arith.constant 4 : i32
      %add3A_1177 = arith.addi %mul3A_1175, %add3A_1176 : i32
      %slice3A_1178 = vector.extract_strided_slice %get3A_1106 {offsets = [4], sizes = [1], strides = [1]} : vector<16xi32> to vector<1xi32>
      %squeeze3A_1179 = vector.extract %slice3A_1178[0] : i32 from vector<1xi32>
      %and3A_1180 = arith.constant 127 : i32
      %and3A_1181 = arith.andi %squeeze3A_1179, %and3A_1180 : i32
      %broadcast_in_dim3A_1182 = vector.broadcast %and3A_1181 : i32 to vector<16xi32>
      %gather3A_1183 = arith.constant 0 : i32
      %gather3A_1184 = arith.constant 4 : i32
      %gather3A_1185 = arith.constant 0 : i32
      %gather3A_1186 = arith.constant 0 : i32
      %gather3A_1187 = tpu.memref_slice %arg11[%gather3A_1183, %gather3A_1184, %gather3A_1185, %gather3A_1186] : memref<2x16x16x128xf32, #tpu.memory_space<vmem>> -> memref<1x1x16x128xf32, #tpu.memory_space<vmem>>
      %gather3A_1188 = tpu.memref_squeeze %gather3A_1187 : memref<1x1x16x128xf32, #tpu.memory_space<vmem>> -> memref<16x128xf32, #tpu.memory_space<vmem>>
      %gather3A_1189 = tpu.vector_load_idx %gather3A_1188[%iota3A, %broadcast_in_dim3A_1182] : memref<16x128xf32, #tpu.memory_space<vmem>>[vector<16xi32>, vector<16xi32>], vector<16xf32>,
      %broadcast_in_dim3A_1190 = vector.broadcast %add3A_1177 : i32 to vector<16xi32>
      tpu.vector_store_idx %arg12[%iota3A, %broadcast_in_dim3A_1190], %gather3A_1189 : memref<16x512xf32, #tpu.memory_space<vmem>>[vector<16xi32>, vector<16xi32>], vector<16xf32>,
      %mul3A_1191 = arith.constant 16 : i32
      %mul3A_1192 = arith.muli %mul3A_358, %mul3A_1191 : i32
      %add3A_1193 = arith.constant 5 : i32
      %add3A_1194 = arith.addi %mul3A_1192, %add3A_1193 : i32
      %slice3A_1195 = vector.extract_strided_slice %get3A_1106 {offsets = [5], sizes = [1], strides = [1]} : vector<16xi32> to vector<1xi32>
      %squeeze3A_1196 = vector.extract %slice3A_1195[0] : i32 from vector<1xi32>
      %and3A_1197 = arith.constant 127 : i32
      %and3A_1198 = arith.andi %squeeze3A_1196, %and3A_1197 : i32
      %broadcast_in_dim3A_1199 = vector.broadcast %and3A_1198 : i32 to vector<16xi32>
      %gather3A_1200 = arith.constant 0 : i32
      %gather3A_1201 = arith.constant 5 : i32
      %gather3A_1202 = arith.constant 0 : i32
      %gather3A_1203 = arith.constant 0 : i32
      %gather3A_1204 = tpu.memref_slice %arg11[%gather3A_1200, %gather3A_1201, %gather3A_1202, %gather3A_1203] : memref<2x16x16x128xf32, #tpu.memory_space<vmem>> -> memref<1x1x16x128xf32, #tpu.memory_space<vmem>>
      %gather3A_1205 = tpu.memref_squeeze %gather3A_1204 : memref<1x1x16x128xf32, #tpu.memory_space<vmem>> -> memref<16x128xf32, #tpu.memory_space<vmem>>
      %gather3A_1206 = tpu.vector_load_idx %gather3A_1205[%iota3A, %broadcast_in_dim3A_1199] : memref<16x128xf32, #tpu.memory_space<vmem>>[vector<16xi32>, vector<16xi32>], vector<16xf32>,
      %broadcast_in_dim3A_1207 = vector.broadcast %add3A_1194 : i32 to vector<16xi32>
      tpu.vector_store_idx %arg12[%iota3A, %broadcast_in_dim3A_1207], %gather3A_1206 : memref<16x512xf32, #tpu.memory_space<vmem>>[vector<16xi32>, vector<16xi32>], vector<16xf32>,
      %mul3A_1208 = arith.constant 16 : i32
      %mul3A_1209 = arith.muli %mul3A_358, %mul3A_1208 : i32
      %add3A_1210 = arith.constant 6 : i32
      %add3A_1211 = arith.addi %mul3A_1209, %add3A_1210 : i32
      %slice3A_1212 = vector.extract_strided_slice %get3A_1106 {offsets = [6], sizes = [1], strides = [1]} : vector<16xi32> to vector<1xi32>
      %squeeze3A_1213 = vector.extract %slice3A_1212[0] : i32 from vector<1xi32>
      %and3A_1214 = arith.constant 127 : i32
      %and3A_1215 = arith.andi %squeeze3A_1213, %and3A_1214 : i32
      %broadcast_in_dim3A_1216 = vector.broadcast %and3A_1215 : i32 to vector<16xi32>
      %gather3A_1217 = arith.constant 0 : i32
      %gather3A_1218 = arith.constant 6 : i32
      %gather3A_1219 = arith.constant 0 : i32
      %gather3A_1220 = arith.constant 0 : i32
      %gather3A_1221 = tpu.memref_slice %arg11[%gather3A_1217, %gather3A_1218, %gather3A_1219, %gather3A_1220] : memref<2x16x16x128xf32, #tpu.memory_space<vmem>> -> memref<1x1x16x128xf32, #tpu.memory_space<vmem>>
      %gather3A_1222 = tpu.memref_squeeze %gather3A_1221 : memref<1x1x16x128xf32, #tpu.memory_space<vmem>> -> memref<16x128xf32, #tpu.memory_space<vmem>>
      %gather3A_1223 = tpu.vector_load_idx %gather3A_1222[%iota3A, %broadcast_in_dim3A_1216] : memref<16x128xf32, #tpu.memory_space<vmem>>[vector<16xi32>, vector<16xi32>], vector<16xf32>,
      %broadcast_in_dim3A_1224 = vector.broadcast %add3A_1211 : i32 to vector<16xi32>
      tpu.vector_store_idx %arg12[%iota3A, %broadcast_in_dim3A_1224], %gather3A_1223 : memref<16x512xf32, #tpu.memory_space<vmem>>[vector<16xi32>, vector<16xi32>], vector<16xf32>,
      %mul3A_1225 = arith.constant 16 : i32
      %mul3A_1226 = arith.muli %mul3A_358, %mul3A_1225 : i32
      %add3A_1227 = arith.constant 7 : i32
      %add3A_1228 = arith.addi %mul3A_1226, %add3A_1227 : i32
      %slice3A_1229 = vector.extract_strided_slice %get3A_1106 {offsets = [7], sizes = [1], strides = [1]} : vector<16xi32> to vector<1xi32>
      %squeeze3A_1230 = vector.extract %slice3A_1229[0] : i32 from vector<1xi32>
      %and3A_1231 = arith.constant 127 : i32
      %and3A_1232 = arith.andi %squeeze3A_1230, %and3A_1231 : i32
      %broadcast_in_dim3A_1233 = vector.broadcast %and3A_1232 : i32 to vector<16xi32>
      %gather3A_1234 = arith.constant 0 : i32
      %gather3A_1235 = arith.constant 7 : i32
      %gather3A_1236 = arith.constant 0 : i32
      %gather3A_1237 = arith.constant 0 : i32
      %gather3A_1238 = tpu.memref_slice %arg11[%gather3A_1234, %gather3A_1235, %gather3A_1236, %gather3A_1237] : memref<2x16x16x128xf32, #tpu.memory_space<vmem>> -> memref<1x1x16x128xf32, #tpu.memory_space<vmem>>
      %gather3A_1239 = tpu.memref_squeeze %gather3A_1238 : memref<1x1x16x128xf32, #tpu.memory_space<vmem>> -> memref<16x128xf32, #tpu.memory_space<vmem>>
      %gather3A_1240 = tpu.vector_load_idx %gather3A_1239[%iota3A, %broadcast_in_dim3A_1233] : memref<16x128xf32, #tpu.memory_space<vmem>>[vector<16xi32>, vector<16xi32>], vector<16xf32>,
      %broadcast_in_dim3A_1241 = vector.broadcast %add3A_1228 : i32 to vector<16xi32>
      tpu.vector_store_idx %arg12[%iota3A, %broadcast_in_dim3A_1241], %gather3A_1240 : memref<16x512xf32, #tpu.memory_space<vmem>>[vector<16xi32>, vector<16xi32>], vector<16xf32>,
      %mul3A_1242 = arith.constant 16 : i32
      %mul3A_1243 = arith.muli %mul3A_358, %mul3A_1242 : i32
      %add3A_1244 = arith.constant 8 : i32
      %add3A_1245 = arith.addi %mul3A_1243, %add3A_1244 : i32
      %slice3A_1246 = vector.extract_strided_slice %get3A_1106 {offsets = [8], sizes = [1], strides = [1]} : vector<16xi32> to vector<1xi32>
      %squeeze3A_1247 = vector.extract %slice3A_1246[0] : i32 from vector<1xi32>
      %and3A_1248 = arith.constant 127 : i32
      %and3A_1249 = arith.andi %squeeze3A_1247, %and3A_1248 : i32
      %broadcast_in_dim3A_1250 = vector.broadcast %and3A_1249 : i32 to vector<16xi32>
      %gather3A_1251 = arith.constant 0 : i32
      %gather3A_1252 = arith.constant 8 : i32
      %gather3A_1253 = arith.constant 0 : i32
      %gather3A_1254 = arith.constant 0 : i32
      %gather3A_1255 = tpu.memref_slice %arg11[%gather3A_1251, %gather3A_1252, %gather3A_1253, %gather3A_1254] : memref<2x16x16x128xf32, #tpu.memory_space<vmem>> -> memref<1x1x16x128xf32, #tpu.memory_space<vmem>>
      %gather3A_1256 = tpu.memref_squeeze %gather3A_1255 : memref<1x1x16x128xf32, #tpu.memory_space<vmem>> -> memref<16x128xf32, #tpu.memory_space<vmem>>
      %gather3A_1257 = tpu.vector_load_idx %gather3A_1256[%iota3A, %broadcast_in_dim3A_1250] : memref<16x128xf32, #tpu.memory_space<vmem>>[vector<16xi32>, vector<16xi32>], vector<16xf32>,
      %broadcast_in_dim3A_1258 = vector.broadcast %add3A_1245 : i32 to vector<16xi32>
      tpu.vector_store_idx %arg12[%iota3A, %broadcast_in_dim3A_1258], %gather3A_1257 : memref<16x512xf32, #tpu.memory_space<vmem>>[vector<16xi32>, vector<16xi32>], vector<16xf32>,
      %mul3A_1259 = arith.constant 16 : i32
      %mul3A_1260 = arith.muli %mul3A_358, %mul3A_1259 : i32
      %add3A_1261 = arith.constant 9 : i32
      %add3A_1262 = arith.addi %mul3A_1260, %add3A_1261 : i32
      %slice3A_1263 = vector.extract_strided_slice %get3A_1106 {offsets = [9], sizes = [1], strides = [1]} : vector<16xi32> to vector<1xi32>
      %squeeze3A_1264 = vector.extract %slice3A_1263[0] : i32 from vector<1xi32>
      %and3A_1265 = arith.constant 127 : i32
      %and3A_1266 = arith.andi %squeeze3A_1264, %and3A_1265 : i32
      %broadcast_in_dim3A_1267 = vector.broadcast %and3A_1266 : i32 to vector<16xi32>
      %gather3A_1268 = arith.constant 0 : i32
      %gather3A_1269 = arith.constant 9 : i32
      %gather3A_1270 = arith.constant 0 : i32
      %gather3A_1271 = arith.constant 0 : i32
      %gather3A_1272 = tpu.memref_slice %arg11[%gather3A_1268, %gather3A_1269, %gather3A_1270, %gather3A_1271] : memref<2x16x16x128xf32, #tpu.memory_space<vmem>> -> memref<1x1x16x128xf32, #tpu.memory_space<vmem>>
      %gather3A_1273 = tpu.memref_squeeze %gather3A_1272 : memref<1x1x16x128xf32, #tpu.memory_space<vmem>> -> memref<16x128xf32, #tpu.memory_space<vmem>>
      %gather3A_1274 = tpu.vector_load_idx %gather3A_1273[%iota3A, %broadcast_in_dim3A_1267] : memref<16x128xf32, #tpu.memory_space<vmem>>[vector<16xi32>, vector<16xi32>], vector<16xf32>,
      %broadcast_in_dim3A_1275 = vector.broadcast %add3A_1262 : i32 to vector<16xi32>
      tpu.vector_store_idx %arg12[%iota3A, %broadcast_in_dim3A_1275], %gather3A_1274 : memref<16x512xf32, #tpu.memory_space<vmem>>[vector<16xi32>, vector<16xi32>], vector<16xf32>,
      %mul3A_1276 = arith.constant 16 : i32
      %mul3A_1277 = arith.muli %mul3A_358, %mul3A_1276 : i32
      %add3A_1278 = arith.constant 10 : i32
      %add3A_1279 = arith.addi %mul3A_1277, %add3A_1278 : i32
      %slice3A_1280 = vector.extract_strided_slice %get3A_1106 {offsets = [10], sizes = [1], strides = [1]} : vector<16xi32> to vector<1xi32>
      %squeeze3A_1281 = vector.extract %slice3A_1280[0] : i32 from vector<1xi32>
      %and3A_1282 = arith.constant 127 : i32
      %and3A_1283 = arith.andi %squeeze3A_1281, %and3A_1282 : i32
      %broadcast_in_dim3A_1284 = vector.broadcast %and3A_1283 : i32 to vector<16xi32>
      %gather3A_1285 = arith.constant 0 : i32
      %gather3A_1286 = arith.constant 10 : i32
      %gather3A_1287 = arith.constant 0 : i32
      %gather3A_1288 = arith.constant 0 : i32
      %gather3A_1289 = tpu.memref_slice %arg11[%gather3A_1285, %gather3A_1286, %gather3A_1287, %gather3A_1288] : memref<2x16x16x128xf32, #tpu.memory_space<vmem>> -> memref<1x1x16x128xf32, #tpu.memory_space<vmem>>
      %gather3A_1290 = tpu.memref_squeeze %gather3A_1289 : memref<1x1x16x128xf32, #tpu.memory_space<vmem>> -> memref<16x128xf32, #tpu.memory_space<vmem>>
      %gather3A_1291 = tpu.vector_load_idx %gather3A_1290[%iota3A, %broadcast_in_dim3A_1284] : memref<16x128xf32, #tpu.memory_space<vmem>>[vector<16xi32>, vector<16xi32>], vector<16xf32>,
      %broadcast_in_dim3A_1292 = vector.broadcast %add3A_1279 : i32 to vector<16xi32>
      tpu.vector_store_idx %arg12[%iota3A, %broadcast_in_dim3A_1292], %gather3A_1291 : memref<16x512xf32, #tpu.memory_space<vmem>>[vector<16xi32>, vector<16xi32>], vector<16xf32>,
      %mul3A_1293 = arith.constant 16 : i32
      %mul3A_1294 = arith.muli %mul3A_358, %mul3A_1293 : i32
      %add3A_1295 = arith.constant 11 : i32
      %add3A_1296 = arith.addi %mul3A_1294, %add3A_1295 : i32
      %slice3A_1297 = vector.extract_strided_slice %get3A_1106 {offsets = [11], sizes = [1], strides = [1]} : vector<16xi32> to vector<1xi32>
      %squeeze3A_1298 = vector.extract %slice3A_1297[0] : i32 from vector<1xi32>
      %and3A_1299 = arith.constant 127 : i32
      %and3A_1300 = arith.andi %squeeze3A_1298, %and3A_1299 : i32
      %broadcast_in_dim3A_1301 = vector.broadcast %and3A_1300 : i32 to vector<16xi32>
      %gather3A_1302 = arith.constant 0 : i32
      %gather3A_1303 = arith.constant 11 : i32
      %gather3A_1304 = arith.constant 0 : i32
      %gather3A_1305 = arith.constant 0 : i32
      %gather3A_1306 = tpu.memref_slice %arg11[%gather3A_1302, %gather3A_1303, %gather3A_1304, %gather3A_1305] : memref<2x16x16x128xf32, #tpu.memory_space<vmem>> -> memref<1x1x16x128xf32, #tpu.memory_space<vmem>>
      %gather3A_1307 = tpu.memref_squeeze %gather3A_1306 : memref<1x1x16x128xf32, #tpu.memory_space<vmem>> -> memref<16x128xf32, #tpu.memory_space<vmem>>
      %gather3A_1308 = tpu.vector_load_idx %gather3A_1307[%iota3A, %broadcast_in_dim3A_1301] : memref<16x128xf32, #tpu.memory_space<vmem>>[vector<16xi32>, vector<16xi32>], vector<16xf32>,
      %broadcast_in_dim3A_1309 = vector.broadcast %add3A_1296 : i32 to vector<16xi32>
      tpu.vector_store_idx %arg12[%iota3A, %broadcast_in_dim3A_1309], %gather3A_1308 : memref<16x512xf32, #tpu.memory_space<vmem>>[vector<16xi32>, vector<16xi32>], vector<16xf32>,
      %mul3A_1310 = arith.constant 16 : i32
      %mul3A_1311 = arith.muli %mul3A_358, %mul3A_1310 : i32
      %add3A_1312 = arith.constant 12 : i32
      %add3A_1313 = arith.addi %mul3A_1311, %add3A_1312 : i32
      %slice3A_1314 = vector.extract_strided_slice %get3A_1106 {offsets = [12], sizes = [1], strides = [1]} : vector<16xi32> to vector<1xi32>
      %squeeze3A_1315 = vector.extract %slice3A_1314[0] : i32 from vector<1xi32>
      %and3A_1316 = arith.constant 127 : i32
      %and3A_1317 = arith.andi %squeeze3A_1315, %and3A_1316 : i32
      %broadcast_in_dim3A_1318 = vector.broadcast %and3A_1317 : i32 to vector<16xi32>
      %gather3A_1319 = arith.constant 0 : i32
      %gather3A_1320 = arith.constant 12 : i32
      %gather3A_1321 = arith.constant 0 : i32
      %gather3A_1322 = arith.constant 0 : i32
      %gather3A_1323 = tpu.memref_slice %arg11[%gather3A_1319, %gather3A_1320, %gather3A_1321, %gather3A_1322] : memref<2x16x16x128xf32, #tpu.memory_space<vmem>> -> memref<1x1x16x128xf32, #tpu.memory_space<vmem>>
      %gather3A_1324 = tpu.memref_squeeze %gather3A_1323 : memref<1x1x16x128xf32, #tpu.memory_space<vmem>> -> memref<16x128xf32, #tpu.memory_space<vmem>>
      %gather3A_1325 = tpu.vector_load_idx %gather3A_1324[%iota3A, %broadcast_in_dim3A_1318] : memref<16x128xf32, #tpu.memory_space<vmem>>[vector<16xi32>, vector<16xi32>], vector<16xf32>,
      %broadcast_in_dim3A_1326 = vector.broadcast %add3A_1313 : i32 to vector<16xi32>
      tpu.vector_store_idx %arg12[%iota3A, %broadcast_in_dim3A_1326], %gather3A_1325 : memref<16x512xf32, #tpu.memory_space<vmem>>[vector<16xi32>, vector<16xi32>], vector<16xf32>,
      %mul3A_1327 = arith.constant 16 : i32
      %mul3A_1328 = arith.muli %mul3A_358, %mul3A_1327 : i32
      %add3A_1329 = arith.constant 13 : i32
      %add3A_1330 = arith.addi %mul3A_1328, %add3A_1329 : i32
      %slice3A_1331 = vector.extract_strided_slice %get3A_1106 {offsets = [13], sizes = [1], strides = [1]} : vector<16xi32> to vector<1xi32>
      %squeeze3A_1332 = vector.extract %slice3A_1331[0] : i32 from vector<1xi32>
      %and3A_1333 = arith.constant 127 : i32
      %and3A_1334 = arith.andi %squeeze3A_1332, %and3A_1333 : i32
      %broadcast_in_dim3A_1335 = vector.broadcast %and3A_1334 : i32 to vector<16xi32>
      %gather3A_1336 = arith.constant 0 : i32
      %gather3A_1337 = arith.constant 13 : i32
      %gather3A_1338 = arith.constant 0 : i32
      %gather3A_1339 = arith.constant 0 : i32
      %gather3A_1340 = tpu.memref_slice %arg11[%gather3A_1336, %gather3A_1337, %gather3A_1338, %gather3A_1339] : memref<2x16x16x128xf32, #tpu.memory_space<vmem>> -> memref<1x1x16x128xf32, #tpu.memory_space<vmem>>
      %gather3A_1341 = tpu.memref_squeeze %gather3A_1340 : memref<1x1x16x128xf32, #tpu.memory_space<vmem>> -> memref<16x128xf32, #tpu.memory_space<vmem>>
      %gather3A_1342 = tpu.vector_load_idx %gather3A_1341[%iota3A, %broadcast_in_dim3A_1335] : memref<16x128xf32, #tpu.memory_space<vmem>>[vector<16xi32>, vector<16xi32>], vector<16xf32>,
      %broadcast_in_dim3A_1343 = vector.broadcast %add3A_1330 : i32 to vector<16xi32>
      tpu.vector_store_idx %arg12[%iota3A, %broadcast_in_dim3A_1343], %gather3A_1342 : memref<16x512xf32, #tpu.memory_space<vmem>>[vector<16xi32>, vector<16xi32>], vector<16xf32>,
      %mul3A_1344 = arith.constant 16 : i32
      %mul3A_1345 = arith.muli %mul3A_358, %mul3A_1344 : i32
      %add3A_1346 = arith.constant 14 : i32
      %add3A_1347 = arith.addi %mul3A_1345, %add3A_1346 : i32
      %slice3A_1348 = vector.extract_strided_slice %get3A_1106 {offsets = [14], sizes = [1], strides = [1]} : vector<16xi32> to vector<1xi32>
      %squeeze3A_1349 = vector.extract %slice3A_1348[0] : i32 from vector<1xi32>
      %and3A_1350 = arith.constant 127 : i32
      %and3A_1351 = arith.andi %squeeze3A_1349, %and3A_1350 : i32
      %broadcast_in_dim3A_1352 = vector.broadcast %and3A_1351 : i32 to vector<16xi32>
      %gather3A_1353 = arith.constant 0 : i32
      %gather3A_1354 = arith.constant 14 : i32
      %gather3A_1355 = arith.constant 0 : i32
      %gather3A_1356 = arith.constant 0 : i32
      %gather3A_1357 = tpu.memref_slice %arg11[%gather3A_1353, %gather3A_1354, %gather3A_1355, %gather3A_1356] : memref<2x16x16x128xf32, #tpu.memory_space<vmem>> -> memref<1x1x16x128xf32, #tpu.memory_space<vmem>>
      %gather3A_1358 = tpu.memref_squeeze %gather3A_1357 : memref<1x1x16x128xf32, #tpu.memory_space<vmem>> -> memref<16x128xf32, #tpu.memory_space<vmem>>
      %gather3A_1359 = tpu.vector_load_idx %gather3A_1358[%iota3A, %broadcast_in_dim3A_1352] : memref<16x128xf32, #tpu.memory_space<vmem>>[vector<16xi32>, vector<16xi32>], vector<16xf32>,
      %broadcast_in_dim3A_1360 = vector.broadcast %add3A_1347 : i32 to vector<16xi32>
      tpu.vector_store_idx %arg12[%iota3A, %broadcast_in_dim3A_1360], %gather3A_1359 : memref<16x512xf32, #tpu.memory_space<vmem>>[vector<16xi32>, vector<16xi32>], vector<16xf32>,
      %mul3A_1361 = arith.constant 16 : i32
      %mul3A_1362 = arith.muli %mul3A_358, %mul3A_1361 : i32
      %add3A_1363 = arith.constant 15 : i32
      %add3A_1364 = arith.addi %mul3A_1362, %add3A_1363 : i32
      %slice3A_1365 = vector.extract_strided_slice %get3A_1106 {offsets = [15], sizes = [1], strides = [1]} : vector<16xi32> to vector<1xi32>
      %squeeze3A_1366 = vector.extract %slice3A_1365[0] : i32 from vector<1xi32>
      %and3A_1367 = arith.constant 127 : i32
      %and3A_1368 = arith.andi %squeeze3A_1366, %and3A_1367 : i32
      %broadcast_in_dim3A_1369 = vector.broadcast %and3A_1368 : i32 to vector<16xi32>
      %gather3A_1370 = arith.constant 0 : i32
      %gather3A_1371 = arith.constant 15 : i32
      %gather3A_1372 = arith.constant 0 : i32
      %gather3A_1373 = arith.constant 0 : i32
      %gather3A_1374 = tpu.memref_slice %arg11[%gather3A_1370, %gather3A_1371, %gather3A_1372, %gather3A_1373] : memref<2x16x16x128xf32, #tpu.memory_space<vmem>> -> memref<1x1x16x128xf32, #tpu.memory_space<vmem>>
      %gather3A_1375 = tpu.memref_squeeze %gather3A_1374 : memref<1x1x16x128xf32, #tpu.memory_space<vmem>> -> memref<16x128xf32, #tpu.memory_space<vmem>>
      %gather3A_1376 = tpu.vector_load_idx %gather3A_1375[%iota3A, %broadcast_in_dim3A_1369] : memref<16x128xf32, #tpu.memory_space<vmem>>[vector<16xi32>, vector<16xi32>], vector<16xf32>,
      %broadcast_in_dim3A_1377 = vector.broadcast %add3A_1364 : i32 to vector<16xi32>
      tpu.vector_store_idx %arg12[%iota3A, %broadcast_in_dim3A_1377], %gather3A_1376 : memref<16x512xf32, #tpu.memory_space<vmem>>[vector<16xi32>, vector<16xi32>], vector<16xf32>,
      %add3A_1378 = arith.constant 2 : i32
      %add3A_1379 = arith.addi %mul3A_358, %add3A_1378 : i32
      %lt3A = arith.constant 32 : i32
      %lt3A_1380 = arith.cmpi slt, %add3A_1379, %lt3A : i32
      %convert_element_type3A = arith.extui %lt3A_1380 : i1 to i32
      %cond3A = arith.constant 0 : i32
      %cond3A_1381 = arith.cmpi ne, %convert_element_type3A, %cond3A : i32
      scf.if %cond3A_1381 {
        %add3A_2067 = arith.constant 2 : i32
        %add3A_2068 = arith.addi %mul3A_358, %add3A_2067 : i32
        %mul3A_2069 = arith.constant 16 : i32
        %mul3A_2070 = arith.muli %add3A_2068, %mul3A_2069 : i32
        %get3A_2071 = arith.index_cast %mul3A_2070 : i32 to index
        %get3A_2072 = tpu.vector_load %arg8[%get3A_2071] {strides = array<i32>} : memref<512xi32, #tpu.memory_space<vmem>>, vector<16xi32>,
        %slice3A_2073 = vector.extract_strided_slice %get3A_2072 {offsets = [0], sizes = [1], strides = [1]} : vector<16xi32> to vector<1xi32>
        %squeeze3A_2074 = vector.extract %slice3A_2073[0] : i32 from vector<1xi32>
        %shift_right_arithmetic3A_2075 = arith.constant 7 : i32
        %shift_right_arithmetic3A_2076 = arith.shrsi %squeeze3A_2074, %shift_right_arithmetic3A_2075 : i32
        %shift_left3A_2077 = arith.constant 7 : i32
        %shift_left3A_2078 = arith.shli %shift_right_arithmetic3A_2076, %shift_left3A_2077 : i32
        %multiple_of3A_2079 = tpu.assume_multiple %shift_left3A_2078, 128 : i32
        %dma_start3A_2080 = arith.constant 0 : i32
        %dma_start3A_2081 = arith.constant 0 : i32
        %dma_start3A_2082 = arith.constant 0 : i32
        %dma_start3A_2083 = arith.constant 0 : i32
        %dma_start3A_2084 = tpu.memref_slice %arg11[%dma_start3A_2080, %dma_start3A_2081, %dma_start3A_2082, %dma_start3A_2083] : memref<2x16x16x128xf32, #tpu.memory_space<vmem>> -> memref<1x1x16x128xf32, #tpu.memory_space<vmem>>
        %dma_start3A_2085 = tpu.memref_squeeze %dma_start3A_2084 : memref<1x1x16x128xf32, #tpu.memory_space<vmem>> -> memref<16x128xf32, #tpu.memory_space<vmem>>
        %dma_start3A_2086 = arith.constant 0 : i32
        %dma_start3A_2087 = tpu.memref_slice %arg4[%dma_start3A_2086, %multiple_of3A_2079] : memref<16x1000000xf32, #tpu.memory_space<hbm>> -> memref<16x128xf32, #tpu.memory_space<hbm>>
        %dma_start3A_2088 = arith.constant 0 : i32
        %dma_start3A_2089 = arith.constant 0 : i32
        %dma_start3A_2090 = tpu.memref_slice %arg11[%dma_start3A_2080, %dma_start3A_2081, %dma_start3A_2088, %dma_start3A_2089] : memref<2x16x16x128xf32, #tpu.memory_space<vmem>> -> memref<1x1x16x128xf32, #tpu.memory_space<vmem>>
        %dma_start3A_2091 = tpu.memref_squeeze %dma_start3A_2090 : memref<1x1x16x128xf32, #tpu.memory_space<vmem>> -> memref<16x128xf32, #tpu.memory_space<vmem>>
        %dma_start3A_2092 = arith.constant 0 : i32
        %dma_start3A_2093 = tpu.memref_slice %arg4[%dma_start3A_2092, %multiple_of3A_2079] : memref<16x1000000xf32, #tpu.memory_space<hbm>> -> memref<16x128xf32, #tpu.memory_space<hbm>>
        tpu.enqueue_dma source(%dma_start3A_2093 : memref<16x128xf32, #tpu.memory_space<hbm>>) target(%dma_start3A_2091 : memref<16x128xf32, #tpu.memory_space<vmem>>) target_semaphore(%arg14 : memref<!tpu.dma_semaphore, #tpu.memory_space<semaphore_mem>>)
        %slice3A_2094 = vector.extract_strided_slice %get3A_2072 {offsets = [1], sizes = [1], strides = [1]} : vector<16xi32> to vector<1xi32>
        %squeeze3A_2095 = vector.extract %slice3A_2094[0] : i32 from vector<1xi32>
        %shift_right_arithmetic3A_2096 = arith.constant 7 : i32
        %shift_right_arithmetic3A_2097 = arith.shrsi %squeeze3A_2095, %shift_right_arithmetic3A_2096 : i32
        %shift_left3A_2098 = arith.constant 7 : i32
        %shift_left3A_2099 = arith.shli %shift_right_arithmetic3A_2097, %shift_left3A_2098 : i32
        %multiple_of3A_2100 = tpu.assume_multiple %shift_left3A_2099, 128 : i32
        %dma_start3A_2101 = arith.constant 0 : i32
        %dma_start3A_2102 = arith.constant 1 : i32
        %dma_start3A_2103 = arith.constant 0 : i32
        %dma_start3A_2104 = arith.constant 0 : i32
        %dma_start3A_2105 = tpu.memref_slice %arg11[%dma_start3A_2101, %dma_start3A_2102, %dma_start3A_2103, %dma_start3A_2104] : memref<2x16x16x128xf32, #tpu.memory_space<vmem>> -> memref<1x1x16x128xf32, #tpu.memory_space<vmem>>
        %dma_start3A_2106 = tpu.memref_squeeze %dma_start3A_2105 : memref<1x1x16x128xf32, #tpu.memory_space<vmem>> -> memref<16x128xf32, #tpu.memory_space<vmem>>
        %dma_start3A_2107 = arith.constant 0 : i32
        %dma_start3A_2108 = tpu.memref_slice %arg4[%dma_start3A_2107, %multiple_of3A_2100] : memref<16x1000000xf32, #tpu.memory_space<hbm>> -> memref<16x128xf32, #tpu.memory_space<hbm>>
        %dma_start3A_2109 = arith.constant 0 : i32
        %dma_start3A_2110 = arith.constant 0 : i32
        %dma_start3A_2111 = tpu.memref_slice %arg11[%dma_start3A_2101, %dma_start3A_2102, %dma_start3A_2109, %dma_start3A_2110] : memref<2x16x16x128xf32, #tpu.memory_space<vmem>> -> memref<1x1x16x128xf32, #tpu.memory_space<vmem>>
        %dma_start3A_2112 = tpu.memref_squeeze %dma_start3A_2111 : memref<1x1x16x128xf32, #tpu.memory_space<vmem>> -> memref<16x128xf32, #tpu.memory_space<vmem>>
        %dma_start3A_2113 = arith.constant 0 : i32
        %dma_start3A_2114 = tpu.memref_slice %arg4[%dma_start3A_2113, %multiple_of3A_2100] : memref<16x1000000xf32, #tpu.memory_space<hbm>> -> memref<16x128xf32, #tpu.memory_space<hbm>>
        tpu.enqueue_dma source(%dma_start3A_2114 : memref<16x128xf32, #tpu.memory_space<hbm>>) target(%dma_start3A_2112 : memref<16x128xf32, #tpu.memory_space<vmem>>) target_semaphore(%arg14 : memref<!tpu.dma_semaphore, #tpu.memory_space<semaphore_mem>>)
        %slice3A_2115 = vector.extract_strided_slice %get3A_2072 {offsets = [2], sizes = [1], strides = [1]} : vector<16xi32> to vector<1xi32>
        %squeeze3A_2116 = vector.extract %slice3A_2115[0] : i32 from vector<1xi32>
        %shift_right_arithmetic3A_2117 = arith.constant 7 : i32
        %shift_right_arithmetic3A_2118 = arith.shrsi %squeeze3A_2116, %shift_right_arithmetic3A_2117 : i32
        %shift_left3A_2119 = arith.constant 7 : i32
        %shift_left3A_2120 = arith.shli %shift_right_arithmetic3A_2118, %shift_left3A_2119 : i32
        %multiple_of3A_2121 = tpu.assume_multiple %shift_left3A_2120, 128 : i32
        %dma_start3A_2122 = arith.constant 0 : i32
        %dma_start3A_2123 = arith.constant 2 : i32
        %dma_start3A_2124 = arith.constant 0 : i32
        %dma_start3A_2125 = arith.constant 0 : i32
        %dma_start3A_2126 = tpu.memref_slice %arg11[%dma_start3A_2122, %dma_start3A_2123, %dma_start3A_2124, %dma_start3A_2125] : memref<2x16x16x128xf32, #tpu.memory_space<vmem>> -> memref<1x1x16x128xf32, #tpu.memory_space<vmem>>
        %dma_start3A_2127 = tpu.memref_squeeze %dma_start3A_2126 : memref<1x1x16x128xf32, #tpu.memory_space<vmem>> -> memref<16x128xf32, #tpu.memory_space<vmem>>
        %dma_start3A_2128 = arith.constant 0 : i32
        %dma_start3A_2129 = tpu.memref_slice %arg4[%dma_start3A_2128, %multiple_of3A_2121] : memref<16x1000000xf32, #tpu.memory_space<hbm>> -> memref<16x128xf32, #tpu.memory_space<hbm>>
        %dma_start3A_2130 = arith.constant 0 : i32
        %dma_start3A_2131 = arith.constant 0 : i32
        %dma_start3A_2132 = tpu.memref_slice %arg11[%dma_start3A_2122, %dma_start3A_2123, %dma_start3A_2130, %dma_start3A_2131] : memref<2x16x16x128xf32, #tpu.memory_space<vmem>> -> memref<1x1x16x128xf32, #tpu.memory_space<vmem>>
        %dma_start3A_2133 = tpu.memref_squeeze %dma_start3A_2132 : memref<1x1x16x128xf32, #tpu.memory_space<vmem>> -> memref<16x128xf32, #tpu.memory_space<vmem>>
        %dma_start3A_2134 = arith.constant 0 : i32
        %dma_start3A_2135 = tpu.memref_slice %arg4[%dma_start3A_2134, %multiple_of3A_2121] : memref<16x1000000xf32, #tpu.memory_space<hbm>> -> memref<16x128xf32, #tpu.memory_space<hbm>>
        tpu.enqueue_dma source(%dma_start3A_2135 : memref<16x128xf32, #tpu.memory_space<hbm>>) target(%dma_start3A_2133 : memref<16x128xf32, #tpu.memory_space<vmem>>) target_semaphore(%arg14 : memref<!tpu.dma_semaphore, #tpu.memory_space<semaphore_mem>>)
        %slice3A_2136 = vector.extract_strided_slice %get3A_2072 {offsets = [3], sizes = [1], strides = [1]} : vector<16xi32> to vector<1xi32>
        %squeeze3A_2137 = vector.extract %slice3A_2136[0] : i32 from vector<1xi32>
        %shift_right_arithmetic3A_2138 = arith.constant 7 : i32
        %shift_right_arithmetic3A_2139 = arith.shrsi %squeeze3A_2137, %shift_right_arithmetic3A_2138 : i32
        %shift_left3A_2140 = arith.constant 7 : i32
        %shift_left3A_2141 = arith.shli %shift_right_arithmetic3A_2139, %shift_left3A_2140 : i32
        %multiple_of3A_2142 = tpu.assume_multiple %shift_left3A_2141, 128 : i32
        %dma_start3A_2143 = arith.constant 0 : i32
        %dma_start3A_2144 = arith.constant 3 : i32
        %dma_start3A_2145 = arith.constant 0 : i32
        %dma_start3A_2146 = arith.constant 0 : i32
        %dma_start3A_2147 = tpu.memref_slice %arg11[%dma_start3A_2143, %dma_start3A_2144, %dma_start3A_2145, %dma_start3A_2146] : memref<2x16x16x128xf32, #tpu.memory_space<vmem>> -> memref<1x1x16x128xf32, #tpu.memory_space<vmem>>
        %dma_start3A_2148 = tpu.memref_squeeze %dma_start3A_2147 : memref<1x1x16x128xf32, #tpu.memory_space<vmem>> -> memref<16x128xf32, #tpu.memory_space<vmem>>
        %dma_start3A_2149 = arith.constant 0 : i32
        %dma_start3A_2150 = tpu.memref_slice %arg4[%dma_start3A_2149, %multiple_of3A_2142] : memref<16x1000000xf32, #tpu.memory_space<hbm>> -> memref<16x128xf32, #tpu.memory_space<hbm>>
        %dma_start3A_2151 = arith.constant 0 : i32
        %dma_start3A_2152 = arith.constant 0 : i32
        %dma_start3A_2153 = tpu.memref_slice %arg11[%dma_start3A_2143, %dma_start3A_2144, %dma_start3A_2151, %dma_start3A_2152] : memref<2x16x16x128xf32, #tpu.memory_space<vmem>> -> memref<1x1x16x128xf32, #tpu.memory_space<vmem>>
        %dma_start3A_2154 = tpu.memref_squeeze %dma_start3A_2153 : memref<1x1x16x128xf32, #tpu.memory_space<vmem>> -> memref<16x128xf32, #tpu.memory_space<vmem>>
        %dma_start3A_2155 = arith.constant 0 : i32
        %dma_start3A_2156 = tpu.memref_slice %arg4[%dma_start3A_2155, %multiple_of3A_2142] : memref<16x1000000xf32, #tpu.memory_space<hbm>> -> memref<16x128xf32, #tpu.memory_space<hbm>>
        tpu.enqueue_dma source(%dma_start3A_2156 : memref<16x128xf32, #tpu.memory_space<hbm>>) target(%dma_start3A_2154 : memref<16x128xf32, #tpu.memory_space<vmem>>) target_semaphore(%arg14 : memref<!tpu.dma_semaphore, #tpu.memory_space<semaphore_mem>>)
        %slice3A_2157 = vector.extract_strided_slice %get3A_2072 {offsets = [4], sizes = [1], strides = [1]} : vector<16xi32> to vector<1xi32>
        %squeeze3A_2158 = vector.extract %slice3A_2157[0] : i32 from vector<1xi32>
        %shift_right_arithmetic3A_2159 = arith.constant 7 : i32
        %shift_right_arithmetic3A_2160 = arith.shrsi %squeeze3A_2158, %shift_right_arithmetic3A_2159 : i32
        %shift_left3A_2161 = arith.constant 7 : i32
        %shift_left3A_2162 = arith.shli %shift_right_arithmetic3A_2160, %shift_left3A_2161 : i32
        %multiple_of3A_2163 = tpu.assume_multiple %shift_left3A_2162, 128 : i32
        %dma_start3A_2164 = arith.constant 0 : i32
        %dma_start3A_2165 = arith.constant 4 : i32
        %dma_start3A_2166 = arith.constant 0 : i32
        %dma_start3A_2167 = arith.constant 0 : i32
        %dma_start3A_2168 = tpu.memref_slice %arg11[%dma_start3A_2164, %dma_start3A_2165, %dma_start3A_2166, %dma_start3A_2167] : memref<2x16x16x128xf32, #tpu.memory_space<vmem>> -> memref<1x1x16x128xf32, #tpu.memory_space<vmem>>
        %dma_start3A_2169 = tpu.memref_squeeze %dma_start3A_2168 : memref<1x1x16x128xf32, #tpu.memory_space<vmem>> -> memref<16x128xf32, #tpu.memory_space<vmem>>
        %dma_start3A_2170 = arith.constant 0 : i32
        %dma_start3A_2171 = tpu.memref_slice %arg4[%dma_start3A_2170, %multiple_of3A_2163] : memref<16x1000000xf32, #tpu.memory_space<hbm>> -> memref<16x128xf32, #tpu.memory_space<hbm>>
        %dma_start3A_2172 = arith.constant 0 : i32
        %dma_start3A_2173 = arith.constant 0 : i32
        %dma_start3A_2174 = tpu.memref_slice %arg11[%dma_start3A_2164, %dma_start3A_2165, %dma_start3A_2172, %dma_start3A_2173] : memref<2x16x16x128xf32, #tpu.memory_space<vmem>> -> memref<1x1x16x128xf32, #tpu.memory_space<vmem>>
        %dma_start3A_2175 = tpu.memref_squeeze %dma_start3A_2174 : memref<1x1x16x128xf32, #tpu.memory_space<vmem>> -> memref<16x128xf32, #tpu.memory_space<vmem>>
        %dma_start3A_2176 = arith.constant 0 : i32
        %dma_start3A_2177 = tpu.memref_slice %arg4[%dma_start3A_2176, %multiple_of3A_2163] : memref<16x1000000xf32, #tpu.memory_space<hbm>> -> memref<16x128xf32, #tpu.memory_space<hbm>>
        tpu.enqueue_dma source(%dma_start3A_2177 : memref<16x128xf32, #tpu.memory_space<hbm>>) target(%dma_start3A_2175 : memref<16x128xf32, #tpu.memory_space<vmem>>) target_semaphore(%arg14 : memref<!tpu.dma_semaphore, #tpu.memory_space<semaphore_mem>>)
        %slice3A_2178 = vector.extract_strided_slice %get3A_2072 {offsets = [5], sizes = [1], strides = [1]} : vector<16xi32> to vector<1xi32>
        %squeeze3A_2179 = vector.extract %slice3A_2178[0] : i32 from vector<1xi32>
        %shift_right_arithmetic3A_2180 = arith.constant 7 : i32
        %shift_right_arithmetic3A_2181 = arith.shrsi %squeeze3A_2179, %shift_right_arithmetic3A_2180 : i32
        %shift_left3A_2182 = arith.constant 7 : i32
        %shift_left3A_2183 = arith.shli %shift_right_arithmetic3A_2181, %shift_left3A_2182 : i32
        %multiple_of3A_2184 = tpu.assume_multiple %shift_left3A_2183, 128 : i32
        %dma_start3A_2185 = arith.constant 0 : i32
        %dma_start3A_2186 = arith.constant 5 : i32
        %dma_start3A_2187 = arith.constant 0 : i32
        %dma_start3A_2188 = arith.constant 0 : i32
        %dma_start3A_2189 = tpu.memref_slice %arg11[%dma_start3A_2185, %dma_start3A_2186, %dma_start3A_2187, %dma_start3A_2188] : memref<2x16x16x128xf32, #tpu.memory_space<vmem>> -> memref<1x1x16x128xf32, #tpu.memory_space<vmem>>
        %dma_start3A_2190 = tpu.memref_squeeze %dma_start3A_2189 : memref<1x1x16x128xf32, #tpu.memory_space<vmem>> -> memref<16x128xf32, #tpu.memory_space<vmem>>
        %dma_start3A_2191 = arith.constant 0 : i32
        %dma_start3A_2192 = tpu.memref_slice %arg4[%dma_start3A_2191, %multiple_of3A_2184] : memref<16x1000000xf32, #tpu.memory_space<hbm>> -> memref<16x128xf32, #tpu.memory_space<hbm>>
        %dma_start3A_2193 = arith.constant 0 : i32
        %dma_start3A_2194 = arith.constant 0 : i32
        %dma_start3A_2195 = tpu.memref_slice %arg11[%dma_start3A_2185, %dma_start3A_2186, %dma_start3A_2193, %dma_start3A_2194] : memref<2x16x16x128xf32, #tpu.memory_space<vmem>> -> memref<1x1x16x128xf32, #tpu.memory_space<vmem>>
        %dma_start3A_2196 = tpu.memref_squeeze %dma_start3A_2195 : memref<1x1x16x128xf32, #tpu.memory_space<vmem>> -> memref<16x128xf32, #tpu.memory_space<vmem>>
        %dma_start3A_2197 = arith.constant 0 : i32
        %dma_start3A_2198 = tpu.memref_slice %arg4[%dma_start3A_2197, %multiple_of3A_2184] : memref<16x1000000xf32, #tpu.memory_space<hbm>> -> memref<16x128xf32, #tpu.memory_space<hbm>>
        tpu.enqueue_dma source(%dma_start3A_2198 : memref<16x128xf32, #tpu.memory_space<hbm>>) target(%dma_start3A_2196 : memref<16x128xf32, #tpu.memory_space<vmem>>) target_semaphore(%arg14 : memref<!tpu.dma_semaphore, #tpu.memory_space<semaphore_mem>>)
        %slice3A_2199 = vector.extract_strided_slice %get3A_2072 {offsets = [6], sizes = [1], strides = [1]} : vector<16xi32> to vector<1xi32>
        %squeeze3A_2200 = vector.extract %slice3A_2199[0] : i32 from vector<1xi32>
        %shift_right_arithmetic3A_2201 = arith.constant 7 : i32
        %shift_right_arithmetic3A_2202 = arith.shrsi %squeeze3A_2200, %shift_right_arithmetic3A_2201 : i32
        %shift_left3A_2203 = arith.constant 7 : i32
        %shift_left3A_2204 = arith.shli %shift_right_arithmetic3A_2202, %shift_left3A_2203 : i32
        %multiple_of3A_2205 = tpu.assume_multiple %shift_left3A_2204, 128 : i32
        %dma_start3A_2206 = arith.constant 0 : i32
        %dma_start3A_2207 = arith.constant 6 : i32
        %dma_start3A_2208 = arith.constant 0 : i32
        %dma_start3A_2209 = arith.constant 0 : i32
        %dma_start3A_2210 = tpu.memref_slice %arg11[%dma_start3A_2206, %dma_start3A_2207, %dma_start3A_2208, %dma_start3A_2209] : memref<2x16x16x128xf32, #tpu.memory_space<vmem>> -> memref<1x1x16x128xf32, #tpu.memory_space<vmem>>
        %dma_start3A_2211 = tpu.memref_squeeze %dma_start3A_2210 : memref<1x1x16x128xf32, #tpu.memory_space<vmem>> -> memref<16x128xf32, #tpu.memory_space<vmem>>
        %dma_start3A_2212 = arith.constant 0 : i32
        %dma_start3A_2213 = tpu.memref_slice %arg4[%dma_start3A_2212, %multiple_of3A_2205] : memref<16x1000000xf32, #tpu.memory_space<hbm>> -> memref<16x128xf32, #tpu.memory_space<hbm>>
        %dma_start3A_2214 = arith.constant 0 : i32
        %dma_start3A_2215 = arith.constant 0 : i32
        %dma_start3A_2216 = tpu.memref_slice %arg11[%dma_start3A_2206, %dma_start3A_2207, %dma_start3A_2214, %dma_start3A_2215] : memref<2x16x16x128xf32, #tpu.memory_space<vmem>> -> memref<1x1x16x128xf32, #tpu.memory_space<vmem>>
        %dma_start3A_2217 = tpu.memref_squeeze %dma_start3A_2216 : memref<1x1x16x128xf32, #tpu.memory_space<vmem>> -> memref<16x128xf32, #tpu.memory_space<vmem>>
        %dma_start3A_2218 = arith.constant 0 : i32
        %dma_start3A_2219 = tpu.memref_slice %arg4[%dma_start3A_2218, %multiple_of3A_2205] : memref<16x1000000xf32, #tpu.memory_space<hbm>> -> memref<16x128xf32, #tpu.memory_space<hbm>>
        tpu.enqueue_dma source(%dma_start3A_2219 : memref<16x128xf32, #tpu.memory_space<hbm>>) target(%dma_start3A_2217 : memref<16x128xf32, #tpu.memory_space<vmem>>) target_semaphore(%arg14 : memref<!tpu.dma_semaphore, #tpu.memory_space<semaphore_mem>>)
        %slice3A_2220 = vector.extract_strided_slice %get3A_2072 {offsets = [7], sizes = [1], strides = [1]} : vector<16xi32> to vector<1xi32>
        %squeeze3A_2221 = vector.extract %slice3A_2220[0] : i32 from vector<1xi32>
        %shift_right_arithmetic3A_2222 = arith.constant 7 : i32
        %shift_right_arithmetic3A_2223 = arith.shrsi %squeeze3A_2221, %shift_right_arithmetic3A_2222 : i32
        %shift_left3A_2224 = arith.constant 7 : i32
        %shift_left3A_2225 = arith.shli %shift_right_arithmetic3A_2223, %shift_left3A_2224 : i32
        %multiple_of3A_2226 = tpu.assume_multiple %shift_left3A_2225, 128 : i32
        %dma_start3A_2227 = arith.constant 0 : i32
        %dma_start3A_2228 = arith.constant 7 : i32
        %dma_start3A_2229 = arith.constant 0 : i32
        %dma_start3A_2230 = arith.constant 0 : i32
        %dma_start3A_2231 = tpu.memref_slice %arg11[%dma_start3A_2227, %dma_start3A_2228, %dma_start3A_2229, %dma_start3A_2230] : memref<2x16x16x128xf32, #tpu.memory_space<vmem>> -> memref<1x1x16x128xf32, #tpu.memory_space<vmem>>
        %dma_start3A_2232 = tpu.memref_squeeze %dma_start3A_2231 : memref<1x1x16x128xf32, #tpu.memory_space<vmem>> -> memref<16x128xf32, #tpu.memory_space<vmem>>
        %dma_start3A_2233 = arith.constant 0 : i32
        %dma_start3A_2234 = tpu.memref_slice %arg4[%dma_start3A_2233, %multiple_of3A_2226] : memref<16x1000000xf32, #tpu.memory_space<hbm>> -> memref<16x128xf32, #tpu.memory_space<hbm>>
        %dma_start3A_2235 = arith.constant 0 : i32
        %dma_start3A_2236 = arith.constant 0 : i32
        %dma_start3A_2237 = tpu.memref_slice %arg11[%dma_start3A_2227, %dma_start3A_2228, %dma_start3A_2235, %dma_start3A_2236] : memref<2x16x16x128xf32, #tpu.memory_space<vmem>> -> memref<1x1x16x128xf32, #tpu.memory_space<vmem>>
        %dma_start3A_2238 = tpu.memref_squeeze %dma_start3A_2237 : memref<1x1x16x128xf32, #tpu.memory_space<vmem>> -> memref<16x128xf32, #tpu.memory_space<vmem>>
        %dma_start3A_2239 = arith.constant 0 : i32
        %dma_start3A_2240 = tpu.memref_slice %arg4[%dma_start3A_2239, %multiple_of3A_2226] : memref<16x1000000xf32, #tpu.memory_space<hbm>> -> memref<16x128xf32, #tpu.memory_space<hbm>>
        tpu.enqueue_dma source(%dma_start3A_2240 : memref<16x128xf32, #tpu.memory_space<hbm>>) target(%dma_start3A_2238 : memref<16x128xf32, #tpu.memory_space<vmem>>) target_semaphore(%arg14 : memref<!tpu.dma_semaphore, #tpu.memory_space<semaphore_mem>>)
        %slice3A_2241 = vector.extract_strided_slice %get3A_2072 {offsets = [8], sizes = [1], strides = [1]} : vector<16xi32> to vector<1xi32>
        %squeeze3A_2242 = vector.extract %slice3A_2241[0] : i32 from vector<1xi32>
        %shift_right_arithmetic3A_2243 = arith.constant 7 : i32
        %shift_right_arithmetic3A_2244 = arith.shrsi %squeeze3A_2242, %shift_right_arithmetic3A_2243 : i32
        %shift_left3A_2245 = arith.constant 7 : i32
        %shift_left3A_2246 = arith.shli %shift_right_arithmetic3A_2244, %shift_left3A_2245 : i32
        %multiple_of3A_2247 = tpu.assume_multiple %shift_left3A_2246, 128 : i32
        %dma_start3A_2248 = arith.constant 0 : i32
        %dma_start3A_2249 = arith.constant 8 : i32
        %dma_start3A_2250 = arith.constant 0 : i32
        %dma_start3A_2251 = arith.constant 0 : i32
        %dma_start3A_2252 = tpu.memref_slice %arg11[%dma_start3A_2248, %dma_start3A_2249, %dma_start3A_2250, %dma_start3A_2251] : memref<2x16x16x128xf32, #tpu.memory_space<vmem>> -> memref<1x1x16x128xf32, #tpu.memory_space<vmem>>
        %dma_start3A_2253 = tpu.memref_squeeze %dma_start3A_2252 : memref<1x1x16x128xf32, #tpu.memory_space<vmem>> -> memref<16x128xf32, #tpu.memory_space<vmem>>
        %dma_start3A_2254 = arith.constant 0 : i32
        %dma_start3A_2255 = tpu.memref_slice %arg4[%dma_start3A_2254, %multiple_of3A_2247] : memref<16x1000000xf32, #tpu.memory_space<hbm>> -> memref<16x128xf32, #tpu.memory_space<hbm>>
        %dma_start3A_2256 = arith.constant 0 : i32
        %dma_start3A_2257 = arith.constant 0 : i32
        %dma_start3A_2258 = tpu.memref_slice %arg11[%dma_start3A_2248, %dma_start3A_2249, %dma_start3A_2256, %dma_start3A_2257] : memref<2x16x16x128xf32, #tpu.memory_space<vmem>> -> memref<1x1x16x128xf32, #tpu.memory_space<vmem>>
        %dma_start3A_2259 = tpu.memref_squeeze %dma_start3A_2258 : memref<1x1x16x128xf32, #tpu.memory_space<vmem>> -> memref<16x128xf32, #tpu.memory_space<vmem>>
        %dma_start3A_2260 = arith.constant 0 : i32
        %dma_start3A_2261 = tpu.memref_slice %arg4[%dma_start3A_2260, %multiple_of3A_2247] : memref<16x1000000xf32, #tpu.memory_space<hbm>> -> memref<16x128xf32, #tpu.memory_space<hbm>>
        tpu.enqueue_dma source(%dma_start3A_2261 : memref<16x128xf32, #tpu.memory_space<hbm>>) target(%dma_start3A_2259 : memref<16x128xf32, #tpu.memory_space<vmem>>) target_semaphore(%arg14 : memref<!tpu.dma_semaphore, #tpu.memory_space<semaphore_mem>>)
        %slice3A_2262 = vector.extract_strided_slice %get3A_2072 {offsets = [9], sizes = [1], strides = [1]} : vector<16xi32> to vector<1xi32>
        %squeeze3A_2263 = vector.extract %slice3A_2262[0] : i32 from vector<1xi32>
        %shift_right_arithmetic3A_2264 = arith.constant 7 : i32
        %shift_right_arithmetic3A_2265 = arith.shrsi %squeeze3A_2263, %shift_right_arithmetic3A_2264 : i32
        %shift_left3A_2266 = arith.constant 7 : i32
        %shift_left3A_2267 = arith.shli %shift_right_arithmetic3A_2265, %shift_left3A_2266 : i32
        %multiple_of3A_2268 = tpu.assume_multiple %shift_left3A_2267, 128 : i32
        %dma_start3A_2269 = arith.constant 0 : i32
        %dma_start3A_2270 = arith.constant 9 : i32
        %dma_start3A_2271 = arith.constant 0 : i32
        %dma_start3A_2272 = arith.constant 0 : i32
        %dma_start3A_2273 = tpu.memref_slice %arg11[%dma_start3A_2269, %dma_start3A_2270, %dma_start3A_2271, %dma_start3A_2272] : memref<2x16x16x128xf32, #tpu.memory_space<vmem>> -> memref<1x1x16x128xf32, #tpu.memory_space<vmem>>
        %dma_start3A_2274 = tpu.memref_squeeze %dma_start3A_2273 : memref<1x1x16x128xf32, #tpu.memory_space<vmem>> -> memref<16x128xf32, #tpu.memory_space<vmem>>
        %dma_start3A_2275 = arith.constant 0 : i32
        %dma_start3A_2276 = tpu.memref_slice %arg4[%dma_start3A_2275, %multiple_of3A_2268] : memref<16x1000000xf32, #tpu.memory_space<hbm>> -> memref<16x128xf32, #tpu.memory_space<hbm>>
        %dma_start3A_2277 = arith.constant 0 : i32
        %dma_start3A_2278 = arith.constant 0 : i32
        %dma_start3A_2279 = tpu.memref_slice %arg11[%dma_start3A_2269, %dma_start3A_2270, %dma_start3A_2277, %dma_start3A_2278] : memref<2x16x16x128xf32, #tpu.memory_space<vmem>> -> memref<1x1x16x128xf32, #tpu.memory_space<vmem>>
        %dma_start3A_2280 = tpu.memref_squeeze %dma_start3A_2279 : memref<1x1x16x128xf32, #tpu.memory_space<vmem>> -> memref<16x128xf32, #tpu.memory_space<vmem>>
        %dma_start3A_2281 = arith.constant 0 : i32
        %dma_start3A_2282 = tpu.memref_slice %arg4[%dma_start3A_2281, %multiple_of3A_2268] : memref<16x1000000xf32, #tpu.memory_space<hbm>> -> memref<16x128xf32, #tpu.memory_space<hbm>>
        tpu.enqueue_dma source(%dma_start3A_2282 : memref<16x128xf32, #tpu.memory_space<hbm>>) target(%dma_start3A_2280 : memref<16x128xf32, #tpu.memory_space<vmem>>) target_semaphore(%arg14 : memref<!tpu.dma_semaphore, #tpu.memory_space<semaphore_mem>>)
        %slice3A_2283 = vector.extract_strided_slice %get3A_2072 {offsets = [10], sizes = [1], strides = [1]} : vector<16xi32> to vector<1xi32>
        %squeeze3A_2284 = vector.extract %slice3A_2283[0] : i32 from vector<1xi32>
        %shift_right_arithmetic3A_2285 = arith.constant 7 : i32
        %shift_right_arithmetic3A_2286 = arith.shrsi %squeeze3A_2284, %shift_right_arithmetic3A_2285 : i32
        %shift_left3A_2287 = arith.constant 7 : i32
        %shift_left3A_2288 = arith.shli %shift_right_arithmetic3A_2286, %shift_left3A_2287 : i32
        %multiple_of3A_2289 = tpu.assume_multiple %shift_left3A_2288, 128 : i32
        %dma_start3A_2290 = arith.constant 0 : i32
        %dma_start3A_2291 = arith.constant 10 : i32
        %dma_start3A_2292 = arith.constant 0 : i32
        %dma_start3A_2293 = arith.constant 0 : i32
        %dma_start3A_2294 = tpu.memref_slice %arg11[%dma_start3A_2290, %dma_start3A_2291, %dma_start3A_2292, %dma_start3A_2293] : memref<2x16x16x128xf32, #tpu.memory_space<vmem>> -> memref<1x1x16x128xf32, #tpu.memory_space<vmem>>
        %dma_start3A_2295 = tpu.memref_squeeze %dma_start3A_2294 : memref<1x1x16x128xf32, #tpu.memory_space<vmem>> -> memref<16x128xf32, #tpu.memory_space<vmem>>
        %dma_start3A_2296 = arith.constant 0 : i32
        %dma_start3A_2297 = tpu.memref_slice %arg4[%dma_start3A_2296, %multiple_of3A_2289] : memref<16x1000000xf32, #tpu.memory_space<hbm>> -> memref<16x128xf32, #tpu.memory_space<hbm>>
        %dma_start3A_2298 = arith.constant 0 : i32
        %dma_start3A_2299 = arith.constant 0 : i32
        %dma_start3A_2300 = tpu.memref_slice %arg11[%dma_start3A_2290, %dma_start3A_2291, %dma_start3A_2298, %dma_start3A_2299] : memref<2x16x16x128xf32, #tpu.memory_space<vmem>> -> memref<1x1x16x128xf32, #tpu.memory_space<vmem>>
        %dma_start3A_2301 = tpu.memref_squeeze %dma_start3A_2300 : memref<1x1x16x128xf32, #tpu.memory_space<vmem>> -> memref<16x128xf32, #tpu.memory_space<vmem>>
        %dma_start3A_2302 = arith.constant 0 : i32
        %dma_start3A_2303 = tpu.memref_slice %arg4[%dma_start3A_2302, %multiple_of3A_2289] : memref<16x1000000xf32, #tpu.memory_space<hbm>> -> memref<16x128xf32, #tpu.memory_space<hbm>>
        tpu.enqueue_dma source(%dma_start3A_2303 : memref<16x128xf32, #tpu.memory_space<hbm>>) target(%dma_start3A_2301 : memref<16x128xf32, #tpu.memory_space<vmem>>) target_semaphore(%arg14 : memref<!tpu.dma_semaphore, #tpu.memory_space<semaphore_mem>>)
        %slice3A_2304 = vector.extract_strided_slice %get3A_2072 {offsets = [11], sizes = [1], strides = [1]} : vector<16xi32> to vector<1xi32>
        %squeeze3A_2305 = vector.extract %slice3A_2304[0] : i32 from vector<1xi32>
        %shift_right_arithmetic3A_2306 = arith.constant 7 : i32
        %shift_right_arithmetic3A_2307 = arith.shrsi %squeeze3A_2305, %shift_right_arithmetic3A_2306 : i32
        %shift_left3A_2308 = arith.constant 7 : i32
        %shift_left3A_2309 = arith.shli %shift_right_arithmetic3A_2307, %shift_left3A_2308 : i32
        %multiple_of3A_2310 = tpu.assume_multiple %shift_left3A_2309, 128 : i32
        %dma_start3A_2311 = arith.constant 0 : i32
        %dma_start3A_2312 = arith.constant 11 : i32
        %dma_start3A_2313 = arith.constant 0 : i32
        %dma_start3A_2314 = arith.constant 0 : i32
        %dma_start3A_2315 = tpu.memref_slice %arg11[%dma_start3A_2311, %dma_start3A_2312, %dma_start3A_2313, %dma_start3A_2314] : memref<2x16x16x128xf32, #tpu.memory_space<vmem>> -> memref<1x1x16x128xf32, #tpu.memory_space<vmem>>
        %dma_start3A_2316 = tpu.memref_squeeze %dma_start3A_2315 : memref<1x1x16x128xf32, #tpu.memory_space<vmem>> -> memref<16x128xf32, #tpu.memory_space<vmem>>
        %dma_start3A_2317 = arith.constant 0 : i32
        %dma_start3A_2318 = tpu.memref_slice %arg4[%dma_start3A_2317, %multiple_of3A_2310] : memref<16x1000000xf32, #tpu.memory_space<hbm>> -> memref<16x128xf32, #tpu.memory_space<hbm>>
        %dma_start3A_2319 = arith.constant 0 : i32
        %dma_start3A_2320 = arith.constant 0 : i32
        %dma_start3A_2321 = tpu.memref_slice %arg11[%dma_start3A_2311, %dma_start3A_2312, %dma_start3A_2319, %dma_start3A_2320] : memref<2x16x16x128xf32, #tpu.memory_space<vmem>> -> memref<1x1x16x128xf32, #tpu.memory_space<vmem>>
        %dma_start3A_2322 = tpu.memref_squeeze %dma_start3A_2321 : memref<1x1x16x128xf32, #tpu.memory_space<vmem>> -> memref<16x128xf32, #tpu.memory_space<vmem>>
        %dma_start3A_2323 = arith.constant 0 : i32
        %dma_start3A_2324 = tpu.memref_slice %arg4[%dma_start3A_2323, %multiple_of3A_2310] : memref<16x1000000xf32, #tpu.memory_space<hbm>> -> memref<16x128xf32, #tpu.memory_space<hbm>>
        tpu.enqueue_dma source(%dma_start3A_2324 : memref<16x128xf32, #tpu.memory_space<hbm>>) target(%dma_start3A_2322 : memref<16x128xf32, #tpu.memory_space<vmem>>) target_semaphore(%arg14 : memref<!tpu.dma_semaphore, #tpu.memory_space<semaphore_mem>>)
        %slice3A_2325 = vector.extract_strided_slice %get3A_2072 {offsets = [12], sizes = [1], strides = [1]} : vector<16xi32> to vector<1xi32>
        %squeeze3A_2326 = vector.extract %slice3A_2325[0] : i32 from vector<1xi32>
        %shift_right_arithmetic3A_2327 = arith.constant 7 : i32
        %shift_right_arithmetic3A_2328 = arith.shrsi %squeeze3A_2326, %shift_right_arithmetic3A_2327 : i32
        %shift_left3A_2329 = arith.constant 7 : i32
        %shift_left3A_2330 = arith.shli %shift_right_arithmetic3A_2328, %shift_left3A_2329 : i32
        %multiple_of3A_2331 = tpu.assume_multiple %shift_left3A_2330, 128 : i32
        %dma_start3A_2332 = arith.constant 0 : i32
        %dma_start3A_2333 = arith.constant 12 : i32
        %dma_start3A_2334 = arith.constant 0 : i32
        %dma_start3A_2335 = arith.constant 0 : i32
        %dma_start3A_2336 = tpu.memref_slice %arg11[%dma_start3A_2332, %dma_start3A_2333, %dma_start3A_2334, %dma_start3A_2335] : memref<2x16x16x128xf32, #tpu.memory_space<vmem>> -> memref<1x1x16x128xf32, #tpu.memory_space<vmem>>
        %dma_start3A_2337 = tpu.memref_squeeze %dma_start3A_2336 : memref<1x1x16x128xf32, #tpu.memory_space<vmem>> -> memref<16x128xf32, #tpu.memory_space<vmem>>
        %dma_start3A_2338 = arith.constant 0 : i32
        %dma_start3A_2339 = tpu.memref_slice %arg4[%dma_start3A_2338, %multiple_of3A_2331] : memref<16x1000000xf32, #tpu.memory_space<hbm>> -> memref<16x128xf32, #tpu.memory_space<hbm>>
        %dma_start3A_2340 = arith.constant 0 : i32
        %dma_start3A_2341 = arith.constant 0 : i32
        %dma_start3A_2342 = tpu.memref_slice %arg11[%dma_start3A_2332, %dma_start3A_2333, %dma_start3A_2340, %dma_start3A_2341] : memref<2x16x16x128xf32, #tpu.memory_space<vmem>> -> memref<1x1x16x128xf32, #tpu.memory_space<vmem>>
        %dma_start3A_2343 = tpu.memref_squeeze %dma_start3A_2342 : memref<1x1x16x128xf32, #tpu.memory_space<vmem>> -> memref<16x128xf32, #tpu.memory_space<vmem>>
        %dma_start3A_2344 = arith.constant 0 : i32
        %dma_start3A_2345 = tpu.memref_slice %arg4[%dma_start3A_2344, %multiple_of3A_2331] : memref<16x1000000xf32, #tpu.memory_space<hbm>> -> memref<16x128xf32, #tpu.memory_space<hbm>>
        tpu.enqueue_dma source(%dma_start3A_2345 : memref<16x128xf32, #tpu.memory_space<hbm>>) target(%dma_start3A_2343 : memref<16x128xf32, #tpu.memory_space<vmem>>) target_semaphore(%arg14 : memref<!tpu.dma_semaphore, #tpu.memory_space<semaphore_mem>>)
        %slice3A_2346 = vector.extract_strided_slice %get3A_2072 {offsets = [13], sizes = [1], strides = [1]} : vector<16xi32> to vector<1xi32>
        %squeeze3A_2347 = vector.extract %slice3A_2346[0] : i32 from vector<1xi32>
        %shift_right_arithmetic3A_2348 = arith.constant 7 : i32
        %shift_right_arithmetic3A_2349 = arith.shrsi %squeeze3A_2347, %shift_right_arithmetic3A_2348 : i32
        %shift_left3A_2350 = arith.constant 7 : i32
        %shift_left3A_2351 = arith.shli %shift_right_arithmetic3A_2349, %shift_left3A_2350 : i32
        %multiple_of3A_2352 = tpu.assume_multiple %shift_left3A_2351, 128 : i32
        %dma_start3A_2353 = arith.constant 0 : i32
        %dma_start3A_2354 = arith.constant 13 : i32
        %dma_start3A_2355 = arith.constant 0 : i32
        %dma_start3A_2356 = arith.constant 0 : i32
        %dma_start3A_2357 = tpu.memref_slice %arg11[%dma_start3A_2353, %dma_start3A_2354, %dma_start3A_2355, %dma_start3A_2356] : memref<2x16x16x128xf32, #tpu.memory_space<vmem>> -> memref<1x1x16x128xf32, #tpu.memory_space<vmem>>
        %dma_start3A_2358 = tpu.memref_squeeze %dma_start3A_2357 : memref<1x1x16x128xf32, #tpu.memory_space<vmem>> -> memref<16x128xf32, #tpu.memory_space<vmem>>
        %dma_start3A_2359 = arith.constant 0 : i32
        %dma_start3A_2360 = tpu.memref_slice %arg4[%dma_start3A_2359, %multiple_of3A_2352] : memref<16x1000000xf32, #tpu.memory_space<hbm>> -> memref<16x128xf32, #tpu.memory_space<hbm>>
        %dma_start3A_2361 = arith.constant 0 : i32
        %dma_start3A_2362 = arith.constant 0 : i32
        %dma_start3A_2363 = tpu.memref_slice %arg11[%dma_start3A_2353, %dma_start3A_2354, %dma_start3A_2361, %dma_start3A_2362] : memref<2x16x16x128xf32, #tpu.memory_space<vmem>> -> memref<1x1x16x128xf32, #tpu.memory_space<vmem>>
        %dma_start3A_2364 = tpu.memref_squeeze %dma_start3A_2363 : memref<1x1x16x128xf32, #tpu.memory_space<vmem>> -> memref<16x128xf32, #tpu.memory_space<vmem>>
        %dma_start3A_2365 = arith.constant 0 : i32
        %dma_start3A_2366 = tpu.memref_slice %arg4[%dma_start3A_2365, %multiple_of3A_2352] : memref<16x1000000xf32, #tpu.memory_space<hbm>> -> memref<16x128xf32, #tpu.memory_space<hbm>>
        tpu.enqueue_dma source(%dma_start3A_2366 : memref<16x128xf32, #tpu.memory_space<hbm>>) target(%dma_start3A_2364 : memref<16x128xf32, #tpu.memory_space<vmem>>) target_semaphore(%arg14 : memref<!tpu.dma_semaphore, #tpu.memory_space<semaphore_mem>>)
        %slice3A_2367 = vector.extract_strided_slice %get3A_2072 {offsets = [14], sizes = [1], strides = [1]} : vector<16xi32> to vector<1xi32>
        %squeeze3A_2368 = vector.extract %slice3A_2367[0] : i32 from vector<1xi32>
        %shift_right_arithmetic3A_2369 = arith.constant 7 : i32
        %shift_right_arithmetic3A_2370 = arith.shrsi %squeeze3A_2368, %shift_right_arithmetic3A_2369 : i32
        %shift_left3A_2371 = arith.constant 7 : i32
        %shift_left3A_2372 = arith.shli %shift_right_arithmetic3A_2370, %shift_left3A_2371 : i32
        %multiple_of3A_2373 = tpu.assume_multiple %shift_left3A_2372, 128 : i32
        %dma_start3A_2374 = arith.constant 0 : i32
        %dma_start3A_2375 = arith.constant 14 : i32
        %dma_start3A_2376 = arith.constant 0 : i32
        %dma_start3A_2377 = arith.constant 0 : i32
        %dma_start3A_2378 = tpu.memref_slice %arg11[%dma_start3A_2374, %dma_start3A_2375, %dma_start3A_2376, %dma_start3A_2377] : memref<2x16x16x128xf32, #tpu.memory_space<vmem>> -> memref<1x1x16x128xf32, #tpu.memory_space<vmem>>
        %dma_start3A_2379 = tpu.memref_squeeze %dma_start3A_2378 : memref<1x1x16x128xf32, #tpu.memory_space<vmem>> -> memref<16x128xf32, #tpu.memory_space<vmem>>
        %dma_start3A_2380 = arith.constant 0 : i32
        %dma_start3A_2381 = tpu.memref_slice %arg4[%dma_start3A_2380, %multiple_of3A_2373] : memref<16x1000000xf32, #tpu.memory_space<hbm>> -> memref<16x128xf32, #tpu.memory_space<hbm>>
        %dma_start3A_2382 = arith.constant 0 : i32
        %dma_start3A_2383 = arith.constant 0 : i32
        %dma_start3A_2384 = tpu.memref_slice %arg11[%dma_start3A_2374, %dma_start3A_2375, %dma_start3A_2382, %dma_start3A_2383] : memref<2x16x16x128xf32, #tpu.memory_space<vmem>> -> memref<1x1x16x128xf32, #tpu.memory_space<vmem>>
        %dma_start3A_2385 = tpu.memref_squeeze %dma_start3A_2384 : memref<1x1x16x128xf32, #tpu.memory_space<vmem>> -> memref<16x128xf32, #tpu.memory_space<vmem>>
        %dma_start3A_2386 = arith.constant 0 : i32
        %dma_start3A_2387 = tpu.memref_slice %arg4[%dma_start3A_2386, %multiple_of3A_2373] : memref<16x1000000xf32, #tpu.memory_space<hbm>> -> memref<16x128xf32, #tpu.memory_space<hbm>>
        tpu.enqueue_dma source(%dma_start3A_2387 : memref<16x128xf32, #tpu.memory_space<hbm>>) target(%dma_start3A_2385 : memref<16x128xf32, #tpu.memory_space<vmem>>) target_semaphore(%arg14 : memref<!tpu.dma_semaphore, #tpu.memory_space<semaphore_mem>>)
        %slice3A_2388 = vector.extract_strided_slice %get3A_2072 {offsets = [15], sizes = [1], strides = [1]} : vector<16xi32> to vector<1xi32>
        %squeeze3A_2389 = vector.extract %slice3A_2388[0] : i32 from vector<1xi32>
        %shift_right_arithmetic3A_2390 = arith.constant 7 : i32
        %shift_right_arithmetic3A_2391 = arith.shrsi %squeeze3A_2389, %shift_right_arithmetic3A_2390 : i32
        %shift_left3A_2392 = arith.constant 7 : i32
        %shift_left3A_2393 = arith.shli %shift_right_arithmetic3A_2391, %shift_left3A_2392 : i32
        %multiple_of3A_2394 = tpu.assume_multiple %shift_left3A_2393, 128 : i32
        %dma_start3A_2395 = arith.constant 0 : i32
        %dma_start3A_2396 = arith.constant 15 : i32
        %dma_start3A_2397 = arith.constant 0 : i32
        %dma_start3A_2398 = arith.constant 0 : i32
        %dma_start3A_2399 = tpu.memref_slice %arg11[%dma_start3A_2395, %dma_start3A_2396, %dma_start3A_2397, %dma_start3A_2398] : memref<2x16x16x128xf32, #tpu.memory_space<vmem>> -> memref<1x1x16x128xf32, #tpu.memory_space<vmem>>
        %dma_start3A_2400 = tpu.memref_squeeze %dma_start3A_2399 : memref<1x1x16x128xf32, #tpu.memory_space<vmem>> -> memref<16x128xf32, #tpu.memory_space<vmem>>
        %dma_start3A_2401 = arith.constant 0 : i32
        %dma_start3A_2402 = tpu.memref_slice %arg4[%dma_start3A_2401, %multiple_of3A_2394] : memref<16x1000000xf32, #tpu.memory_space<hbm>> -> memref<16x128xf32, #tpu.memory_space<hbm>>
        %dma_start3A_2403 = arith.constant 0 : i32
        %dma_start3A_2404 = arith.constant 0 : i32
        %dma_start3A_2405 = tpu.memref_slice %arg11[%dma_start3A_2395, %dma_start3A_2396, %dma_start3A_2403, %dma_start3A_2404] : memref<2x16x16x128xf32, #tpu.memory_space<vmem>> -> memref<1x1x16x128xf32, #tpu.memory_space<vmem>>
        %dma_start3A_2406 = tpu.memref_squeeze %dma_start3A_2405 : memref<1x1x16x128xf32, #tpu.memory_space<vmem>> -> memref<16x128xf32, #tpu.memory_space<vmem>>
        %dma_start3A_2407 = arith.constant 0 : i32
        %dma_start3A_2408 = tpu.memref_slice %arg4[%dma_start3A_2407, %multiple_of3A_2394] : memref<16x1000000xf32, #tpu.memory_space<hbm>> -> memref<16x128xf32, #tpu.memory_space<hbm>>
        tpu.enqueue_dma source(%dma_start3A_2408 : memref<16x128xf32, #tpu.memory_space<hbm>>) target(%dma_start3A_2406 : memref<16x128xf32, #tpu.memory_space<vmem>>) target_semaphore(%arg14 : memref<!tpu.dma_semaphore, #tpu.memory_space<semaphore_mem>>)
      } else {
      }
      %add3A_1382 = arith.constant 1 : i32
      %add3A_1383 = arith.addi %mul3A_358, %add3A_1382 : i32
      %mul3A_1384 = arith.constant 16 : i32
      %mul3A_1385 = arith.muli %add3A_1383, %mul3A_1384 : i32
      %get3A_1386 = arith.index_cast %mul3A_1385 : i32 to index
      %get3A_1387 = tpu.vector_load %arg9[%get3A_1386] {strides = array<i32>} : memref<512xi32, #tpu.memory_space<vmem>>, vector<16xi32>,
      %mul3A_1388 = arith.constant 16 : i32
      %mul3A_1389 = arith.muli %add3A_1383, %mul3A_1388 : i32
      %add3A_1390 = arith.constant 0 : i32
      %add3A_1391 = arith.addi %mul3A_1389, %add3A_1390 : i32
      %slice3A_1392 = vector.extract_strided_slice %get3A_1387 {offsets = [0], sizes = [1], strides = [1]} : vector<16xi32> to vector<1xi32>
      %squeeze3A_1393 = vector.extract %slice3A_1392[0] : i32 from vector<1xi32>
      %broadcast_in_dim3A_1394 = vector.broadcast %squeeze3A_1393 : i32 to vector<16xi32>
      %gather3A_1395 = tpu.vector_load_idx %arg10[%iota3A, %broadcast_in_dim3A_1394] : memref<16x128xf32, #tpu.memory_space<vmem>>[vector<16xi32>, vector<16xi32>], vector<16xf32>,
      %broadcast_in_dim3A_1396 = vector.broadcast %add3A_1391 : i32 to vector<16xi32>
      tpu.vector_store_idx %arg13[%iota3A, %broadcast_in_dim3A_1396], %gather3A_1395 : memref<16x512xf32, #tpu.memory_space<vmem>>[vector<16xi32>, vector<16xi32>], vector<16xf32>,
      %mul3A_1397 = arith.constant 16 : i32
      %mul3A_1398 = arith.muli %add3A_1383, %mul3A_1397 : i32
      %add3A_1399 = arith.constant 1 : i32
      %add3A_1400 = arith.addi %mul3A_1398, %add3A_1399 : i32
      %slice3A_1401 = vector.extract_strided_slice %get3A_1387 {offsets = [1], sizes = [1], strides = [1]} : vector<16xi32> to vector<1xi32>
      %squeeze3A_1402 = vector.extract %slice3A_1401[0] : i32 from vector<1xi32>
      %broadcast_in_dim3A_1403 = vector.broadcast %squeeze3A_1402 : i32 to vector<16xi32>
      %gather3A_1404 = tpu.vector_load_idx %arg10[%iota3A, %broadcast_in_dim3A_1403] : memref<16x128xf32, #tpu.memory_space<vmem>>[vector<16xi32>, vector<16xi32>], vector<16xf32>,
      %broadcast_in_dim3A_1405 = vector.broadcast %add3A_1400 : i32 to vector<16xi32>
      tpu.vector_store_idx %arg13[%iota3A, %broadcast_in_dim3A_1405], %gather3A_1404 : memref<16x512xf32, #tpu.memory_space<vmem>>[vector<16xi32>, vector<16xi32>], vector<16xf32>,
      %mul3A_1406 = arith.constant 16 : i32
      %mul3A_1407 = arith.muli %add3A_1383, %mul3A_1406 : i32
      %add3A_1408 = arith.constant 2 : i32
      %add3A_1409 = arith.addi %mul3A_1407, %add3A_1408 : i32
      %slice3A_1410 = vector.extract_strided_slice %get3A_1387 {offsets = [2], sizes = [1], strides = [1]} : vector<16xi32> to vector<1xi32>
      %squeeze3A_1411 = vector.extract %slice3A_1410[0] : i32 from vector<1xi32>
      %broadcast_in_dim3A_1412 = vector.broadcast %squeeze3A_1411 : i32 to vector<16xi32>
      %gather3A_1413 = tpu.vector_load_idx %arg10[%iota3A, %broadcast_in_dim3A_1412] : memref<16x128xf32, #tpu.memory_space<vmem>>[vector<16xi32>, vector<16xi32>], vector<16xf32>,
      %broadcast_in_dim3A_1414 = vector.broadcast %add3A_1409 : i32 to vector<16xi32>
      tpu.vector_store_idx %arg13[%iota3A, %broadcast_in_dim3A_1414], %gather3A_1413 : memref<16x512xf32, #tpu.memory_space<vmem>>[vector<16xi32>, vector<16xi32>], vector<16xf32>,
      %mul3A_1415 = arith.constant 16 : i32
      %mul3A_1416 = arith.muli %add3A_1383, %mul3A_1415 : i32
      %add3A_1417 = arith.constant 3 : i32
      %add3A_1418 = arith.addi %mul3A_1416, %add3A_1417 : i32
      %slice3A_1419 = vector.extract_strided_slice %get3A_1387 {offsets = [3], sizes = [1], strides = [1]} : vector<16xi32> to vector<1xi32>
      %squeeze3A_1420 = vector.extract %slice3A_1419[0] : i32 from vector<1xi32>
      %broadcast_in_dim3A_1421 = vector.broadcast %squeeze3A_1420 : i32 to vector<16xi32>
      %gather3A_1422 = tpu.vector_load_idx %arg10[%iota3A, %broadcast_in_dim3A_1421] : memref<16x128xf32, #tpu.memory_space<vmem>>[vector<16xi32>, vector<16xi32>], vector<16xf32>,
      %broadcast_in_dim3A_1423 = vector.broadcast %add3A_1418 : i32 to vector<16xi32>
      tpu.vector_store_idx %arg13[%iota3A, %broadcast_in_dim3A_1423], %gather3A_1422 : memref<16x512xf32, #tpu.memory_space<vmem>>[vector<16xi32>, vector<16xi32>], vector<16xf32>,
      %mul3A_1424 = arith.constant 16 : i32
      %mul3A_1425 = arith.muli %add3A_1383, %mul3A_1424 : i32
      %add3A_1426 = arith.constant 4 : i32
      %add3A_1427 = arith.addi %mul3A_1425, %add3A_1426 : i32
      %slice3A_1428 = vector.extract_strided_slice %get3A_1387 {offsets = [4], sizes = [1], strides = [1]} : vector<16xi32> to vector<1xi32>
      %squeeze3A_1429 = vector.extract %slice3A_1428[0] : i32 from vector<1xi32>
      %broadcast_in_dim3A_1430 = vector.broadcast %squeeze3A_1429 : i32 to vector<16xi32>
      %gather3A_1431 = tpu.vector_load_idx %arg10[%iota3A, %broadcast_in_dim3A_1430] : memref<16x128xf32, #tpu.memory_space<vmem>>[vector<16xi32>, vector<16xi32>], vector<16xf32>,
      %broadcast_in_dim3A_1432 = vector.broadcast %add3A_1427 : i32 to vector<16xi32>
      tpu.vector_store_idx %arg13[%iota3A, %broadcast_in_dim3A_1432], %gather3A_1431 : memref<16x512xf32, #tpu.memory_space<vmem>>[vector<16xi32>, vector<16xi32>], vector<16xf32>,
      %mul3A_1433 = arith.constant 16 : i32
      %mul3A_1434 = arith.muli %add3A_1383, %mul3A_1433 : i32
      %add3A_1435 = arith.constant 5 : i32
      %add3A_1436 = arith.addi %mul3A_1434, %add3A_1435 : i32
      %slice3A_1437 = vector.extract_strided_slice %get3A_1387 {offsets = [5], sizes = [1], strides = [1]} : vector<16xi32> to vector<1xi32>
      %squeeze3A_1438 = vector.extract %slice3A_1437[0] : i32 from vector<1xi32>
      %broadcast_in_dim3A_1439 = vector.broadcast %squeeze3A_1438 : i32 to vector<16xi32>
      %gather3A_1440 = tpu.vector_load_idx %arg10[%iota3A, %broadcast_in_dim3A_1439] : memref<16x128xf32, #tpu.memory_space<vmem>>[vector<16xi32>, vector<16xi32>], vector<16xf32>,
      %broadcast_in_dim3A_1441 = vector.broadcast %add3A_1436 : i32 to vector<16xi32>
      tpu.vector_store_idx %arg13[%iota3A, %broadcast_in_dim3A_1441], %gather3A_1440 : memref<16x512xf32, #tpu.memory_space<vmem>>[vector<16xi32>, vector<16xi32>], vector<16xf32>,
      %mul3A_1442 = arith.constant 16 : i32
      %mul3A_1443 = arith.muli %add3A_1383, %mul3A_1442 : i32
      %add3A_1444 = arith.constant 6 : i32
      %add3A_1445 = arith.addi %mul3A_1443, %add3A_1444 : i32
      %slice3A_1446 = vector.extract_strided_slice %get3A_1387 {offsets = [6], sizes = [1], strides = [1]} : vector<16xi32> to vector<1xi32>
      %squeeze3A_1447 = vector.extract %slice3A_1446[0] : i32 from vector<1xi32>
      %broadcast_in_dim3A_1448 = vector.broadcast %squeeze3A_1447 : i32 to vector<16xi32>
      %gather3A_1449 = tpu.vector_load_idx %arg10[%iota3A, %broadcast_in_dim3A_1448] : memref<16x128xf32, #tpu.memory_space<vmem>>[vector<16xi32>, vector<16xi32>], vector<16xf32>,
      %broadcast_in_dim3A_1450 = vector.broadcast %add3A_1445 : i32 to vector<16xi32>
      tpu.vector_store_idx %arg13[%iota3A, %broadcast_in_dim3A_1450], %gather3A_1449 : memref<16x512xf32, #tpu.memory_space<vmem>>[vector<16xi32>, vector<16xi32>], vector<16xf32>,
      %mul3A_1451 = arith.constant 16 : i32
      %mul3A_1452 = arith.muli %add3A_1383, %mul3A_1451 : i32
      %add3A_1453 = arith.constant 7 : i32
      %add3A_1454 = arith.addi %mul3A_1452, %add3A_1453 : i32
      %slice3A_1455 = vector.extract_strided_slice %get3A_1387 {offsets = [7], sizes = [1], strides = [1]} : vector<16xi32> to vector<1xi32>
      %squeeze3A_1456 = vector.extract %slice3A_1455[0] : i32 from vector<1xi32>
      %broadcast_in_dim3A_1457 = vector.broadcast %squeeze3A_1456 : i32 to vector<16xi32>
      %gather3A_1458 = tpu.vector_load_idx %arg10[%iota3A, %broadcast_in_dim3A_1457] : memref<16x128xf32, #tpu.memory_space<vmem>>[vector<16xi32>, vector<16xi32>], vector<16xf32>,
      %broadcast_in_dim3A_1459 = vector.broadcast %add3A_1454 : i32 to vector<16xi32>
      tpu.vector_store_idx %arg13[%iota3A, %broadcast_in_dim3A_1459], %gather3A_1458 : memref<16x512xf32, #tpu.memory_space<vmem>>[vector<16xi32>, vector<16xi32>], vector<16xf32>,
      %mul3A_1460 = arith.constant 16 : i32
      %mul3A_1461 = arith.muli %add3A_1383, %mul3A_1460 : i32
      %add3A_1462 = arith.constant 8 : i32
      %add3A_1463 = arith.addi %mul3A_1461, %add3A_1462 : i32
      %slice3A_1464 = vector.extract_strided_slice %get3A_1387 {offsets = [8], sizes = [1], strides = [1]} : vector<16xi32> to vector<1xi32>
      %squeeze3A_1465 = vector.extract %slice3A_1464[0] : i32 from vector<1xi32>
      %broadcast_in_dim3A_1466 = vector.broadcast %squeeze3A_1465 : i32 to vector<16xi32>
      %gather3A_1467 = tpu.vector_load_idx %arg10[%iota3A, %broadcast_in_dim3A_1466] : memref<16x128xf32, #tpu.memory_space<vmem>>[vector<16xi32>, vector<16xi32>], vector<16xf32>,
      %broadcast_in_dim3A_1468 = vector.broadcast %add3A_1463 : i32 to vector<16xi32>
      tpu.vector_store_idx %arg13[%iota3A, %broadcast_in_dim3A_1468], %gather3A_1467 : memref<16x512xf32, #tpu.memory_space<vmem>>[vector<16xi32>, vector<16xi32>], vector<16xf32>,
      %mul3A_1469 = arith.constant 16 : i32
      %mul3A_1470 = arith.muli %add3A_1383, %mul3A_1469 : i32
      %add3A_1471 = arith.constant 9 : i32
      %add3A_1472 = arith.addi %mul3A_1470, %add3A_1471 : i32
      %slice3A_1473 = vector.extract_strided_slice %get3A_1387 {offsets = [9], sizes = [1], strides = [1]} : vector<16xi32> to vector<1xi32>
      %squeeze3A_1474 = vector.extract %slice3A_1473[0] : i32 from vector<1xi32>
      %broadcast_in_dim3A_1475 = vector.broadcast %squeeze3A_1474 : i32 to vector<16xi32>
      %gather3A_1476 = tpu.vector_load_idx %arg10[%iota3A, %broadcast_in_dim3A_1475] : memref<16x128xf32, #tpu.memory_space<vmem>>[vector<16xi32>, vector<16xi32>], vector<16xf32>,
      %broadcast_in_dim3A_1477 = vector.broadcast %add3A_1472 : i32 to vector<16xi32>
      tpu.vector_store_idx %arg13[%iota3A, %broadcast_in_dim3A_1477], %gather3A_1476 : memref<16x512xf32, #tpu.memory_space<vmem>>[vector<16xi32>, vector<16xi32>], vector<16xf32>,
      %mul3A_1478 = arith.constant 16 : i32
      %mul3A_1479 = arith.muli %add3A_1383, %mul3A_1478 : i32
      %add3A_1480 = arith.constant 10 : i32
      %add3A_1481 = arith.addi %mul3A_1479, %add3A_1480 : i32
      %slice3A_1482 = vector.extract_strided_slice %get3A_1387 {offsets = [10], sizes = [1], strides = [1]} : vector<16xi32> to vector<1xi32>
      %squeeze3A_1483 = vector.extract %slice3A_1482[0] : i32 from vector<1xi32>
      %broadcast_in_dim3A_1484 = vector.broadcast %squeeze3A_1483 : i32 to vector<16xi32>
      %gather3A_1485 = tpu.vector_load_idx %arg10[%iota3A, %broadcast_in_dim3A_1484] : memref<16x128xf32, #tpu.memory_space<vmem>>[vector<16xi32>, vector<16xi32>], vector<16xf32>,
      %broadcast_in_dim3A_1486 = vector.broadcast %add3A_1481 : i32 to vector<16xi32>
      tpu.vector_store_idx %arg13[%iota3A, %broadcast_in_dim3A_1486], %gather3A_1485 : memref<16x512xf32, #tpu.memory_space<vmem>>[vector<16xi32>, vector<16xi32>], vector<16xf32>,
      %mul3A_1487 = arith.constant 16 : i32
      %mul3A_1488 = arith.muli %add3A_1383, %mul3A_1487 : i32
      %add3A_1489 = arith.constant 11 : i32
      %add3A_1490 = arith.addi %mul3A_1488, %add3A_1489 : i32
      %slice3A_1491 = vector.extract_strided_slice %get3A_1387 {offsets = [11], sizes = [1], strides = [1]} : vector<16xi32> to vector<1xi32>
      %squeeze3A_1492 = vector.extract %slice3A_1491[0] : i32 from vector<1xi32>
      %broadcast_in_dim3A_1493 = vector.broadcast %squeeze3A_1492 : i32 to vector<16xi32>
      %gather3A_1494 = tpu.vector_load_idx %arg10[%iota3A, %broadcast_in_dim3A_1493] : memref<16x128xf32, #tpu.memory_space<vmem>>[vector<16xi32>, vector<16xi32>], vector<16xf32>,
      %broadcast_in_dim3A_1495 = vector.broadcast %add3A_1490 : i32 to vector<16xi32>
      tpu.vector_store_idx %arg13[%iota3A, %broadcast_in_dim3A_1495], %gather3A_1494 : memref<16x512xf32, #tpu.memory_space<vmem>>[vector<16xi32>, vector<16xi32>], vector<16xf32>,
      %mul3A_1496 = arith.constant 16 : i32
      %mul3A_1497 = arith.muli %add3A_1383, %mul3A_1496 : i32
      %add3A_1498 = arith.constant 12 : i32
      %add3A_1499 = arith.addi %mul3A_1497, %add3A_1498 : i32
      %slice3A_1500 = vector.extract_strided_slice %get3A_1387 {offsets = [12], sizes = [1], strides = [1]} : vector<16xi32> to vector<1xi32>
      %squeeze3A_1501 = vector.extract %slice3A_1500[0] : i32 from vector<1xi32>
      %broadcast_in_dim3A_1502 = vector.broadcast %squeeze3A_1501 : i32 to vector<16xi32>
      %gather3A_1503 = tpu.vector_load_idx %arg10[%iota3A, %broadcast_in_dim3A_1502] : memref<16x128xf32, #tpu.memory_space<vmem>>[vector<16xi32>, vector<16xi32>], vector<16xf32>,
      %broadcast_in_dim3A_1504 = vector.broadcast %add3A_1499 : i32 to vector<16xi32>
      tpu.vector_store_idx %arg13[%iota3A, %broadcast_in_dim3A_1504], %gather3A_1503 : memref<16x512xf32, #tpu.memory_space<vmem>>[vector<16xi32>, vector<16xi32>], vector<16xf32>,
      %mul3A_1505 = arith.constant 16 : i32
      %mul3A_1506 = arith.muli %add3A_1383, %mul3A_1505 : i32
      %add3A_1507 = arith.constant 13 : i32
      %add3A_1508 = arith.addi %mul3A_1506, %add3A_1507 : i32
      %slice3A_1509 = vector.extract_strided_slice %get3A_1387 {offsets = [13], sizes = [1], strides = [1]} : vector<16xi32> to vector<1xi32>
      %squeeze3A_1510 = vector.extract %slice3A_1509[0] : i32 from vector<1xi32>
      %broadcast_in_dim3A_1511 = vector.broadcast %squeeze3A_1510 : i32 to vector<16xi32>
      %gather3A_1512 = tpu.vector_load_idx %arg10[%iota3A, %broadcast_in_dim3A_1511] : memref<16x128xf32, #tpu.memory_space<vmem>>[vector<16xi32>, vector<16xi32>], vector<16xf32>,
      %broadcast_in_dim3A_1513 = vector.broadcast %add3A_1508 : i32 to vector<16xi32>
      tpu.vector_store_idx %arg13[%iota3A, %broadcast_in_dim3A_1513], %gather3A_1512 : memref<16x512xf32, #tpu.memory_space<vmem>>[vector<16xi32>, vector<16xi32>], vector<16xf32>,
      %mul3A_1514 = arith.constant 16 : i32
      %mul3A_1515 = arith.muli %add3A_1383, %mul3A_1514 : i32
      %add3A_1516 = arith.constant 14 : i32
      %add3A_1517 = arith.addi %mul3A_1515, %add3A_1516 : i32
      %slice3A_1518 = vector.extract_strided_slice %get3A_1387 {offsets = [14], sizes = [1], strides = [1]} : vector<16xi32> to vector<1xi32>
      %squeeze3A_1519 = vector.extract %slice3A_1518[0] : i32 from vector<1xi32>
      %broadcast_in_dim3A_1520 = vector.broadcast %squeeze3A_1519 : i32 to vector<16xi32>
      %gather3A_1521 = tpu.vector_load_idx %arg10[%iota3A, %broadcast_in_dim3A_1520] : memref<16x128xf32, #tpu.memory_space<vmem>>[vector<16xi32>, vector<16xi32>], vector<16xf32>,
      %broadcast_in_dim3A_1522 = vector.broadcast %add3A_1517 : i32 to vector<16xi32>
      tpu.vector_store_idx %arg13[%iota3A, %broadcast_in_dim3A_1522], %gather3A_1521 : memref<16x512xf32, #tpu.memory_space<vmem>>[vector<16xi32>, vector<16xi32>], vector<16xf32>,
      %mul3A_1523 = arith.constant 16 : i32
      %mul3A_1524 = arith.muli %add3A_1383, %mul3A_1523 : i32
      %add3A_1525 = arith.constant 15 : i32
      %add3A_1526 = arith.addi %mul3A_1524, %add3A_1525 : i32
      %slice3A_1527 = vector.extract_strided_slice %get3A_1387 {offsets = [15], sizes = [1], strides = [1]} : vector<16xi32> to vector<1xi32>
      %squeeze3A_1528 = vector.extract %slice3A_1527[0] : i32 from vector<1xi32>
      %broadcast_in_dim3A_1529 = vector.broadcast %squeeze3A_1528 : i32 to vector<16xi32>
      %gather3A_1530 = tpu.vector_load_idx %arg10[%iota3A, %broadcast_in_dim3A_1529] : memref<16x128xf32, #tpu.memory_space<vmem>>[vector<16xi32>, vector<16xi32>], vector<16xf32>,
      %broadcast_in_dim3A_1531 = vector.broadcast %add3A_1526 : i32 to vector<16xi32>
      tpu.vector_store_idx %arg13[%iota3A, %broadcast_in_dim3A_1531], %gather3A_1530 : memref<16x512xf32, #tpu.memory_space<vmem>>[vector<16xi32>, vector<16xi32>], vector<16xf32>,
      %dma_wait3A_1532 = arith.constant 1 : i32
      %dma_wait3A_1533 = arith.constant 0 : i32
      %dma_wait3A_1534 = arith.constant 0 : i32
      %dma_wait3A_1535 = arith.constant 0 : i32
      %dma_wait3A_1536 = tpu.memref_slice %arg11[%dma_wait3A_1532, %dma_wait3A_1533, %dma_wait3A_1534, %dma_wait3A_1535] : memref<2x16x16x128xf32, #tpu.memory_space<vmem>> -> memref<1x1x16x128xf32, #tpu.memory_space<vmem>>
      %dma_wait3A_1537 = tpu.memref_squeeze %dma_wait3A_1536 : memref<1x1x16x128xf32, #tpu.memory_space<vmem>> -> memref<16x128xf32, #tpu.memory_space<vmem>>
      %dma_wait3A_1538 = arith.constant 0 : i32
      %dma_wait3A_1539 = arith.constant 0 : i32
      %dma_wait3A_1540 = tpu.memref_slice %arg4[%dma_wait3A_1538, %dma_wait3A_1539] : memref<16x1000000xf32, #tpu.memory_space<hbm>> -> memref<16x128xf32, #tpu.memory_space<hbm>>
      %dma_wait3A_1541 = arith.constant 0 : i32
      %dma_wait3A_1542 = arith.constant 0 : i32
      %dma_wait3A_1543 = tpu.memref_slice %arg11[%dma_wait3A_1532, %dma_wait3A_1533, %dma_wait3A_1541, %dma_wait3A_1542] : memref<2x16x16x128xf32, #tpu.memory_space<vmem>> -> memref<1x1x16x128xf32, #tpu.memory_space<vmem>>
      %dma_wait3A_1544 = tpu.memref_squeeze %dma_wait3A_1543 : memref<1x1x16x128xf32, #tpu.memory_space<vmem>> -> memref<16x128xf32, #tpu.memory_space<vmem>>
      %dma_wait3A_1545 = arith.constant 0 : i32
      %dma_wait3A_1546 = arith.constant 0 : i32
      %dma_wait3A_1547 = tpu.memref_slice %arg4[%dma_wait3A_1545, %dma_wait3A_1546] : memref<16x1000000xf32, #tpu.memory_space<hbm>> -> memref<16x128xf32, #tpu.memory_space<hbm>>
      tpu.wait_dma2 semaphore(%arg15 : memref<!tpu.dma_semaphore, #tpu.memory_space<semaphore_mem>>) src(%dma_wait3A_1547 : memref<16x128xf32, #tpu.memory_space<hbm>>) dst(%dma_wait3A_1544 : memref<16x128xf32, #tpu.memory_space<vmem>>)
      %dma_wait3A_1548 = arith.constant 1 : i32
      %dma_wait3A_1549 = arith.constant 1 : i32
      %dma_wait3A_1550 = arith.constant 0 : i32
      %dma_wait3A_1551 = arith.constant 0 : i32
      %dma_wait3A_1552 = tpu.memref_slice %arg11[%dma_wait3A_1548, %dma_wait3A_1549, %dma_wait3A_1550, %dma_wait3A_1551] : memref<2x16x16x128xf32, #tpu.memory_space<vmem>> -> memref<1x1x16x128xf32, #tpu.memory_space<vmem>>
      %dma_wait3A_1553 = tpu.memref_squeeze %dma_wait3A_1552 : memref<1x1x16x128xf32, #tpu.memory_space<vmem>> -> memref<16x128xf32, #tpu.memory_space<vmem>>
      %dma_wait3A_1554 = arith.constant 0 : i32
      %dma_wait3A_1555 = arith.constant 0 : i32
      %dma_wait3A_1556 = tpu.memref_slice %arg4[%dma_wait3A_1554, %dma_wait3A_1555] : memref<16x1000000xf32, #tpu.memory_space<hbm>> -> memref<16x128xf32, #tpu.memory_space<hbm>>
      %dma_wait3A_1557 = arith.constant 0 : i32
      %dma_wait3A_1558 = arith.constant 0 : i32
      %dma_wait3A_1559 = tpu.memref_slice %arg11[%dma_wait3A_1548, %dma_wait3A_1549, %dma_wait3A_1557, %dma_wait3A_1558] : memref<2x16x16x128xf32, #tpu.memory_space<vmem>> -> memref<1x1x16x128xf32, #tpu.memory_space<vmem>>
      %dma_wait3A_1560 = tpu.memref_squeeze %dma_wait3A_1559 : memref<1x1x16x128xf32, #tpu.memory_space<vmem>> -> memref<16x128xf32, #tpu.memory_space<vmem>>
      %dma_wait3A_1561 = arith.constant 0 : i32
      %dma_wait3A_1562 = arith.constant 0 : i32
      %dma_wait3A_1563 = tpu.memref_slice %arg4[%dma_wait3A_1561, %dma_wait3A_1562] : memref<16x1000000xf32, #tpu.memory_space<hbm>> -> memref<16x128xf32, #tpu.memory_space<hbm>>
      tpu.wait_dma2 semaphore(%arg15 : memref<!tpu.dma_semaphore, #tpu.memory_space<semaphore_mem>>) src(%dma_wait3A_1563 : memref<16x128xf32, #tpu.memory_space<hbm>>) dst(%dma_wait3A_1560 : memref<16x128xf32, #tpu.memory_space<vmem>>)
      %dma_wait3A_1564 = arith.constant 1 : i32
      %dma_wait3A_1565 = arith.constant 2 : i32
      %dma_wait3A_1566 = arith.constant 0 : i32
      %dma_wait3A_1567 = arith.constant 0 : i32
      %dma_wait3A_1568 = tpu.memref_slice %arg11[%dma_wait3A_1564, %dma_wait3A_1565, %dma_wait3A_1566, %dma_wait3A_1567] : memref<2x16x16x128xf32, #tpu.memory_space<vmem>> -> memref<1x1x16x128xf32, #tpu.memory_space<vmem>>
      %dma_wait3A_1569 = tpu.memref_squeeze %dma_wait3A_1568 : memref<1x1x16x128xf32, #tpu.memory_space<vmem>> -> memref<16x128xf32, #tpu.memory_space<vmem>>
      %dma_wait3A_1570 = arith.constant 0 : i32
      %dma_wait3A_1571 = arith.constant 0 : i32
      %dma_wait3A_1572 = tpu.memref_slice %arg4[%dma_wait3A_1570, %dma_wait3A_1571] : memref<16x1000000xf32, #tpu.memory_space<hbm>> -> memref<16x128xf32, #tpu.memory_space<hbm>>
      %dma_wait3A_1573 = arith.constant 0 : i32
      %dma_wait3A_1574 = arith.constant 0 : i32
      %dma_wait3A_1575 = tpu.memref_slice %arg11[%dma_wait3A_1564, %dma_wait3A_1565, %dma_wait3A_1573, %dma_wait3A_1574] : memref<2x16x16x128xf32, #tpu.memory_space<vmem>> -> memref<1x1x16x128xf32, #tpu.memory_space<vmem>>
      %dma_wait3A_1576 = tpu.memref_squeeze %dma_wait3A_1575 : memref<1x1x16x128xf32, #tpu.memory_space<vmem>> -> memref<16x128xf32, #tpu.memory_space<vmem>>
      %dma_wait3A_1577 = arith.constant 0 : i32
      %dma_wait3A_1578 = arith.constant 0 : i32
      %dma_wait3A_1579 = tpu.memref_slice %arg4[%dma_wait3A_1577, %dma_wait3A_1578] : memref<16x1000000xf32, #tpu.memory_space<hbm>> -> memref<16x128xf32, #tpu.memory_space<hbm>>
      tpu.wait_dma2 semaphore(%arg15 : memref<!tpu.dma_semaphore, #tpu.memory_space<semaphore_mem>>) src(%dma_wait3A_1579 : memref<16x128xf32, #tpu.memory_space<hbm>>) dst(%dma_wait3A_1576 : memref<16x128xf32, #tpu.memory_space<vmem>>)
      %dma_wait3A_1580 = arith.constant 1 : i32
      %dma_wait3A_1581 = arith.constant 3 : i32
      %dma_wait3A_1582 = arith.constant 0 : i32
      %dma_wait3A_1583 = arith.constant 0 : i32
      %dma_wait3A_1584 = tpu.memref_slice %arg11[%dma_wait3A_1580, %dma_wait3A_1581, %dma_wait3A_1582, %dma_wait3A_1583] : memref<2x16x16x128xf32, #tpu.memory_space<vmem>> -> memref<1x1x16x128xf32, #tpu.memory_space<vmem>>
      %dma_wait3A_1585 = tpu.memref_squeeze %dma_wait3A_1584 : memref<1x1x16x128xf32, #tpu.memory_space<vmem>> -> memref<16x128xf32, #tpu.memory_space<vmem>>
      %dma_wait3A_1586 = arith.constant 0 : i32
      %dma_wait3A_1587 = arith.constant 0 : i32
      %dma_wait3A_1588 = tpu.memref_slice %arg4[%dma_wait3A_1586, %dma_wait3A_1587] : memref<16x1000000xf32, #tpu.memory_space<hbm>> -> memref<16x128xf32, #tpu.memory_space<hbm>>
      %dma_wait3A_1589 = arith.constant 0 : i32
      %dma_wait3A_1590 = arith.constant 0 : i32
      %dma_wait3A_1591 = tpu.memref_slice %arg11[%dma_wait3A_1580, %dma_wait3A_1581, %dma_wait3A_1589, %dma_wait3A_1590] : memref<2x16x16x128xf32, #tpu.memory_space<vmem>> -> memref<1x1x16x128xf32, #tpu.memory_space<vmem>>
      %dma_wait3A_1592 = tpu.memref_squeeze %dma_wait3A_1591 : memref<1x1x16x128xf32, #tpu.memory_space<vmem>> -> memref<16x128xf32, #tpu.memory_space<vmem>>
      %dma_wait3A_1593 = arith.constant 0 : i32
      %dma_wait3A_1594 = arith.constant 0 : i32
      %dma_wait3A_1595 = tpu.memref_slice %arg4[%dma_wait3A_1593, %dma_wait3A_1594] : memref<16x1000000xf32, #tpu.memory_space<hbm>> -> memref<16x128xf32, #tpu.memory_space<hbm>>
      tpu.wait_dma2 semaphore(%arg15 : memref<!tpu.dma_semaphore, #tpu.memory_space<semaphore_mem>>) src(%dma_wait3A_1595 : memref<16x128xf32, #tpu.memory_space<hbm>>) dst(%dma_wait3A_1592 : memref<16x128xf32, #tpu.memory_space<vmem>>)
      %dma_wait3A_1596 = arith.constant 1 : i32
      %dma_wait3A_1597 = arith.constant 4 : i32
      %dma_wait3A_1598 = arith.constant 0 : i32
      %dma_wait3A_1599 = arith.constant 0 : i32
      %dma_wait3A_1600 = tpu.memref_slice %arg11[%dma_wait3A_1596, %dma_wait3A_1597, %dma_wait3A_1598, %dma_wait3A_1599] : memref<2x16x16x128xf32, #tpu.memory_space<vmem>> -> memref<1x1x16x128xf32, #tpu.memory_space<vmem>>
      %dma_wait3A_1601 = tpu.memref_squeeze %dma_wait3A_1600 : memref<1x1x16x128xf32, #tpu.memory_space<vmem>> -> memref<16x128xf32, #tpu.memory_space<vmem>>
      %dma_wait3A_1602 = arith.constant 0 : i32
      %dma_wait3A_1603 = arith.constant 0 : i32
      %dma_wait3A_1604 = tpu.memref_slice %arg4[%dma_wait3A_1602, %dma_wait3A_1603] : memref<16x1000000xf32, #tpu.memory_space<hbm>> -> memref<16x128xf32, #tpu.memory_space<hbm>>
      %dma_wait3A_1605 = arith.constant 0 : i32
      %dma_wait3A_1606 = arith.constant 0 : i32
      %dma_wait3A_1607 = tpu.memref_slice %arg11[%dma_wait3A_1596, %dma_wait3A_1597, %dma_wait3A_1605, %dma_wait3A_1606] : memref<2x16x16x128xf32, #tpu.memory_space<vmem>> -> memref<1x1x16x128xf32, #tpu.memory_space<vmem>>
      %dma_wait3A_1608 = tpu.memref_squeeze %dma_wait3A_1607 : memref<1x1x16x128xf32, #tpu.memory_space<vmem>> -> memref<16x128xf32, #tpu.memory_space<vmem>>
      %dma_wait3A_1609 = arith.constant 0 : i32
      %dma_wait3A_1610 = arith.constant 0 : i32
      %dma_wait3A_1611 = tpu.memref_slice %arg4[%dma_wait3A_1609, %dma_wait3A_1610] : memref<16x1000000xf32, #tpu.memory_space<hbm>> -> memref<16x128xf32, #tpu.memory_space<hbm>>
      tpu.wait_dma2 semaphore(%arg15 : memref<!tpu.dma_semaphore, #tpu.memory_space<semaphore_mem>>) src(%dma_wait3A_1611 : memref<16x128xf32, #tpu.memory_space<hbm>>) dst(%dma_wait3A_1608 : memref<16x128xf32, #tpu.memory_space<vmem>>)
      %dma_wait3A_1612 = arith.constant 1 : i32
      %dma_wait3A_1613 = arith.constant 5 : i32
      %dma_wait3A_1614 = arith.constant 0 : i32
      %dma_wait3A_1615 = arith.constant 0 : i32
      %dma_wait3A_1616 = tpu.memref_slice %arg11[%dma_wait3A_1612, %dma_wait3A_1613, %dma_wait3A_1614, %dma_wait3A_1615] : memref<2x16x16x128xf32, #tpu.memory_space<vmem>> -> memref<1x1x16x128xf32, #tpu.memory_space<vmem>>
      %dma_wait3A_1617 = tpu.memref_squeeze %dma_wait3A_1616 : memref<1x1x16x128xf32, #tpu.memory_space<vmem>> -> memref<16x128xf32, #tpu.memory_space<vmem>>
      %dma_wait3A_1618 = arith.constant 0 : i32
      %dma_wait3A_1619 = arith.constant 0 : i32
      %dma_wait3A_1620 = tpu.memref_slice %arg4[%dma_wait3A_1618, %dma_wait3A_1619] : memref<16x1000000xf32, #tpu.memory_space<hbm>> -> memref<16x128xf32, #tpu.memory_space<hbm>>
      %dma_wait3A_1621 = arith.constant 0 : i32
      %dma_wait3A_1622 = arith.constant 0 : i32
      %dma_wait3A_1623 = tpu.memref_slice %arg11[%dma_wait3A_1612, %dma_wait3A_1613, %dma_wait3A_1621, %dma_wait3A_1622] : memref<2x16x16x128xf32, #tpu.memory_space<vmem>> -> memref<1x1x16x128xf32, #tpu.memory_space<vmem>>
      %dma_wait3A_1624 = tpu.memref_squeeze %dma_wait3A_1623 : memref<1x1x16x128xf32, #tpu.memory_space<vmem>> -> memref<16x128xf32, #tpu.memory_space<vmem>>
      %dma_wait3A_1625 = arith.constant 0 : i32
      %dma_wait3A_1626 = arith.constant 0 : i32
      %dma_wait3A_1627 = tpu.memref_slice %arg4[%dma_wait3A_1625, %dma_wait3A_1626] : memref<16x1000000xf32, #tpu.memory_space<hbm>> -> memref<16x128xf32, #tpu.memory_space<hbm>>
      tpu.wait_dma2 semaphore(%arg15 : memref<!tpu.dma_semaphore, #tpu.memory_space<semaphore_mem>>) src(%dma_wait3A_1627 : memref<16x128xf32, #tpu.memory_space<hbm>>) dst(%dma_wait3A_1624 : memref<16x128xf32, #tpu.memory_space<vmem>>)
      %dma_wait3A_1628 = arith.constant 1 : i32
      %dma_wait3A_1629 = arith.constant 6 : i32
      %dma_wait3A_1630 = arith.constant 0 : i32
      %dma_wait3A_1631 = arith.constant 0 : i32
      %dma_wait3A_1632 = tpu.memref_slice %arg11[%dma_wait3A_1628, %dma_wait3A_1629, %dma_wait3A_1630, %dma_wait3A_1631] : memref<2x16x16x128xf32, #tpu.memory_space<vmem>> -> memref<1x1x16x128xf32, #tpu.memory_space<vmem>>
      %dma_wait3A_1633 = tpu.memref_squeeze %dma_wait3A_1632 : memref<1x1x16x128xf32, #tpu.memory_space<vmem>> -> memref<16x128xf32, #tpu.memory_space<vmem>>
      %dma_wait3A_1634 = arith.constant 0 : i32
      %dma_wait3A_1635 = arith.constant 0 : i32
      %dma_wait3A_1636 = tpu.memref_slice %arg4[%dma_wait3A_1634, %dma_wait3A_1635] : memref<16x1000000xf32, #tpu.memory_space<hbm>> -> memref<16x128xf32, #tpu.memory_space<hbm>>
      %dma_wait3A_1637 = arith.constant 0 : i32
      %dma_wait3A_1638 = arith.constant 0 : i32
      %dma_wait3A_1639 = tpu.memref_slice %arg11[%dma_wait3A_1628, %dma_wait3A_1629, %dma_wait3A_1637, %dma_wait3A_1638] : memref<2x16x16x128xf32, #tpu.memory_space<vmem>> -> memref<1x1x16x128xf32, #tpu.memory_space<vmem>>
      %dma_wait3A_1640 = tpu.memref_squeeze %dma_wait3A_1639 : memref<1x1x16x128xf32, #tpu.memory_space<vmem>> -> memref<16x128xf32, #tpu.memory_space<vmem>>
      %dma_wait3A_1641 = arith.constant 0 : i32
      %dma_wait3A_1642 = arith.constant 0 : i32
      %dma_wait3A_1643 = tpu.memref_slice %arg4[%dma_wait3A_1641, %dma_wait3A_1642] : memref<16x1000000xf32, #tpu.memory_space<hbm>> -> memref<16x128xf32, #tpu.memory_space<hbm>>
      tpu.wait_dma2 semaphore(%arg15 : memref<!tpu.dma_semaphore, #tpu.memory_space<semaphore_mem>>) src(%dma_wait3A_1643 : memref<16x128xf32, #tpu.memory_space<hbm>>) dst(%dma_wait3A_1640 : memref<16x128xf32, #tpu.memory_space<vmem>>)
      %dma_wait3A_1644 = arith.constant 1 : i32
      %dma_wait3A_1645 = arith.constant 7 : i32
      %dma_wait3A_1646 = arith.constant 0 : i32
      %dma_wait3A_1647 = arith.constant 0 : i32
      %dma_wait3A_1648 = tpu.memref_slice %arg11[%dma_wait3A_1644, %dma_wait3A_1645, %dma_wait3A_1646, %dma_wait3A_1647] : memref<2x16x16x128xf32, #tpu.memory_space<vmem>> -> memref<1x1x16x128xf32, #tpu.memory_space<vmem>>
      %dma_wait3A_1649 = tpu.memref_squeeze %dma_wait3A_1648 : memref<1x1x16x128xf32, #tpu.memory_space<vmem>> -> memref<16x128xf32, #tpu.memory_space<vmem>>
      %dma_wait3A_1650 = arith.constant 0 : i32
      %dma_wait3A_1651 = arith.constant 0 : i32
      %dma_wait3A_1652 = tpu.memref_slice %arg4[%dma_wait3A_1650, %dma_wait3A_1651] : memref<16x1000000xf32, #tpu.memory_space<hbm>> -> memref<16x128xf32, #tpu.memory_space<hbm>>
      %dma_wait3A_1653 = arith.constant 0 : i32
      %dma_wait3A_1654 = arith.constant 0 : i32
      %dma_wait3A_1655 = tpu.memref_slice %arg11[%dma_wait3A_1644, %dma_wait3A_1645, %dma_wait3A_1653, %dma_wait3A_1654] : memref<2x16x16x128xf32, #tpu.memory_space<vmem>> -> memref<1x1x16x128xf32, #tpu.memory_space<vmem>>
      %dma_wait3A_1656 = tpu.memref_squeeze %dma_wait3A_1655 : memref<1x1x16x128xf32, #tpu.memory_space<vmem>> -> memref<16x128xf32, #tpu.memory_space<vmem>>
      %dma_wait3A_1657 = arith.constant 0 : i32
      %dma_wait3A_1658 = arith.constant 0 : i32
      %dma_wait3A_1659 = tpu.memref_slice %arg4[%dma_wait3A_1657, %dma_wait3A_1658] : memref<16x1000000xf32, #tpu.memory_space<hbm>> -> memref<16x128xf32, #tpu.memory_space<hbm>>
      tpu.wait_dma2 semaphore(%arg15 : memref<!tpu.dma_semaphore, #tpu.memory_space<semaphore_mem>>) src(%dma_wait3A_1659 : memref<16x128xf32, #tpu.memory_space<hbm>>) dst(%dma_wait3A_1656 : memref<16x128xf32, #tpu.memory_space<vmem>>)
      %dma_wait3A_1660 = arith.constant 1 : i32
      %dma_wait3A_1661 = arith.constant 8 : i32
      %dma_wait3A_1662 = arith.constant 0 : i32
      %dma_wait3A_1663 = arith.constant 0 : i32
      %dma_wait3A_1664 = tpu.memref_slice %arg11[%dma_wait3A_1660, %dma_wait3A_1661, %dma_wait3A_1662, %dma_wait3A_1663] : memref<2x16x16x128xf32, #tpu.memory_space<vmem>> -> memref<1x1x16x128xf32, #tpu.memory_space<vmem>>
      %dma_wait3A_1665 = tpu.memref_squeeze %dma_wait3A_1664 : memref<1x1x16x128xf32, #tpu.memory_space<vmem>> -> memref<16x128xf32, #tpu.memory_space<vmem>>
      %dma_wait3A_1666 = arith.constant 0 : i32
      %dma_wait3A_1667 = arith.constant 0 : i32
      %dma_wait3A_1668 = tpu.memref_slice %arg4[%dma_wait3A_1666, %dma_wait3A_1667] : memref<16x1000000xf32, #tpu.memory_space<hbm>> -> memref<16x128xf32, #tpu.memory_space<hbm>>
      %dma_wait3A_1669 = arith.constant 0 : i32
      %dma_wait3A_1670 = arith.constant 0 : i32
      %dma_wait3A_1671 = tpu.memref_slice %arg11[%dma_wait3A_1660, %dma_wait3A_1661, %dma_wait3A_1669, %dma_wait3A_1670] : memref<2x16x16x128xf32, #tpu.memory_space<vmem>> -> memref<1x1x16x128xf32, #tpu.memory_space<vmem>>
      %dma_wait3A_1672 = tpu.memref_squeeze %dma_wait3A_1671 : memref<1x1x16x128xf32, #tpu.memory_space<vmem>> -> memref<16x128xf32, #tpu.memory_space<vmem>>
      %dma_wait3A_1673 = arith.constant 0 : i32
      %dma_wait3A_1674 = arith.constant 0 : i32
      %dma_wait3A_1675 = tpu.memref_slice %arg4[%dma_wait3A_1673, %dma_wait3A_1674] : memref<16x1000000xf32, #tpu.memory_space<hbm>> -> memref<16x128xf32, #tpu.memory_space<hbm>>
      tpu.wait_dma2 semaphore(%arg15 : memref<!tpu.dma_semaphore, #tpu.memory_space<semaphore_mem>>) src(%dma_wait3A_1675 : memref<16x128xf32, #tpu.memory_space<hbm>>) dst(%dma_wait3A_1672 : memref<16x128xf32, #tpu.memory_space<vmem>>)
      %dma_wait3A_1676 = arith.constant 1 : i32
      %dma_wait3A_1677 = arith.constant 9 : i32
      %dma_wait3A_1678 = arith.constant 0 : i32
      %dma_wait3A_1679 = arith.constant 0 : i32
      %dma_wait3A_1680 = tpu.memref_slice %arg11[%dma_wait3A_1676, %dma_wait3A_1677, %dma_wait3A_1678, %dma_wait3A_1679] : memref<2x16x16x128xf32, #tpu.memory_space<vmem>> -> memref<1x1x16x128xf32, #tpu.memory_space<vmem>>
      %dma_wait3A_1681 = tpu.memref_squeeze %dma_wait3A_1680 : memref<1x1x16x128xf32, #tpu.memory_space<vmem>> -> memref<16x128xf32, #tpu.memory_space<vmem>>
      %dma_wait3A_1682 = arith.constant 0 : i32
      %dma_wait3A_1683 = arith.constant 0 : i32
      %dma_wait3A_1684 = tpu.memref_slice %arg4[%dma_wait3A_1682, %dma_wait3A_1683] : memref<16x1000000xf32, #tpu.memory_space<hbm>> -> memref<16x128xf32, #tpu.memory_space<hbm>>
      %dma_wait3A_1685 = arith.constant 0 : i32
      %dma_wait3A_1686 = arith.constant 0 : i32
      %dma_wait3A_1687 = tpu.memref_slice %arg11[%dma_wait3A_1676, %dma_wait3A_1677, %dma_wait3A_1685, %dma_wait3A_1686] : memref<2x16x16x128xf32, #tpu.memory_space<vmem>> -> memref<1x1x16x128xf32, #tpu.memory_space<vmem>>
      %dma_wait3A_1688 = tpu.memref_squeeze %dma_wait3A_1687 : memref<1x1x16x128xf32, #tpu.memory_space<vmem>> -> memref<16x128xf32, #tpu.memory_space<vmem>>
      %dma_wait3A_1689 = arith.constant 0 : i32
      %dma_wait3A_1690 = arith.constant 0 : i32
      %dma_wait3A_1691 = tpu.memref_slice %arg4[%dma_wait3A_1689, %dma_wait3A_1690] : memref<16x1000000xf32, #tpu.memory_space<hbm>> -> memref<16x128xf32, #tpu.memory_space<hbm>>
      tpu.wait_dma2 semaphore(%arg15 : memref<!tpu.dma_semaphore, #tpu.memory_space<semaphore_mem>>) src(%dma_wait3A_1691 : memref<16x128xf32, #tpu.memory_space<hbm>>) dst(%dma_wait3A_1688 : memref<16x128xf32, #tpu.memory_space<vmem>>)
      %dma_wait3A_1692 = arith.constant 1 : i32
      %dma_wait3A_1693 = arith.constant 10 : i32
      %dma_wait3A_1694 = arith.constant 0 : i32
      %dma_wait3A_1695 = arith.constant 0 : i32
      %dma_wait3A_1696 = tpu.memref_slice %arg11[%dma_wait3A_1692, %dma_wait3A_1693, %dma_wait3A_1694, %dma_wait3A_1695] : memref<2x16x16x128xf32, #tpu.memory_space<vmem>> -> memref<1x1x16x128xf32, #tpu.memory_space<vmem>>
      %dma_wait3A_1697 = tpu.memref_squeeze %dma_wait3A_1696 : memref<1x1x16x128xf32, #tpu.memory_space<vmem>> -> memref<16x128xf32, #tpu.memory_space<vmem>>
      %dma_wait3A_1698 = arith.constant 0 : i32
      %dma_wait3A_1699 = arith.constant 0 : i32
      %dma_wait3A_1700 = tpu.memref_slice %arg4[%dma_wait3A_1698, %dma_wait3A_1699] : memref<16x1000000xf32, #tpu.memory_space<hbm>> -> memref<16x128xf32, #tpu.memory_space<hbm>>
      %dma_wait3A_1701 = arith.constant 0 : i32
      %dma_wait3A_1702 = arith.constant 0 : i32
      %dma_wait3A_1703 = tpu.memref_slice %arg11[%dma_wait3A_1692, %dma_wait3A_1693, %dma_wait3A_1701, %dma_wait3A_1702] : memref<2x16x16x128xf32, #tpu.memory_space<vmem>> -> memref<1x1x16x128xf32, #tpu.memory_space<vmem>>
      %dma_wait3A_1704 = tpu.memref_squeeze %dma_wait3A_1703 : memref<1x1x16x128xf32, #tpu.memory_space<vmem>> -> memref<16x128xf32, #tpu.memory_space<vmem>>
      %dma_wait3A_1705 = arith.constant 0 : i32
      %dma_wait3A_1706 = arith.constant 0 : i32
      %dma_wait3A_1707 = tpu.memref_slice %arg4[%dma_wait3A_1705, %dma_wait3A_1706] : memref<16x1000000xf32, #tpu.memory_space<hbm>> -> memref<16x128xf32, #tpu.memory_space<hbm>>
      tpu.wait_dma2 semaphore(%arg15 : memref<!tpu.dma_semaphore, #tpu.memory_space<semaphore_mem>>) src(%dma_wait3A_1707 : memref<16x128xf32, #tpu.memory_space<hbm>>) dst(%dma_wait3A_1704 : memref<16x128xf32, #tpu.memory_space<vmem>>)
      %dma_wait3A_1708 = arith.constant 1 : i32
      %dma_wait3A_1709 = arith.constant 11 : i32
      %dma_wait3A_1710 = arith.constant 0 : i32
      %dma_wait3A_1711 = arith.constant 0 : i32
      %dma_wait3A_1712 = tpu.memref_slice %arg11[%dma_wait3A_1708, %dma_wait3A_1709, %dma_wait3A_1710, %dma_wait3A_1711] : memref<2x16x16x128xf32, #tpu.memory_space<vmem>> -> memref<1x1x16x128xf32, #tpu.memory_space<vmem>>
      %dma_wait3A_1713 = tpu.memref_squeeze %dma_wait3A_1712 : memref<1x1x16x128xf32, #tpu.memory_space<vmem>> -> memref<16x128xf32, #tpu.memory_space<vmem>>
      %dma_wait3A_1714 = arith.constant 0 : i32
      %dma_wait3A_1715 = arith.constant 0 : i32
      %dma_wait3A_1716 = tpu.memref_slice %arg4[%dma_wait3A_1714, %dma_wait3A_1715] : memref<16x1000000xf32, #tpu.memory_space<hbm>> -> memref<16x128xf32, #tpu.memory_space<hbm>>
      %dma_wait3A_1717 = arith.constant 0 : i32
      %dma_wait3A_1718 = arith.constant 0 : i32
      %dma_wait3A_1719 = tpu.memref_slice %arg11[%dma_wait3A_1708, %dma_wait3A_1709, %dma_wait3A_1717, %dma_wait3A_1718] : memref<2x16x16x128xf32, #tpu.memory_space<vmem>> -> memref<1x1x16x128xf32, #tpu.memory_space<vmem>>
      %dma_wait3A_1720 = tpu.memref_squeeze %dma_wait3A_1719 : memref<1x1x16x128xf32, #tpu.memory_space<vmem>> -> memref<16x128xf32, #tpu.memory_space<vmem>>
      %dma_wait3A_1721 = arith.constant 0 : i32
      %dma_wait3A_1722 = arith.constant 0 : i32
      %dma_wait3A_1723 = tpu.memref_slice %arg4[%dma_wait3A_1721, %dma_wait3A_1722] : memref<16x1000000xf32, #tpu.memory_space<hbm>> -> memref<16x128xf32, #tpu.memory_space<hbm>>
      tpu.wait_dma2 semaphore(%arg15 : memref<!tpu.dma_semaphore, #tpu.memory_space<semaphore_mem>>) src(%dma_wait3A_1723 : memref<16x128xf32, #tpu.memory_space<hbm>>) dst(%dma_wait3A_1720 : memref<16x128xf32, #tpu.memory_space<vmem>>)
      %dma_wait3A_1724 = arith.constant 1 : i32
      %dma_wait3A_1725 = arith.constant 12 : i32
      %dma_wait3A_1726 = arith.constant 0 : i32
      %dma_wait3A_1727 = arith.constant 0 : i32
      %dma_wait3A_1728 = tpu.memref_slice %arg11[%dma_wait3A_1724, %dma_wait3A_1725, %dma_wait3A_1726, %dma_wait3A_1727] : memref<2x16x16x128xf32, #tpu.memory_space<vmem>> -> memref<1x1x16x128xf32, #tpu.memory_space<vmem>>
      %dma_wait3A_1729 = tpu.memref_squeeze %dma_wait3A_1728 : memref<1x1x16x128xf32, #tpu.memory_space<vmem>> -> memref<16x128xf32, #tpu.memory_space<vmem>>
      %dma_wait3A_1730 = arith.constant 0 : i32
      %dma_wait3A_1731 = arith.constant 0 : i32
      %dma_wait3A_1732 = tpu.memref_slice %arg4[%dma_wait3A_1730, %dma_wait3A_1731] : memref<16x1000000xf32, #tpu.memory_space<hbm>> -> memref<16x128xf32, #tpu.memory_space<hbm>>
      %dma_wait3A_1733 = arith.constant 0 : i32
      %dma_wait3A_1734 = arith.constant 0 : i32
      %dma_wait3A_1735 = tpu.memref_slice %arg11[%dma_wait3A_1724, %dma_wait3A_1725, %dma_wait3A_1733, %dma_wait3A_1734] : memref<2x16x16x128xf32, #tpu.memory_space<vmem>> -> memref<1x1x16x128xf32, #tpu.memory_space<vmem>>
      %dma_wait3A_1736 = tpu.memref_squeeze %dma_wait3A_1735 : memref<1x1x16x128xf32, #tpu.memory_space<vmem>> -> memref<16x128xf32, #tpu.memory_space<vmem>>
      %dma_wait3A_1737 = arith.constant 0 : i32
      %dma_wait3A_1738 = arith.constant 0 : i32
      %dma_wait3A_1739 = tpu.memref_slice %arg4[%dma_wait3A_1737, %dma_wait3A_1738] : memref<16x1000000xf32, #tpu.memory_space<hbm>> -> memref<16x128xf32, #tpu.memory_space<hbm>>
      tpu.wait_dma2 semaphore(%arg15 : memref<!tpu.dma_semaphore, #tpu.memory_space<semaphore_mem>>) src(%dma_wait3A_1739 : memref<16x128xf32, #tpu.memory_space<hbm>>) dst(%dma_wait3A_1736 : memref<16x128xf32, #tpu.memory_space<vmem>>)
      %dma_wait3A_1740 = arith.constant 1 : i32
      %dma_wait3A_1741 = arith.constant 13 : i32
      %dma_wait3A_1742 = arith.constant 0 : i32
      %dma_wait3A_1743 = arith.constant 0 : i32
      %dma_wait3A_1744 = tpu.memref_slice %arg11[%dma_wait3A_1740, %dma_wait3A_1741, %dma_wait3A_1742, %dma_wait3A_1743] : memref<2x16x16x128xf32, #tpu.memory_space<vmem>> -> memref<1x1x16x128xf32, #tpu.memory_space<vmem>>
      %dma_wait3A_1745 = tpu.memref_squeeze %dma_wait3A_1744 : memref<1x1x16x128xf32, #tpu.memory_space<vmem>> -> memref<16x128xf32, #tpu.memory_space<vmem>>
      %dma_wait3A_1746 = arith.constant 0 : i32
      %dma_wait3A_1747 = arith.constant 0 : i32
      %dma_wait3A_1748 = tpu.memref_slice %arg4[%dma_wait3A_1746, %dma_wait3A_1747] : memref<16x1000000xf32, #tpu.memory_space<hbm>> -> memref<16x128xf32, #tpu.memory_space<hbm>>
      %dma_wait3A_1749 = arith.constant 0 : i32
      %dma_wait3A_1750 = arith.constant 0 : i32
      %dma_wait3A_1751 = tpu.memref_slice %arg11[%dma_wait3A_1740, %dma_wait3A_1741, %dma_wait3A_1749, %dma_wait3A_1750] : memref<2x16x16x128xf32, #tpu.memory_space<vmem>> -> memref<1x1x16x128xf32, #tpu.memory_space<vmem>>
      %dma_wait3A_1752 = tpu.memref_squeeze %dma_wait3A_1751 : memref<1x1x16x128xf32, #tpu.memory_space<vmem>> -> memref<16x128xf32, #tpu.memory_space<vmem>>
      %dma_wait3A_1753 = arith.constant 0 : i32
      %dma_wait3A_1754 = arith.constant 0 : i32
      %dma_wait3A_1755 = tpu.memref_slice %arg4[%dma_wait3A_1753, %dma_wait3A_1754] : memref<16x1000000xf32, #tpu.memory_space<hbm>> -> memref<16x128xf32, #tpu.memory_space<hbm>>
      tpu.wait_dma2 semaphore(%arg15 : memref<!tpu.dma_semaphore, #tpu.memory_space<semaphore_mem>>) src(%dma_wait3A_1755 : memref<16x128xf32, #tpu.memory_space<hbm>>) dst(%dma_wait3A_1752 : memref<16x128xf32, #tpu.memory_space<vmem>>)
      %dma_wait3A_1756 = arith.constant 1 : i32
      %dma_wait3A_1757 = arith.constant 14 : i32
      %dma_wait3A_1758 = arith.constant 0 : i32
      %dma_wait3A_1759 = arith.constant 0 : i32
      %dma_wait3A_1760 = tpu.memref_slice %arg11[%dma_wait3A_1756, %dma_wait3A_1757, %dma_wait3A_1758, %dma_wait3A_1759] : memref<2x16x16x128xf32, #tpu.memory_space<vmem>> -> memref<1x1x16x128xf32, #tpu.memory_space<vmem>>
      %dma_wait3A_1761 = tpu.memref_squeeze %dma_wait3A_1760 : memref<1x1x16x128xf32, #tpu.memory_space<vmem>> -> memref<16x128xf32, #tpu.memory_space<vmem>>
      %dma_wait3A_1762 = arith.constant 0 : i32
      %dma_wait3A_1763 = arith.constant 0 : i32
      %dma_wait3A_1764 = tpu.memref_slice %arg4[%dma_wait3A_1762, %dma_wait3A_1763] : memref<16x1000000xf32, #tpu.memory_space<hbm>> -> memref<16x128xf32, #tpu.memory_space<hbm>>
      %dma_wait3A_1765 = arith.constant 0 : i32
      %dma_wait3A_1766 = arith.constant 0 : i32
      %dma_wait3A_1767 = tpu.memref_slice %arg11[%dma_wait3A_1756, %dma_wait3A_1757, %dma_wait3A_1765, %dma_wait3A_1766] : memref<2x16x16x128xf32, #tpu.memory_space<vmem>> -> memref<1x1x16x128xf32, #tpu.memory_space<vmem>>
      %dma_wait3A_1768 = tpu.memref_squeeze %dma_wait3A_1767 : memref<1x1x16x128xf32, #tpu.memory_space<vmem>> -> memref<16x128xf32, #tpu.memory_space<vmem>>
      %dma_wait3A_1769 = arith.constant 0 : i32
      %dma_wait3A_1770 = arith.constant 0 : i32
      %dma_wait3A_1771 = tpu.memref_slice %arg4[%dma_wait3A_1769, %dma_wait3A_1770] : memref<16x1000000xf32, #tpu.memory_space<hbm>> -> memref<16x128xf32, #tpu.memory_space<hbm>>
      tpu.wait_dma2 semaphore(%arg15 : memref<!tpu.dma_semaphore, #tpu.memory_space<semaphore_mem>>) src(%dma_wait3A_1771 : memref<16x128xf32, #tpu.memory_space<hbm>>) dst(%dma_wait3A_1768 : memref<16x128xf32, #tpu.memory_space<vmem>>)
      %dma_wait3A_1772 = arith.constant 1 : i32
      %dma_wait3A_1773 = arith.constant 15 : i32
      %dma_wait3A_1774 = arith.constant 0 : i32
      %dma_wait3A_1775 = arith.constant 0 : i32
      %dma_wait3A_1776 = tpu.memref_slice %arg11[%dma_wait3A_1772, %dma_wait3A_1773, %dma_wait3A_1774, %dma_wait3A_1775] : memref<2x16x16x128xf32, #tpu.memory_space<vmem>> -> memref<1x1x16x128xf32, #tpu.memory_space<vmem>>
      %dma_wait3A_1777 = tpu.memref_squeeze %dma_wait3A_1776 : memref<1x1x16x128xf32, #tpu.memory_space<vmem>> -> memref<16x128xf32, #tpu.memory_space<vmem>>
      %dma_wait3A_1778 = arith.constant 0 : i32
      %dma_wait3A_1779 = arith.constant 0 : i32
      %dma_wait3A_1780 = tpu.memref_slice %arg4[%dma_wait3A_1778, %dma_wait3A_1779] : memref<16x1000000xf32, #tpu.memory_space<hbm>> -> memref<16x128xf32, #tpu.memory_space<hbm>>
      %dma_wait3A_1781 = arith.constant 0 : i32
      %dma_wait3A_1782 = arith.constant 0 : i32
      %dma_wait3A_1783 = tpu.memref_slice %arg11[%dma_wait3A_1772, %dma_wait3A_1773, %dma_wait3A_1781, %dma_wait3A_1782] : memref<2x16x16x128xf32, #tpu.memory_space<vmem>> -> memref<1x1x16x128xf32, #tpu.memory_space<vmem>>
      %dma_wait3A_1784 = tpu.memref_squeeze %dma_wait3A_1783 : memref<1x1x16x128xf32, #tpu.memory_space<vmem>> -> memref<16x128xf32, #tpu.memory_space<vmem>>
      %dma_wait3A_1785 = arith.constant 0 : i32
      %dma_wait3A_1786 = arith.constant 0 : i32
      %dma_wait3A_1787 = tpu.memref_slice %arg4[%dma_wait3A_1785, %dma_wait3A_1786] : memref<16x1000000xf32, #tpu.memory_space<hbm>> -> memref<16x128xf32, #tpu.memory_space<hbm>>
      tpu.wait_dma2 semaphore(%arg15 : memref<!tpu.dma_semaphore, #tpu.memory_space<semaphore_mem>>) src(%dma_wait3A_1787 : memref<16x128xf32, #tpu.memory_space<hbm>>) dst(%dma_wait3A_1784 : memref<16x128xf32, #tpu.memory_space<vmem>>)
      %add3A_1788 = arith.constant 1 : i32
      %add3A_1789 = arith.addi %mul3A_358, %add3A_1788 : i32
      %mul3A_1790 = arith.constant 16 : i32
      %mul3A_1791 = arith.muli %add3A_1789, %mul3A_1790 : i32
      %get3A_1792 = arith.index_cast %mul3A_1791 : i32 to index
      %get3A_1793 = tpu.vector_load %arg8[%get3A_1792] {strides = array<i32>} : memref<512xi32, #tpu.memory_space<vmem>>, vector<16xi32>,
      %mul3A_1794 = arith.constant 16 : i32
      %mul3A_1795 = arith.muli %add3A_1789, %mul3A_1794 : i32
      %add3A_1796 = arith.constant 0 : i32
      %add3A_1797 = arith.addi %mul3A_1795, %add3A_1796 : i32
      %slice3A_1798 = vector.extract_strided_slice %get3A_1793 {offsets = [0], sizes = [1], strides = [1]} : vector<16xi32> to vector<1xi32>
      %squeeze3A_1799 = vector.extract %slice3A_1798[0] : i32 from vector<1xi32>
      %and3A_1800 = arith.constant 127 : i32
      %and3A_1801 = arith.andi %squeeze3A_1799, %and3A_1800 : i32
      %broadcast_in_dim3A_1802 = vector.broadcast %and3A_1801 : i32 to vector<16xi32>
      %gather3A_1803 = arith.constant 1 : i32
      %gather3A_1804 = arith.constant 0 : i32
      %gather3A_1805 = arith.constant 0 : i32
      %gather3A_1806 = arith.constant 0 : i32
      %gather3A_1807 = tpu.memref_slice %arg11[%gather3A_1803, %gather3A_1804, %gather3A_1805, %gather3A_1806] : memref<2x16x16x128xf32, #tpu.memory_space<vmem>> -> memref<1x1x16x128xf32, #tpu.memory_space<vmem>>
      %gather3A_1808 = tpu.memref_squeeze %gather3A_1807 : memref<1x1x16x128xf32, #tpu.memory_space<vmem>> -> memref<16x128xf32, #tpu.memory_space<vmem>>
      %gather3A_1809 = tpu.vector_load_idx %gather3A_1808[%iota3A, %broadcast_in_dim3A_1802] : memref<16x128xf32, #tpu.memory_space<vmem>>[vector<16xi32>, vector<16xi32>], vector<16xf32>,
      %broadcast_in_dim3A_1810 = vector.broadcast %add3A_1797 : i32 to vector<16xi32>
      tpu.vector_store_idx %arg12[%iota3A, %broadcast_in_dim3A_1810], %gather3A_1809 : memref<16x512xf32, #tpu.memory_space<vmem>>[vector<16xi32>, vector<16xi32>], vector<16xf32>,
      %mul3A_1811 = arith.constant 16 : i32
      %mul3A_1812 = arith.muli %add3A_1789, %mul3A_1811 : i32
      %add3A_1813 = arith.constant 1 : i32
      %add3A_1814 = arith.addi %mul3A_1812, %add3A_1813 : i32
      %slice3A_1815 = vector.extract_strided_slice %get3A_1793 {offsets = [1], sizes = [1], strides = [1]} : vector<16xi32> to vector<1xi32>
      %squeeze3A_1816 = vector.extract %slice3A_1815[0] : i32 from vector<1xi32>
      %and3A_1817 = arith.constant 127 : i32
      %and3A_1818 = arith.andi %squeeze3A_1816, %and3A_1817 : i32
      %broadcast_in_dim3A_1819 = vector.broadcast %and3A_1818 : i32 to vector<16xi32>
      %gather3A_1820 = arith.constant 1 : i32
      %gather3A_1821 = arith.constant 1 : i32
      %gather3A_1822 = arith.constant 0 : i32
      %gather3A_1823 = arith.constant 0 : i32
      %gather3A_1824 = tpu.memref_slice %arg11[%gather3A_1820, %gather3A_1821, %gather3A_1822, %gather3A_1823] : memref<2x16x16x128xf32, #tpu.memory_space<vmem>> -> memref<1x1x16x128xf32, #tpu.memory_space<vmem>>
      %gather3A_1825 = tpu.memref_squeeze %gather3A_1824 : memref<1x1x16x128xf32, #tpu.memory_space<vmem>> -> memref<16x128xf32, #tpu.memory_space<vmem>>
      %gather3A_1826 = tpu.vector_load_idx %gather3A_1825[%iota3A, %broadcast_in_dim3A_1819] : memref<16x128xf32, #tpu.memory_space<vmem>>[vector<16xi32>, vector<16xi32>], vector<16xf32>,
      %broadcast_in_dim3A_1827 = vector.broadcast %add3A_1814 : i32 to vector<16xi32>
      tpu.vector_store_idx %arg12[%iota3A, %broadcast_in_dim3A_1827], %gather3A_1826 : memref<16x512xf32, #tpu.memory_space<vmem>>[vector<16xi32>, vector<16xi32>], vector<16xf32>,
      %mul3A_1828 = arith.constant 16 : i32
      %mul3A_1829 = arith.muli %add3A_1789, %mul3A_1828 : i32
      %add3A_1830 = arith.constant 2 : i32
      %add3A_1831 = arith.addi %mul3A_1829, %add3A_1830 : i32
      %slice3A_1832 = vector.extract_strided_slice %get3A_1793 {offsets = [2], sizes = [1], strides = [1]} : vector<16xi32> to vector<1xi32>
      %squeeze3A_1833 = vector.extract %slice3A_1832[0] : i32 from vector<1xi32>
      %and3A_1834 = arith.constant 127 : i32
      %and3A_1835 = arith.andi %squeeze3A_1833, %and3A_1834 : i32
      %broadcast_in_dim3A_1836 = vector.broadcast %and3A_1835 : i32 to vector<16xi32>
      %gather3A_1837 = arith.constant 1 : i32
      %gather3A_1838 = arith.constant 2 : i32
      %gather3A_1839 = arith.constant 0 : i32
      %gather3A_1840 = arith.constant 0 : i32
      %gather3A_1841 = tpu.memref_slice %arg11[%gather3A_1837, %gather3A_1838, %gather3A_1839, %gather3A_1840] : memref<2x16x16x128xf32, #tpu.memory_space<vmem>> -> memref<1x1x16x128xf32, #tpu.memory_space<vmem>>
      %gather3A_1842 = tpu.memref_squeeze %gather3A_1841 : memref<1x1x16x128xf32, #tpu.memory_space<vmem>> -> memref<16x128xf32, #tpu.memory_space<vmem>>
      %gather3A_1843 = tpu.vector_load_idx %gather3A_1842[%iota3A, %broadcast_in_dim3A_1836] : memref<16x128xf32, #tpu.memory_space<vmem>>[vector<16xi32>, vector<16xi32>], vector<16xf32>,
      %broadcast_in_dim3A_1844 = vector.broadcast %add3A_1831 : i32 to vector<16xi32>
      tpu.vector_store_idx %arg12[%iota3A, %broadcast_in_dim3A_1844], %gather3A_1843 : memref<16x512xf32, #tpu.memory_space<vmem>>[vector<16xi32>, vector<16xi32>], vector<16xf32>,
      %mul3A_1845 = arith.constant 16 : i32
      %mul3A_1846 = arith.muli %add3A_1789, %mul3A_1845 : i32
      %add3A_1847 = arith.constant 3 : i32
      %add3A_1848 = arith.addi %mul3A_1846, %add3A_1847 : i32
      %slice3A_1849 = vector.extract_strided_slice %get3A_1793 {offsets = [3], sizes = [1], strides = [1]} : vector<16xi32> to vector<1xi32>
      %squeeze3A_1850 = vector.extract %slice3A_1849[0] : i32 from vector<1xi32>
      %and3A_1851 = arith.constant 127 : i32
      %and3A_1852 = arith.andi %squeeze3A_1850, %and3A_1851 : i32
      %broadcast_in_dim3A_1853 = vector.broadcast %and3A_1852 : i32 to vector<16xi32>
      %gather3A_1854 = arith.constant 1 : i32
      %gather3A_1855 = arith.constant 3 : i32
      %gather3A_1856 = arith.constant 0 : i32
      %gather3A_1857 = arith.constant 0 : i32
      %gather3A_1858 = tpu.memref_slice %arg11[%gather3A_1854, %gather3A_1855, %gather3A_1856, %gather3A_1857] : memref<2x16x16x128xf32, #tpu.memory_space<vmem>> -> memref<1x1x16x128xf32, #tpu.memory_space<vmem>>
      %gather3A_1859 = tpu.memref_squeeze %gather3A_1858 : memref<1x1x16x128xf32, #tpu.memory_space<vmem>> -> memref<16x128xf32, #tpu.memory_space<vmem>>
      %gather3A_1860 = tpu.vector_load_idx %gather3A_1859[%iota3A, %broadcast_in_dim3A_1853] : memref<16x128xf32, #tpu.memory_space<vmem>>[vector<16xi32>, vector<16xi32>], vector<16xf32>,
      %broadcast_in_dim3A_1861 = vector.broadcast %add3A_1848 : i32 to vector<16xi32>
      tpu.vector_store_idx %arg12[%iota3A, %broadcast_in_dim3A_1861], %gather3A_1860 : memref<16x512xf32, #tpu.memory_space<vmem>>[vector<16xi32>, vector<16xi32>], vector<16xf32>,
      %mul3A_1862 = arith.constant 16 : i32
      %mul3A_1863 = arith.muli %add3A_1789, %mul3A_1862 : i32
      %add3A_1864 = arith.constant 4 : i32
      %add3A_1865 = arith.addi %mul3A_1863, %add3A_1864 : i32
      %slice3A_1866 = vector.extract_strided_slice %get3A_1793 {offsets = [4], sizes = [1], strides = [1]} : vector<16xi32> to vector<1xi32>
      %squeeze3A_1867 = vector.extract %slice3A_1866[0] : i32 from vector<1xi32>
      %and3A_1868 = arith.constant 127 : i32
      %and3A_1869 = arith.andi %squeeze3A_1867, %and3A_1868 : i32
      %broadcast_in_dim3A_1870 = vector.broadcast %and3A_1869 : i32 to vector<16xi32>
      %gather3A_1871 = arith.constant 1 : i32
      %gather3A_1872 = arith.constant 4 : i32
      %gather3A_1873 = arith.constant 0 : i32
      %gather3A_1874 = arith.constant 0 : i32
      %gather3A_1875 = tpu.memref_slice %arg11[%gather3A_1871, %gather3A_1872, %gather3A_1873, %gather3A_1874] : memref<2x16x16x128xf32, #tpu.memory_space<vmem>> -> memref<1x1x16x128xf32, #tpu.memory_space<vmem>>
      %gather3A_1876 = tpu.memref_squeeze %gather3A_1875 : memref<1x1x16x128xf32, #tpu.memory_space<vmem>> -> memref<16x128xf32, #tpu.memory_space<vmem>>
      %gather3A_1877 = tpu.vector_load_idx %gather3A_1876[%iota3A, %broadcast_in_dim3A_1870] : memref<16x128xf32, #tpu.memory_space<vmem>>[vector<16xi32>, vector<16xi32>], vector<16xf32>,
      %broadcast_in_dim3A_1878 = vector.broadcast %add3A_1865 : i32 to vector<16xi32>
      tpu.vector_store_idx %arg12[%iota3A, %broadcast_in_dim3A_1878], %gather3A_1877 : memref<16x512xf32, #tpu.memory_space<vmem>>[vector<16xi32>, vector<16xi32>], vector<16xf32>,
      %mul3A_1879 = arith.constant 16 : i32
      %mul3A_1880 = arith.muli %add3A_1789, %mul3A_1879 : i32
      %add3A_1881 = arith.constant 5 : i32
      %add3A_1882 = arith.addi %mul3A_1880, %add3A_1881 : i32
      %slice3A_1883 = vector.extract_strided_slice %get3A_1793 {offsets = [5], sizes = [1], strides = [1]} : vector<16xi32> to vector<1xi32>
      %squeeze3A_1884 = vector.extract %slice3A_1883[0] : i32 from vector<1xi32>
      %and3A_1885 = arith.constant 127 : i32
      %and3A_1886 = arith.andi %squeeze3A_1884, %and3A_1885 : i32
      %broadcast_in_dim3A_1887 = vector.broadcast %and3A_1886 : i32 to vector<16xi32>
      %gather3A_1888 = arith.constant 1 : i32
      %gather3A_1889 = arith.constant 5 : i32
      %gather3A_1890 = arith.constant 0 : i32
      %gather3A_1891 = arith.constant 0 : i32
      %gather3A_1892 = tpu.memref_slice %arg11[%gather3A_1888, %gather3A_1889, %gather3A_1890, %gather3A_1891] : memref<2x16x16x128xf32, #tpu.memory_space<vmem>> -> memref<1x1x16x128xf32, #tpu.memory_space<vmem>>
      %gather3A_1893 = tpu.memref_squeeze %gather3A_1892 : memref<1x1x16x128xf32, #tpu.memory_space<vmem>> -> memref<16x128xf32, #tpu.memory_space<vmem>>
      %gather3A_1894 = tpu.vector_load_idx %gather3A_1893[%iota3A, %broadcast_in_dim3A_1887] : memref<16x128xf32, #tpu.memory_space<vmem>>[vector<16xi32>, vector<16xi32>], vector<16xf32>,
      %broadcast_in_dim3A_1895 = vector.broadcast %add3A_1882 : i32 to vector<16xi32>
      tpu.vector_store_idx %arg12[%iota3A, %broadcast_in_dim3A_1895], %gather3A_1894 : memref<16x512xf32, #tpu.memory_space<vmem>>[vector<16xi32>, vector<16xi32>], vector<16xf32>,
      %mul3A_1896 = arith.constant 16 : i32
      %mul3A_1897 = arith.muli %add3A_1789, %mul3A_1896 : i32
      %add3A_1898 = arith.constant 6 : i32
      %add3A_1899 = arith.addi %mul3A_1897, %add3A_1898 : i32
      %slice3A_1900 = vector.extract_strided_slice %get3A_1793 {offsets = [6], sizes = [1], strides = [1]} : vector<16xi32> to vector<1xi32>
      %squeeze3A_1901 = vector.extract %slice3A_1900[0] : i32 from vector<1xi32>
      %and3A_1902 = arith.constant 127 : i32
      %and3A_1903 = arith.andi %squeeze3A_1901, %and3A_1902 : i32
      %broadcast_in_dim3A_1904 = vector.broadcast %and3A_1903 : i32 to vector<16xi32>
      %gather3A_1905 = arith.constant 1 : i32
      %gather3A_1906 = arith.constant 6 : i32
      %gather3A_1907 = arith.constant 0 : i32
      %gather3A_1908 = arith.constant 0 : i32
      %gather3A_1909 = tpu.memref_slice %arg11[%gather3A_1905, %gather3A_1906, %gather3A_1907, %gather3A_1908] : memref<2x16x16x128xf32, #tpu.memory_space<vmem>> -> memref<1x1x16x128xf32, #tpu.memory_space<vmem>>
      %gather3A_1910 = tpu.memref_squeeze %gather3A_1909 : memref<1x1x16x128xf32, #tpu.memory_space<vmem>> -> memref<16x128xf32, #tpu.memory_space<vmem>>
      %gather3A_1911 = tpu.vector_load_idx %gather3A_1910[%iota3A, %broadcast_in_dim3A_1904] : memref<16x128xf32, #tpu.memory_space<vmem>>[vector<16xi32>, vector<16xi32>], vector<16xf32>,
      %broadcast_in_dim3A_1912 = vector.broadcast %add3A_1899 : i32 to vector<16xi32>
      tpu.vector_store_idx %arg12[%iota3A, %broadcast_in_dim3A_1912], %gather3A_1911 : memref<16x512xf32, #tpu.memory_space<vmem>>[vector<16xi32>, vector<16xi32>], vector<16xf32>,
      %mul3A_1913 = arith.constant 16 : i32
      %mul3A_1914 = arith.muli %add3A_1789, %mul3A_1913 : i32
      %add3A_1915 = arith.constant 7 : i32
      %add3A_1916 = arith.addi %mul3A_1914, %add3A_1915 : i32
      %slice3A_1917 = vector.extract_strided_slice %get3A_1793 {offsets = [7], sizes = [1], strides = [1]} : vector<16xi32> to vector<1xi32>
      %squeeze3A_1918 = vector.extract %slice3A_1917[0] : i32 from vector<1xi32>
      %and3A_1919 = arith.constant 127 : i32
      %and3A_1920 = arith.andi %squeeze3A_1918, %and3A_1919 : i32
      %broadcast_in_dim3A_1921 = vector.broadcast %and3A_1920 : i32 to vector<16xi32>
      %gather3A_1922 = arith.constant 1 : i32
      %gather3A_1923 = arith.constant 7 : i32
      %gather3A_1924 = arith.constant 0 : i32
      %gather3A_1925 = arith.constant 0 : i32
      %gather3A_1926 = tpu.memref_slice %arg11[%gather3A_1922, %gather3A_1923, %gather3A_1924, %gather3A_1925] : memref<2x16x16x128xf32, #tpu.memory_space<vmem>> -> memref<1x1x16x128xf32, #tpu.memory_space<vmem>>
      %gather3A_1927 = tpu.memref_squeeze %gather3A_1926 : memref<1x1x16x128xf32, #tpu.memory_space<vmem>> -> memref<16x128xf32, #tpu.memory_space<vmem>>
      %gather3A_1928 = tpu.vector_load_idx %gather3A_1927[%iota3A, %broadcast_in_dim3A_1921] : memref<16x128xf32, #tpu.memory_space<vmem>>[vector<16xi32>, vector<16xi32>], vector<16xf32>,
      %broadcast_in_dim3A_1929 = vector.broadcast %add3A_1916 : i32 to vector<16xi32>
      tpu.vector_store_idx %arg12[%iota3A, %broadcast_in_dim3A_1929], %gather3A_1928 : memref<16x512xf32, #tpu.memory_space<vmem>>[vector<16xi32>, vector<16xi32>], vector<16xf32>,
      %mul3A_1930 = arith.constant 16 : i32
      %mul3A_1931 = arith.muli %add3A_1789, %mul3A_1930 : i32
      %add3A_1932 = arith.constant 8 : i32
      %add3A_1933 = arith.addi %mul3A_1931, %add3A_1932 : i32
      %slice3A_1934 = vector.extract_strided_slice %get3A_1793 {offsets = [8], sizes = [1], strides = [1]} : vector<16xi32> to vector<1xi32>
      %squeeze3A_1935 = vector.extract %slice3A_1934[0] : i32 from vector<1xi32>
      %and3A_1936 = arith.constant 127 : i32
      %and3A_1937 = arith.andi %squeeze3A_1935, %and3A_1936 : i32
      %broadcast_in_dim3A_1938 = vector.broadcast %and3A_1937 : i32 to vector<16xi32>
      %gather3A_1939 = arith.constant 1 : i32
      %gather3A_1940 = arith.constant 8 : i32
      %gather3A_1941 = arith.constant 0 : i32
      %gather3A_1942 = arith.constant 0 : i32
      %gather3A_1943 = tpu.memref_slice %arg11[%gather3A_1939, %gather3A_1940, %gather3A_1941, %gather3A_1942] : memref<2x16x16x128xf32, #tpu.memory_space<vmem>> -> memref<1x1x16x128xf32, #tpu.memory_space<vmem>>
      %gather3A_1944 = tpu.memref_squeeze %gather3A_1943 : memref<1x1x16x128xf32, #tpu.memory_space<vmem>> -> memref<16x128xf32, #tpu.memory_space<vmem>>
      %gather3A_1945 = tpu.vector_load_idx %gather3A_1944[%iota3A, %broadcast_in_dim3A_1938] : memref<16x128xf32, #tpu.memory_space<vmem>>[vector<16xi32>, vector<16xi32>], vector<16xf32>,
      %broadcast_in_dim3A_1946 = vector.broadcast %add3A_1933 : i32 to vector<16xi32>
      tpu.vector_store_idx %arg12[%iota3A, %broadcast_in_dim3A_1946], %gather3A_1945 : memref<16x512xf32, #tpu.memory_space<vmem>>[vector<16xi32>, vector<16xi32>], vector<16xf32>,
      %mul3A_1947 = arith.constant 16 : i32
      %mul3A_1948 = arith.muli %add3A_1789, %mul3A_1947 : i32
      %add3A_1949 = arith.constant 9 : i32
      %add3A_1950 = arith.addi %mul3A_1948, %add3A_1949 : i32
      %slice3A_1951 = vector.extract_strided_slice %get3A_1793 {offsets = [9], sizes = [1], strides = [1]} : vector<16xi32> to vector<1xi32>
      %squeeze3A_1952 = vector.extract %slice3A_1951[0] : i32 from vector<1xi32>
      %and3A_1953 = arith.constant 127 : i32
      %and3A_1954 = arith.andi %squeeze3A_1952, %and3A_1953 : i32
      %broadcast_in_dim3A_1955 = vector.broadcast %and3A_1954 : i32 to vector<16xi32>
      %gather3A_1956 = arith.constant 1 : i32
      %gather3A_1957 = arith.constant 9 : i32
      %gather3A_1958 = arith.constant 0 : i32
      %gather3A_1959 = arith.constant 0 : i32
      %gather3A_1960 = tpu.memref_slice %arg11[%gather3A_1956, %gather3A_1957, %gather3A_1958, %gather3A_1959] : memref<2x16x16x128xf32, #tpu.memory_space<vmem>> -> memref<1x1x16x128xf32, #tpu.memory_space<vmem>>
      %gather3A_1961 = tpu.memref_squeeze %gather3A_1960 : memref<1x1x16x128xf32, #tpu.memory_space<vmem>> -> memref<16x128xf32, #tpu.memory_space<vmem>>
      %gather3A_1962 = tpu.vector_load_idx %gather3A_1961[%iota3A, %broadcast_in_dim3A_1955] : memref<16x128xf32, #tpu.memory_space<vmem>>[vector<16xi32>, vector<16xi32>], vector<16xf32>,
      %broadcast_in_dim3A_1963 = vector.broadcast %add3A_1950 : i32 to vector<16xi32>
      tpu.vector_store_idx %arg12[%iota3A, %broadcast_in_dim3A_1963], %gather3A_1962 : memref<16x512xf32, #tpu.memory_space<vmem>>[vector<16xi32>, vector<16xi32>], vector<16xf32>,
      %mul3A_1964 = arith.constant 16 : i32
      %mul3A_1965 = arith.muli %add3A_1789, %mul3A_1964 : i32
      %add3A_1966 = arith.constant 10 : i32
      %add3A_1967 = arith.addi %mul3A_1965, %add3A_1966 : i32
      %slice3A_1968 = vector.extract_strided_slice %get3A_1793 {offsets = [10], sizes = [1], strides = [1]} : vector<16xi32> to vector<1xi32>
      %squeeze3A_1969 = vector.extract %slice3A_1968[0] : i32 from vector<1xi32>
      %and3A_1970 = arith.constant 127 : i32
      %and3A_1971 = arith.andi %squeeze3A_1969, %and3A_1970 : i32
      %broadcast_in_dim3A_1972 = vector.broadcast %and3A_1971 : i32 to vector<16xi32>
      %gather3A_1973 = arith.constant 1 : i32
      %gather3A_1974 = arith.constant 10 : i32
      %gather3A_1975 = arith.constant 0 : i32
      %gather3A_1976 = arith.constant 0 : i32
      %gather3A_1977 = tpu.memref_slice %arg11[%gather3A_1973, %gather3A_1974, %gather3A_1975, %gather3A_1976] : memref<2x16x16x128xf32, #tpu.memory_space<vmem>> -> memref<1x1x16x128xf32, #tpu.memory_space<vmem>>
      %gather3A_1978 = tpu.memref_squeeze %gather3A_1977 : memref<1x1x16x128xf32, #tpu.memory_space<vmem>> -> memref<16x128xf32, #tpu.memory_space<vmem>>
      %gather3A_1979 = tpu.vector_load_idx %gather3A_1978[%iota3A, %broadcast_in_dim3A_1972] : memref<16x128xf32, #tpu.memory_space<vmem>>[vector<16xi32>, vector<16xi32>], vector<16xf32>,
      %broadcast_in_dim3A_1980 = vector.broadcast %add3A_1967 : i32 to vector<16xi32>
      tpu.vector_store_idx %arg12[%iota3A, %broadcast_in_dim3A_1980], %gather3A_1979 : memref<16x512xf32, #tpu.memory_space<vmem>>[vector<16xi32>, vector<16xi32>], vector<16xf32>,
      %mul3A_1981 = arith.constant 16 : i32
      %mul3A_1982 = arith.muli %add3A_1789, %mul3A_1981 : i32
      %add3A_1983 = arith.constant 11 : i32
      %add3A_1984 = arith.addi %mul3A_1982, %add3A_1983 : i32
      %slice3A_1985 = vector.extract_strided_slice %get3A_1793 {offsets = [11], sizes = [1], strides = [1]} : vector<16xi32> to vector<1xi32>
      %squeeze3A_1986 = vector.extract %slice3A_1985[0] : i32 from vector<1xi32>
      %and3A_1987 = arith.constant 127 : i32
      %and3A_1988 = arith.andi %squeeze3A_1986, %and3A_1987 : i32
      %broadcast_in_dim3A_1989 = vector.broadcast %and3A_1988 : i32 to vector<16xi32>
      %gather3A_1990 = arith.constant 1 : i32
      %gather3A_1991 = arith.constant 11 : i32
      %gather3A_1992 = arith.constant 0 : i32
      %gather3A_1993 = arith.constant 0 : i32
      %gather3A_1994 = tpu.memref_slice %arg11[%gather3A_1990, %gather3A_1991, %gather3A_1992, %gather3A_1993] : memref<2x16x16x128xf32, #tpu.memory_space<vmem>> -> memref<1x1x16x128xf32, #tpu.memory_space<vmem>>
      %gather3A_1995 = tpu.memref_squeeze %gather3A_1994 : memref<1x1x16x128xf32, #tpu.memory_space<vmem>> -> memref<16x128xf32, #tpu.memory_space<vmem>>
      %gather3A_1996 = tpu.vector_load_idx %gather3A_1995[%iota3A, %broadcast_in_dim3A_1989] : memref<16x128xf32, #tpu.memory_space<vmem>>[vector<16xi32>, vector<16xi32>], vector<16xf32>,
      %broadcast_in_dim3A_1997 = vector.broadcast %add3A_1984 : i32 to vector<16xi32>
      tpu.vector_store_idx %arg12[%iota3A, %broadcast_in_dim3A_1997], %gather3A_1996 : memref<16x512xf32, #tpu.memory_space<vmem>>[vector<16xi32>, vector<16xi32>], vector<16xf32>,
      %mul3A_1998 = arith.constant 16 : i32
      %mul3A_1999 = arith.muli %add3A_1789, %mul3A_1998 : i32
      %add3A_2000 = arith.constant 12 : i32
      %add3A_2001 = arith.addi %mul3A_1999, %add3A_2000 : i32
      %slice3A_2002 = vector.extract_strided_slice %get3A_1793 {offsets = [12], sizes = [1], strides = [1]} : vector<16xi32> to vector<1xi32>
      %squeeze3A_2003 = vector.extract %slice3A_2002[0] : i32 from vector<1xi32>
      %and3A_2004 = arith.constant 127 : i32
      %and3A_2005 = arith.andi %squeeze3A_2003, %and3A_2004 : i32
      %broadcast_in_dim3A_2006 = vector.broadcast %and3A_2005 : i32 to vector<16xi32>
      %gather3A_2007 = arith.constant 1 : i32
      %gather3A_2008 = arith.constant 12 : i32
      %gather3A_2009 = arith.constant 0 : i32
      %gather3A_2010 = arith.constant 0 : i32
      %gather3A_2011 = tpu.memref_slice %arg11[%gather3A_2007, %gather3A_2008, %gather3A_2009, %gather3A_2010] : memref<2x16x16x128xf32, #tpu.memory_space<vmem>> -> memref<1x1x16x128xf32, #tpu.memory_space<vmem>>
      %gather3A_2012 = tpu.memref_squeeze %gather3A_2011 : memref<1x1x16x128xf32, #tpu.memory_space<vmem>> -> memref<16x128xf32, #tpu.memory_space<vmem>>
      %gather3A_2013 = tpu.vector_load_idx %gather3A_2012[%iota3A, %broadcast_in_dim3A_2006] : memref<16x128xf32, #tpu.memory_space<vmem>>[vector<16xi32>, vector<16xi32>], vector<16xf32>,
      %broadcast_in_dim3A_2014 = vector.broadcast %add3A_2001 : i32 to vector<16xi32>
      tpu.vector_store_idx %arg12[%iota3A, %broadcast_in_dim3A_2014], %gather3A_2013 : memref<16x512xf32, #tpu.memory_space<vmem>>[vector<16xi32>, vector<16xi32>], vector<16xf32>,
      %mul3A_2015 = arith.constant 16 : i32
      %mul3A_2016 = arith.muli %add3A_1789, %mul3A_2015 : i32
      %add3A_2017 = arith.constant 13 : i32
      %add3A_2018 = arith.addi %mul3A_2016, %add3A_2017 : i32
      %slice3A_2019 = vector.extract_strided_slice %get3A_1793 {offsets = [13], sizes = [1], strides = [1]} : vector<16xi32> to vector<1xi32>
      %squeeze3A_2020 = vector.extract %slice3A_2019[0] : i32 from vector<1xi32>
      %and3A_2021 = arith.constant 127 : i32
      %and3A_2022 = arith.andi %squeeze3A_2020, %and3A_2021 : i32
      %broadcast_in_dim3A_2023 = vector.broadcast %and3A_2022 : i32 to vector<16xi32>
      %gather3A_2024 = arith.constant 1 : i32
      %gather3A_2025 = arith.constant 13 : i32
      %gather3A_2026 = arith.constant 0 : i32
      %gather3A_2027 = arith.constant 0 : i32
      %gather3A_2028 = tpu.memref_slice %arg11[%gather3A_2024, %gather3A_2025, %gather3A_2026, %gather3A_2027] : memref<2x16x16x128xf32, #tpu.memory_space<vmem>> -> memref<1x1x16x128xf32, #tpu.memory_space<vmem>>
      %gather3A_2029 = tpu.memref_squeeze %gather3A_2028 : memref<1x1x16x128xf32, #tpu.memory_space<vmem>> -> memref<16x128xf32, #tpu.memory_space<vmem>>
      %gather3A_2030 = tpu.vector_load_idx %gather3A_2029[%iota3A, %broadcast_in_dim3A_2023] : memref<16x128xf32, #tpu.memory_space<vmem>>[vector<16xi32>, vector<16xi32>], vector<16xf32>,
      %broadcast_in_dim3A_2031 = vector.broadcast %add3A_2018 : i32 to vector<16xi32>
      tpu.vector_store_idx %arg12[%iota3A, %broadcast_in_dim3A_2031], %gather3A_2030 : memref<16x512xf32, #tpu.memory_space<vmem>>[vector<16xi32>, vector<16xi32>], vector<16xf32>,
      %mul3A_2032 = arith.constant 16 : i32
      %mul3A_2033 = arith.muli %add3A_1789, %mul3A_2032 : i32
      %add3A_2034 = arith.constant 14 : i32
      %add3A_2035 = arith.addi %mul3A_2033, %add3A_2034 : i32
      %slice3A_2036 = vector.extract_strided_slice %get3A_1793 {offsets = [14], sizes = [1], strides = [1]} : vector<16xi32> to vector<1xi32>
      %squeeze3A_2037 = vector.extract %slice3A_2036[0] : i32 from vector<1xi32>
      %and3A_2038 = arith.constant 127 : i32
      %and3A_2039 = arith.andi %squeeze3A_2037, %and3A_2038 : i32
      %broadcast_in_dim3A_2040 = vector.broadcast %and3A_2039 : i32 to vector<16xi32>
      %gather3A_2041 = arith.constant 1 : i32
      %gather3A_2042 = arith.constant 14 : i32
      %gather3A_2043 = arith.constant 0 : i32
      %gather3A_2044 = arith.constant 0 : i32
      %gather3A_2045 = tpu.memref_slice %arg11[%gather3A_2041, %gather3A_2042, %gather3A_2043, %gather3A_2044] : memref<2x16x16x128xf32, #tpu.memory_space<vmem>> -> memref<1x1x16x128xf32, #tpu.memory_space<vmem>>
      %gather3A_2046 = tpu.memref_squeeze %gather3A_2045 : memref<1x1x16x128xf32, #tpu.memory_space<vmem>> -> memref<16x128xf32, #tpu.memory_space<vmem>>
      %gather3A_2047 = tpu.vector_load_idx %gather3A_2046[%iota3A, %broadcast_in_dim3A_2040] : memref<16x128xf32, #tpu.memory_space<vmem>>[vector<16xi32>, vector<16xi32>], vector<16xf32>,
      %broadcast_in_dim3A_2048 = vector.broadcast %add3A_2035 : i32 to vector<16xi32>
      tpu.vector_store_idx %arg12[%iota3A, %broadcast_in_dim3A_2048], %gather3A_2047 : memref<16x512xf32, #tpu.memory_space<vmem>>[vector<16xi32>, vector<16xi32>], vector<16xf32>,
      %mul3A_2049 = arith.constant 16 : i32
      %mul3A_2050 = arith.muli %add3A_1789, %mul3A_2049 : i32
      %add3A_2051 = arith.constant 15 : i32
      %add3A_2052 = arith.addi %mul3A_2050, %add3A_2051 : i32
      %slice3A_2053 = vector.extract_strided_slice %get3A_1793 {offsets = [15], sizes = [1], strides = [1]} : vector<16xi32> to vector<1xi32>
      %squeeze3A_2054 = vector.extract %slice3A_2053[0] : i32 from vector<1xi32>
      %and3A_2055 = arith.constant 127 : i32
      %and3A_2056 = arith.andi %squeeze3A_2054, %and3A_2055 : i32
      %broadcast_in_dim3A_2057 = vector.broadcast %and3A_2056 : i32 to vector<16xi32>
      %gather3A_2058 = arith.constant 1 : i32
      %gather3A_2059 = arith.constant 15 : i32
      %gather3A_2060 = arith.constant 0 : i32
      %gather3A_2061 = arith.constant 0 : i32
      %gather3A_2062 = tpu.memref_slice %arg11[%gather3A_2058, %gather3A_2059, %gather3A_2060, %gather3A_2061] : memref<2x16x16x128xf32, #tpu.memory_space<vmem>> -> memref<1x1x16x128xf32, #tpu.memory_space<vmem>>
      %gather3A_2063 = tpu.memref_squeeze %gather3A_2062 : memref<1x1x16x128xf32, #tpu.memory_space<vmem>> -> memref<16x128xf32, #tpu.memory_space<vmem>>
      %gather3A_2064 = tpu.vector_load_idx %gather3A_2063[%iota3A, %broadcast_in_dim3A_2057] : memref<16x128xf32, #tpu.memory_space<vmem>>[vector<16xi32>, vector<16xi32>], vector<16xf32>,
      %broadcast_in_dim3A_2065 = vector.broadcast %add3A_2052 : i32 to vector<16xi32>
      tpu.vector_store_idx %arg12[%iota3A, %broadcast_in_dim3A_2065], %gather3A_2064 : memref<16x512xf32, #tpu.memory_space<vmem>>[vector<16xi32>, vector<16xi32>], vector<16xf32>,
      %scan3A_2066 = arith.constant 0 : i32
      scf.yield %scan3A_2066 : i32
    }
    %scan3A_339 = arith.constant 16 : i32
    %dma_start3A_340 = arith.constant 0 : i32
    %dma_start3A_341 = tpu.memref_slice %arg6[%dma_start3A_340, %mul3A_2] : memref<16x16384xf32, #tpu.memory_space<hbm>> -> memref<16x512xf32, #tpu.memory_space<hbm>>
    %dma_start3A_342 = arith.constant 0 : i32
    %dma_start3A_343 = tpu.memref_slice %arg6[%dma_start3A_342, %mul3A_2] : memref<16x16384xf32, #tpu.memory_space<hbm>> -> memref<16x512xf32, #tpu.memory_space<hbm>>
    tpu.enqueue_dma source(%arg12 : memref<16x512xf32, #tpu.memory_space<vmem>>) target(%dma_start3A_343 : memref<16x512xf32, #tpu.memory_space<hbm>>) target_semaphore(%arg16 : memref<!tpu.dma_semaphore, #tpu.memory_space<semaphore_mem>>)
    %dma_wait3A = arith.constant 0 : i32
    %dma_wait3A_344 = tpu.memref_slice %arg6[%dma_wait3A, %mul3A_2] : memref<16x16384xf32, #tpu.memory_space<hbm>> -> memref<16x512xf32, #tpu.memory_space<hbm>>
    %dma_wait3A_345 = arith.constant 0 : i32
    %dma_wait3A_346 = tpu.memref_slice %arg6[%dma_wait3A_345, %mul3A_2] : memref<16x16384xf32, #tpu.memory_space<hbm>> -> memref<16x512xf32, #tpu.memory_space<hbm>>
    tpu.wait_dma2 semaphore(%arg16 : memref<!tpu.dma_semaphore, #tpu.memory_space<semaphore_mem>>) src(%arg12 : memref<16x512xf32, #tpu.memory_space<vmem>>) dst(%dma_wait3A_346 : memref<16x512xf32, #tpu.memory_space<hbm>>)
    %dma_start3A_347 = arith.constant 0 : i32
    %dma_start3A_348 = tpu.memref_slice %arg7[%dma_start3A_347, %mul3A_2] : memref<16x16384xf32, #tpu.memory_space<hbm>> -> memref<16x512xf32, #tpu.memory_space<hbm>>
    %dma_start3A_349 = arith.constant 0 : i32
    %dma_start3A_350 = tpu.memref_slice %arg7[%dma_start3A_349, %mul3A_2] : memref<16x16384xf32, #tpu.memory_space<hbm>> -> memref<16x512xf32, #tpu.memory_space<hbm>>
    tpu.enqueue_dma source(%arg13 : memref<16x512xf32, #tpu.memory_space<vmem>>) target(%dma_start3A_350 : memref<16x512xf32, #tpu.memory_space<hbm>>) target_semaphore(%arg16 : memref<!tpu.dma_semaphore, #tpu.memory_space<semaphore_mem>>)
    %dma_wait3A_351 = arith.constant 0 : i32
    %dma_wait3A_352 = tpu.memref_slice %arg7[%dma_wait3A_351, %mul3A_2] : memref<16x16384xf32, #tpu.memory_space<hbm>> -> memref<16x512xf32, #tpu.memory_space<hbm>>
    %dma_wait3A_353 = arith.constant 0 : i32
    %dma_wait3A_354 = tpu.memref_slice %arg7[%dma_wait3A_353, %mul3A_2] : memref<16x16384xf32, #tpu.memory_space<hbm>> -> memref<16x512xf32, #tpu.memory_space<hbm>>
    tpu.wait_dma2 semaphore(%arg16 : memref<!tpu.dma_semaphore, #tpu.memory_space<semaphore_mem>>) src(%arg13 : memref<16x512xf32, #tpu.memory_space<vmem>>) dst(%dma_wait3A_354 : memref<16x512xf32, #tpu.memory_space<hbm>>)
    return
  }
}

module attributes {stable_mosaic.version = 14 : i64} {
  func.func @_mlp_body(%arg0: i32, %arg1: memref<16x2048xf32, #tpu.memory_space<vmem>>, %arg2: memref<16x2048xf32, #tpu.memory_space<vmem>>, %arg3: memref<16x128xf32, #tpu.memory_space<vmem>>, %arg4: memref<16x128xf32, #tpu.memory_space<vmem>>, %arg5: memref<1x128xf32, #tpu.memory_space<vmem>>, %arg6: memref<128x64xf32, #tpu.memory_space<vmem>>, %arg7: memref<1x64xf32, #tpu.memory_space<vmem>>, %arg8: memref<64x1xf32, #tpu.memory_space<vmem>>, %arg9: memref<1x1xf32, #tpu.memory_space<vmem>>, %arg10: memref<2048x1xf32, #tpu.memory_space<vmem>>) attributes {dimension_semantics = [#tpu.dimension_semantics<arbitrary>], iteration_bounds = array<i64: 8>, scalar_prefetch = 0 : i64, scratch_operands = 0 : i64, tpu.core_type = #tpu.core_type<tc>, window_params = [{transform_indices = @transform_0, window_bounds = array<i64: 16, 2048>}, {transform_indices = @transform_1, window_bounds = array<i64: 16, 2048>}, {pipeline_mode = #tpu.pipeline_mode<synchronous>, transform_indices = @transform_2, window_bounds = array<i64: 16, 128>}, {pipeline_mode = #tpu.pipeline_mode<synchronous>, transform_indices = @transform_3, window_bounds = array<i64: 16, 128>}, {pipeline_mode = #tpu.pipeline_mode<synchronous>, transform_indices = @transform_4, window_bounds = array<i64: 1, 128>}, {pipeline_mode = #tpu.pipeline_mode<synchronous>, transform_indices = @transform_5, window_bounds = array<i64: 128, 64>}, {pipeline_mode = #tpu.pipeline_mode<synchronous>, transform_indices = @transform_6, window_bounds = array<i64: 1, 64>}, {pipeline_mode = #tpu.pipeline_mode<synchronous>, transform_indices = @transform_7, window_bounds = array<i64: 64, 1>}, {pipeline_mode = #tpu.pipeline_mode<synchronous>, transform_indices = @transform_8, window_bounds = array<i64: 1, 1>}, {transform_indices = @transform_9, window_bounds = array<i64: 2048, 1>}]} {
    %get3A = arith.constant 0 : index
    %get3A_0 = arith.constant 0 : index
    %get3A_1 = vector.load %arg1[%get3A, %get3A_0] : memref<16x2048xf32, #tpu.memory_space<vmem>>, vector<16x2048xf32>
    %get3A_2 = arith.constant 0 : index
    %get3A_3 = arith.constant 0 : index
    %get3A_4 = vector.load %arg3[%get3A_2, %get3A_3] : memref<16x128xf32, #tpu.memory_space<vmem>>, vector<16x128xf32>
    %dot_general3A = arith.constant dense<0.000000e+00> : vector<2048x128xf32>
    %dot_general3A_5 = tpu.matmul %get3A_1, %get3A_4, %dot_general3A {dimension_numbers = #tpu.dot_dimension_numbers<[0], [0], [1], [1], [0, 1, 1, 1], [], []>, transpose_lhs_hint = false} : vector<16x2048xf32>, vector<16x128xf32>, vector<2048x128xf32> -> vector<2048x128xf32>
    %get3A_6 = arith.constant 0 : index
    %get3A_7 = arith.constant 0 : index
    %get3A_8 = vector.load %arg2[%get3A_6, %get3A_7] : memref<16x2048xf32, #tpu.memory_space<vmem>>, vector<16x2048xf32>
    %get3A_9 = arith.constant 0 : index
    %get3A_10 = arith.constant 0 : index
    %get3A_11 = vector.load %arg4[%get3A_9, %get3A_10] : memref<16x128xf32, #tpu.memory_space<vmem>>, vector<16x128xf32>
    %dot_general3A_12 = arith.constant dense<0.000000e+00> : vector<2048x128xf32>
    %dot_general3A_13 = tpu.matmul %get3A_8, %get3A_11, %dot_general3A_12 {dimension_numbers = #tpu.dot_dimension_numbers<[0], [0], [1], [1], [0, 1, 1, 1], [], []>, transpose_lhs_hint = false} : vector<16x2048xf32>, vector<16x128xf32>, vector<2048x128xf32> -> vector<2048x128xf32>
    %add3A = arith.addf %dot_general3A_5, %dot_general3A_13 : vector<2048x128xf32>
    %get3A_14 = arith.constant 0 : index
    %get3A_15 = arith.constant 0 : index
    %get3A_16 = vector.load %arg5[%get3A_14, %get3A_15] : memref<1x128xf32, #tpu.memory_space<vmem>>, vector<1x128xf32>
    %add3A_17 = vector.broadcast %get3A_16 : vector<1x128xf32> to vector<2048x128xf32>
    %add3A_18 = arith.addf %add3A, %add3A_17 : vector<2048x128xf32>
    %max3A = arith.constant 0.000000e+00 : f32
    %max3A_19 = vector.broadcast %max3A : f32 to vector<2048x128xf32>
    %max3A_20 = arith.maximumf %add3A_18, %max3A_19 : vector<2048x128xf32>
    %get3A_21 = arith.constant 0 : index
    %get3A_22 = arith.constant 0 : index
    %get3A_23 = vector.load %arg6[%get3A_21, %get3A_22] : memref<128x64xf32, #tpu.memory_space<vmem>>, vector<128x64xf32>
    %dot_general3A_24 = arith.constant dense<0.000000e+00> : vector<2048x64xf32>
    %dot_general3A_25 = tpu.matmul %max3A_20, %get3A_23, %dot_general3A_24 {dimension_numbers = #tpu.dot_dimension_numbers<[1], [0], [0], [1], [0, 0, 1, 1], [], []>, transpose_lhs_hint = false} : vector<2048x128xf32>, vector<128x64xf32>, vector<2048x64xf32> -> vector<2048x64xf32>
    %get3A_26 = arith.constant 0 : index
    %get3A_27 = arith.constant 0 : index
    %get3A_28 = vector.load %arg7[%get3A_26, %get3A_27] : memref<1x64xf32, #tpu.memory_space<vmem>>, vector<1x64xf32>
    %add3A_29 = vector.broadcast %get3A_28 : vector<1x64xf32> to vector<2048x64xf32>
    %add3A_30 = arith.addf %dot_general3A_25, %add3A_29 : vector<2048x64xf32>
    %max3A_31 = arith.constant 0.000000e+00 : f32
    %max3A_32 = vector.broadcast %max3A_31 : f32 to vector<2048x64xf32>
    %max3A_33 = arith.maximumf %add3A_30, %max3A_32 : vector<2048x64xf32>
    %get3A_34 = arith.constant 0 : index
    %get3A_35 = arith.constant 0 : index
    %get3A_36 = vector.load %arg8[%get3A_34, %get3A_35] : memref<64x1xf32, #tpu.memory_space<vmem>>, vector<64x1xf32>
    %dot_general3A_37 = arith.constant dense<0.000000e+00> : vector<2048x1xf32>
    %dot_general3A_38 = tpu.matmul %max3A_33, %get3A_36, %dot_general3A_37 {dimension_numbers = #tpu.dot_dimension_numbers<[1], [0], [0], [1], [0, 0, 1, 1], [], []>, transpose_lhs_hint = false} : vector<2048x64xf32>, vector<64x1xf32>, vector<2048x1xf32> -> vector<2048x1xf32>
    %get3A_39 = arith.constant 0 : index
    %get3A_40 = arith.constant 0 : index
    %get3A_41 = vector.load %arg9[%get3A_39, %get3A_40] : memref<1x1xf32, #tpu.memory_space<vmem>>, vector<1x1xf32>
    %add3A_42 = vector.broadcast %get3A_41 : vector<1x1xf32> to vector<2048x1xf32>
    %add3A_43 = arith.addf %dot_general3A_38, %add3A_42 : vector<2048x1xf32>
    %tanh3A = math.tanh %add3A_43 : vector<2048x1xf32>
    %mul3A = arith.constant 1.000000e+01 : f32
    %mul3A_44 = vector.broadcast %mul3A : f32 to vector<2048x1xf32>
    %mul3A_45 = arith.mulf %tanh3A, %mul3A_44 : vector<2048x1xf32>
    %swap3A = arith.constant 0 : index
    %swap3A_46 = arith.constant 0 : index
    %swap3A_47 = vector.load %arg10[%swap3A, %swap3A_46] : memref<2048x1xf32, #tpu.memory_space<vmem>>, vector<2048x1xf32>
    tpu.vector_store %arg10[%swap3A, %swap3A_46], %mul3A_45 {strides = array<i32>} : memref<2048x1xf32, #tpu.memory_space<vmem>>, vector<2048x1xf32>,
    return
  }
  func.func @transform_0(%arg0: i32) -> (i32, i32) {
    %c0_i32 = arith.constant 0 : i32
    %c0_i32_0 = arith.constant 0 : i32
    return %c0_i32, %arg0 : i32, i32
  }
  func.func @transform_1(%arg0: i32) -> (i32, i32) {
    %c0_i32 = arith.constant 0 : i32
    %c0_i32_0 = arith.constant 0 : i32
    return %c0_i32, %arg0 : i32, i32
  }
  func.func @transform_2(%arg0: i32) -> (i32, i32) {
    %c0_i32 = arith.constant 0 : i32
    %c0_i32_0 = arith.constant 0 : i32
    %c0_i32_1 = arith.constant 0 : i32
    return %c0_i32, %c0_i32_0 : i32, i32
  }
  func.func @transform_3(%arg0: i32) -> (i32, i32) {
    %c0_i32 = arith.constant 0 : i32
    %c0_i32_0 = arith.constant 0 : i32
    %c0_i32_1 = arith.constant 0 : i32
    return %c0_i32, %c0_i32_0 : i32, i32
  }
  func.func @transform_4(%arg0: i32) -> (i32, i32) {
    %c0_i32 = arith.constant 0 : i32
    %c0_i32_0 = arith.constant 0 : i32
    %c0_i32_1 = arith.constant 0 : i32
    return %c0_i32, %c0_i32_0 : i32, i32
  }
  func.func @transform_5(%arg0: i32) -> (i32, i32) {
    %c0_i32 = arith.constant 0 : i32
    %c0_i32_0 = arith.constant 0 : i32
    %c0_i32_1 = arith.constant 0 : i32
    return %c0_i32, %c0_i32_0 : i32, i32
  }
  func.func @transform_6(%arg0: i32) -> (i32, i32) {
    %c0_i32 = arith.constant 0 : i32
    %c0_i32_0 = arith.constant 0 : i32
    %c0_i32_1 = arith.constant 0 : i32
    return %c0_i32, %c0_i32_0 : i32, i32
  }
  func.func @transform_7(%arg0: i32) -> (i32, i32) {
    %c0_i32 = arith.constant 0 : i32
    %c0_i32_0 = arith.constant 0 : i32
    %c0_i32_1 = arith.constant 0 : i32
    return %c0_i32, %c0_i32_0 : i32, i32
  }
  func.func @transform_8(%arg0: i32) -> (i32, i32) {
    %c0_i32 = arith.constant 0 : i32
    %c0_i32_0 = arith.constant 0 : i32
    %c0_i32_1 = arith.constant 0 : i32
    return %c0_i32, %c0_i32_0 : i32, i32
  }
  func.func @transform_9(%arg0: i32) -> (i32, i32) {
    %c0_i32 = arith.constant 0 : i32
    %c0_i32_0 = arith.constant 0 : i32
    return %arg0, %c0_i32 : i32, i32
  }
}

</mosaic_0001>

<sc_bundles>
// kernel: kernel.4.cloned.1.call-start
scs
__scs_entry_jumppad:
0x0: {  	(pc) =	sbr.rel $0x88, $3  }
0x1: {  	(tag) =	ssettag $0x0;
	lr =	simm.s32 $0x1  }
0x2: {  	[smem:$0x3F97] =	sst lr;
	_ =	strace $0xD0000000  }
0x3: {  	_ = 	snop  }
0x4: {  	_ = 	snop  }
0x5: {  	_ = 	snop  }
0x6: {  	_ = 	snop  }
0x7: {  	_ = 	snop  }
__scs_overlays_trampoline_lowered:
0x8: {  	[smem:$0x3FA6] =	sst s0  }
0x9: {  	[smem:$0x3FA7] =	sst s1  }
0xa: {  	[smem:$0x3FA8] =	sst s2  }
0xb: {  	[smem:$0x3FA9] =	sst s3  }
0xc: {  	[smem:$0x3FAA] =	sst s4  }
0xd: {  	[smem:$0x3FAB] =	sst s5  }
0xe: {  	[smem:$0x3FAC] =	sst s6  }
0xf: {  	[smem:$0x3FAD] =	sst s7  }
0x10: {  	[smem:$0x3FAE] =	sst s8  }
0x11: {  	[smem:$0x3FAF] =	sst s9;
	s0 =	simm.s32 @!p0 $0x0  }
0x12: {  	s1 =	sld [smem:$0x3F95];
	s0 =	simm.s32 @p0 $0x1  }
0x13: {  	[smem:$0x3FB0] =	sst s0;
	s0 =	simm.s32 @!p1 $0x0  }
0x14: {  	s2 =	sld [smem:$0x3F94];
	s0 =	simm.s32 @p1 $0x1  }
0x15: {  	[smem:$0x3FB1] =	sst s0;
	s0 =	simm.s32 @!p2 $0x0  }
0x16: {  	s3 =	sld [smem:$0x3FDB];
	s0 =	simm.s32 @p2 $0x1  }
0x17: {  	s4 =	simm.s32 $0x1BF5;
	[smem:$0x3FB3] =	sst s0  }
0x18: {  	s0 =	sld [smem:$0x3F96];
	_ =	swait.ge [sflag:s4], $0x0  }
0x19: {  	s7 =	sld [smem:$0x3F97]  }
0x1a: {  	s8 =	sadd.s32 $0xFFFFE003, lr  }
0x1b: {  	s9 =	sadd.s32 $0xFFFFFEF7, lr;
	s5 =	simm.s32 $0xFFFFFFFF;
	p2 =	slt.u32 s8, $0xFFFFF086  }
0x1c: {  	p1 =	slt.u32 s9, $0xF7A;
	s5 =	simm.s32 @!p2 $0x0  }
0x1d: {  	s5 =	simm.s32 @p1 $0x1;
	p0 =	seq.s32 s7, s2  }
0x1e: {  	s7 =	smul.u32 @!p0 $0xF7A, s2;
	p2 =	seq.s32 @!p0 s5, $0x0  }
0x1f: {  	s9 =	smul.u32 $0xF7A, s1;
	s8 =	simm.s32 @!p0 $0x1BF5;
	p2 =	por !p2, p0  }
0x20: {  	[sflag:s8] =	ssyncset.s32 @!p0 $0xFFFFF086;
	s6 =	sadd.s32 @!p0 s3, s7;
	s7 =	simm.s32 @!p0 $0x108  }
0x21: {  	s3 =	sadd.s32 s3, s9;
	s6 =	sadd.s32 @!p0 $0x88, s6;
	s7 =	simm.s32 @p2 $0x1082  }
0x22: {  	[simem:s7], [sflag:s8] =	dma.local @!p0 [hbm:s6], $0xF7A  }
0x23: {  	s9 =	sor.u32 $0xD0000000, s2;
	s6 =	simm.s32 $0x108;
	_ =	swait.ge @!p0 [sflag:s8], $0x0  }
0x24: {  	s3 =	sadd.s32 $0x88, s3;
	s6 =	simm.s32 @!p1 $0x1082;
	[sflag:s4] =	ssyncset.s32 $0xFFFFF086  }
0x25: {  	[simem:s6], [sflag:s4] =	dma.local [hbm:s3], $0xF7A  }
0x26: {  	[smem:$0x3F97] =	sst s1;
	(tag) =	ssettag s2;
	_ =	strace s9  }
0x27: {  	s1 =	sld [smem:$0x3FA7]  }
0x28: {  	s2 =	sld [smem:$0x3FA8]  }
0x29: {  	s4 =	sld [smem:$0x3FAA]  }
0x2a: {  	p0 =	seq.s32 s5, $0x0;
	s5 =	sld [smem:$0x3FAB]  }
0x2b: {  	s6 =	sld [smem:$0x3FAC]  }
0x2c: {  	s7 =	sld [smem:$0x3FAD]  }
0x2d: {  	s3 =	simm.s32 $0x108;
	s8 =	sld [smem:$0x3FAE]  }
0x2e: {  	s3 =	simm.s32 @!p0 $0x1082;
	s9 =	sld [smem:$0x3FAF]  }
0x2f: {  	lr =	sadd.s32 s0, s3;
	s0 =	sld [smem:$0x3FA6]  }
0x30: {  	s3 =	sld [smem:$0x3FA9]  }
0x31: {  	[smem:$0x3FB2] =	sst s10  }
0x32: {  	s10 =	sld [smem:$0x3FB0];
	_ =	sdelay $0x3  }
0x33: {  	p0 =	seq.s32 s10, $0x1;
	s10 =	sld [smem:$0x3FB2];
	_ =	sdelay $0x3  }
0x34: {  	[smem:$0x3FB2] =	sst s10  }
0x35: {  	s10 =	sld [smem:$0x3FB1];
	_ =	sdelay $0x3  }
0x36: {  	p1 =	seq.s32 s10, $0x1;
	s10 =	sld [smem:$0x3FB2];
	_ =	sdelay $0x3  }
0x37: {  	[smem:$0x3FB2] =	sst s10  }
0x38: {  	s10 =	sld [smem:$0x3FB3]  }
0x39: {  	_ = 	snop;
	(pc) =	sbr.ind lr, $3  }
0x3a: {  	_ = 	snop  }
0x3b: {  	_ = 	snop  }
0x3c: {  	p2 =	seq.s32 s10, $0x1;
	s10 =	sld [smem:$0x3FB2]  }
0x3d: {  	_ =	shalt  }
0x3e: {  	_ =	shalt  }
0x3f: {  	_ =	shalt  }
0x40: {  	_ =	shalt  }
0x41: {  	_ =	shalt  }
0x42: {  	_ =	shalt  }
0x43: {  	_ =	shalt  }
0x44: {  	_ =	shalt  }
0x45: {  	_ =	shalt  }
0x46: {  	_ =	shalt  }
0x47: {  	_ =	shalt  }
0x48: {  	_ =	shalt  }
0x49: {  	_ =	shalt  }
0x4a: {  	_ =	shalt  }
0x4b: {  	_ =	shalt  }
0x4c: {  	_ =	shalt  }
0x4d: {  	_ =	shalt  }
0x4e: {  	_ =	shalt  }
0x4f: {  	_ =	shalt  }
0x50: {  	_ =	shalt  }
0x51: {  	_ =	shalt  }
0x52: {  	_ =	shalt  }
0x53: {  	_ =	shalt  }
0x54: {  	_ =	shalt  }
0x55: {  	_ =	shalt  }
0x56: {  	_ =	shalt  }
0x57: {  	_ =	shalt  }
0x58: {  	_ =	shalt  }
0x59: {  	_ =	shalt  }
0x5a: {  	_ =	shalt  }
0x5b: {  	_ =	shalt  }
0x5c: {  	_ =	shalt  }
0x5d: {  	_ =	shalt  }
0x5e: {  	_ =	shalt  }
0x5f: {  	_ =	shalt  }
0x60: {  	_ =	shalt  }
0x61: {  	_ =	shalt  }
0x62: {  	_ =	shalt  }
0x63: {  	_ =	shalt  }
0x64: {  	_ =	shalt  }
0x65: {  	_ =	shalt  }
0x66: {  	_ =	shalt  }
0x67: {  	_ =	shalt  }
0x68: {  	_ =	shalt  }
0x69: {  	_ =	shalt  }
0x6a: {  	_ =	shalt  }
0x6b: {  	_ =	shalt  }
0x6c: {  	_ =	shalt  }
0x6d: {  	_ =	shalt  }
0x6e: {  	_ =	shalt  }
0x6f: {  	_ =	shalt  }
0x70: {  	_ =	shalt  }
0x71: {  	_ =	shalt  }
0x72: {  	_ =	shalt  }
0x73: {  	_ =	shalt  }
0x74: {  	_ =	shalt  }
0x75: {  	_ =	shalt  }
0x76: {  	_ =	shalt  }
0x77: {  	_ =	shalt  }
0x78: {  	_ =	shalt  }
0x79: {  	_ =	shalt  }
0x7a: {  	_ =	shalt  }
0x7b: {  	_ =	shalt  }
0x7c: {  	_ =	shalt  }
0x7d: {  	_ =	shalt  }
0x7e: {  	_ =	shalt  }
0x7f: {  	_ =	shalt  }
0x80: {  	_ =	shalt  }
0x81: {  	_ =	shalt  }
0x82: {  	_ =	shalt  }
0x83: {  	_ =	shalt  }
0x84: {  	_ =	shalt  }
0x85: {  	_ =	shalt  }
0x86: {  	_ =	shalt  }
0x87: {  	_ =	shalt  }
.Lfunc_end0:
.L_simem_size_0:
called_computation_lowered:
.L_overlay_start_0:
0x88: {  	s2 =	sld [smem:$0x3FD9]  }
0x89: {  	s3 =	sld [smem:$0x3FFE];
	_ =	sdelay $0x1  }
0x8a: {  	s1 =	srdreg.scid  }
0x8b: {  	s0 =	sand.u32 $0x1, s1  }
0x8c: {  	s17 =	sshll.u32 s0, $0xA;
	s2 =	sadd.s32 s3, s2  }
0x8d: {  	s2 =	sadd.s32 s2, s17  }
0x8e: {  	[smem:$0x3FBE] =	sst s2  }
0x8f: {  	_ = 	snop  }
0x90: {  	s2 =	sld [smem:$0x3FC9]  }
0x91: {  	s18 =	sld [smem:$0x3FC8]  }
0x92: {  	s4 =	sld [smem:$0x3FC7]  }
0x93: {  	s5 =	sld [smem:$0x3FD0];
	(tm) =	ssettm $0x1  }
0x94: {  	s6 =	sld [smem:$0x3FFB];
	_ =	sdelay $0x3  }
0x95: {  	_ =	strace s6  }
0x96: {  	s6 =	sld [smem:$0x3FFC];
	_ =	sdelay $0x3  }
0x97: {  	_ =	strace s6  }
0x98: {  	s6 =	sld [smem:$0x3FFD];
	_ =	sdelay $0x3  }
0x99: {  	_ =	strace s6  }
0x9a: {  	_ =	strace $0x8FFFFFFF  }
0x9b: {  	s19 =	sld [smem:$0x3FDB];
	_ =	sdelay $0x1  }
0x9c: {  	s7 =	simm.s32 $_scs_section_size  }
0x9d: {  	s8 =	simm.s32 $_size__tile_overlayer_lowered;
	s9 =	simm.s32 $_tile_overlayer_lowered  }
0x9e: {  	s22 =	simm.s32 $0x1BFF;
	s21 =	sshll.u32 s9, $0x1;
	s6 =	sadd.s32 s7, s19  }
0x9f: {  	s10 =	simm.s32 $0x0;
	s20 =	sshll.u32 s8, $0x1;
	s8 =	sadd.s32 s21, s6  }
0xa0: {  	[timem:s10], [sflag:s22] =	dma.local [hbm:s8], s20  }
0xa1: {  	_ =	swait.ge [sflag:s22], s20  }
0xa2: {  	s7 =	ssub.s32 $0x0, s20;
	[sflag:s22] =	ssyncset.done $0x0  }
0xa3: {  	[sflag:s22] =	ssyncadd.s32 s7;
	_ =	sdelay $0x1  }
0xa4: {  	s23 =	simm.s32 $0x1B8B  }
0xa5: {  	_ =	swait.ge [sflag:s23], $0x1  }
0xa6: {  	[sflag:s23] =	ssyncset.done $0x0  }
0xa7: {  	s25 =	simm.s32 $0x1B8E;
	s24 =	sld [smem:$0x3FFE];
	[sflag:s23] =	ssyncadd.s32 $0xFFFFFFFF  }
0xa8: {  	s26 =	simm.s32 $execute0_lowered;
	[smem:$0x3FD2] =	sst s25  }
0xa9: {  	s8 =	sshll.u32 s26, $0x1;
	_ =	strace $0x80000046;
	[dreg:$0x1] =	wrdreg $0xFFFFFFFF  }
0xaa: {  	s28 =	simm.s32 $_size_execute0_lowered;
	s6 =	sadd.s32 s6, s8;
	[dreg:$0x0] =	wrdreg $0x0  }
0xab: {  	s8 =	sshll.u32 s28, $0x1;
	[dreg:$0x2] =	wrdreg s6  }
0xac: {  	[dreg:$0x3] =	wrdreg s8  }
0xad: {  	[dreg:$0x4] =	wrdreg $0xC0  }
0xae: {  	_ =	task [dreg:s10], $0x5FFFF  }
0xaf: {  	[dreg:$0x1] =	wrdreg $0xFFFFFFFF  }
0xb0: {  	[dreg:$0x0] =	wrdreg $0x60  }
0xb1: {  	[dreg:$0x2] =	wrdreg s2  }
0xb2: {  	[dreg:$0x3] =	wrdreg s18  }
0xb3: {  	[dreg:$0x4] =	wrdreg s4  }
0xb4: {  	[dreg:$0x5] =	wrdreg s5  }
0xb5: {  	[dreg:$0x6] =	wrdreg s24  }
0xb6: {  	[dreg:$0x7] =	wrdreg $0x9  }
0xb7: {  	_ =	task.clear_ibuf [dreg:s10], $0x8FFFF;
	_ =	strace $0x90000046  }
0xb8: {  	s29 =	simm.s32 $0x9;
	_ =	strace $0x80000048  }
0xb9: {  	_ =	swait.ge [sflag:s29], $0x1  }
0xba: {  	[sflag:s29] =	ssyncadd.s32 $0xFFFFFFFF  }
0xbb: {  	_ =	strace $0x90000048  }
0xbc: {  	_ =	sfence  }
0xbd: {  	s30 =	sld [smem:$0x0];
	_ =	sdelay $0x2  }
0xbe: {  	s31 =	sshll.u32 s1, $0xD;
	s1 =	sshrl.u32 s1, $0x2  }
0xbf: {  	s3 =	sand.u32 $0x4000, s31;
	s1 =	sadd.s32 s1, s30  }
0xc0: {  	s0 =	sor.u32 s3, s0;
	s1 =	sshll.u32 s1, $0x11  }
0xc1: {  	s0 =	sor.u32 s1, s0  }
0xc2: {  	s0 =	sadd.s32 $0x8F2B, s0  }
0xc3: {  	[sflag:s0] =	ssyncadd.remote.s32 $0x1  }
0xc4: {  	_ =	sfence.sel $0xFFFF  }
0xc5: {  	[dreg:$0x0] =	wrdreg $0xFFFFFFFF;
	(pc) =	sbr.abs _section_cstart, $3  }
0xc6: {  	[dreg:$0x1] =	wrdreg $0xFFFFFFFF  }
0xc7: {  	_ =	task.clear_ibuf [dreg:s10], $0x2FFFF;
	_ =	strace $0x9FFFFFFF  }
0xc8: {  	(tm) =	ssettm $0x7FFFFFFF  }
0xc9: {  	_ =	shalt  }
tec
execute0_lowered:
.L_overlay_start_1:
0x0: {  	(tag) =	ssettag $0x1  }
0x1: {  	s0 =	rddreg [dreg:$0x0]  }
0x2: {  	s2 =	rddreg [dreg:$0x1]  }
0x3: {  	s1 =	rddreg [dreg:$0x2]  }
0x4: {  	s3 =	rddreg [dreg:$0x4]  }
0x5: {  	s4 =	srdreg.scid;
	s5 =	stileid.u32;
	s7 =	simm.s32 $0x0  }
0x6: {  	v0 =	vimm.s32 $0x1380;
	vm0 =	vcmask $0x300;
	s12 =	simm.s32 $0x400;
	s13 =	simm.s32 $0x7A1400;
	s28 =	simm.s32 $0x7400  }
0x7: {  	vm14 =	vcmask $0x704;
	s29 =	simm.s32 $0x7C00;
	s30 =	simm.s32 $0x8400;
	s31 =	simm.s32 $0x8C00;
	v0 =	vsel vm0, $0x0, v0  }
0x8: {  	vm15 =	vcmask $0xB08;
	s11 =	simm.s32 $0xAC00;
	s8 =	simm.s32 $0xCC00;
	s9 =	simm.s32 $0xD400;
	v0 =	vsel vm14, $0x80, v0  }
0x9: {  	vm4 =	vcmask $0xF0C;
	s10 =	simm.s32 $0xE400;
	s14 =	simm.s32 $0xEC00;
	s15 =	simm.s32 $0xF400;
	v0 =	vsel vm15, $0x100, v0  }
0xa: {  	vm5 =	vcmask $0x1310;
	s16 =	simm.s32 $0xFC00;
	s17 =	simm.s32 $0x10400;
	s18 =	simm.s32 $0x12C00;
	v0 =	vsel vm4, $0x180, v0  }
0xb: {  	vm6 =	vcmask $0x1714;
	s19 =	simm.s32 $0x1;
	s20 =	simm.s32 $0x10C00;
	s4 =	sand.u32 $0x1, s4;
	v0 =	vsel vm5, $0x200, v0  }
0xc: {  	vm7 =	vcmask $0x1B18;
	s5 =	sshll.u32 s5, $0xA;
	[smem:$0x7FF] =	sst s7;
	s7 =	simm.s32 $0xC400;
	v0 =	vsel vm6, $0x280, v0  }
0xd: {  	vm8 =	vcmask $0x1F1C;
	s6 =	sshll.u32 s4, $0x9;
	s4 =	ssub.s32 $0x2, s4;
	_ =	strace $0x80000047;
	v0 =	vsel vm7, $0x300, v0  }
0xe: {  	vm9 =	vcmask $0x2320;
	s5 =	sor.u32 s6, s5;
	s21 =	sshrl.u32 s4, $0x1;
	s6 =	simm.s32 $0xBC00;
	v0 =	vsel vm8, $0x380, v0  }
0xf: {  	vm10 =	vcmask $0x2724;
	s22 =	sshrl.u32 s5, $0x3;
	s3 =	sadd.s32 s5, s3;
	s4 =	ssub.s32 s4, s21;
	v0 =	vsel vm9, $0x1000, v0  }
0x10: {  	vm11 =	vcmask $0x2B28;
	s5 =	simm.s32 $0xB400;
	s21 =	simm.s32 $0x2;
	s0 =	sadd.s32 s0, s22;
	v0 =	vsel vm10, $0x1080, v0  }
.Ltmp0:
0x11: {  	vm12 =	vcmask $0x2F2C;
	s23 =	sadd.s32 s2, s22;
	[dreg:$0x6] =	wrdreg s0;
	v0 =	vsel vm11, $0x1100, v0;
	(pc) =	sbr.rel .LBB2_1-.Ltmp0, $4  }
0x12: {  	vm13 =	vcmask $0x3330;
	s24 =	sadd.s32 $0x1800, s3;
	s25 =	sadd.s32 $0x9800, s3;
	[dreg:$0x7] =	wrdreg s23;
	v0 =	vsel vm12, $0x1180, v0  }
0x13: {  	vm14 =	vcmask $0x3734;
	s26 =	smax.u32 s4, $0x1;
	s2 =	simm.s32 $0x9C00;
	[dreg:$0x8] =	wrdreg s24;
	v0 =	vsel vm13, $0x1200, v0  }
0x14: {  	v1 =	vlaneseq.u32;
	vm15 =	vcmask $0x3B38;
	s3 =	simm.s32 $0xA400;
	s4 =	simm.s32 $0xDC00;
	[dreg:$0x9] =	wrdreg s25;
	v2 =	vsel vm14, $0x1280, v0  }
0x15: {  	[dreg:$0xa] =	wrdreg s26;
	s0 =	simm.s32 $0x9400;
	s23 =	simm.s32 $0x0;
	v0 =	vmul.u32 $0x80, v1;
	v1 =	vsel vm15, $0x1300, v2  }
.LBB2_5:
0x16: {  	s22 =	rddreg [dreg:$0x8]  }
0x17: {  	s23 =	simm.s32 $0x1000;
	s24 =	simm.s32 $0x20000;
	s25 =	simm.s32 $0x3  }
0x18: {  	[hbm4b:s22+s23] =	stream.strided.scatter [tilespmem:s20], [sflag:$0x3], $0x2000, s24, s23, $0x38;
	[tilespmem:$0x14C00] =	vst v63  }
0x19: {  	_ =	swait.ge [sflag:s25], $0x2000  }
0x1a: {  	[sflag:s25] =	ssyncset.done $0x0  }
0x1b: {  	s26 =	rddreg [dreg:$0x9];
	[sflag:s25] =	ssyncadd.s32 $0xFFFFE000  }
0x1c: {  	[hbm4b:s26+s23] =	stream.strided.scatter [tilespmem:s18], [sflag:$0x3], $0x2000, s24, s23, $0x38;
	[tilespmem:$0x14C00] =	vst v63  }
0x1d: {  	_ =	swait.ge [sflag:s25], $0x2000  }
0x1e: {  	s24 =	rddreg [dreg:$0xb]  }
0x1f: {  	s26 =	rddreg [dreg:$0xa];
	s23 =	sadd.s32 $0x1, s24  }
0x20: {  	p0 =	sne.s32 s23, s26  }
.Ltmp1:
0x21: {  	_ = 	snop;
	(pc) =	sbr.rel @!p0 .LBB2_6-.Ltmp1, $3  }
0x22: {  	_ =	sdelay $0x1  }
0x23: {  	[sflag:s25] =	ssyncset.done $0x0  }
0x24: {  	[sflag:s25] =	ssyncadd.s32 $0xFFFFE000  }
.LBB2_1:
0x25: {  	[dreg:$0xb] =	wrdreg s23  }
0x26: {  	s23 =	simm.s32 $0x0;
	s22 =	rddreg [dreg:$0x6];
	s24 =	simm.s32 $0x4  }
0x27: {  	[tilespmem:s23], [sflag:$0x4] =	stream.linear.gather [hbm4b:s22+s23], $0x200, $0x38;
	[tilespmem:$0x14C00] =	vst v63  }
0x28: {  	_ =	swait.ge [sflag:s24], $0x200  }
0x29: {  	[sflag:s24] =	ssyncset.done $0x0  }
0x2a: {  	s25 =	simm.s32 $0x200;
	s26 =	rddreg [dreg:$0x7];
	[sflag:s24] =	ssyncadd.s32 $0xFFFFFE00  }
0x2b: {  	[tilespmem:s25], [sflag:$0x4] =	stream.linear.gather [hbm4b:s26+s23], $0x200, $0x38;
	[tilespmem:$0x14C00] =	vst v63  }
0x2c: {  	_ =	swait.ge [sflag:s24], $0x200  }
0x2d: {  	[sflag:s24] =	ssyncset.done $0x0  }
0x2e: {  	[sflag:s24] =	ssyncadd.s32 $0xFFFFFE00  }
0x2f: {  	s26 =	rddreg [dreg:$0x3]  }
0x30: {  	[tilespmem:s12], [sflag:$0x4] =	stream.linear.gather [hbm4b:s26+s23], $0x800, $0x38;
	[tilespmem:$0x14C00] =	vst v63  }
0x31: {  	_ =	swait.ge [sflag:s24], $0x800  }
0x32: {  	[sflag:s24] =	ssyncset.done $0x0  }
0x33: {  	[sflag:s24] =	ssyncadd.s32 $0xFFFFF800  }
0x34: {  	v2 =	vld [tilespmem:$0x0];
	_ =	sdelay $0x4  }
0x35: {  	(v2sf) =	vpush v2, $0x0  }
0x36: {  	(v2sf) =	vpush v2, $0x1;
	_ =	sdelay $0x5  }
0x37: {  	(v2sf) =	vpush v2, $0x2;
	_ =	sdelay $0x1  }
0x38: {  	(v2sf) =	vpush v2, $0x3;
	_ =	sdelay $0x5  }
0x39: {  	s23 =	spop (v2sf);
	(v2sf) =	vpush v2, $0x4  }
0x3a: {  	s25 =	spop (v2sf);
	(v2sf) =	vpush v2, $0x5;
	_ =	sdelay $0x4  }
0x3b: {  	s22 =	sand.u32 $0xFFFFF80, s23  }
0x3c: {  	s24 =	simm.s32 $0xC00;
	s22 =	sadd.s32 s1, s22;
	s23 =	spop (v2sf);
	(v2sf) =	vpush v2, $0x6  }
0x3d: {  	[tilespmem:s24], [sflag:$0x1] =	stream.strided.gather [hbm4b:s22+s12], $0x800, s13, s12, $0x38;
	[tilespmem:$0x14C00] =	vst v63  }
0x3e: {  	s22 =	sand.u32 $0xFFFFF80, s25;
	s25 =	spop (v2sf);
	(v2sf) =	vpush v2, $0x7  }
0x3f: {  	s26 =	simm.s32 $0x1400;
	s22 =	sadd.s32 s1, s22  }
0x40: {  	[tilespmem:s26], [sflag:$0x1] =	stream.strided.gather [hbm4b:s22+s12], $0x800, s13, s12, $0x38;
	[tilespmem:$0x14C00] =	vst v63  }
0x41: {  	s22 =	sand.u32 $0xFFFFF80, s23  }
0x42: {  	s24 =	simm.s32 $0x1C00;
	s22 =	sadd.s32 s1, s22  }
0x43: {  	[tilespmem:s24], [sflag:$0x1] =	stream.strided.gather [hbm4b:s22+s12], $0x800, s13, s12, $0x38;
	[tilespmem:$0x14C00] =	vst v63  }
0x44: {  	s22 =	sand.u32 $0xFFFFF80, s25;
	s23 =	spop (v2sf);
	(v2sf) =	vpush v2, $0x8  }
0x45: {  	s26 =	simm.s32 $0x2400;
	s22 =	sadd.s32 s1, s22;
	s25 =	spop (v2sf);
	(v2sf) =	vpush v2, $0x9  }
0x46: {  	[tilespmem:s26], [sflag:$0x1] =	stream.strided.gather [hbm4b:s22+s12], $0x800, s13, s12, $0x38;
	[tilespmem:$0x14C00] =	vst v63  }
0x47: {  	s22 =	sand.u32 $0xFFFFF80, s23  }
0x48: {  	s24 =	simm.s32 $0x2C00;
	s22 =	sadd.s32 s1, s22  }
0x49: {  	[tilespmem:s24], [sflag:$0x1] =	stream.strided.gather [hbm4b:s22+s12], $0x800, s13, s12, $0x38;
	[tilespmem:$0x14C00] =	vst v63  }
0x4a: {  	(v2sf) =	vpush v2, $0xA;
	s22 =	sand.u32 $0xFFFFF80, s25  }
0x4b: {  	s26 =	simm.s32 $0x3400;
	s23 =	spop (v2sf);
	s22 =	sadd.s32 s1, s22  }
0x4c: {  	(v2sf) =	vpush v2, $0xB;
	[tilespmem:s26], [sflag:$0x1] =	stream.strided.gather [hbm4b:s22+s12], $0x800, s13, s12, $0x38;
	[tilespmem:$0x14C00] =	vst v63  }
0x4d: {  	s25 =	spop (v2sf);
	(v2sf) =	vpush v2, $0xC;
	s22 =	sand.u32 $0xFFFFF80, s23  }
0x4e: {  	s24 =	simm.s32 $0x3C00;
	s22 =	sadd.s32 s1, s22  }
0x4f: {  	[tilespmem:s24], [sflag:$0x1] =	stream.strided.gather [hbm4b:s22+s12], $0x800, s13, s12, $0x38;
	[tilespmem:$0x14C00] =	vst v63  }
0x50: {  	s22 =	sand.u32 $0xFFFFF80, s25  }
0x51: {  	s26 =	simm.s32 $0x4400;
	s22 =	sadd.s32 s1, s22  }
0x52: {  	[tilespmem:s26], [sflag:$0x1] =	stream.strided.gather [hbm4b:s22+s12], $0x800, s13, s12, $0x38;
	[tilespmem:$0x14C00] =	vst v63  }
0x53: {  	s23 =	spop (v2sf);
	(v2sf) =	vpush v2, $0xD  }
0x54: {  	s25 =	spop (v2sf);
	(v2sf) =	vpush v2, $0xE  }
0x55: {  	s22 =	sand.u32 $0xFFFFF80, s23  }
0x56: {  	s24 =	simm.s32 $0x4C00;
	s22 =	sadd.s32 s1, s22  }
0x57: {  	[tilespmem:s24], [sflag:$0x1] =	stream.strided.gather [hbm4b:s22+s12], $0x800, s13, s12, $0x38;
	[tilespmem:$0x14C00] =	vst v63  }
0x58: {  	s22 =	sand.u32 $0xFFFFF80, s25  }
0x59: {  	s26 =	simm.s32 $0x5400;
	s24 =	spop (v2sf);
	(v2sf) =	vpush v2, $0xF;
	s22 =	sadd.s32 s1, s22  }
0x5a: {  	[tilespmem:s26], [sflag:$0x1] =	stream.strided.gather [hbm4b:s22+s12], $0x800, s13, s12, $0x38;
	[tilespmem:$0x14C00] =	vst v63  }
0x5b: {  	s25 =	spop (v2sf);
	s22 =	sand.u32 $0xFFFFF80, s24;
	s26 =	simm.s32 $0x5C00  }
0x5c: {  	s24 =	sand.u32 $0xFFFFF80, s25;
	s25 =	spop (v2sf);
	s22 =	sadd.s32 s1, s22  }
0x5d: {  	[tilespmem:s26], [sflag:$0x1] =	stream.strided.gather [hbm4b:s22+s12], $0x800, s13, s12, $0x38;
	[tilespmem:$0x14C00] =	vst v63  }
0x5e: {  	s22 =	sadd.s32 s1, s24;
	s26 =	simm.s32 $0x6400;
	s24 =	sand.u32 $0xFFFFF80, s25  }
0x5f: {  	[tilespmem:s26], [sflag:$0x1] =	stream.strided.gather [hbm4b:s22+s12], $0x800, s13, s12, $0x38;
	[tilespmem:$0x14C00] =	vst v63  }
0x60: {  	s22 =	sadd.s32 s1, s24;
	s26 =	simm.s32 $0x6C00  }
0x61: {  	[tilespmem:s26], [sflag:$0x1] =	stream.strided.gather [hbm4b:s22+s12], $0x800, s13, s12, $0x38;
	[tilespmem:$0x14C00] =	vst v63  }
0x62: {  	s25 =	spop (v2sf)  }
0x63: {  	s23 =	sand.u32 $0xFFFFF80, s25;
	s24 =	spop (v2sf)  }
0x64: {  	s22 =	sadd.s32 s1, s23;
	s25 =	sand.u32 $0xFFFFF80, s24  }
0x65: {  	[tilespmem:s28], [sflag:$0x1] =	stream.strided.gather [hbm4b:s22+s12], $0x800, s13, s12, $0x38;
	[tilespmem:$0x14C00] =	vst v63  }
0x66: {  	s22 =	sadd.s32 s1, s25  }
0x67: {  	[tilespmem:s29], [sflag:$0x1] =	stream.strided.gather [hbm4b:s22+s12], $0x800, s13, s12, $0x38;
	[tilespmem:$0x14C00] =	vst v63  }
.Ltmp2:
0x68: {  	s26 =	spop (v2sf);
	(pc) =	sbr.rel .LBB2_2-.Ltmp2, $4  }
0x69: {  	s22 =	sand.u32 $0xFFFFF80, s26  }
0x6a: {  	s22 =	sadd.s32 s1, s22  }
0x6b: {  	[tilespmem:s30], [sflag:$0x1] =	stream.strided.gather [hbm4b:s22+s12], $0x800, s13, s12, $0x38;
	[tilespmem:$0x14C00] =	vst v63  }
0x6c: {  	s23 =	simm.s32 $0x10;
	s24 =	simm.s32 $0x0;
	s22 =	simm.s32 $0x210  }
.LBB2_4:
0x6d: {  	v15 =	vld [tilespmem:s22+$0x0];
	_ =	sdelay $0x4  }
0x6e: {  	v2 =	vbroadcast v15, $0x0;
	_ =	sdelay $0x1  }
0x6f: {  	s25 =	sadd.s32 $0x10, s24;
	v2 =	vadd.s32 v0, v2  }
0x70: {  	v3 =	vmov s25  }
0x71: {  	v4 =	vshll.u32 v3, $0x3  }
0x72: {  	v3 =	vand.u32 $0x70, v3;
	v4 =	vand.u32 $0xC00, v4  }
0x73: {  	v3 =	vor.u32 v4, v3;
	v45 =	vbroadcast v15, $0x1  }
0x74: {  	v5 =	vld.idx.msk [tilespmem:v2+s12+$0x0], $0xffff;
	v2 =	vor.u32 v1, v3  }
0x75: {  	s26 =	sadd.s32 $0x11, s24;
	v3 =	vadd.s32 v0, v45  }
0x76: {  	v46 =	vmov s26  }
0x77: {  	v6 =	vshll.u32 v46, $0x3  }
0x78: {  	v6 =	vand.u32 $0xC00, v6;
	v4 =	vand.u32 $0x71, v46  }
0x79: {  	v4 =	vor.u32 v6, v4;
	v47 =	vbroadcast v15, $0x2;
	[tilespmem:v2+s18+$0x0] =	vst.idx.msk $0xffff, v5  }
0x7a: {  	v48 =	vld.idx.msk [tilespmem:v3+s12+$0x0], $0xffff;
	v3 =	vor.u32 v1, v4  }
0x7b: {  	s26 =	sadd.s32 $0x12, s24;
	v49 =	vadd.s32 v0, v47  }
0x7c: {  	v50 =	vmov s26  }
0x7d: {  	v7 =	vshll.u32 v50, $0x3  }
0x7e: {  	v7 =	vand.u32 $0xC00, v7;
	v5 =	vand.u32 $0x72, v50  }
0x7f: {  	v51 =	vbroadcast v15, $0x3;
	v5 =	vor.u32 v7, v5;
	[tilespmem:v3+s18+$0x0] =	vst.idx.msk $0xffff, v48  }
0x80: {  	v4 =	vor.u32 v1, v5;
	v52 =	vld.idx.msk [tilespmem:v49+s12+$0x0], $0xffff  }
0x81: {  	s26 =	sadd.s32 $0x13, s24;
	v53 =	vadd.s32 v0, v51  }
0x82: {  	v54 =	vmov s26  }
0x83: {  	v8 =	vshll.u32 v54, $0x3  }
0x84: {  	v6 =	vand.u32 $0x73, v54;
	v8 =	vand.u32 $0xC00, v8  }
0x85: {  	v55 =	vbroadcast v15, $0x4;
	v6 =	vor.u32 v8, v6;
	[tilespmem:v4+s18+$0x0] =	vst.idx.msk $0xffff, v52  }
0x86: {  	v5 =	vor.u32 v1, v6;
	v56 =	vld.idx.msk [tilespmem:v53+s12+$0x0], $0xffff  }
0x87: {  	s26 =	sadd.s32 $0x14, s24;
	v57 =	vadd.s32 v0, v55  }
0x88: {  	v58 =	vmov s26  }
0x89: {  	v9 =	vshll.u32 v58, $0x3  }
0x8a: {  	v9 =	vand.u32 $0xC00, v9;
	v7 =	vand.u32 $0x74, v58  }
0x8b: {  	v59 =	vbroadcast v15, $0x5;
	v7 =	vor.u32 v9, v7;
	[tilespmem:v5+s18+$0x0] =	vst.idx.msk $0xffff, v56  }
0x8c: {  	v6 =	vor.u32 v1, v7;
	v60 =	vld.idx.msk [tilespmem:v57+s12+$0x0], $0xffff  }
0x8d: {  	s26 =	sadd.s32 $0x15, s24;
	v61 =	vadd.s32 v0, v59  }
0x8e: {  	v62 =	vmov s26  }
0x8f: {  	v10 =	vshll.u32 v62, $0x3  }
0x90: {  	v8 =	vand.u32 $0x75, v62;
	v10 =	vand.u32 $0xC00, v10  }
0x91: {  	v63 =	vbroadcast v15, $0x6;
	v8 =	vor.u32 v10, v8;
	[tilespmem:v6+s18+$0x0] =	vst.idx.msk $0xffff, v60  }
0x92: {  	v7 =	vor.u32 v1, v8;
	v12 =	vld.idx.msk [tilespmem:v61+s12+$0x0], $0xffff  }
0x93: {  	s26 =	sadd.s32 $0x16, s24;
	v13 =	vadd.s32 v0, v63  }
0x94: {  	v14 =	vmov s26  }
0x95: {  	v11 =	vshll.u32 v14, $0x3  }
0x96: {  	v11 =	vand.u32 $0xC00, v11;
	v9 =	vand.u32 $0x76, v14  }
0x97: {  	v16 =	vbroadcast v15, $0x7;
	v9 =	vor.u32 v11, v9;
	[tilespmem:v7+s18+$0x0] =	vst.idx.msk $0xffff, v12  }
0x98: {  	v8 =	vor.u32 v1, v9;
	v17 =	vld.idx.msk [tilespmem:v13+s12+$0x0], $0xffff  }
0x99: {  	s26 =	sadd.s32 $0x17, s24;
	v18 =	vadd.s32 v0, v16  }
0x9a: {  	v19 =	vmov s26  }
0x9b: {  	v12 =	vshll.u32 v19, $0x3  }
0x9c: {  	v10 =	vand.u32 $0x77, v19;
	v12 =	vand.u32 $0xC00, v12  }
0x9d: {  	v20 =	vbroadcast v15, $0x8;
	v10 =	vor.u32 v12, v10;
	[tilespmem:v8+s18+$0x0] =	vst.idx.msk $0xffff, v17  }
0x9e: {  	v9 =	vor.u32 v1, v10;
	v21 =	vld.idx.msk [tilespmem:v18+s12+$0x0], $0xffff  }
0x9f: {  	s26 =	sadd.s32 $0x18, s24;
	v22 =	vadd.s32 v0, v20  }
0xa0: {  	v23 =	vmov s26  }
0xa1: {  	v13 =	vshll.u32 v23, $0x3  }
0xa2: {  	v11 =	vand.u32 $0x78, v23;
	v13 =	vand.u32 $0xC00, v13  }
0xa3: {  	v24 =	vbroadcast v15, $0x9;
	v11 =	vor.u32 v13, v11;
	[tilespmem:v9+s18+$0x0] =	vst.idx.msk $0xffff, v21  }
0xa4: {  	v26 =	vor.u32 v1, v11;
	v25 =	vld.idx.msk [tilespmem:v22+s12+$0x0], $0xffff  }
0xa5: {  	v27 =	vadd.s32 v0, v24;
	s26 =	sadd.s32 $0x19, s24  }
0xa6: {  	v28 =	vmov s26  }
0xa7: {  	v14 =	vshll.u32 v28, $0x3  }
0xa8: {  	v14 =	vand.u32 $0xC00, v14;
	v12 =	vand.u32 $0x79, v28  }
0xa9: {  	v29 =	vbroadcast v15, $0xA;
	v12 =	vor.u32 v14, v12;
	[tilespmem:v26+s18+$0x0] =	vst.idx.msk $0xffff, v25  }
0xaa: {  	v31 =	vor.u32 v1, v12;
	v30 =	vld.idx.msk [tilespmem:v27+s12+$0x0], $0xffff  }
0xab: {  	v32 =	vadd.s32 v0, v29;
	s26 =	sadd.s32 $0x1A, s24  }
0xac: {  	v33 =	vmov s26  }
0xad: {  	v16 =	vshll.u32 v33, $0x3  }
0xae: {  	v16 =	vand.u32 $0xC00, v16;
	v13 =	vand.u32 $0x7A, v33  }
0xaf: {  	v34 =	vbroadcast v15, $0xB;
	v13 =	vor.u32 v16, v13;
	[tilespmem:v31+s18+$0x0] =	vst.idx.msk $0xffff, v30  }
0xb0: {  	v36 =	vor.u32 v1, v13;
	v35 =	vld.idx.msk [tilespmem:v32+s12+$0x0], $0xffff  }
0xb1: {  	v37 =	vadd.s32 v0, v34;
	s26 =	sadd.s32 $0x1B, s24  }
0xb2: {  	v38 =	vmov s26  }
0xb3: {  	v17 =	vshll.u32 v38, $0x3  }
0xb4: {  	v14 =	vand.u32 $0x7B, v38;
	v17 =	vand.u32 $0xC00, v17  }
0xb5: {  	v39 =	vbroadcast v15, $0xC;
	v14 =	vor.u32 v17, v14;
	[tilespmem:v36+s18+$0x0] =	vst.idx.msk $0xffff, v35  }
0xb6: {  	v41 =	vor.u32 v1, v14;
	v40 =	vld.idx.msk [tilespmem:v37+s12+$0x0], $0xffff  }
0xb7: {  	v42 =	vadd.s32 v0, v39;
	s26 =	sadd.s32 $0x1C, s24  }
0xb8: {  	v43 =	vmov s26  }
0xb9: {  	v18 =	vshll.u32 v43, $0x3  }
0xba: {  	v16 =	vand.u32 $0x7C, v43;
	v18 =	vand.u32 $0xC00, v18  }
0xbb: {  	v44 =	vbroadcast v15, $0xD;
	v16 =	vor.u32 v18, v16;
	[tilespmem:v41+s18+$0x0] =	vst.idx.msk $0xffff, v40  }
0xbc: {  	v46 =	vor.u32 v1, v16;
	v45 =	vld.idx.msk [tilespmem:v42+s12+$0x0], $0xffff  }
0xbd: {  	v47 =	vadd.s32 v0, v44;
	s26 =	sadd.s32 $0x1D, s24  }
0xbe: {  	v48 =	vmov s26  }
0xbf: {  	v19 =	vshll.u32 v48, $0x3  }
0xc0: {  	v19 =	vand.u32 $0xC00, v19;
	v17 =	vand.u32 $0x7D, v48  }
0xc1: {  	v49 =	vbroadcast v15, $0xE;
	v17 =	vor.u32 v19, v17;
	[tilespmem:v46+s18+$0x0] =	vst.idx.msk $0xffff, v45  }
0xc2: {  	v51 =	vor.u32 v1, v17;
	v50 =	vld.idx.msk [tilespmem:v47+s12+$0x0], $0xffff  }
0xc3: {  	s26 =	sadd.s32 $0x1E, s24;
	v52 =	vadd.s32 v0, v49  }
0xc4: {  	v53 =	vmov s26  }
0xc5: {  	v20 =	vshll.u32 v53, $0x3  }
0xc6: {  	v20 =	vand.u32 $0xC00, v20;
	v18 =	vand.u32 $0x7E, v53  }
0xc7: {  	v54 =	vbroadcast v15, $0xF;
	v18 =	vor.u32 v20, v18;
	[tilespmem:v51+s18+$0x0] =	vst.idx.msk $0xffff, v50  }
0xc8: {  	v55 =	vor.u32 v1, v18;
	v17 =	vld.idx.msk [tilespmem:v52+s12+$0x0], $0xffff  }
0xc9: {  	s26 =	sadd.s32 $0x1F, s24;
	v56 =	vadd.s32 v0, v54  }
0xca: {  	v57 =	vmov s26  }
0xcb: {  	v58 =	vshll.u32 v57, $0x3  }
0xcc: {  	v19 =	vand.u32 $0x7F, v57;
	v20 =	vand.u32 $0xC00, v58  }
0xcd: {  	v59 =	vor.u32 v20, v19;
	[tilespmem:v55+s18+$0x0] =	vst.idx.msk $0xffff, v17  }
0xce: {  	v17 =	vor.u32 v1, v59;
	v18 =	vld.idx.msk [tilespmem:v56+s12+$0x0], $0xffff;
	_ =	sdelay $0x4  }
0xcf: {  	[tilespmem:v17+s18+$0x0] =	vst.idx.msk $0xffff, v18  }
0xd0: {  	_ =	swait.ge [sflag:s21], $0x800  }
0xd1: {  	[sflag:s21] =	ssyncset.done $0x0  }
0xd2: {  	[sflag:s21] =	ssyncadd.s32 $0xFFFFF800  }
0xd3: {  	_ =	swait.ge [sflag:s21], $0x800  }
0xd4: {  	[sflag:s21] =	ssyncset.done $0x0  }
0xd5: {  	[sflag:s21] =	ssyncadd.s32 $0xFFFFF800  }
0xd6: {  	_ =	swait.ge [sflag:s21], $0x800  }
0xd7: {  	[sflag:s21] =	ssyncset.done $0x0  }
0xd8: {  	[sflag:s21] =	ssyncadd.s32 $0xFFFFF800  }
0xd9: {  	_ =	swait.ge [sflag:s21], $0x800  }
0xda: {  	[sflag:s21] =	ssyncset.done $0x0  }
0xdb: {  	[sflag:s21] =	ssyncadd.s32 $0xFFFFF800  }
0xdc: {  	_ =	swait.ge [sflag:s21], $0x800  }
0xdd: {  	[sflag:s21] =	ssyncset.done $0x0  }
0xde: {  	[sflag:s21] =	ssyncadd.s32 $0xFFFFF800  }
0xdf: {  	_ =	swait.ge [sflag:s21], $0x800  }
0xe0: {  	[sflag:s21] =	ssyncset.done $0x0  }
0xe1: {  	[sflag:s21] =	ssyncadd.s32 $0xFFFFF800  }
0xe2: {  	_ =	swait.ge [sflag:s21], $0x800  }
0xe3: {  	[sflag:s21] =	ssyncset.done $0x0  }
0xe4: {  	[sflag:s21] =	ssyncadd.s32 $0xFFFFF800  }
0xe5: {  	_ =	swait.ge [sflag:s21], $0x800  }
0xe6: {  	[sflag:s21] =	ssyncset.done $0x0  }
0xe7: {  	[sflag:s21] =	ssyncadd.s32 $0xFFFFF800  }
0xe8: {  	_ =	swait.ge [sflag:s21], $0x800  }
0xe9: {  	[sflag:s21] =	ssyncset.done $0x0  }
0xea: {  	[sflag:s21] =	ssyncadd.s32 $0xFFFFF800  }
0xeb: {  	_ =	swait.ge [sflag:s21], $0x800  }
0xec: {  	[sflag:s21] =	ssyncset.done $0x0  }
0xed: {  	[sflag:s21] =	ssyncadd.s32 $0xFFFFF800  }
0xee: {  	_ =	swait.ge [sflag:s21], $0x800  }
0xef: {  	[sflag:s21] =	ssyncset.done $0x0  }
0xf0: {  	[sflag:s21] =	ssyncadd.s32 $0xFFFFF800  }
0xf1: {  	_ =	swait.ge [sflag:s21], $0x800  }
0xf2: {  	[sflag:s21] =	ssyncset.done $0x0  }
0xf3: {  	[sflag:s21] =	ssyncadd.s32 $0xFFFFF800  }
0xf4: {  	_ =	swait.ge [sflag:s21], $0x800  }
0xf5: {  	[sflag:s21] =	ssyncset.done $0x0  }
0xf6: {  	[sflag:s21] =	ssyncadd.s32 $0xFFFFF800  }
0xf7: {  	_ =	swait.ge [sflag:s21], $0x800  }
0xf8: {  	[sflag:s21] =	ssyncset.done $0x0  }
0xf9: {  	[sflag:s21] =	ssyncadd.s32 $0xFFFFF800  }
0xfa: {  	_ =	swait.ge [sflag:s21], $0x800  }
0xfb: {  	[sflag:s21] =	ssyncset.done $0x0  }
0xfc: {  	[sflag:s21] =	ssyncadd.s32 $0xFFFFF800  }
0xfd: {  	_ =	swait.ge [sflag:s21], $0x800  }
0xfe: {  	[sflag:s21] =	ssyncset.done $0x0  }
0xff: {  	[sflag:s21] =	ssyncadd.s32 $0xFFFFF800  }
0x100: {  	v60 =	vld [tilespmem:s23+$0x0];
	_ =	sdelay $0x4  }
0x101: {  	(v2sf) =	vpush v60, $0x0;
	_ =	sdelay $0x5  }
0x102: {  	(v2sf) =	vpush v60, $0x1;
	_ =	sdelay $0x5  }
0x103: {  	(v2sf) =	vpush v60, $0x2;
	_ =	sdelay $0x2  }
0x104: {  	s26 =	spop (v2sf)  }
0x105: {  	s25 =	sand.u32 $0x7F, s26  }
0x106: {  	v61 =	vor.u32 s25, v0  }
0x107: {  	(v2sf) =	vpush v60, $0x3;
	_ =	sdelay $0x2  }
0x108: {  	s26 =	spop (v2sf)  }
0x109: {  	s25 =	sand.u32 $0x7F, s26;
	v19 =	vld.idx.msk [tilespmem:v61+s31+$0x0], $0xffff  }
0x10a: {  	v62 =	vor.u32 s25, v0  }
0x10b: {  	(v2sf) =	vpush v60, $0x4;
	_ =	sdelay $0x2  }
0x10c: {  	s26 =	spop (v2sf);
	[tilespmem:v2+s20+$0x0] =	vst.idx.msk $0xffff, v19  }
0x10d: {  	s25 =	sand.u32 $0x7F, s26;
	v2 =	vld.idx.msk [tilespmem:v62+s0+$0x0], $0xffff  }
0x10e: {  	v63 =	vor.u32 s25, v0  }
0x10f: {  	(v2sf) =	vpush v60, $0x5;
	_ =	sdelay $0x2  }
0x110: {  	s26 =	spop (v2sf);
	[tilespmem:v3+s20+$0x0] =	vst.idx.msk $0xffff, v2  }
0x111: {  	s25 =	sand.u32 $0x7F, s26;
	v2 =	vld.idx.msk [tilespmem:v63+s2+$0x0], $0xffff  }
0x112: {  	v3 =	vor.u32 s25, v0  }
0x113: {  	(v2sf) =	vpush v60, $0x6;
	_ =	sdelay $0x2  }
0x114: {  	s26 =	spop (v2sf);
	[tilespmem:v4+s20+$0x0] =	vst.idx.msk $0xffff, v2  }
0x115: {  	s25 =	sand.u32 $0x7F, s26;
	v2 =	vld.idx.msk [tilespmem:v3+s3+$0x0], $0xffff  }
0x116: {  	v3 =	vor.u32 s25, v0  }
0x117: {  	(v2sf) =	vpush v60, $0x7;
	_ =	sdelay $0x2  }
0x118: {  	s26 =	spop (v2sf);
	[tilespmem:v5+s20+$0x0] =	vst.idx.msk $0xffff, v2  }
0x119: {  	s25 =	sand.u32 $0x7F, s26;
	v2 =	vld.idx.msk [tilespmem:v3+s11+$0x0], $0xffff  }
0x11a: {  	v3 =	vor.u32 s25, v0  }
0x11b: {  	(v2sf) =	vpush v60, $0x8;
	_ =	sdelay $0x2  }
0x11c: {  	s26 =	spop (v2sf);
	[tilespmem:v6+s20+$0x0] =	vst.idx.msk $0xffff, v2  }
0x11d: {  	s25 =	sand.u32 $0x7F, s26;
	v2 =	vld.idx.msk [tilespmem:v3+s5+$0x0], $0xffff  }
0x11e: {  	v3 =	vor.u32 s25, v0  }
0x11f: {  	(v2sf) =	vpush v60, $0x9;
	_ =	sdelay $0x2  }
0x120: {  	s26 =	spop (v2sf);
	[tilespmem:v7+s20+$0x0] =	vst.idx.msk $0xffff, v2  }
0x121: {  	s25 =	sand.u32 $0x7F, s26;
	v2 =	vld.idx.msk [tilespmem:v3+s6+$0x0], $0xffff  }
0x122: {  	v3 =	vor.u32 s25, v0  }
0x123: {  	(v2sf) =	vpush v60, $0xA;
	_ =	sdelay $0x2  }
0x124: {  	s26 =	spop (v2sf);
	[tilespmem:v8+s20+$0x0] =	vst.idx.msk $0xffff, v2  }
0x125: {  	s25 =	sand.u32 $0x7F, s26;
	v2 =	vld.idx.msk [tilespmem:v3+s7+$0x0], $0xffff  }
0x126: {  	v3 =	vor.u32 s25, v0  }
0x127: {  	(v2sf) =	vpush v60, $0xB;
	_ =	sdelay $0x2  }
0x128: {  	s26 =	spop (v2sf);
	[tilespmem:v9+s20+$0x0] =	vst.idx.msk $0xffff, v2  }
0x129: {  	s25 =	sand.u32 $0x7F, s26;
	v2 =	vld.idx.msk [tilespmem:v3+s8+$0x0], $0xffff  }
0x12a: {  	v3 =	vor.u32 s25, v0  }
0x12b: {  	(v2sf) =	vpush v60, $0xC;
	_ =	sdelay $0x2  }
0x12c: {  	s26 =	spop (v2sf);
	[tilespmem:v26+s20+$0x0] =	vst.idx.msk $0xffff, v2  }
0x12d: {  	s25 =	sand.u32 $0x7F, s26;
	v2 =	vld.idx.msk [tilespmem:v3+s9+$0x0], $0xffff  }
0x12e: {  	v3 =	vor.u32 s25, v0  }
0x12f: {  	(v2sf) =	vpush v60, $0xD;
	_ =	sdelay $0x2  }
0x130: {  	s26 =	spop (v2sf);
	[tilespmem:v31+s20+$0x0] =	vst.idx.msk $0xffff, v2  }
0x131: {  	s25 =	sand.u32 $0x7F, s26;
	v2 =	vld.idx.msk [tilespmem:v3+s4+$0x0], $0xffff  }
0x132: {  	v3 =	vor.u32 s25, v0  }
0x133: {  	(v2sf) =	vpush v60, $0xE;
	_ =	sdelay $0x2  }
0x134: {  	s26 =	spop (v2sf);
	[tilespmem:v36+s20+$0x0] =	vst.idx.msk $0xffff, v2  }
0x135: {  	s25 =	sand.u32 $0x7F, s26;
	v2 =	vld.idx.msk [tilespmem:v3+s10+$0x0], $0xffff  }
0x136: {  	v3 =	vor.u32 s25, v0  }
0x137: {  	(v2sf) =	vpush v60, $0xF;
	_ =	sdelay $0x2  }
0x138: {  	s26 =	spop (v2sf);
	[tilespmem:v41+s20+$0x0] =	vst.idx.msk $0xffff, v2  }
0x139: {  	s25 =	sand.u32 $0x7F, s26;
	v2 =	vld.idx.msk [tilespmem:v3+s14+$0x0], $0xffff  }
0x13a: {  	v3 =	vor.u32 s25, v0;
	_ =	sdelay $0x3  }
0x13b: {  	s26 =	spop (v2sf);
	[tilespmem:v46+s20+$0x0] =	vst.idx.msk $0xffff, v2  }
0x13c: {  	s25 =	sand.u32 $0x7F, s26;
	v2 =	vld.idx.msk [tilespmem:v3+s15+$0x0], $0xffff  }
0x13d: {  	v3 =	vor.u32 s25, v0;
	_ =	sdelay $0x3  }
0x13e: {  	s26 =	spop (v2sf);
	[tilespmem:v51+s20+$0x0] =	vst.idx.msk $0xffff, v2  }
0x13f: {  	s25 =	sand.u32 $0x7F, s26;
	v2 =	vld.idx.msk [tilespmem:v3+s16+$0x0], $0xffff  }
0x140: {  	v3 =	vor.u32 s25, v0;
	_ =	sdelay $0x3  }
0x141: {  	s24 =	sadd.s32 $0x20, s24;
	[tilespmem:v55+s20+$0x0] =	vst.idx.msk $0xffff, v2  }
0x142: {  	p0 =	sne.s32 s24, $0x200;
	v2 =	vld.idx.msk [tilespmem:v3+s17+$0x0], $0xffff  }
.Ltmp3:
0x143: {  	_ = 	snop;
	(pc) =	sbr.rel @!p0 .LBB2_5-.Ltmp3, $2  }
0x144: {  	_ =	sdelay $0x2  }
0x145: {  	s22 =	sadd.s32 $0x20, s22;
	s23 =	sadd.s32 $0x20, s23;
	[tilespmem:v17+s20+$0x0] =	vst.idx.msk $0xffff, v2  }
.LBB2_2:
0x146: {  	v2 =	vld [tilespmem:s23+$0x0];
	_ =	sdelay $0x4  }
0x147: {  	(v2sf) =	vpush v2, $0x0;
	_ =	sdelay $0x1  }
0x148: {  	(v2sf) =	vpush v2, $0x1;
	_ =	sdelay $0x2  }
0x149: {  	(v2sf) =	vpush v2, $0x2;
	_ =	sdelay $0x2  }
0x14a: {  	(v2sf) =	vpush v2, $0x3;
	_ =	sdelay $0x6  }
0x14b: {  	s25 =	spop (v2sf);
	(v2sf) =	vpush v2, $0x4;
	_ =	sdelay $0x1  }
0x14c: {  	s25 =	sand.u32 $0xFFFFF80, s25;
	s26 =	spop (v2sf);
	(v2sf) =	vpush v2, $0x5  }
0x14d: {  	s25 =	sadd.s32 s1, s25  }
0x14e: {  	[tilespmem:s31], [sflag:$0x2] =	stream.strided.gather [hbm4b:s25+s12], $0x800, s13, s12, $0x38;
	[tilespmem:$0x14C00] =	vst v63  }
0x14f: {  	s25 =	sand.u32 $0xFFFFF80, s26;
	s26 =	spop (v2sf);
	(v2sf) =	vpush v2, $0x6  }
0x150: {  	s25 =	sadd.s32 s1, s25  }
0x151: {  	[tilespmem:s0], [sflag:$0x2] =	stream.strided.gather [hbm4b:s25+s12], $0x800, s13, s12, $0x38;
	[tilespmem:$0x14C00] =	vst v63  }
0x152: {  	s25 =	sand.u32 $0xFFFFF80, s26;
	s26 =	spop (v2sf);
	(v2sf) =	vpush v2, $0x7;
	_ =	sdelay $0x3  }
0x153: {  	s25 =	sadd.s32 s1, s25  }
0x154: {  	[tilespmem:s2], [sflag:$0x2] =	stream.strided.gather [hbm4b:s25+s12], $0x800, s13, s12, $0x38;
	[tilespmem:$0x14C00] =	vst v63  }
0x155: {  	s25 =	sand.u32 $0xFFFFF80, s26  }
0x156: {  	s25 =	sadd.s32 s1, s25;
	s26 =	spop (v2sf);
	(v2sf) =	vpush v2, $0x8  }
0x157: {  	[tilespmem:s3], [sflag:$0x2] =	stream.strided.gather [hbm4b:s25+s12], $0x800, s13, s12, $0x38;
	[tilespmem:$0x14C00] =	vst v63  }
0x158: {  	s25 =	sand.u32 $0xFFFFF80, s26;
	s26 =	spop (v2sf);
	(v2sf) =	vpush v2, $0x9  }
0x159: {  	s25 =	sadd.s32 s1, s25  }
0x15a: {  	[tilespmem:s11], [sflag:$0x2] =	stream.strided.gather [hbm4b:s25+s12], $0x800, s13, s12, $0x38;
	[tilespmem:$0x14C00] =	vst v63  }
0x15b: {  	s25 =	sand.u32 $0xFFFFF80, s26;
	s26 =	spop (v2sf);
	(v2sf) =	vpush v2, $0xA  }
0x15c: {  	s25 =	sadd.s32 s1, s25  }
0x15d: {  	[tilespmem:s5], [sflag:$0x2] =	stream.strided.gather [hbm4b:s25+s12], $0x800, s13, s12, $0x38;
	[tilespmem:$0x14C00] =	vst v63  }
0x15e: {  	s25 =	sand.u32 $0xFFFFF80, s26;
	s26 =	spop (v2sf);
	(v2sf) =	vpush v2, $0xB;
	_ =	sdelay $0x3  }
0x15f: {  	s25 =	sadd.s32 s1, s25  }
0x160: {  	[tilespmem:s6], [sflag:$0x2] =	stream.strided.gather [hbm4b:s25+s12], $0x800, s13, s12, $0x38;
	[tilespmem:$0x14C00] =	vst v63  }
0x161: {  	s25 =	sand.u32 $0xFFFFF80, s26  }
0x162: {  	s25 =	sadd.s32 s1, s25;
	s26 =	spop (v2sf);
	(v2sf) =	vpush v2, $0xC  }
0x163: {  	[tilespmem:s7], [sflag:$0x2] =	stream.strided.gather [hbm4b:s25+s12], $0x800, s13, s12, $0x38;
	[tilespmem:$0x14C00] =	vst v63  }
0x164: {  	s25 =	sand.u32 $0xFFFFF80, s26;
	s26 =	spop (v2sf);
	(v2sf) =	vpush v2, $0xD  }
0x165: {  	s25 =	sadd.s32 s1, s25  }
0x166: {  	[tilespmem:s8], [sflag:$0x2] =	stream.strided.gather [hbm4b:s25+s12], $0x800, s13, s12, $0x38;
	[tilespmem:$0x14C00] =	vst v63  }
0x167: {  	s25 =	sand.u32 $0xFFFFF80, s26;
	s26 =	spop (v2sf);
	(v2sf) =	vpush v2, $0xE  }
0x168: {  	s25 =	sadd.s32 s1, s25  }
0x169: {  	[tilespmem:s9], [sflag:$0x2] =	stream.strided.gather [hbm4b:s25+s12], $0x800, s13, s12, $0x38;
	[tilespmem:$0x14C00] =	vst v63  }
0x16a: {  	s25 =	sand.u32 $0xFFFFF80, s26;
	s26 =	spop (v2sf);
	(v2sf) =	vpush v2, $0xF;
	_ =	sdelay $0x1  }
0x16b: {  	s25 =	sadd.s32 s1, s25  }
0x16c: {  	[tilespmem:s4], [sflag:$0x2] =	stream.strided.gather [hbm4b:s25+s12], $0x800, s13, s12, $0x38;
	[tilespmem:$0x14C00] =	vst v63  }
0x16d: {  	s25 =	sand.u32 $0xFFFFF80, s26  }
0x16e: {  	s25 =	sadd.s32 s1, s25  }
0x16f: {  	[tilespmem:s10], [sflag:$0x2] =	stream.strided.gather [hbm4b:s25+s12], $0x800, s13, s12, $0x38;
	[tilespmem:$0x14C00] =	vst v63  }
0x170: {  	s26 =	spop (v2sf)  }
0x171: {  	s25 =	sand.u32 $0xFFFFF80, s26  }
0x172: {  	s26 =	spop (v2sf);
	s25 =	sadd.s32 s1, s25  }
0x173: {  	[tilespmem:s14], [sflag:$0x2] =	stream.strided.gather [hbm4b:s25+s12], $0x800, s13, s12, $0x38;
	[tilespmem:$0x14C00] =	vst v63  }
0x174: {  	s25 =	sand.u32 $0xFFFFF80, s26  }
0x175: {  	s26 =	spop (v2sf);
	s25 =	sadd.s32 s1, s25  }
0x176: {  	[tilespmem:s15], [sflag:$0x2] =	stream.strided.gather [hbm4b:s25+s12], $0x800, s13, s12, $0x38;
	[tilespmem:$0x14C00] =	vst v63  }
0x177: {  	s25 =	sand.u32 $0xFFFFF80, s26  }
0x178: {  	s26 =	spop (v2sf);
	s25 =	sadd.s32 s1, s25  }
0x179: {  	[tilespmem:s16], [sflag:$0x2] =	stream.strided.gather [hbm4b:s25+s12], $0x800, s13, s12, $0x38;
	[tilespmem:$0x14C00] =	vst v63  }
0x17a: {  	s25 =	sand.u32 $0xFFFFF80, s26  }
0x17b: {  	s25 =	sadd.s32 s1, s25  }
0x17c: {  	[tilespmem:s17], [sflag:$0x2] =	stream.strided.gather [hbm4b:s25+s12], $0x800, s13, s12, $0x38;
	[tilespmem:$0x14C00] =	vst v63  }
0x17d: {  	v15 =	vld [tilespmem:s22+$0xFFFFFFF0];
	_ =	sdelay $0x4  }
0x17e: {  	v2 =	vbroadcast v15, $0x0;
	_ =	sdelay $0x1  }
0x17f: {  	v2 =	vadd.s32 v0, v2  }
0x180: {  	v3 =	vmov s24  }
0x181: {  	v4 =	vshll.u32 v3, $0x3  }
0x182: {  	v3 =	vand.u32 $0x60, v3;
	v4 =	vand.u32 $0xC00, v4  }
0x183: {  	v3 =	vor.u32 v4, v3;
	v45 =	vbroadcast v15, $0x1  }
0x184: {  	v5 =	vld.idx.msk [tilespmem:v2+s12+$0x0], $0xffff;
	v2 =	vor.u32 v1, v3  }
0x185: {  	s26 =	sadd.s32 $0x1, s24;
	v3 =	vadd.s32 v0, v45  }
0x186: {  	v46 =	vmov s26  }
0x187: {  	v6 =	vshll.u32 v46, $0x3  }
0x188: {  	v4 =	vand.u32 $0x61, v46;
	v6 =	vand.u32 $0xC00, v6  }
0x189: {  	v4 =	vor.u32 v6, v4;
	v47 =	vbroadcast v15, $0x2;
	[tilespmem:v2+s18+$0x0] =	vst.idx.msk $0xffff, v5  }
0x18a: {  	v48 =	vld.idx.msk [tilespmem:v3+s12+$0x0], $0xffff;
	v3 =	vor.u32 v1, v4  }
0x18b: {  	s26 =	sadd.s32 $0x2, s24;
	v49 =	vadd.s32 v0, v47  }
0x18c: {  	v50 =	vmov s26  }
0x18d: {  	v7 =	vshll.u32 v50, $0x3  }
0x18e: {  	v7 =	vand.u32 $0xC00, v7;
	v5 =	vand.u32 $0x62, v50  }
0x18f: {  	v51 =	vbroadcast v15, $0x3;
	v5 =	vor.u32 v7, v5;
	[tilespmem:v3+s18+$0x0] =	vst.idx.msk $0xffff, v48  }
0x190: {  	v4 =	vor.u32 v1, v5;
	v52 =	vld.idx.msk [tilespmem:v49+s12+$0x0], $0xffff  }
0x191: {  	s26 =	sadd.s32 $0x3, s24;
	v53 =	vadd.s32 v0, v51  }
0x192: {  	v54 =	vmov s26  }
0x193: {  	v8 =	vshll.u32 v54, $0x3  }
0x194: {  	v6 =	vand.u32 $0x63, v54;
	v8 =	vand.u32 $0xC00, v8  }
0x195: {  	v6 =	vor.u32 v8, v6;
	v55 =	vbroadcast v15, $0x4;
	[tilespmem:v4+s18+$0x0] =	vst.idx.msk $0xffff, v52  }
0x196: {  	v5 =	vor.u32 v1, v6;
	v56 =	vld.idx.msk [tilespmem:v53+s12+$0x0], $0xffff  }
0x197: {  	s26 =	sadd.s32 $0x4, s24;
	v57 =	vadd.s32 v0, v55  }
0x198: {  	v58 =	vmov s26  }
0x199: {  	v9 =	vshll.u32 v58, $0x3  }
0x19a: {  	v9 =	vand.u32 $0xC00, v9;
	v7 =	vand.u32 $0x64, v58  }
0x19b: {  	v59 =	vbroadcast v15, $0x5;
	v7 =	vor.u32 v9, v7;
	[tilespmem:v5+s18+$0x0] =	vst.idx.msk $0xffff, v56  }
0x19c: {  	v6 =	vor.u32 v1, v7;
	v60 =	vld.idx.msk [tilespmem:v57+s12+$0x0], $0xffff  }
0x19d: {  	s26 =	sadd.s32 $0x5, s24;
	v61 =	vadd.s32 v0, v59  }
0x19e: {  	v62 =	vmov s26  }
0x19f: {  	v10 =	vshll.u32 v62, $0x3  }
0x1a0: {  	v8 =	vand.u32 $0x65, v62;
	v10 =	vand.u32 $0xC00, v10  }
0x1a1: {  	v8 =	vor.u32 v10, v8;
	v63 =	vbroadcast v15, $0x6;
	[tilespmem:v6+s18+$0x0] =	vst.idx.msk $0xffff, v60  }
0x1a2: {  	v7 =	vor.u32 v1, v8;
	v12 =	vld.idx.msk [tilespmem:v61+s12+$0x0], $0xffff  }
0x1a3: {  	s26 =	sadd.s32 $0x6, s24;
	v13 =	vadd.s32 v0, v63  }
0x1a4: {  	v14 =	vmov s26  }
0x1a5: {  	v11 =	vshll.u32 v14, $0x3  }
0x1a6: {  	v11 =	vand.u32 $0xC00, v11;
	v9 =	vand.u32 $0x66, v14  }
0x1a7: {  	v16 =	vbroadcast v15, $0x7;
	v9 =	vor.u32 v11, v9;
	[tilespmem:v7+s18+$0x0] =	vst.idx.msk $0xffff, v12  }
0x1a8: {  	v8 =	vor.u32 v1, v9;
	v17 =	vld.idx.msk [tilespmem:v13+s12+$0x0], $0xffff  }
0x1a9: {  	s26 =	sadd.s32 $0x7, s24;
	v18 =	vadd.s32 v0, v16  }
0x1aa: {  	v19 =	vmov s26  }
0x1ab: {  	v12 =	vshll.u32 v19, $0x3  }
0x1ac: {  	v10 =	vand.u32 $0x67, v19;
	v12 =	vand.u32 $0xC00, v12  }
0x1ad: {  	v20 =	vbroadcast v15, $0x8;
	v10 =	vor.u32 v12, v10;
	[tilespmem:v8+s18+$0x0] =	vst.idx.msk $0xffff, v17  }
0x1ae: {  	v9 =	vor.u32 v1, v10;
	v21 =	vld.idx.msk [tilespmem:v18+s12+$0x0], $0xffff  }
0x1af: {  	s26 =	sadd.s32 $0x8, s24;
	v22 =	vadd.s32 v0, v20  }
0x1b0: {  	v23 =	vmov s26  }
0x1b1: {  	v13 =	vshll.u32 v23, $0x3  }
0x1b2: {  	v11 =	vand.u32 $0x68, v23;
	v13 =	vand.u32 $0xC00, v13  }
0x1b3: {  	v24 =	vbroadcast v15, $0x9;
	v11 =	vor.u32 v13, v11;
	[tilespmem:v9+s18+$0x0] =	vst.idx.msk $0xffff, v21  }
0x1b4: {  	v26 =	vor.u32 v1, v11;
	v25 =	vld.idx.msk [tilespmem:v22+s12+$0x0], $0xffff  }
0x1b5: {  	s26 =	sadd.s32 $0x9, s24;
	v27 =	vadd.s32 v0, v24  }
0x1b6: {  	v28 =	vmov s26  }
0x1b7: {  	v14 =	vshll.u32 v28, $0x3  }
0x1b8: {  	v14 =	vand.u32 $0xC00, v14;
	v12 =	vand.u32 $0x69, v28  }
0x1b9: {  	v29 =	vbroadcast v15, $0xA;
	v12 =	vor.u32 v14, v12;
	[tilespmem:v26+s18+$0x0] =	vst.idx.msk $0xffff, v25  }
0x1ba: {  	v31 =	vor.u32 v1, v12;
	v30 =	vld.idx.msk [tilespmem:v27+s12+$0x0], $0xffff  }
0x1bb: {  	s26 =	sadd.s32 $0xA, s24;
	v32 =	vadd.s32 v0, v29  }
0x1bc: {  	v33 =	vmov s26  }
0x1bd: {  	v16 =	vshll.u32 v33, $0x3  }
0x1be: {  	v16 =	vand.u32 $0xC00, v16;
	v13 =	vand.u32 $0x6A, v33  }
0x1bf: {  	v34 =	vbroadcast v15, $0xB;
	v13 =	vor.u32 v16, v13;
	[tilespmem:v31+s18+$0x0] =	vst.idx.msk $0xffff, v30  }
0x1c0: {  	v36 =	vor.u32 v1, v13;
	v35 =	vld.idx.msk [tilespmem:v32+s12+$0x0], $0xffff  }
0x1c1: {  	s26 =	sadd.s32 $0xB, s24;
	v37 =	vadd.s32 v0, v34  }
0x1c2: {  	v38 =	vmov s26  }
0x1c3: {  	v17 =	vshll.u32 v38, $0x3  }
0x1c4: {  	v14 =	vand.u32 $0x6B, v38;
	v17 =	vand.u32 $0xC00, v17  }
0x1c5: {  	v39 =	vbroadcast v15, $0xC;
	v14 =	vor.u32 v17, v14;
	[tilespmem:v36+s18+$0x0] =	vst.idx.msk $0xffff, v35  }
0x1c6: {  	v41 =	vor.u32 v1, v14;
	v40 =	vld.idx.msk [tilespmem:v37+s12+$0x0], $0xffff  }
0x1c7: {  	v42 =	vadd.s32 v0, v39;
	s26 =	sadd.s32 $0xC, s24  }
0x1c8: {  	v43 =	vmov s26  }
0x1c9: {  	v18 =	vshll.u32 v43, $0x3  }
0x1ca: {  	v16 =	vand.u32 $0x6C, v43;
	v18 =	vand.u32 $0xC00, v18  }
0x1cb: {  	v44 =	vbroadcast v15, $0xD;
	v16 =	vor.u32 v18, v16;
	[tilespmem:v41+s18+$0x0] =	vst.idx.msk $0xffff, v40  }
0x1cc: {  	v46 =	vor.u32 v1, v16;
	v45 =	vld.idx.msk [tilespmem:v42+s12+$0x0], $0xffff  }
0x1cd: {  	v47 =	vadd.s32 v0, v44;
	s26 =	sadd.s32 $0xD, s24  }
0x1ce: {  	v48 =	vmov s26  }
0x1cf: {  	v19 =	vshll.u32 v48, $0x3  }
0x1d0: {  	v19 =	vand.u32 $0xC00, v19;
	v17 =	vand.u32 $0x6D, v48  }
0x1d1: {  	v49 =	vbroadcast v15, $0xE;
	v17 =	vor.u32 v19, v17;
	[tilespmem:v46+s18+$0x0] =	vst.idx.msk $0xffff, v45  }
0x1d2: {  	v51 =	vor.u32 v1, v17;
	v50 =	vld.idx.msk [tilespmem:v47+s12+$0x0], $0xffff  }
0x1d3: {  	s26 =	sadd.s32 $0xE, s24;
	v52 =	vadd.s32 v0, v49  }
0x1d4: {  	v53 =	vmov s26  }
0x1d5: {  	v20 =	vshll.u32 v53, $0x3  }
0x1d6: {  	v20 =	vand.u32 $0xC00, v20;
	v18 =	vand.u32 $0x6E, v53  }
0x1d7: {  	v54 =	vbroadcast v15, $0xF;
	v18 =	vor.u32 v20, v18;
	[tilespmem:v51+s18+$0x0] =	vst.idx.msk $0xffff, v50  }
0x1d8: {  	v55 =	vor.u32 v1, v18;
	v17 =	vld.idx.msk [tilespmem:v52+s12+$0x0], $0xffff  }
0x1d9: {  	s26 =	sadd.s32 $0xF, s24;
	v56 =	vadd.s32 v0, v54  }
0x1da: {  	v57 =	vmov s26  }
0x1db: {  	v58 =	vshll.u32 v57, $0x3  }
0x1dc: {  	v19 =	vand.u32 $0x6F, v57;
	v20 =	vand.u32 $0xC00, v58  }
0x1dd: {  	v59 =	vor.u32 v20, v19;
	[tilespmem:v55+s18+$0x0] =	vst.idx.msk $0xffff, v17  }
0x1de: {  	v17 =	vor.u32 v1, v59;
	v18 =	vld.idx.msk [tilespmem:v56+s12+$0x0], $0xffff;
	_ =	sdelay $0x4  }
0x1df: {  	[tilespmem:v17+s18+$0x0] =	vst.idx.msk $0xffff, v18  }
0x1e0: {  	_ =	swait.ge [sflag:s19], $0x800  }
0x1e1: {  	[sflag:s19] =	ssyncset.done $0x0  }
0x1e2: {  	[sflag:s19] =	ssyncadd.s32 $0xFFFFF800  }
0x1e3: {  	_ =	swait.ge [sflag:s19], $0x800  }
0x1e4: {  	[sflag:s19] =	ssyncset.done $0x0  }
0x1e5: {  	[sflag:s19] =	ssyncadd.s32 $0xFFFFF800  }
0x1e6: {  	_ =	swait.ge [sflag:s19], $0x800  }
0x1e7: {  	[sflag:s19] =	ssyncset.done $0x0  }
0x1e8: {  	[sflag:s19] =	ssyncadd.s32 $0xFFFFF800  }
0x1e9: {  	_ =	swait.ge [sflag:s19], $0x800  }
0x1ea: {  	[sflag:s19] =	ssyncset.done $0x0  }
0x1eb: {  	[sflag:s19] =	ssyncadd.s32 $0xFFFFF800  }
0x1ec: {  	_ =	swait.ge [sflag:s19], $0x800  }
0x1ed: {  	[sflag:s19] =	ssyncset.done $0x0  }
0x1ee: {  	[sflag:s19] =	ssyncadd.s32 $0xFFFFF800  }
0x1ef: {  	_ =	swait.ge [sflag:s19], $0x800  }
0x1f0: {  	[sflag:s19] =	ssyncset.done $0x0  }
0x1f1: {  	[sflag:s19] =	ssyncadd.s32 $0xFFFFF800  }
0x1f2: {  	_ =	swait.ge [sflag:s19], $0x800  }
0x1f3: {  	[sflag:s19] =	ssyncset.done $0x0  }
0x1f4: {  	[sflag:s19] =	ssyncadd.s32 $0xFFFFF800  }
0x1f5: {  	_ =	swait.ge [sflag:s19], $0x800  }
0x1f6: {  	[sflag:s19] =	ssyncset.done $0x0  }
0x1f7: {  	[sflag:s19] =	ssyncadd.s32 $0xFFFFF800  }
0x1f8: {  	_ =	swait.ge [sflag:s19], $0x800  }
0x1f9: {  	[sflag:s19] =	ssyncset.done $0x0  }
0x1fa: {  	[sflag:s19] =	ssyncadd.s32 $0xFFFFF800  }
0x1fb: {  	_ =	swait.ge [sflag:s19], $0x800  }
0x1fc: {  	[sflag:s19] =	ssyncset.done $0x0  }
0x1fd: {  	[sflag:s19] =	ssyncadd.s32 $0xFFFFF800  }
0x1fe: {  	_ =	swait.ge [sflag:s19], $0x800  }
0x1ff: {  	[sflag:s19] =	ssyncset.done $0x0  }
0x200: {  	[sflag:s19] =	ssyncadd.s32 $0xFFFFF800  }
0x201: {  	_ =	swait.ge [sflag:s19], $0x800  }
0x202: {  	[sflag:s19] =	ssyncset.done $0x0  }
0x203: {  	[sflag:s19] =	ssyncadd.s32 $0xFFFFF800  }
0x204: {  	_ =	swait.ge [sflag:s19], $0x800  }
0x205: {  	[sflag:s19] =	ssyncset.done $0x0  }
0x206: {  	[sflag:s19] =	ssyncadd.s32 $0xFFFFF800  }
0x207: {  	_ =	swait.ge [sflag:s19], $0x800  }
0x208: {  	[sflag:s19] =	ssyncset.done $0x0  }
0x209: {  	[sflag:s19] =	ssyncadd.s32 $0xFFFFF800  }
0x20a: {  	_ =	swait.ge [sflag:s19], $0x800  }
0x20b: {  	[sflag:s19] =	ssyncset.done $0x0  }
0x20c: {  	[sflag:s19] =	ssyncadd.s32 $0xFFFFF800  }
0x20d: {  	_ =	swait.ge [sflag:s19], $0x800  }
0x20e: {  	[sflag:s19] =	ssyncset.done $0x0  }
0x20f: {  	[sflag:s19] =	ssyncadd.s32 $0xFFFFF800  }
0x210: {  	v60 =	vld [tilespmem:s23+$0xFFFFFFF0];
	_ =	sdelay $0x4  }
0x211: {  	(v2sf) =	vpush v60, $0x0;
	_ =	sdelay $0x5  }
0x212: {  	(v2sf) =	vpush v60, $0x1;
	_ =	sdelay $0x5  }
0x213: {  	(v2sf) =	vpush v60, $0x2;
	_ =	sdelay $0x2  }
0x214: {  	s26 =	spop (v2sf)  }
0x215: {  	s25 =	sand.u32 $0x7F, s26  }
0x216: {  	v61 =	vor.u32 s25, v0  }
0x217: {  	(v2sf) =	vpush v60, $0x3;
	_ =	sdelay $0x2  }
0x218: {  	s26 =	simm.s32 $0xC00;
	s25 =	spop (v2sf)  }
0x219: {  	s25 =	sand.u32 $0x7F, s25;
	v19 =	vld.idx.msk [tilespmem:v61+s26+$0x0], $0xffff  }
0x21a: {  	v62 =	vor.u32 s25, v0  }
0x21b: {  	(v2sf) =	vpush v60, $0x4;
	_ =	sdelay $0x2  }
0x21c: {  	s25 =	spop (v2sf);
	s26 =	simm.s32 $0x1400;
	[tilespmem:v2+s20+$0x0] =	vst.idx.msk $0xffff, v19  }
0x21d: {  	s25 =	sand.u32 $0x7F, s25;
	v2 =	vld.idx.msk [tilespmem:v62+s26+$0x0], $0xffff  }
0x21e: {  	v63 =	vor.u32 s25, v0  }
0x21f: {  	(v2sf) =	vpush v60, $0x5;
	_ =	sdelay $0x2  }
0x220: {  	s26 =	simm.s32 $0x1C00;
	s25 =	spop (v2sf);
	[tilespmem:v3+s20+$0x0] =	vst.idx.msk $0xffff, v2  }
0x221: {  	s25 =	sand.u32 $0x7F, s25;
	v2 =	vld.idx.msk [tilespmem:v63+s26+$0x0], $0xffff  }
0x222: {  	v3 =	vor.u32 s25, v0  }
0x223: {  	(v2sf) =	vpush v60, $0x6;
	_ =	sdelay $0x2  }
0x224: {  	s25 =	spop (v2sf);
	s26 =	simm.s32 $0x2400;
	[tilespmem:v4+s20+$0x0] =	vst.idx.msk $0xffff, v2  }
0x225: {  	s25 =	sand.u32 $0x7F, s25;
	v2 =	vld.idx.msk [tilespmem:v3+s26+$0x0], $0xffff  }
0x226: {  	v3 =	vor.u32 s25, v0  }
0x227: {  	(v2sf) =	vpush v60, $0x7;
	_ =	sdelay $0x2  }
0x228: {  	s25 =	spop (v2sf);
	s26 =	simm.s32 $0x2C00;
	[tilespmem:v5+s20+$0x0] =	vst.idx.msk $0xffff, v2  }
0x229: {  	s25 =	sand.u32 $0x7F, s25;
	v2 =	vld.idx.msk [tilespmem:v3+s26+$0x0], $0xffff  }
0x22a: {  	v3 =	vor.u32 s25, v0  }
0x22b: {  	(v2sf) =	vpush v60, $0x8;
	_ =	sdelay $0x2  }
0x22c: {  	s25 =	spop (v2sf);
	s26 =	simm.s32 $0x3400;
	[tilespmem:v6+s20+$0x0] =	vst.idx.msk $0xffff, v2  }
0x22d: {  	s25 =	sand.u32 $0x7F, s25;
	v2 =	vld.idx.msk [tilespmem:v3+s26+$0x0], $0xffff  }
0x22e: {  	v3 =	vor.u32 s25, v0  }
0x22f: {  	(v2sf) =	vpush v60, $0x9;
	_ =	sdelay $0x2  }
0x230: {  	s25 =	spop (v2sf);
	s26 =	simm.s32 $0x3C00;
	[tilespmem:v7+s20+$0x0] =	vst.idx.msk $0xffff, v2  }
0x231: {  	s25 =	sand.u32 $0x7F, s25;
	v2 =	vld.idx.msk [tilespmem:v3+s26+$0x0], $0xffff  }
0x232: {  	v3 =	vor.u32 s25, v0  }
0x233: {  	(v2sf) =	vpush v60, $0xA;
	_ =	sdelay $0x2  }
0x234: {  	s25 =	spop (v2sf);
	s26 =	simm.s32 $0x4400;
	[tilespmem:v8+s20+$0x0] =	vst.idx.msk $0xffff, v2  }
0x235: {  	s25 =	sand.u32 $0x7F, s25;
	v2 =	vld.idx.msk [tilespmem:v3+s26+$0x0], $0xffff  }
0x236: {  	v3 =	vor.u32 s25, v0  }
0x237: {  	(v2sf) =	vpush v60, $0xB;
	_ =	sdelay $0x2  }
0x238: {  	s25 =	spop (v2sf);
	s26 =	simm.s32 $0x4C00;
	[tilespmem:v9+s20+$0x0] =	vst.idx.msk $0xffff, v2  }
0x239: {  	s25 =	sand.u32 $0x7F, s25;
	v2 =	vld.idx.msk [tilespmem:v3+s26+$0x0], $0xffff  }
0x23a: {  	v3 =	vor.u32 s25, v0  }
0x23b: {  	(v2sf) =	vpush v60, $0xC;
	_ =	sdelay $0x2  }
0x23c: {  	s25 =	spop (v2sf);
	s26 =	simm.s32 $0x5400;
	[tilespmem:v26+s20+$0x0] =	vst.idx.msk $0xffff, v2  }
0x23d: {  	s25 =	sand.u32 $0x7F, s25;
	v2 =	vld.idx.msk [tilespmem:v3+s26+$0x0], $0xffff  }
0x23e: {  	v3 =	vor.u32 s25, v0  }
0x23f: {  	(v2sf) =	vpush v60, $0xD;
	_ =	sdelay $0x2  }
0x240: {  	s25 =	spop (v2sf);
	s26 =	simm.s32 $0x5C00;
	[tilespmem:v31+s20+$0x0] =	vst.idx.msk $0xffff, v2  }
0x241: {  	s25 =	sand.u32 $0x7F, s25;
	v2 =	vld.idx.msk [tilespmem:v3+s26+$0x0], $0xffff  }
0x242: {  	v3 =	vor.u32 s25, v0  }
0x243: {  	(v2sf) =	vpush v60, $0xE;
	_ =	sdelay $0x2  }
0x244: {  	s25 =	spop (v2sf);
	s26 =	simm.s32 $0x6400;
	[tilespmem:v36+s20+$0x0] =	vst.idx.msk $0xffff, v2  }
0x245: {  	s25 =	sand.u32 $0x7F, s25;
	v2 =	vld.idx.msk [tilespmem:v3+s26+$0x0], $0xffff  }
0x246: {  	v3 =	vor.u32 s25, v0  }
0x247: {  	(v2sf) =	vpush v60, $0xF;
	_ =	sdelay $0x2  }
0x248: {  	s25 =	spop (v2sf);
	s26 =	simm.s32 $0x6C00;
	[tilespmem:v41+s20+$0x0] =	vst.idx.msk $0xffff, v2  }
0x249: {  	s25 =	sand.u32 $0x7F, s25;
	v2 =	vld.idx.msk [tilespmem:v3+s26+$0x0], $0xffff  }
0x24a: {  	v3 =	vor.u32 s25, v0;
	_ =	sdelay $0x3  }
0x24b: {  	s26 =	spop (v2sf);
	[tilespmem:v46+s20+$0x0] =	vst.idx.msk $0xffff, v2  }
0x24c: {  	s25 =	sand.u32 $0x7F, s26;
	v2 =	vld.idx.msk [tilespmem:v3+s28+$0x0], $0xffff  }
0x24d: {  	v3 =	vor.u32 s25, v0;
	_ =	sdelay $0x3  }
0x24e: {  	s26 =	spop (v2sf);
	[tilespmem:v51+s20+$0x0] =	vst.idx.msk $0xffff, v2  }
0x24f: {  	s25 =	sand.u32 $0x7F, s26;
	v2 =	vld.idx.msk [tilespmem:v3+s29+$0x0], $0xffff  }
0x250: {  	v3 =	vor.u32 s25, v0;
	_ =	sdelay $0x3  }
0x251: {  	[tilespmem:v55+s20+$0x0] =	vst.idx.msk $0xffff, v2  }
0x252: {  	p0 =	seq.s32 s24, $0x1E0;
	v2 =	vld.idx.msk [tilespmem:v3+s30+$0x0], $0xffff  }
.Ltmp4:
0x253: {  	_ = 	snop;
	(pc) =	sbr.rel @p0 .LBB2_4-.Ltmp4, $2  }
0x254: {  	_ =	sdelay $0x2  }
0x255: {  	[tilespmem:v17+s20+$0x0] =	vst.idx.msk $0xffff, v2  }
0x256: {  	v2 =	vld [tilespmem:s23+$0x10];
	_ =	sdelay $0x4  }
0x257: {  	(v2sf) =	vpush v2, $0x0;
	_ =	sdelay $0x3  }
0x258: {  	(v2sf) =	vpush v2, $0x1;
	_ =	sdelay $0x3  }
0x259: {  	(v2sf) =	vpush v2, $0x2;
	_ =	sdelay $0x3  }
0x25a: {  	(v2sf) =	vpush v2, $0x3;
	_ =	sdelay $0x2  }
0x25b: {  	s25 =	spop (v2sf)  }
0x25c: {  	(v2sf) =	vpush v2, $0x4;
	s25 =	sand.u32 $0xFFFFF80, s25  }
0x25d: {  	s26 =	simm.s32 $0xC00;
	s25 =	sadd.s32 s1, s25  }
0x25e: {  	[tilespmem:s26], [sflag:$0x1] =	stream.strided.gather [hbm4b:s25+s12], $0x800, s13, s12, $0x38;
	[tilespmem:$0x14C00] =	vst v63  }
0x25f: {  	s26 =	spop (v2sf)  }
0x260: {  	(v2sf) =	vpush v2, $0x5;
	s25 =	sand.u32 $0xFFFFF80, s26  }
0x261: {  	s26 =	simm.s32 $0x1400;
	s25 =	sadd.s32 s1, s25  }
0x262: {  	[tilespmem:s26], [sflag:$0x1] =	stream.strided.gather [hbm4b:s25+s12], $0x800, s13, s12, $0x38;
	[tilespmem:$0x14C00] =	vst v63  }
0x263: {  	s26 =	spop (v2sf)  }
0x264: {  	(v2sf) =	vpush v2, $0x6;
	s25 =	sand.u32 $0xFFFFF80, s26  }
0x265: {  	s26 =	simm.s32 $0x1C00;
	s25 =	sadd.s32 s1, s25  }
0x266: {  	[tilespmem:s26], [sflag:$0x1] =	stream.strided.gather [hbm4b:s25+s12], $0x800, s13, s12, $0x38;
	[tilespmem:$0x14C00] =	vst v63  }
0x267: {  	s26 =	spop (v2sf)  }
0x268: {  	(v2sf) =	vpush v2, $0x7;
	s25 =	sand.u32 $0xFFFFF80, s26  }
0x269: {  	s26 =	simm.s32 $0x2400;
	s25 =	sadd.s32 s1, s25  }
0x26a: {  	[tilespmem:s26], [sflag:$0x1] =	stream.strided.gather [hbm4b:s25+s12], $0x800, s13, s12, $0x38;
	[tilespmem:$0x14C00] =	vst v63  }
0x26b: {  	s26 =	spop (v2sf)  }
0x26c: {  	(v2sf) =	vpush v2, $0x8;
	s25 =	sand.u32 $0xFFFFF80, s26  }
0x26d: {  	s26 =	simm.s32 $0x2C00;
	s25 =	sadd.s32 s1, s25  }
0x26e: {  	[tilespmem:s26], [sflag:$0x1] =	stream.strided.gather [hbm4b:s25+s12], $0x800, s13, s12, $0x38;
	[tilespmem:$0x14C00] =	vst v63  }
0x26f: {  	s26 =	spop (v2sf)  }
0x270: {  	(v2sf) =	vpush v2, $0x9;
	s25 =	sand.u32 $0xFFFFF80, s26  }
0x271: {  	s26 =	simm.s32 $0x3400;
	s25 =	sadd.s32 s1, s25  }
0x272: {  	[tilespmem:s26], [sflag:$0x1] =	stream.strided.gather [hbm4b:s25+s12], $0x800, s13, s12, $0x38;
	[tilespmem:$0x14C00] =	vst v63  }
0x273: {  	s26 =	spop (v2sf)  }
0x274: {  	(v2sf) =	vpush v2, $0xA;
	s25 =	sand.u32 $0xFFFFF80, s26  }
0x275: {  	s26 =	simm.s32 $0x3C00;
	s25 =	sadd.s32 s1, s25  }
0x276: {  	[tilespmem:s26], [sflag:$0x1] =	stream.strided.gather [hbm4b:s25+s12], $0x800, s13, s12, $0x38;
	[tilespmem:$0x14C00] =	vst v63  }
0x277: {  	s26 =	spop (v2sf)  }
0x278: {  	(v2sf) =	vpush v2, $0xB;
	s25 =	sand.u32 $0xFFFFF80, s26  }
0x279: {  	s26 =	simm.s32 $0x4400;
	s25 =	sadd.s32 s1, s25  }
0x27a: {  	[tilespmem:s26], [sflag:$0x1] =	stream.strided.gather [hbm4b:s25+s12], $0x800, s13, s12, $0x38;
	[tilespmem:$0x14C00] =	vst v63  }
0x27b: {  	s26 =	spop (v2sf)  }
0x27c: {  	(v2sf) =	vpush v2, $0xC;
	s25 =	sand.u32 $0xFFFFF80, s26  }
0x27d: {  	s26 =	simm.s32 $0x4C00;
	s25 =	sadd.s32 s1, s25  }
0x27e: {  	[tilespmem:s26], [sflag:$0x1] =	stream.strided.gather [hbm4b:s25+s12], $0x800, s13, s12, $0x38;
	[tilespmem:$0x14C00] =	vst v63  }
0x27f: {  	s26 =	spop (v2sf)  }
0x280: {  	(v2sf) =	vpush v2, $0xD;
	s25 =	sand.u32 $0xFFFFF80, s26  }
0x281: {  	s26 =	simm.s32 $0x5400;
	s25 =	sadd.s32 s1, s25  }
0x282: {  	[tilespmem:s26], [sflag:$0x1] =	stream.strided.gather [hbm4b:s25+s12], $0x800, s13, s12, $0x38;
	[tilespmem:$0x14C00] =	vst v63  }
0x283: {  	s26 =	spop (v2sf)  }
0x284: {  	(v2sf) =	vpush v2, $0xE;
	s25 =	sand.u32 $0xFFFFF80, s26  }
0x285: {  	s26 =	simm.s32 $0x5C00;
	s25 =	sadd.s32 s1, s25  }
0x286: {  	[tilespmem:s26], [sflag:$0x1] =	stream.strided.gather [hbm4b:s25+s12], $0x800, s13, s12, $0x38;
	[tilespmem:$0x14C00] =	vst v63  }
0x287: {  	s26 =	spop (v2sf)  }
0x288: {  	s25 =	sand.u32 $0xFFFFF80, s26  }
0x289: {  	(v2sf) =	vpush v2, $0xF;
	s26 =	simm.s32 $0x6400;
	s25 =	sadd.s32 s1, s25  }
0x28a: {  	[tilespmem:s26], [sflag:$0x1] =	stream.strided.gather [hbm4b:s25+s12], $0x800, s13, s12, $0x38;
	[tilespmem:$0x14C00] =	vst v63  }
0x28b: {  	s26 =	spop (v2sf)  }
0x28c: {  	s25 =	sand.u32 $0xFFFFF80, s26  }
0x28d: {  	s26 =	simm.s32 $0x6C00;
	s25 =	sadd.s32 s1, s25  }
0x28e: {  	[tilespmem:s26], [sflag:$0x1] =	stream.strided.gather [hbm4b:s25+s12], $0x800, s13, s12, $0x38;
	[tilespmem:$0x14C00] =	vst v63  }
0x28f: {  	s26 =	spop (v2sf)  }
0x290: {  	s25 =	sand.u32 $0xFFFFF80, s26  }
0x291: {  	s25 =	sadd.s32 s1, s25  }
0x292: {  	[tilespmem:s28], [sflag:$0x1] =	stream.strided.gather [hbm4b:s25+s12], $0x800, s13, s12, $0x38;
	[tilespmem:$0x14C00] =	vst v63  }
0x293: {  	s26 =	spop (v2sf)  }
0x294: {  	s25 =	sand.u32 $0xFFFFF80, s26  }
0x295: {  	s25 =	sadd.s32 s1, s25  }
0x296: {  	[tilespmem:s29], [sflag:$0x1] =	stream.strided.gather [hbm4b:s25+s12], $0x800, s13, s12, $0x38;
	[tilespmem:$0x14C00] =	vst v63  }
.Ltmp5:
0x297: {  	_ = 	snop;
	(pc) =	sbr.rel .LBB2_4-.Ltmp5, $4  }
0x298: {  	s26 =	spop (v2sf)  }
0x299: {  	s25 =	sand.u32 $0xFFFFF80, s26  }
0x29a: {  	s25 =	sadd.s32 s1, s25  }
0x29b: {  	[tilespmem:s30], [sflag:$0x1] =	stream.strided.gather [hbm4b:s25+s12], $0x800, s13, s12, $0x38;
	[tilespmem:$0x14C00] =	vst v63  }
.LBB2_6:
0x29c: {  	_ =	sfence.sel $0x180000  }
0x29d: {  	[bflag:$0x0] =	sbarrier.arrive $0xFFFF  }
0x29e: {  	_ =	strace $0x90000047  }
0x29f: {  	s0 =	stileid.u32;
	[bflag:$0x2] =	sbarrier.arrive $0xFFFF  }
0x2a0: {  	p0 =	sne.s32 s0, $0x0;
	s0 =	rddreg [dreg:$0x5]  }
0x2a1: {  	s0 =	sadd.s32 @!p0 $0x100000, s0  }
0x2a2: {  	[sflag:s0] =	ssyncadd.tile.s32 @!p0 $0x1;
	_ =	shalt  }
.Lfunc_end2:
_tile_overlayer_lowered:
.L_overlay_start_2:
0x2a3: {  	(tag) =	ssettag $0x2  }
0x2a4: {  	s0 =	rddreg [dreg:$0x0];
	s2 =	stileid.u32  }
0x2a5: {  	s1 =	rddreg [dreg:$0x1];
	p0 =	sne.s32 s2, $0x0  }
0x2a6: {  	s3 =	rddreg [dreg:$0x2];
	[bflag:$0x3] =	sbarrier.arrive $0xFFFF;
	s2 =	simm.s32 @!p0 $0x1C04  }
0x2a7: {  	[timem:s3], [sflag:s2] =	dma.local @!p0 [hbm:s0], s1  }
0x2a8: {  	s0 =	simm.s32 @!p0 $0x4  }
0x2a9: {  	_ =	swait.ge @!p0 [sflag:s0], s1  }
0x2aa: {  	s1 =	ssub.s32 @!p0 $0x0, s1;
	[sflag:s0] =	ssyncset.done @!p0 $0x0  }
0x2ab: {  	[sflag:s0] =	ssyncadd.s32 @!p0 s1  }
0x2ac: {  	[bflag:$0x3] =	sbarrier.arrive $0xFFFF  }
0x2ad: {  	_ =	shalt  }

</sc_bundles>
